<compile_context>
chip_gen: v7x
topology: tpu7x:2x2x1
jax: 0.10.2.dev20260603
libtpu: 0.0.44.dev20260713+nightly
codegen_flags: <defaults>
</compile_context>

<pallas_src>
import functools

import jax
import jax.numpy as jnp
from jax import lax
from jax.experimental import pallas as pl
from jax.experimental.pallas import tpu as pltpu
from jax.experimental.pallas import tpu_sc as plsc

_NBUF = 8
_W = 128


@functools.lru_cache(maxsize=None)
def _build(B: int, V: int, D: int):
    info = plsc.get_sparse_core_info()
    NC, NS, L = info.num_cores, info.num_subcores, info.num_lanes
    NW = NC * NS
    assert B % NW == 0 and (B // NW) % 8 == 0 and D % L == 0
    b_per_w = B // NW
    mesh = plsc.VectorSubcoreMesh(core_axis_name="c", subcore_axis_name="s")

    @functools.partial(
        pl.kernel,
        mesh=mesh,
        compiler_params=pltpu.CompilerParams(needs_layout_passes=False),
        out_type=jax.ShapeDtypeStruct((B, D), jnp.float32),
        scratch_types=[
            pltpu.VMEM((b_per_w,), jnp.int32),
            pltpu.VMEM((_NBUF, D, _W), jnp.float32),
            pltpu.VMEM((b_per_w, D), jnp.float32),
        ] + [pltpu.SemaphoreType.DMA] * _NBUF,
    )
    def k(idx_hbm, tablet_hbm, out_hbm, idx_v, bufs, rows_v, *sems):
        wid = lax.axis_index("s") * NC + lax.axis_index("c")
        base = wid * b_per_w
        pltpu.sync_copy(idx_hbm.at[pl.ds(base, b_per_w)], idx_v)
        rs, offs = [], []
        for g in range(b_per_w // L):
            ids16 = idx_v[pl.ds(g * L, L)]
            for l in range(L):
                r = ids16[l]
                rs.append(r)
                offs.append(r & (_W - 1))

        def fetch(i):
            col0 = pl.multiple_of((rs[i] // _W) * _W, 128)
            return pltpu.async_copy(
                tablet_hbm.at[:, pl.ds(col0, _W)], bufs.at[i % _NBUF],
                sems[i % _NBUF])

        copies = {}
        for i in range(_NBUF):
            copies[i] = fetch(i)
        for i in range(b_per_w):
            copies[i].wait()
            col16 = jnp.full((L,), 0, jnp.int32) + offs[i]
            for kk in range(D // L):
                row16 = lax.iota(jnp.int32, L) + kk * L
                v = plsc.load_gather(bufs.at[i % _NBUF], [row16, col16])
                rows_v[i, pl.ds(kk * L, L)] = v
            if i + _NBUF < b_per_w:
                copies[i + _NBUF] = fetch(i + _NBUF)
        pltpu.sync_copy(rows_v, out_hbm.at[pl.ds(base, b_per_w)])

    return k


def kernel(input_ids, embedding):
    B = input_ids.shape[0]
    V, D = embedding.shape
    ids = input_ids.astype(jnp.int32)
    tablet = embedding.astype(jnp.float32).T
    return _build(B, V, D)(ids, tablet)

# --- scband reference (transcript-rebuilt; emitter-appended) ---
"""Pipeline reference for scband-word-embed-87514253623517 (READ-ONLY COPY).

The authoritative reference and input builder live on the scoring server;
editing this copy changes nothing except your own understanding.
"""

import jax, jax.numpy as jnp
import numpy as np

NUM_EMBEDDINGS = 100000
FEATURES = 64
BATCH = 1024

def setup_inputs(seed: int = 0) -> dict:
    key = jax.random.key(seed)
    k1, k2 = jax.random.split(key)
    input_ids = jax.random.randint(k1, (BATCH,), 0, NUM_EMBEDDINGS, dtype=jnp.int32).astype(jnp.int64)
    embedding = jax.nn.initializers.glorot_uniform()(k2, (NUM_EMBEDDINGS, FEATURES), jnp.float32)
    return {"input_ids": input_ids, "embedding": embedding}

def reference(input_ids, embedding):
    # Faithful translation of WordEmbed.__call__: one-hot contraction gather
    num_embeddings = embedding.shape[0]
    iota = jax.lax.iota(jnp.int32, num_embeddings)
    one_hot = jnp.array(input_ids[..., None] == iota, dtype=jnp.float32)
    output = jnp.dot(one_hot, jnp.asarray(embedding, jnp.float32))
    return output

if __name__ == "__main__":
    import jax
    _d = setup_inputs()
    print(jax.jit(kernel)(*tuple(_d.values())))

</pallas_src>

<mosaic_0001>
#map = affine_map<(d0, d1) -> (0)>
#map1 = affine_map<(d0, d1) -> (0, 0)>
module attributes {stable_mosaic.version = 14 : i64} {
  func.func @k(%arg0: i32, %arg1: i32, %arg2: memref<1024xi32, #tpu.memory_space<hbm>>, %arg3: memref<64x100000xf32, #tpu.memory_space<hbm>>, %arg4: memref<1024x64xf32, #tpu.memory_space<hbm>>, %arg5: memref<32xi32, #tpu.memory_space<vmem>>, %arg6: memref<8x64x128xf32, #tpu.memory_space<vmem>>, %arg7: memref<32x64xf32, #tpu.memory_space<vmem>>, %arg8: memref<!tpu.dma_semaphore, #tpu.memory_space<semaphore_mem>>, %arg9: memref<!tpu.dma_semaphore, #tpu.memory_space<semaphore_mem>>, %arg10: memref<!tpu.dma_semaphore, #tpu.memory_space<semaphore_mem>>, %arg11: memref<!tpu.dma_semaphore, #tpu.memory_space<semaphore_mem>>, %arg12: memref<!tpu.dma_semaphore, #tpu.memory_space<semaphore_mem>>, %arg13: memref<!tpu.dma_semaphore, #tpu.memory_space<semaphore_mem>>, %arg14: memref<!tpu.dma_semaphore, #tpu.memory_space<semaphore_mem>>, %arg15: memref<!tpu.dma_semaphore, #tpu.memory_space<semaphore_mem>>) attributes {dimension_semantics = [#tpu.dimension_semantics<core_parallel>, #tpu.dimension_semantics<subcore_parallel>], iteration_bounds = array<i64: 2, 16>, scalar_prefetch = 0 : i64, scratch_operands = 11 : i64, tpu.core_type = #tpu.core_type<sc_vector_subcore>, window_params = [{transform_indices = #map}, {transform_indices = #map1}, {transform_indices = #map1}]} {
    %mul3A = arith.constant 2 : i32
    %mul3A_0 = arith.muli %arg1, %mul3A : i32
    %add3A = arith.addi %mul3A_0, %arg0 : i32
    %mul3A_1 = arith.constant 32 : i32
    %mul3A_2 = arith.muli %add3A, %mul3A_1 : i32
    "tpu.region"() ({
      %run_scoped3A = tpu.sem_alloc : memref<!tpu.dma_semaphore, #tpu.memory_space<semaphore_mem>>
      %dma_start3A_3733 = tpu.memref_slice %arg2[%mul3A_2] : memref<1024xi32, #tpu.memory_space<hbm>> -> memref<32xi32, #tpu.memory_space<hbm>>
      %dma_start3A_3734 = tpu.memref_slice %arg2[%mul3A_2] : memref<1024xi32, #tpu.memory_space<hbm>> -> memref<32xi32, #tpu.memory_space<hbm>>
      tpu.enqueue_dma source(%dma_start3A_3734 : memref<32xi32, #tpu.memory_space<hbm>>) target(%arg5 : memref<32xi32, #tpu.memory_space<vmem>>) target_semaphore(%run_scoped3A : memref<!tpu.dma_semaphore, #tpu.memory_space<semaphore_mem>>)
      %dma_wait3A_3735 = tpu.memref_slice %arg2[%mul3A_2] : memref<1024xi32, #tpu.memory_space<hbm>> -> memref<32xi32, #tpu.memory_space<hbm>>
      %dma_wait3A_3736 = tpu.memref_slice %arg2[%mul3A_2] : memref<1024xi32, #tpu.memory_space<hbm>> -> memref<32xi32, #tpu.memory_space<hbm>>
      tpu.wait_dma2 semaphore(%run_scoped3A : memref<!tpu.dma_semaphore, #tpu.memory_space<semaphore_mem>>) src(%dma_wait3A_3736 : memref<32xi32, #tpu.memory_space<hbm>>) dst(%arg5 : memref<32xi32, #tpu.memory_space<vmem>>)
      tpu.yield
    }) : () -> ()
    %get3A = arith.constant 0 : index
    %get3A_3 = tpu.vector_load %arg5[%get3A] {strides = array<i32>} : memref<32xi32, #tpu.memory_space<vmem>>, vector<16xi32>,
    %slice3A = vector.extract_strided_slice %get3A_3 {offsets = [0], sizes = [1], strides = [1]} : vector<16xi32> to vector<1xi32>
    %squeeze3A = vector.extract %slice3A[0] : i32 from vector<1xi32>
    %and3A = arith.constant 127 : i32
    %and3A_4 = arith.andi %squeeze3A, %and3A : i32
    %slice3A_5 = vector.extract_strided_slice %get3A_3 {offsets = [1], sizes = [1], strides = [1]} : vector<16xi32> to vector<1xi32>
    %squeeze3A_6 = vector.extract %slice3A_5[0] : i32 from vector<1xi32>
    %and3A_7 = arith.constant 127 : i32
    %and3A_8 = arith.andi %squeeze3A_6, %and3A_7 : i32
    %slice3A_9 = vector.extract_strided_slice %get3A_3 {offsets = [2], sizes = [1], strides = [1]} : vector<16xi32> to vector<1xi32>
    %squeeze3A_10 = vector.extract %slice3A_9[0] : i32 from vector<1xi32>
    %and3A_11 = arith.constant 127 : i32
    %and3A_12 = arith.andi %squeeze3A_10, %and3A_11 : i32
    %slice3A_13 = vector.extract_strided_slice %get3A_3 {offsets = [3], sizes = [1], strides = [1]} : vector<16xi32> to vector<1xi32>
    %squeeze3A_14 = vector.extract %slice3A_13[0] : i32 from vector<1xi32>
    %and3A_15 = arith.constant 127 : i32
    %and3A_16 = arith.andi %squeeze3A_14, %and3A_15 : i32
    %slice3A_17 = vector.extract_strided_slice %get3A_3 {offsets = [4], sizes = [1], strides = [1]} : vector<16xi32> to vector<1xi32>
    %squeeze3A_18 = vector.extract %slice3A_17[0] : i32 from vector<1xi32>
    %and3A_19 = arith.constant 127 : i32
    %and3A_20 = arith.andi %squeeze3A_18, %and3A_19 : i32
    %slice3A_21 = vector.extract_strided_slice %get3A_3 {offsets = [5], sizes = [1], strides = [1]} : vector<16xi32> to vector<1xi32>
    %squeeze3A_22 = vector.extract %slice3A_21[0] : i32 from vector<1xi32>
    %and3A_23 = arith.constant 127 : i32
    %and3A_24 = arith.andi %squeeze3A_22, %and3A_23 : i32
    %slice3A_25 = vector.extract_strided_slice %get3A_3 {offsets = [6], sizes = [1], strides = [1]} : vector<16xi32> to vector<1xi32>
    %squeeze3A_26 = vector.extract %slice3A_25[0] : i32 from vector<1xi32>
    %and3A_27 = arith.constant 127 : i32
    %and3A_28 = arith.andi %squeeze3A_26, %and3A_27 : i32
    %slice3A_29 = vector.extract_strided_slice %get3A_3 {offsets = [7], sizes = [1], strides = [1]} : vector<16xi32> to vector<1xi32>
    %squeeze3A_30 = vector.extract %slice3A_29[0] : i32 from vector<1xi32>
    %and3A_31 = arith.constant 127 : i32
    %and3A_32 = arith.andi %squeeze3A_30, %and3A_31 : i32
    %slice3A_33 = vector.extract_strided_slice %get3A_3 {offsets = [8], sizes = [1], strides = [1]} : vector<16xi32> to vector<1xi32>
    %squeeze3A_34 = vector.extract %slice3A_33[0] : i32 from vector<1xi32>
    %and3A_35 = arith.constant 127 : i32
    %and3A_36 = arith.andi %squeeze3A_34, %and3A_35 : i32
    %slice3A_37 = vector.extract_strided_slice %get3A_3 {offsets = [9], sizes = [1], strides = [1]} : vector<16xi32> to vector<1xi32>
    %squeeze3A_38 = vector.extract %slice3A_37[0] : i32 from vector<1xi32>
    %and3A_39 = arith.constant 127 : i32
    %and3A_40 = arith.andi %squeeze3A_38, %and3A_39 : i32
    %slice3A_41 = vector.extract_strided_slice %get3A_3 {offsets = [10], sizes = [1], strides = [1]} : vector<16xi32> to vector<1xi32>
    %squeeze3A_42 = vector.extract %slice3A_41[0] : i32 from vector<1xi32>
    %and3A_43 = arith.constant 127 : i32
    %and3A_44 = arith.andi %squeeze3A_42, %and3A_43 : i32
    %slice3A_45 = vector.extract_strided_slice %get3A_3 {offsets = [11], sizes = [1], strides = [1]} : vector<16xi32> to vector<1xi32>
    %squeeze3A_46 = vector.extract %slice3A_45[0] : i32 from vector<1xi32>
    %and3A_47 = arith.constant 127 : i32
    %and3A_48 = arith.andi %squeeze3A_46, %and3A_47 : i32
    %slice3A_49 = vector.extract_strided_slice %get3A_3 {offsets = [12], sizes = [1], strides = [1]} : vector<16xi32> to vector<1xi32>
    %squeeze3A_50 = vector.extract %slice3A_49[0] : i32 from vector<1xi32>
    %and3A_51 = arith.constant 127 : i32
    %and3A_52 = arith.andi %squeeze3A_50, %and3A_51 : i32
    %slice3A_53 = vector.extract_strided_slice %get3A_3 {offsets = [13], sizes = [1], strides = [1]} : vector<16xi32> to vector<1xi32>
    %squeeze3A_54 = vector.extract %slice3A_53[0] : i32 from vector<1xi32>
    %and3A_55 = arith.constant 127 : i32
    %and3A_56 = arith.andi %squeeze3A_54, %and3A_55 : i32
    %slice3A_57 = vector.extract_strided_slice %get3A_3 {offsets = [14], sizes = [1], strides = [1]} : vector<16xi32> to vector<1xi32>
    %squeeze3A_58 = vector.extract %slice3A_57[0] : i32 from vector<1xi32>
    %and3A_59 = arith.constant 127 : i32
    %and3A_60 = arith.andi %squeeze3A_58, %and3A_59 : i32
    %slice3A_61 = vector.extract_strided_slice %get3A_3 {offsets = [15], sizes = [1], strides = [1]} : vector<16xi32> to vector<1xi32>
    %squeeze3A_62 = vector.extract %slice3A_61[0] : i32 from vector<1xi32>
    %and3A_63 = arith.constant 127 : i32
    %and3A_64 = arith.andi %squeeze3A_62, %and3A_63 : i32
    %get3A_65 = arith.constant 16 : index
    %get3A_66 = tpu.vector_load %arg5[%get3A_65] {strides = array<i32>} : memref<32xi32, #tpu.memory_space<vmem>>, vector<16xi32>,
    %slice3A_67 = vector.extract_strided_slice %get3A_66 {offsets = [0], sizes = [1], strides = [1]} : vector<16xi32> to vector<1xi32>
    %squeeze3A_68 = vector.extract %slice3A_67[0] : i32 from vector<1xi32>
    %and3A_69 = arith.constant 127 : i32
    %and3A_70 = arith.andi %squeeze3A_68, %and3A_69 : i32
    %slice3A_71 = vector.extract_strided_slice %get3A_66 {offsets = [1], sizes = [1], strides = [1]} : vector<16xi32> to vector<1xi32>
    %squeeze3A_72 = vector.extract %slice3A_71[0] : i32 from vector<1xi32>
    %and3A_73 = arith.constant 127 : i32
    %and3A_74 = arith.andi %squeeze3A_72, %and3A_73 : i32
    %slice3A_75 = vector.extract_strided_slice %get3A_66 {offsets = [2], sizes = [1], strides = [1]} : vector<16xi32> to vector<1xi32>
    %squeeze3A_76 = vector.extract %slice3A_75[0] : i32 from vector<1xi32>
    %and3A_77 = arith.constant 127 : i32
    %and3A_78 = arith.andi %squeeze3A_76, %and3A_77 : i32
    %slice3A_79 = vector.extract_strided_slice %get3A_66 {offsets = [3], sizes = [1], strides = [1]} : vector<16xi32> to vector<1xi32>
    %squeeze3A_80 = vector.extract %slice3A_79[0] : i32 from vector<1xi32>
    %and3A_81 = arith.constant 127 : i32
    %and3A_82 = arith.andi %squeeze3A_80, %and3A_81 : i32
    %slice3A_83 = vector.extract_strided_slice %get3A_66 {offsets = [4], sizes = [1], strides = [1]} : vector<16xi32> to vector<1xi32>
    %squeeze3A_84 = vector.extract %slice3A_83[0] : i32 from vector<1xi32>
    %and3A_85 = arith.constant 127 : i32
    %and3A_86 = arith.andi %squeeze3A_84, %and3A_85 : i32
    %slice3A_87 = vector.extract_strided_slice %get3A_66 {offsets = [5], sizes = [1], strides = [1]} : vector<16xi32> to vector<1xi32>
    %squeeze3A_88 = vector.extract %slice3A_87[0] : i32 from vector<1xi32>
    %and3A_89 = arith.constant 127 : i32
    %and3A_90 = arith.andi %squeeze3A_88, %and3A_89 : i32
    %slice3A_91 = vector.extract_strided_slice %get3A_66 {offsets = [6], sizes = [1], strides = [1]} : vector<16xi32> to vector<1xi32>
    %squeeze3A_92 = vector.extract %slice3A_91[0] : i32 from vector<1xi32>
    %and3A_93 = arith.constant 127 : i32
    %and3A_94 = arith.andi %squeeze3A_92, %and3A_93 : i32
    %slice3A_95 = vector.extract_strided_slice %get3A_66 {offsets = [7], sizes = [1], strides = [1]} : vector<16xi32> to vector<1xi32>
    %squeeze3A_96 = vector.extract %slice3A_95[0] : i32 from vector<1xi32>
    %and3A_97 = arith.constant 127 : i32
    %and3A_98 = arith.andi %squeeze3A_96, %and3A_97 : i32
    %slice3A_99 = vector.extract_strided_slice %get3A_66 {offsets = [8], sizes = [1], strides = [1]} : vector<16xi32> to vector<1xi32>
    %squeeze3A_100 = vector.extract %slice3A_99[0] : i32 from vector<1xi32>
    %and3A_101 = arith.constant 127 : i32
    %and3A_102 = arith.andi %squeeze3A_100, %and3A_101 : i32
    %slice3A_103 = vector.extract_strided_slice %get3A_66 {offsets = [9], sizes = [1], strides = [1]} : vector<16xi32> to vector<1xi32>
    %squeeze3A_104 = vector.extract %slice3A_103[0] : i32 from vector<1xi32>
    %and3A_105 = arith.constant 127 : i32
    %and3A_106 = arith.andi %squeeze3A_104, %and3A_105 : i32
    %slice3A_107 = vector.extract_strided_slice %get3A_66 {offsets = [10], sizes = [1], strides = [1]} : vector<16xi32> to vector<1xi32>
    %squeeze3A_108 = vector.extract %slice3A_107[0] : i32 from vector<1xi32>
    %and3A_109 = arith.constant 127 : i32
    %and3A_110 = arith.andi %squeeze3A_108, %and3A_109 : i32
    %slice3A_111 = vector.extract_strided_slice %get3A_66 {offsets = [11], sizes = [1], strides = [1]} : vector<16xi32> to vector<1xi32>
    %squeeze3A_112 = vector.extract %slice3A_111[0] : i32 from vector<1xi32>
    %and3A_113 = arith.constant 127 : i32
    %and3A_114 = arith.andi %squeeze3A_112, %and3A_113 : i32
    %slice3A_115 = vector.extract_strided_slice %get3A_66 {offsets = [12], sizes = [1], strides = [1]} : vector<16xi32> to vector<1xi32>
    %squeeze3A_116 = vector.extract %slice3A_115[0] : i32 from vector<1xi32>
    %and3A_117 = arith.constant 127 : i32
    %and3A_118 = arith.andi %squeeze3A_116, %and3A_117 : i32
    %slice3A_119 = vector.extract_strided_slice %get3A_66 {offsets = [13], sizes = [1], strides = [1]} : vector<16xi32> to vector<1xi32>
    %squeeze3A_120 = vector.extract %slice3A_119[0] : i32 from vector<1xi32>
    %and3A_121 = arith.constant 127 : i32
    %and3A_122 = arith.andi %squeeze3A_120, %and3A_121 : i32
    %slice3A_123 = vector.extract_strided_slice %get3A_66 {offsets = [14], sizes = [1], strides = [1]} : vector<16xi32> to vector<1xi32>
    %squeeze3A_124 = vector.extract %slice3A_123[0] : i32 from vector<1xi32>
    %and3A_125 = arith.constant 127 : i32
    %and3A_126 = arith.andi %squeeze3A_124, %and3A_125 : i32
    %slice3A_127 = vector.extract_strided_slice %get3A_66 {offsets = [15], sizes = [1], strides = [1]} : vector<16xi32> to vector<1xi32>
    %squeeze3A_128 = vector.extract %slice3A_127[0] : i32 from vector<1xi32>
    %and3A_129 = arith.constant 127 : i32
    %and3A_130 = arith.andi %squeeze3A_128, %and3A_129 : i32
    %jit3A = arith.constant 128 : i32
    %div3A = arith.divsi %squeeze3A, %jit3A : i32
    %sign3A = arith.constant 0 : i32
    %sign3A_131 = arith.cmpi sgt, %squeeze3A, %sign3A : i32
    %sign3A_132 = arith.extui %sign3A_131 : i1 to i32
    %sign3A_133 = arith.constant 0 : i32
    %sign3A_134 = arith.cmpi slt, %squeeze3A, %sign3A_133 : i32
    %sign3A_135 = arith.extui %sign3A_134 : i1 to i32
    %sign3A_136 = arith.subi %sign3A_132, %sign3A_135 : i32
    %sign3A_137 = arith.constant 0 : i32
    %sign3A_138 = arith.cmpi sgt, %jit3A, %sign3A_137 : i32
    %sign3A_139 = arith.extui %sign3A_138 : i1 to i32
    %sign3A_140 = arith.constant 0 : i32
    %sign3A_141 = arith.cmpi slt, %jit3A, %sign3A_140 : i32
    %sign3A_142 = arith.extui %sign3A_141 : i1 to i32
    %sign3A_143 = arith.subi %sign3A_139, %sign3A_142 : i32
    %ne3A = arith.cmpi ne, %sign3A_136, %sign3A_143 : i32
    %rem3A = arith.remsi %squeeze3A, %jit3A : i32
    %ne3A_144 = arith.constant 0 : i32
    %ne3A_145 = arith.cmpi ne, %rem3A, %ne3A_144 : i32
    %and3A_146 = arith.andi %ne3A, %ne3A_145 : i1
    %sub3A = arith.constant 1 : i32
    %sub3A_147 = arith.subi %div3A, %sub3A : i32
    %select_n3A = arith.select %and3A_146, %sub3A_147, %div3A : i32
    %mul3A_148 = arith.constant 128 : i32
    %mul3A_149 = arith.muli %select_n3A, %mul3A_148 : i32
    %multiple_of3A = tpu.assume_multiple %mul3A_149, 128 : i32
    %dma_start3A = arith.constant 0 : i32
    %dma_start3A_150 = arith.constant 0 : i32
    %dma_start3A_151 = arith.constant 0 : i32
    %dma_start3A_152 = tpu.memref_slice %arg6[%dma_start3A, %dma_start3A_150, %dma_start3A_151] : memref<8x64x128xf32, #tpu.memory_space<vmem>> -> memref<1x64x128xf32, #tpu.memory_space<vmem>>
    %dma_start3A_153 = tpu.memref_squeeze %dma_start3A_152 : memref<1x64x128xf32, #tpu.memory_space<vmem>> -> memref<64x128xf32, #tpu.memory_space<vmem>>
    %dma_start3A_154 = arith.constant 0 : i32
    %dma_start3A_155 = tpu.memref_slice %arg3[%dma_start3A_154, %multiple_of3A] : memref<64x100000xf32, #tpu.memory_space<hbm>> -> memref<64x128xf32, #tpu.memory_space<hbm>>
    %dma_start3A_156 = arith.constant 0 : i32
    %dma_start3A_157 = arith.constant 0 : i32
    %dma_start3A_158 = tpu.memref_slice %arg6[%dma_start3A, %dma_start3A_156, %dma_start3A_157] : memref<8x64x128xf32, #tpu.memory_space<vmem>> -> memref<1x64x128xf32, #tpu.memory_space<vmem>>
    %dma_start3A_159 = tpu.memref_squeeze %dma_start3A_158 : memref<1x64x128xf32, #tpu.memory_space<vmem>> -> memref<64x128xf32, #tpu.memory_space<vmem>>
    %dma_start3A_160 = arith.constant 0 : i32
    %dma_start3A_161 = tpu.memref_slice %arg3[%dma_start3A_160, %multiple_of3A] : memref<64x100000xf32, #tpu.memory_space<hbm>> -> memref<64x128xf32, #tpu.memory_space<hbm>>
    tpu.enqueue_dma source(%dma_start3A_161 : memref<64x128xf32, #tpu.memory_space<hbm>>) target(%dma_start3A_159 : memref<64x128xf32, #tpu.memory_space<vmem>>) target_semaphore(%arg8 : memref<!tpu.dma_semaphore, #tpu.memory_space<semaphore_mem>>)
    %jit3A_162 = arith.constant 128 : i32
    %div3A_163 = arith.divsi %squeeze3A_6, %jit3A_162 : i32
    %sign3A_164 = arith.constant 0 : i32
    %sign3A_165 = arith.cmpi sgt, %squeeze3A_6, %sign3A_164 : i32
    %sign3A_166 = arith.extui %sign3A_165 : i1 to i32
    %sign3A_167 = arith.constant 0 : i32
    %sign3A_168 = arith.cmpi slt, %squeeze3A_6, %sign3A_167 : i32
    %sign3A_169 = arith.extui %sign3A_168 : i1 to i32
    %sign3A_170 = arith.subi %sign3A_166, %sign3A_169 : i32
    %sign3A_171 = arith.constant 0 : i32
    %sign3A_172 = arith.cmpi sgt, %jit3A_162, %sign3A_171 : i32
    %sign3A_173 = arith.extui %sign3A_172 : i1 to i32
    %sign3A_174 = arith.constant 0 : i32
    %sign3A_175 = arith.cmpi slt, %jit3A_162, %sign3A_174 : i32
    %sign3A_176 = arith.extui %sign3A_175 : i1 to i32
    %sign3A_177 = arith.subi %sign3A_173, %sign3A_176 : i32
    %ne3A_178 = arith.cmpi ne, %sign3A_170, %sign3A_177 : i32
    %rem3A_179 = arith.remsi %squeeze3A_6, %jit3A_162 : i32
    %ne3A_180 = arith.constant 0 : i32
    %ne3A_181 = arith.cmpi ne, %rem3A_179, %ne3A_180 : i32
    %and3A_182 = arith.andi %ne3A_178, %ne3A_181 : i1
    %sub3A_183 = arith.constant 1 : i32
    %sub3A_184 = arith.subi %div3A_163, %sub3A_183 : i32
    %select_n3A_185 = arith.select %and3A_182, %sub3A_184, %div3A_163 : i32
    %mul3A_186 = arith.constant 128 : i32
    %mul3A_187 = arith.muli %select_n3A_185, %mul3A_186 : i32
    %multiple_of3A_188 = tpu.assume_multiple %mul3A_187, 128 : i32
    %dma_start3A_189 = arith.constant 1 : i32
    %dma_start3A_190 = arith.constant 0 : i32
    %dma_start3A_191 = arith.constant 0 : i32
    %dma_start3A_192 = tpu.memref_slice %arg6[%dma_start3A_189, %dma_start3A_190, %dma_start3A_191] : memref<8x64x128xf32, #tpu.memory_space<vmem>> -> memref<1x64x128xf32, #tpu.memory_space<vmem>>
    %dma_start3A_193 = tpu.memref_squeeze %dma_start3A_192 : memref<1x64x128xf32, #tpu.memory_space<vmem>> -> memref<64x128xf32, #tpu.memory_space<vmem>>
    %dma_start3A_194 = arith.constant 0 : i32
    %dma_start3A_195 = tpu.memref_slice %arg3[%dma_start3A_194, %multiple_of3A_188] : memref<64x100000xf32, #tpu.memory_space<hbm>> -> memref<64x128xf32, #tpu.memory_space<hbm>>
    %dma_start3A_196 = arith.constant 0 : i32
    %dma_start3A_197 = arith.constant 0 : i32
    %dma_start3A_198 = tpu.memref_slice %arg6[%dma_start3A_189, %dma_start3A_196, %dma_start3A_197] : memref<8x64x128xf32, #tpu.memory_space<vmem>> -> memref<1x64x128xf32, #tpu.memory_space<vmem>>
    %dma_start3A_199 = tpu.memref_squeeze %dma_start3A_198 : memref<1x64x128xf32, #tpu.memory_space<vmem>> -> memref<64x128xf32, #tpu.memory_space<vmem>>
    %dma_start3A_200 = arith.constant 0 : i32
    %dma_start3A_201 = tpu.memref_slice %arg3[%dma_start3A_200, %multiple_of3A_188] : memref<64x100000xf32, #tpu.memory_space<hbm>> -> memref<64x128xf32, #tpu.memory_space<hbm>>
    tpu.enqueue_dma source(%dma_start3A_201 : memref<64x128xf32, #tpu.memory_space<hbm>>) target(%dma_start3A_199 : memref<64x128xf32, #tpu.memory_space<vmem>>) target_semaphore(%arg9 : memref<!tpu.dma_semaphore, #tpu.memory_space<semaphore_mem>>)
    %jit3A_202 = arith.constant 128 : i32
    %div3A_203 = arith.divsi %squeeze3A_10, %jit3A_202 : i32
    %sign3A_204 = arith.constant 0 : i32
    %sign3A_205 = arith.cmpi sgt, %squeeze3A_10, %sign3A_204 : i32
    %sign3A_206 = arith.extui %sign3A_205 : i1 to i32
    %sign3A_207 = arith.constant 0 : i32
    %sign3A_208 = arith.cmpi slt, %squeeze3A_10, %sign3A_207 : i32
    %sign3A_209 = arith.extui %sign3A_208 : i1 to i32
    %sign3A_210 = arith.subi %sign3A_206, %sign3A_209 : i32
    %sign3A_211 = arith.constant 0 : i32
    %sign3A_212 = arith.cmpi sgt, %jit3A_202, %sign3A_211 : i32
    %sign3A_213 = arith.extui %sign3A_212 : i1 to i32
    %sign3A_214 = arith.constant 0 : i32
    %sign3A_215 = arith.cmpi slt, %jit3A_202, %sign3A_214 : i32
    %sign3A_216 = arith.extui %sign3A_215 : i1 to i32
    %sign3A_217 = arith.subi %sign3A_213, %sign3A_216 : i32
    %ne3A_218 = arith.cmpi ne, %sign3A_210, %sign3A_217 : i32
    %rem3A_219 = arith.remsi %squeeze3A_10, %jit3A_202 : i32
    %ne3A_220 = arith.constant 0 : i32
    %ne3A_221 = arith.cmpi ne, %rem3A_219, %ne3A_220 : i32
    %and3A_222 = arith.andi %ne3A_218, %ne3A_221 : i1
    %sub3A_223 = arith.constant 1 : i32
    %sub3A_224 = arith.subi %div3A_203, %sub3A_223 : i32
    %select_n3A_225 = arith.select %and3A_222, %sub3A_224, %div3A_203 : i32
    %mul3A_226 = arith.constant 128 : i32
    %mul3A_227 = arith.muli %select_n3A_225, %mul3A_226 : i32
    %multiple_of3A_228 = tpu.assume_multiple %mul3A_227, 128 : i32
    %dma_start3A_229 = arith.constant 2 : i32
    %dma_start3A_230 = arith.constant 0 : i32
    %dma_start3A_231 = arith.constant 0 : i32
    %dma_start3A_232 = tpu.memref_slice %arg6[%dma_start3A_229, %dma_start3A_230, %dma_start3A_231] : memref<8x64x128xf32, #tpu.memory_space<vmem>> -> memref<1x64x128xf32, #tpu.memory_space<vmem>>
    %dma_start3A_233 = tpu.memref_squeeze %dma_start3A_232 : memref<1x64x128xf32, #tpu.memory_space<vmem>> -> memref<64x128xf32, #tpu.memory_space<vmem>>
    %dma_start3A_234 = arith.constant 0 : i32
    %dma_start3A_235 = tpu.memref_slice %arg3[%dma_start3A_234, %multiple_of3A_228] : memref<64x100000xf32, #tpu.memory_space<hbm>> -> memref<64x128xf32, #tpu.memory_space<hbm>>
    %dma_start3A_236 = arith.constant 0 : i32
    %dma_start3A_237 = arith.constant 0 : i32
    %dma_start3A_238 = tpu.memref_slice %arg6[%dma_start3A_229, %dma_start3A_236, %dma_start3A_237] : memref<8x64x128xf32, #tpu.memory_space<vmem>> -> memref<1x64x128xf32, #tpu.memory_space<vmem>>
    %dma_start3A_239 = tpu.memref_squeeze %dma_start3A_238 : memref<1x64x128xf32, #tpu.memory_space<vmem>> -> memref<64x128xf32, #tpu.memory_space<vmem>>
    %dma_start3A_240 = arith.constant 0 : i32
    %dma_start3A_241 = tpu.memref_slice %arg3[%dma_start3A_240, %multiple_of3A_228] : memref<64x100000xf32, #tpu.memory_space<hbm>> -> memref<64x128xf32, #tpu.memory_space<hbm>>
    tpu.enqueue_dma source(%dma_start3A_241 : memref<64x128xf32, #tpu.memory_space<hbm>>) target(%dma_start3A_239 : memref<64x128xf32, #tpu.memory_space<vmem>>) target_semaphore(%arg10 : memref<!tpu.dma_semaphore, #tpu.memory_space<semaphore_mem>>)
    %jit3A_242 = arith.constant 128 : i32
    %div3A_243 = arith.divsi %squeeze3A_14, %jit3A_242 : i32
    %sign3A_244 = arith.constant 0 : i32
    %sign3A_245 = arith.cmpi sgt, %squeeze3A_14, %sign3A_244 : i32
    %sign3A_246 = arith.extui %sign3A_245 : i1 to i32
    %sign3A_247 = arith.constant 0 : i32
    %sign3A_248 = arith.cmpi slt, %squeeze3A_14, %sign3A_247 : i32
    %sign3A_249 = arith.extui %sign3A_248 : i1 to i32
    %sign3A_250 = arith.subi %sign3A_246, %sign3A_249 : i32
    %sign3A_251 = arith.constant 0 : i32
    %sign3A_252 = arith.cmpi sgt, %jit3A_242, %sign3A_251 : i32
    %sign3A_253 = arith.extui %sign3A_252 : i1 to i32
    %sign3A_254 = arith.constant 0 : i32
    %sign3A_255 = arith.cmpi slt, %jit3A_242, %sign3A_254 : i32
    %sign3A_256 = arith.extui %sign3A_255 : i1 to i32
    %sign3A_257 = arith.subi %sign3A_253, %sign3A_256 : i32
    %ne3A_258 = arith.cmpi ne, %sign3A_250, %sign3A_257 : i32
    %rem3A_259 = arith.remsi %squeeze3A_14, %jit3A_242 : i32
    %ne3A_260 = arith.constant 0 : i32
    %ne3A_261 = arith.cmpi ne, %rem3A_259, %ne3A_260 : i32
    %and3A_262 = arith.andi %ne3A_258, %ne3A_261 : i1
    %sub3A_263 = arith.constant 1 : i32
    %sub3A_264 = arith.subi %div3A_243, %sub3A_263 : i32
    %select_n3A_265 = arith.select %and3A_262, %sub3A_264, %div3A_243 : i32
    %mul3A_266 = arith.constant 128 : i32
    %mul3A_267 = arith.muli %select_n3A_265, %mul3A_266 : i32
    %multiple_of3A_268 = tpu.assume_multiple %mul3A_267, 128 : i32
    %dma_start3A_269 = arith.constant 3 : i32
    %dma_start3A_270 = arith.constant 0 : i32
    %dma_start3A_271 = arith.constant 0 : i32
    %dma_start3A_272 = tpu.memref_slice %arg6[%dma_start3A_269, %dma_start3A_270, %dma_start3A_271] : memref<8x64x128xf32, #tpu.memory_space<vmem>> -> memref<1x64x128xf32, #tpu.memory_space<vmem>>
    %dma_start3A_273 = tpu.memref_squeeze %dma_start3A_272 : memref<1x64x128xf32, #tpu.memory_space<vmem>> -> memref<64x128xf32, #tpu.memory_space<vmem>>
    %dma_start3A_274 = arith.constant 0 : i32
    %dma_start3A_275 = tpu.memref_slice %arg3[%dma_start3A_274, %multiple_of3A_268] : memref<64x100000xf32, #tpu.memory_space<hbm>> -> memref<64x128xf32, #tpu.memory_space<hbm>>
    %dma_start3A_276 = arith.constant 0 : i32
    %dma_start3A_277 = arith.constant 0 : i32
    %dma_start3A_278 = tpu.memref_slice %arg6[%dma_start3A_269, %dma_start3A_276, %dma_start3A_277] : memref<8x64x128xf32, #tpu.memory_space<vmem>> -> memref<1x64x128xf32, #tpu.memory_space<vmem>>
    %dma_start3A_279 = tpu.memref_squeeze %dma_start3A_278 : memref<1x64x128xf32, #tpu.memory_space<vmem>> -> memref<64x128xf32, #tpu.memory_space<vmem>>
    %dma_start3A_280 = arith.constant 0 : i32
    %dma_start3A_281 = tpu.memref_slice %arg3[%dma_start3A_280, %multiple_of3A_268] : memref<64x100000xf32, #tpu.memory_space<hbm>> -> memref<64x128xf32, #tpu.memory_space<hbm>>
    tpu.enqueue_dma source(%dma_start3A_281 : memref<64x128xf32, #tpu.memory_space<hbm>>) target(%dma_start3A_279 : memref<64x128xf32, #tpu.memory_space<vmem>>) target_semaphore(%arg11 : memref<!tpu.dma_semaphore, #tpu.memory_space<semaphore_mem>>)
    %jit3A_282 = arith.constant 128 : i32
    %div3A_283 = arith.divsi %squeeze3A_18, %jit3A_282 : i32
    %sign3A_284 = arith.constant 0 : i32
    %sign3A_285 = arith.cmpi sgt, %squeeze3A_18, %sign3A_284 : i32
    %sign3A_286 = arith.extui %sign3A_285 : i1 to i32
    %sign3A_287 = arith.constant 0 : i32
    %sign3A_288 = arith.cmpi slt, %squeeze3A_18, %sign3A_287 : i32
    %sign3A_289 = arith.extui %sign3A_288 : i1 to i32
    %sign3A_290 = arith.subi %sign3A_286, %sign3A_289 : i32
    %sign3A_291 = arith.constant 0 : i32
    %sign3A_292 = arith.cmpi sgt, %jit3A_282, %sign3A_291 : i32
    %sign3A_293 = arith.extui %sign3A_292 : i1 to i32
    %sign3A_294 = arith.constant 0 : i32
    %sign3A_295 = arith.cmpi slt, %jit3A_282, %sign3A_294 : i32
    %sign3A_296 = arith.extui %sign3A_295 : i1 to i32
    %sign3A_297 = arith.subi %sign3A_293, %sign3A_296 : i32
    %ne3A_298 = arith.cmpi ne, %sign3A_290, %sign3A_297 : i32
    %rem3A_299 = arith.remsi %squeeze3A_18, %jit3A_282 : i32
    %ne3A_300 = arith.constant 0 : i32
    %ne3A_301 = arith.cmpi ne, %rem3A_299, %ne3A_300 : i32
    %and3A_302 = arith.andi %ne3A_298, %ne3A_301 : i1
    %sub3A_303 = arith.constant 1 : i32
    %sub3A_304 = arith.subi %div3A_283, %sub3A_303 : i32
    %select_n3A_305 = arith.select %and3A_302, %sub3A_304, %div3A_283 : i32
    %mul3A_306 = arith.constant 128 : i32
    %mul3A_307 = arith.muli %select_n3A_305, %mul3A_306 : i32
    %multiple_of3A_308 = tpu.assume_multiple %mul3A_307, 128 : i32
    %dma_start3A_309 = arith.constant 4 : i32
    %dma_start3A_310 = arith.constant 0 : i32
    %dma_start3A_311 = arith.constant 0 : i32
    %dma_start3A_312 = tpu.memref_slice %arg6[%dma_start3A_309, %dma_start3A_310, %dma_start3A_311] : memref<8x64x128xf32, #tpu.memory_space<vmem>> -> memref<1x64x128xf32, #tpu.memory_space<vmem>>
    %dma_start3A_313 = tpu.memref_squeeze %dma_start3A_312 : memref<1x64x128xf32, #tpu.memory_space<vmem>> -> memref<64x128xf32, #tpu.memory_space<vmem>>
    %dma_start3A_314 = arith.constant 0 : i32
    %dma_start3A_315 = tpu.memref_slice %arg3[%dma_start3A_314, %multiple_of3A_308] : memref<64x100000xf32, #tpu.memory_space<hbm>> -> memref<64x128xf32, #tpu.memory_space<hbm>>
    %dma_start3A_316 = arith.constant 0 : i32
    %dma_start3A_317 = arith.constant 0 : i32
    %dma_start3A_318 = tpu.memref_slice %arg6[%dma_start3A_309, %dma_start3A_316, %dma_start3A_317] : memref<8x64x128xf32, #tpu.memory_space<vmem>> -> memref<1x64x128xf32, #tpu.memory_space<vmem>>
    %dma_start3A_319 = tpu.memref_squeeze %dma_start3A_318 : memref<1x64x128xf32, #tpu.memory_space<vmem>> -> memref<64x128xf32, #tpu.memory_space<vmem>>
    %dma_start3A_320 = arith.constant 0 : i32
    %dma_start3A_321 = tpu.memref_slice %arg3[%dma_start3A_320, %multiple_of3A_308] : memref<64x100000xf32, #tpu.memory_space<hbm>> -> memref<64x128xf32, #tpu.memory_space<hbm>>
    tpu.enqueue_dma source(%dma_start3A_321 : memref<64x128xf32, #tpu.memory_space<hbm>>) target(%dma_start3A_319 : memref<64x128xf32, #tpu.memory_space<vmem>>) target_semaphore(%arg12 : memref<!tpu.dma_semaphore, #tpu.memory_space<semaphore_mem>>)
    %jit3A_322 = arith.constant 128 : i32
    %div3A_323 = arith.divsi %squeeze3A_22, %jit3A_322 : i32
    %sign3A_324 = arith.constant 0 : i32
    %sign3A_325 = arith.cmpi sgt, %squeeze3A_22, %sign3A_324 : i32
    %sign3A_326 = arith.extui %sign3A_325 : i1 to i32
    %sign3A_327 = arith.constant 0 : i32
    %sign3A_328 = arith.cmpi slt, %squeeze3A_22, %sign3A_327 : i32
    %sign3A_329 = arith.extui %sign3A_328 : i1 to i32
    %sign3A_330 = arith.subi %sign3A_326, %sign3A_329 : i32
    %sign3A_331 = arith.constant 0 : i32
    %sign3A_332 = arith.cmpi sgt, %jit3A_322, %sign3A_331 : i32
    %sign3A_333 = arith.extui %sign3A_332 : i1 to i32
    %sign3A_334 = arith.constant 0 : i32
    %sign3A_335 = arith.cmpi slt, %jit3A_322, %sign3A_334 : i32
    %sign3A_336 = arith.extui %sign3A_335 : i1 to i32
    %sign3A_337 = arith.subi %sign3A_333, %sign3A_336 : i32
    %ne3A_338 = arith.cmpi ne, %sign3A_330, %sign3A_337 : i32
    %rem3A_339 = arith.remsi %squeeze3A_22, %jit3A_322 : i32
    %ne3A_340 = arith.constant 0 : i32
    %ne3A_341 = arith.cmpi ne, %rem3A_339, %ne3A_340 : i32
    %and3A_342 = arith.andi %ne3A_338, %ne3A_341 : i1
    %sub3A_343 = arith.constant 1 : i32
    %sub3A_344 = arith.subi %div3A_323, %sub3A_343 : i32
    %select_n3A_345 = arith.select %and3A_342, %sub3A_344, %div3A_323 : i32
    %mul3A_346 = arith.constant 128 : i32
    %mul3A_347 = arith.muli %select_n3A_345, %mul3A_346 : i32
    %multiple_of3A_348 = tpu.assume_multiple %mul3A_347, 128 : i32
    %dma_start3A_349 = arith.constant 5 : i32
    %dma_start3A_350 = arith.constant 0 : i32
    %dma_start3A_351 = arith.constant 0 : i32
    %dma_start3A_352 = tpu.memref_slice %arg6[%dma_start3A_349, %dma_start3A_350, %dma_start3A_351] : memref<8x64x128xf32, #tpu.memory_space<vmem>> -> memref<1x64x128xf32, #tpu.memory_space<vmem>>
    %dma_start3A_353 = tpu.memref_squeeze %dma_start3A_352 : memref<1x64x128xf32, #tpu.memory_space<vmem>> -> memref<64x128xf32, #tpu.memory_space<vmem>>
    %dma_start3A_354 = arith.constant 0 : i32
    %dma_start3A_355 = tpu.memref_slice %arg3[%dma_start3A_354, %multiple_of3A_348] : memref<64x100000xf32, #tpu.memory_space<hbm>> -> memref<64x128xf32, #tpu.memory_space<hbm>>
    %dma_start3A_356 = arith.constant 0 : i32
    %dma_start3A_357 = arith.constant 0 : i32
    %dma_start3A_358 = tpu.memref_slice %arg6[%dma_start3A_349, %dma_start3A_356, %dma_start3A_357] : memref<8x64x128xf32, #tpu.memory_space<vmem>> -> memref<1x64x128xf32, #tpu.memory_space<vmem>>
    %dma_start3A_359 = tpu.memref_squeeze %dma_start3A_358 : memref<1x64x128xf32, #tpu.memory_space<vmem>> -> memref<64x128xf32, #tpu.memory_space<vmem>>
    %dma_start3A_360 = arith.constant 0 : i32
    %dma_start3A_361 = tpu.memref_slice %arg3[%dma_start3A_360, %multiple_of3A_348] : memref<64x100000xf32, #tpu.memory_space<hbm>> -> memref<64x128xf32, #tpu.memory_space<hbm>>
    tpu.enqueue_dma source(%dma_start3A_361 : memref<64x128xf32, #tpu.memory_space<hbm>>) target(%dma_start3A_359 : memref<64x128xf32, #tpu.memory_space<vmem>>) target_semaphore(%arg13 : memref<!tpu.dma_semaphore, #tpu.memory_space<semaphore_mem>>)
    %jit3A_362 = arith.constant 128 : i32
    %div3A_363 = arith.divsi %squeeze3A_26, %jit3A_362 : i32
    %sign3A_364 = arith.constant 0 : i32
    %sign3A_365 = arith.cmpi sgt, %squeeze3A_26, %sign3A_364 : i32
    %sign3A_366 = arith.extui %sign3A_365 : i1 to i32
    %sign3A_367 = arith.constant 0 : i32
    %sign3A_368 = arith.cmpi slt, %squeeze3A_26, %sign3A_367 : i32
    %sign3A_369 = arith.extui %sign3A_368 : i1 to i32
    %sign3A_370 = arith.subi %sign3A_366, %sign3A_369 : i32
    %sign3A_371 = arith.constant 0 : i32
    %sign3A_372 = arith.cmpi sgt, %jit3A_362, %sign3A_371 : i32
    %sign3A_373 = arith.extui %sign3A_372 : i1 to i32
    %sign3A_374 = arith.constant 0 : i32
    %sign3A_375 = arith.cmpi slt, %jit3A_362, %sign3A_374 : i32
    %sign3A_376 = arith.extui %sign3A_375 : i1 to i32
    %sign3A_377 = arith.subi %sign3A_373, %sign3A_376 : i32
    %ne3A_378 = arith.cmpi ne, %sign3A_370, %sign3A_377 : i32
    %rem3A_379 = arith.remsi %squeeze3A_26, %jit3A_362 : i32
    %ne3A_380 = arith.constant 0 : i32
    %ne3A_381 = arith.cmpi ne, %rem3A_379, %ne3A_380 : i32
    %and3A_382 = arith.andi %ne3A_378, %ne3A_381 : i1
    %sub3A_383 = arith.constant 1 : i32
    %sub3A_384 = arith.subi %div3A_363, %sub3A_383 : i32
    %select_n3A_385 = arith.select %and3A_382, %sub3A_384, %div3A_363 : i32
    %mul3A_386 = arith.constant 128 : i32
    %mul3A_387 = arith.muli %select_n3A_385, %mul3A_386 : i32
    %multiple_of3A_388 = tpu.assume_multiple %mul3A_387, 128 : i32
    %dma_start3A_389 = arith.constant 6 : i32
    %dma_start3A_390 = arith.constant 0 : i32
    %dma_start3A_391 = arith.constant 0 : i32
    %dma_start3A_392 = tpu.memref_slice %arg6[%dma_start3A_389, %dma_start3A_390, %dma_start3A_391] : memref<8x64x128xf32, #tpu.memory_space<vmem>> -> memref<1x64x128xf32, #tpu.memory_space<vmem>>
    %dma_start3A_393 = tpu.memref_squeeze %dma_start3A_392 : memref<1x64x128xf32, #tpu.memory_space<vmem>> -> memref<64x128xf32, #tpu.memory_space<vmem>>
    %dma_start3A_394 = arith.constant 0 : i32
    %dma_start3A_395 = tpu.memref_slice %arg3[%dma_start3A_394, %multiple_of3A_388] : memref<64x100000xf32, #tpu.memory_space<hbm>> -> memref<64x128xf32, #tpu.memory_space<hbm>>
    %dma_start3A_396 = arith.constant 0 : i32
    %dma_start3A_397 = arith.constant 0 : i32
    %dma_start3A_398 = tpu.memref_slice %arg6[%dma_start3A_389, %dma_start3A_396, %dma_start3A_397] : memref<8x64x128xf32, #tpu.memory_space<vmem>> -> memref<1x64x128xf32, #tpu.memory_space<vmem>>
    %dma_start3A_399 = tpu.memref_squeeze %dma_start3A_398 : memref<1x64x128xf32, #tpu.memory_space<vmem>> -> memref<64x128xf32, #tpu.memory_space<vmem>>
    %dma_start3A_400 = arith.constant 0 : i32
    %dma_start3A_401 = tpu.memref_slice %arg3[%dma_start3A_400, %multiple_of3A_388] : memref<64x100000xf32, #tpu.memory_space<hbm>> -> memref<64x128xf32, #tpu.memory_space<hbm>>
    tpu.enqueue_dma source(%dma_start3A_401 : memref<64x128xf32, #tpu.memory_space<hbm>>) target(%dma_start3A_399 : memref<64x128xf32, #tpu.memory_space<vmem>>) target_semaphore(%arg14 : memref<!tpu.dma_semaphore, #tpu.memory_space<semaphore_mem>>)
    %jit3A_402 = arith.constant 128 : i32
    %div3A_403 = arith.divsi %squeeze3A_30, %jit3A_402 : i32
    %sign3A_404 = arith.constant 0 : i32
    %sign3A_405 = arith.cmpi sgt, %squeeze3A_30, %sign3A_404 : i32
    %sign3A_406 = arith.extui %sign3A_405 : i1 to i32
    %sign3A_407 = arith.constant 0 : i32
    %sign3A_408 = arith.cmpi slt, %squeeze3A_30, %sign3A_407 : i32
    %sign3A_409 = arith.extui %sign3A_408 : i1 to i32
    %sign3A_410 = arith.subi %sign3A_406, %sign3A_409 : i32
    %sign3A_411 = arith.constant 0 : i32
    %sign3A_412 = arith.cmpi sgt, %jit3A_402, %sign3A_411 : i32
    %sign3A_413 = arith.extui %sign3A_412 : i1 to i32
    %sign3A_414 = arith.constant 0 : i32
    %sign3A_415 = arith.cmpi slt, %jit3A_402, %sign3A_414 : i32
    %sign3A_416 = arith.extui %sign3A_415 : i1 to i32
    %sign3A_417 = arith.subi %sign3A_413, %sign3A_416 : i32
    %ne3A_418 = arith.cmpi ne, %sign3A_410, %sign3A_417 : i32
    %rem3A_419 = arith.remsi %squeeze3A_30, %jit3A_402 : i32
    %ne3A_420 = arith.constant 0 : i32
    %ne3A_421 = arith.cmpi ne, %rem3A_419, %ne3A_420 : i32
    %and3A_422 = arith.andi %ne3A_418, %ne3A_421 : i1
    %sub3A_423 = arith.constant 1 : i32
    %sub3A_424 = arith.subi %div3A_403, %sub3A_423 : i32
    %select_n3A_425 = arith.select %and3A_422, %sub3A_424, %div3A_403 : i32
    %mul3A_426 = arith.constant 128 : i32
    %mul3A_427 = arith.muli %select_n3A_425, %mul3A_426 : i32
    %multiple_of3A_428 = tpu.assume_multiple %mul3A_427, 128 : i32
    %dma_start3A_429 = arith.constant 7 : i32
    %dma_start3A_430 = arith.constant 0 : i32
    %dma_start3A_431 = arith.constant 0 : i32
    %dma_start3A_432 = tpu.memref_slice %arg6[%dma_start3A_429, %dma_start3A_430, %dma_start3A_431] : memref<8x64x128xf32, #tpu.memory_space<vmem>> -> memref<1x64x128xf32, #tpu.memory_space<vmem>>
    %dma_start3A_433 = tpu.memref_squeeze %dma_start3A_432 : memref<1x64x128xf32, #tpu.memory_space<vmem>> -> memref<64x128xf32, #tpu.memory_space<vmem>>
    %dma_start3A_434 = arith.constant 0 : i32
    %dma_start3A_435 = tpu.memref_slice %arg3[%dma_start3A_434, %multiple_of3A_428] : memref<64x100000xf32, #tpu.memory_space<hbm>> -> memref<64x128xf32, #tpu.memory_space<hbm>>
    %dma_start3A_436 = arith.constant 0 : i32
    %dma_start3A_437 = arith.constant 0 : i32
    %dma_start3A_438 = tpu.memref_slice %arg6[%dma_start3A_429, %dma_start3A_436, %dma_start3A_437] : memref<8x64x128xf32, #tpu.memory_space<vmem>> -> memref<1x64x128xf32, #tpu.memory_space<vmem>>
    %dma_start3A_439 = tpu.memref_squeeze %dma_start3A_438 : memref<1x64x128xf32, #tpu.memory_space<vmem>> -> memref<64x128xf32, #tpu.memory_space<vmem>>
    %dma_start3A_440 = arith.constant 0 : i32
    %dma_start3A_441 = tpu.memref_slice %arg3[%dma_start3A_440, %multiple_of3A_428] : memref<64x100000xf32, #tpu.memory_space<hbm>> -> memref<64x128xf32, #tpu.memory_space<hbm>>
    tpu.enqueue_dma source(%dma_start3A_441 : memref<64x128xf32, #tpu.memory_space<hbm>>) target(%dma_start3A_439 : memref<64x128xf32, #tpu.memory_space<vmem>>) target_semaphore(%arg15 : memref<!tpu.dma_semaphore, #tpu.memory_space<semaphore_mem>>)
    %dma_wait3A = arith.constant 0 : i32
    %dma_wait3A_442 = arith.constant 0 : i32
    %dma_wait3A_443 = arith.constant 0 : i32
    %dma_wait3A_444 = tpu.memref_slice %arg6[%dma_wait3A, %dma_wait3A_442, %dma_wait3A_443] : memref<8x64x128xf32, #tpu.memory_space<vmem>> -> memref<1x64x128xf32, #tpu.memory_space<vmem>>
    %dma_wait3A_445 = tpu.memref_squeeze %dma_wait3A_444 : memref<1x64x128xf32, #tpu.memory_space<vmem>> -> memref<64x128xf32, #tpu.memory_space<vmem>>
    %dma_wait3A_446 = arith.constant 0 : i32
    %dma_wait3A_447 = tpu.memref_slice %arg3[%dma_wait3A_446, %multiple_of3A] : memref<64x100000xf32, #tpu.memory_space<hbm>> -> memref<64x128xf32, #tpu.memory_space<hbm>>
    %dma_wait3A_448 = arith.constant 0 : i32
    %dma_wait3A_449 = arith.constant 0 : i32
    %dma_wait3A_450 = tpu.memref_slice %arg6[%dma_wait3A, %dma_wait3A_448, %dma_wait3A_449] : memref<8x64x128xf32, #tpu.memory_space<vmem>> -> memref<1x64x128xf32, #tpu.memory_space<vmem>>
    %dma_wait3A_451 = tpu.memref_squeeze %dma_wait3A_450 : memref<1x64x128xf32, #tpu.memory_space<vmem>> -> memref<64x128xf32, #tpu.memory_space<vmem>>
    %dma_wait3A_452 = arith.constant 0 : i32
    %dma_wait3A_453 = tpu.memref_slice %arg3[%dma_wait3A_452, %multiple_of3A] : memref<64x100000xf32, #tpu.memory_space<hbm>> -> memref<64x128xf32, #tpu.memory_space<hbm>>
    tpu.wait_dma2 semaphore(%arg8 : memref<!tpu.dma_semaphore, #tpu.memory_space<semaphore_mem>>) src(%dma_wait3A_453 : memref<64x128xf32, #tpu.memory_space<hbm>>) dst(%dma_wait3A_451 : memref<64x128xf32, #tpu.memory_space<vmem>>)
    %broadcast_in_dim3A = arith.constant 0 : i32
    %broadcast_in_dim3A_454 = vector.broadcast %broadcast_in_dim3A : i32 to vector<16xi32>
    %add3A_455 = vector.broadcast %and3A_4 : i32 to vector<16xi32>
    %add3A_456 = arith.addi %broadcast_in_dim3A_454, %add3A_455 : vector<16xi32>
    %iota3A = tpu.iota {dimensions = array<i32: 0>} : vector<16xi32>
    %add3A_457 = arith.constant 0 : i32
    %add3A_458 = vector.broadcast %add3A_457 : i32 to vector<16xi32>
    %add3A_459 = arith.addi %iota3A, %add3A_458 : vector<16xi32>
    %gather3A = arith.constant 0 : i32
    %gather3A_460 = arith.constant 0 : i32
    %gather3A_461 = arith.constant 0 : i32
    %gather3A_462 = tpu.memref_slice %arg6[%gather3A, %gather3A_460, %gather3A_461] : memref<8x64x128xf32, #tpu.memory_space<vmem>> -> memref<1x64x128xf32, #tpu.memory_space<vmem>>
    %gather3A_463 = tpu.memref_squeeze %gather3A_462 : memref<1x64x128xf32, #tpu.memory_space<vmem>> -> memref<64x128xf32, #tpu.memory_space<vmem>>
    %gather3A_464 = tpu.vector_load_idx %gather3A_463[%add3A_459, %add3A_456] : memref<64x128xf32, #tpu.memory_space<vmem>>[vector<16xi32>, vector<16xi32>], vector<16xf32>,
    %swap3A = arith.constant 0 : i32
    %swap3A_465 = arith.index_cast %swap3A : i32 to index
    %swap3A_466 = arith.constant 0 : index
    %swap3A_467 = tpu.vector_load %arg7[%swap3A_465, %swap3A_466] {strides = array<i32>} : memref<32x64xf32, #tpu.memory_space<vmem>>, vector<16xf32>,
    tpu.vector_store %arg7[%swap3A_465, %swap3A_466], %gather3A_464 {strides = array<i32>} : memref<32x64xf32, #tpu.memory_space<vmem>>, vector<16xf32>,
    %iota3A_468 = tpu.iota {dimensions = array<i32: 0>} : vector<16xi32>
    %add3A_469 = arith.constant 16 : i32
    %add3A_470 = vector.broadcast %add3A_469 : i32 to vector<16xi32>
    %add3A_471 = arith.addi %iota3A_468, %add3A_470 : vector<16xi32>
    %gather3A_472 = arith.constant 0 : i32
    %gather3A_473 = arith.constant 0 : i32
    %gather3A_474 = arith.constant 0 : i32
    %gather3A_475 = tpu.memref_slice %arg6[%gather3A_472, %gather3A_473, %gather3A_474] : memref<8x64x128xf32, #tpu.memory_space<vmem>> -> memref<1x64x128xf32, #tpu.memory_space<vmem>>
    %gather3A_476 = tpu.memref_squeeze %gather3A_475 : memref<1x64x128xf32, #tpu.memory_space<vmem>> -> memref<64x128xf32, #tpu.memory_space<vmem>>
    %gather3A_477 = tpu.vector_load_idx %gather3A_476[%add3A_471, %add3A_456] : memref<64x128xf32, #tpu.memory_space<vmem>>[vector<16xi32>, vector<16xi32>], vector<16xf32>,
    %swap3A_478 = arith.constant 0 : i32
    %swap3A_479 = arith.index_cast %swap3A_478 : i32 to index
    %swap3A_480 = arith.constant 16 : index
    %swap3A_481 = tpu.vector_load %arg7[%swap3A_479, %swap3A_480] {strides = array<i32>} : memref<32x64xf32, #tpu.memory_space<vmem>>, vector<16xf32>,
    tpu.vector_store %arg7[%swap3A_479, %swap3A_480], %gather3A_477 {strides = array<i32>} : memref<32x64xf32, #tpu.memory_space<vmem>>, vector<16xf32>,
    %iota3A_482 = tpu.iota {dimensions = array<i32: 0>} : vector<16xi32>
    %add3A_483 = arith.constant 32 : i32
    %add3A_484 = vector.broadcast %add3A_483 : i32 to vector<16xi32>
    %add3A_485 = arith.addi %iota3A_482, %add3A_484 : vector<16xi32>
    %gather3A_486 = arith.constant 0 : i32
    %gather3A_487 = arith.constant 0 : i32
    %gather3A_488 = arith.constant 0 : i32
    %gather3A_489 = tpu.memref_slice %arg6[%gather3A_486, %gather3A_487, %gather3A_488] : memref<8x64x128xf32, #tpu.memory_space<vmem>> -> memref<1x64x128xf32, #tpu.memory_space<vmem>>
    %gather3A_490 = tpu.memref_squeeze %gather3A_489 : memref<1x64x128xf32, #tpu.memory_space<vmem>> -> memref<64x128xf32, #tpu.memory_space<vmem>>
    %gather3A_491 = tpu.vector_load_idx %gather3A_490[%add3A_485, %add3A_456] : memref<64x128xf32, #tpu.memory_space<vmem>>[vector<16xi32>, vector<16xi32>], vector<16xf32>,
    %swap3A_492 = arith.constant 0 : i32
    %swap3A_493 = arith.index_cast %swap3A_492 : i32 to index
    %swap3A_494 = arith.constant 32 : index
    %swap3A_495 = tpu.vector_load %arg7[%swap3A_493, %swap3A_494] {strides = array<i32>} : memref<32x64xf32, #tpu.memory_space<vmem>>, vector<16xf32>,
    tpu.vector_store %arg7[%swap3A_493, %swap3A_494], %gather3A_491 {strides = array<i32>} : memref<32x64xf32, #tpu.memory_space<vmem>>, vector<16xf32>,
    %iota3A_496 = tpu.iota {dimensions = array<i32: 0>} : vector<16xi32>
    %add3A_497 = arith.constant 48 : i32
    %add3A_498 = vector.broadcast %add3A_497 : i32 to vector<16xi32>
    %add3A_499 = arith.addi %iota3A_496, %add3A_498 : vector<16xi32>
    %gather3A_500 = arith.constant 0 : i32
    %gather3A_501 = arith.constant 0 : i32
    %gather3A_502 = arith.constant 0 : i32
    %gather3A_503 = tpu.memref_slice %arg6[%gather3A_500, %gather3A_501, %gather3A_502] : memref<8x64x128xf32, #tpu.memory_space<vmem>> -> memref<1x64x128xf32, #tpu.memory_space<vmem>>
    %gather3A_504 = tpu.memref_squeeze %gather3A_503 : memref<1x64x128xf32, #tpu.memory_space<vmem>> -> memref<64x128xf32, #tpu.memory_space<vmem>>
    %gather3A_505 = tpu.vector_load_idx %gather3A_504[%add3A_499, %add3A_456] : memref<64x128xf32, #tpu.memory_space<vmem>>[vector<16xi32>, vector<16xi32>], vector<16xf32>,
    %swap3A_506 = arith.constant 0 : i32
    %swap3A_507 = arith.index_cast %swap3A_506 : i32 to index
    %swap3A_508 = arith.constant 48 : index
    %swap3A_509 = tpu.vector_load %arg7[%swap3A_507, %swap3A_508] {strides = array<i32>} : memref<32x64xf32, #tpu.memory_space<vmem>>, vector<16xf32>,
    tpu.vector_store %arg7[%swap3A_507, %swap3A_508], %gather3A_505 {strides = array<i32>} : memref<32x64xf32, #tpu.memory_space<vmem>>, vector<16xf32>,
    %jit3A_510 = arith.constant 128 : i32
    %div3A_511 = arith.divsi %squeeze3A_34, %jit3A_510 : i32
    %sign3A_512 = arith.constant 0 : i32
    %sign3A_513 = arith.cmpi sgt, %squeeze3A_34, %sign3A_512 : i32
    %sign3A_514 = arith.extui %sign3A_513 : i1 to i32
    %sign3A_515 = arith.constant 0 : i32
    %sign3A_516 = arith.cmpi slt, %squeeze3A_34, %sign3A_515 : i32
    %sign3A_517 = arith.extui %sign3A_516 : i1 to i32
    %sign3A_518 = arith.subi %sign3A_514, %sign3A_517 : i32
    %sign3A_519 = arith.constant 0 : i32
    %sign3A_520 = arith.cmpi sgt, %jit3A_510, %sign3A_519 : i32
    %sign3A_521 = arith.extui %sign3A_520 : i1 to i32
    %sign3A_522 = arith.constant 0 : i32
    %sign3A_523 = arith.cmpi slt, %jit3A_510, %sign3A_522 : i32
    %sign3A_524 = arith.extui %sign3A_523 : i1 to i32
    %sign3A_525 = arith.subi %sign3A_521, %sign3A_524 : i32
    %ne3A_526 = arith.cmpi ne, %sign3A_518, %sign3A_525 : i32
    %rem3A_527 = arith.remsi %squeeze3A_34, %jit3A_510 : i32
    %ne3A_528 = arith.constant 0 : i32
    %ne3A_529 = arith.cmpi ne, %rem3A_527, %ne3A_528 : i32
    %and3A_530 = arith.andi %ne3A_526, %ne3A_529 : i1
    %sub3A_531 = arith.constant 1 : i32
    %sub3A_532 = arith.subi %div3A_511, %sub3A_531 : i32
    %select_n3A_533 = arith.select %and3A_530, %sub3A_532, %div3A_511 : i32
    %mul3A_534 = arith.constant 128 : i32
    %mul3A_535 = arith.muli %select_n3A_533, %mul3A_534 : i32
    %multiple_of3A_536 = tpu.assume_multiple %mul3A_535, 128 : i32
    %dma_start3A_537 = arith.constant 0 : i32
    %dma_start3A_538 = arith.constant 0 : i32
    %dma_start3A_539 = arith.constant 0 : i32
    %dma_start3A_540 = tpu.memref_slice %arg6[%dma_start3A_537, %dma_start3A_538, %dma_start3A_539] : memref<8x64x128xf32, #tpu.memory_space<vmem>> -> memref<1x64x128xf32, #tpu.memory_space<vmem>>
    %dma_start3A_541 = tpu.memref_squeeze %dma_start3A_540 : memref<1x64x128xf32, #tpu.memory_space<vmem>> -> memref<64x128xf32, #tpu.memory_space<vmem>>
    %dma_start3A_542 = arith.constant 0 : i32
    %dma_start3A_543 = tpu.memref_slice %arg3[%dma_start3A_542, %multiple_of3A_536] : memref<64x100000xf32, #tpu.memory_space<hbm>> -> memref<64x128xf32, #tpu.memory_space<hbm>>
    %dma_start3A_544 = arith.constant 0 : i32
    %dma_start3A_545 = arith.constant 0 : i32
    %dma_start3A_546 = tpu.memref_slice %arg6[%dma_start3A_537, %dma_start3A_544, %dma_start3A_545] : memref<8x64x128xf32, #tpu.memory_space<vmem>> -> memref<1x64x128xf32, #tpu.memory_space<vmem>>
    %dma_start3A_547 = tpu.memref_squeeze %dma_start3A_546 : memref<1x64x128xf32, #tpu.memory_space<vmem>> -> memref<64x128xf32, #tpu.memory_space<vmem>>
    %dma_start3A_548 = arith.constant 0 : i32
    %dma_start3A_549 = tpu.memref_slice %arg3[%dma_start3A_548, %multiple_of3A_536] : memref<64x100000xf32, #tpu.memory_space<hbm>> -> memref<64x128xf32, #tpu.memory_space<hbm>>
    tpu.enqueue_dma source(%dma_start3A_549 : memref<64x128xf32, #tpu.memory_space<hbm>>) target(%dma_start3A_547 : memref<64x128xf32, #tpu.memory_space<vmem>>) target_semaphore(%arg8 : memref<!tpu.dma_semaphore, #tpu.memory_space<semaphore_mem>>)
    %dma_wait3A_550 = arith.constant 1 : i32
    %dma_wait3A_551 = arith.constant 0 : i32
    %dma_wait3A_552 = arith.constant 0 : i32
    %dma_wait3A_553 = tpu.memref_slice %arg6[%dma_wait3A_550, %dma_wait3A_551, %dma_wait3A_552] : memref<8x64x128xf32, #tpu.memory_space<vmem>> -> memref<1x64x128xf32, #tpu.memory_space<vmem>>
    %dma_wait3A_554 = tpu.memref_squeeze %dma_wait3A_553 : memref<1x64x128xf32, #tpu.memory_space<vmem>> -> memref<64x128xf32, #tpu.memory_space<vmem>>
    %dma_wait3A_555 = arith.constant 0 : i32
    %dma_wait3A_556 = tpu.memref_slice %arg3[%dma_wait3A_555, %multiple_of3A_188] : memref<64x100000xf32, #tpu.memory_space<hbm>> -> memref<64x128xf32, #tpu.memory_space<hbm>>
    %dma_wait3A_557 = arith.constant 0 : i32
    %dma_wait3A_558 = arith.constant 0 : i32
    %dma_wait3A_559 = tpu.memref_slice %arg6[%dma_wait3A_550, %dma_wait3A_557, %dma_wait3A_558] : memref<8x64x128xf32, #tpu.memory_space<vmem>> -> memref<1x64x128xf32, #tpu.memory_space<vmem>>
    %dma_wait3A_560 = tpu.memref_squeeze %dma_wait3A_559 : memref<1x64x128xf32, #tpu.memory_space<vmem>> -> memref<64x128xf32, #tpu.memory_space<vmem>>
    %dma_wait3A_561 = arith.constant 0 : i32
    %dma_wait3A_562 = tpu.memref_slice %arg3[%dma_wait3A_561, %multiple_of3A_188] : memref<64x100000xf32, #tpu.memory_space<hbm>> -> memref<64x128xf32, #tpu.memory_space<hbm>>
    tpu.wait_dma2 semaphore(%arg9 : memref<!tpu.dma_semaphore, #tpu.memory_space<semaphore_mem>>) src(%dma_wait3A_562 : memref<64x128xf32, #tpu.memory_space<hbm>>) dst(%dma_wait3A_560 : memref<64x128xf32, #tpu.memory_space<vmem>>)
    %broadcast_in_dim3A_563 = arith.constant 0 : i32
    %broadcast_in_dim3A_564 = vector.broadcast %broadcast_in_dim3A_563 : i32 to vector<16xi32>
    %add3A_565 = vector.broadcast %and3A_8 : i32 to vector<16xi32>
    %add3A_566 = arith.addi %broadcast_in_dim3A_564, %add3A_565 : vector<16xi32>
    %iota3A_567 = tpu.iota {dimensions = array<i32: 0>} : vector<16xi32>
    %add3A_568 = arith.constant 0 : i32
    %add3A_569 = vector.broadcast %add3A_568 : i32 to vector<16xi32>
    %add3A_570 = arith.addi %iota3A_567, %add3A_569 : vector<16xi32>
    %gather3A_571 = arith.constant 1 : i32
    %gather3A_572 = arith.constant 0 : i32
    %gather3A_573 = arith.constant 0 : i32
    %gather3A_574 = tpu.memref_slice %arg6[%gather3A_571, %gather3A_572, %gather3A_573] : memref<8x64x128xf32, #tpu.memory_space<vmem>> -> memref<1x64x128xf32, #tpu.memory_space<vmem>>
    %gather3A_575 = tpu.memref_squeeze %gather3A_574 : memref<1x64x128xf32, #tpu.memory_space<vmem>> -> memref<64x128xf32, #tpu.memory_space<vmem>>
    %gather3A_576 = tpu.vector_load_idx %gather3A_575[%add3A_570, %add3A_566] : memref<64x128xf32, #tpu.memory_space<vmem>>[vector<16xi32>, vector<16xi32>], vector<16xf32>,
    %swap3A_577 = arith.constant 1 : i32
    %swap3A_578 = arith.index_cast %swap3A_577 : i32 to index
    %swap3A_579 = arith.constant 0 : index
    %swap3A_580 = tpu.vector_load %arg7[%swap3A_578, %swap3A_579] {strides = array<i32>} : memref<32x64xf32, #tpu.memory_space<vmem>>, vector<16xf32>,
    tpu.vector_store %arg7[%swap3A_578, %swap3A_579], %gather3A_576 {strides = array<i32>} : memref<32x64xf32, #tpu.memory_space<vmem>>, vector<16xf32>,
    %iota3A_581 = tpu.iota {dimensions = array<i32: 0>} : vector<16xi32>
    %add3A_582 = arith.constant 16 : i32
    %add3A_583 = vector.broadcast %add3A_582 : i32 to vector<16xi32>
    %add3A_584 = arith.addi %iota3A_581, %add3A_583 : vector<16xi32>
    %gather3A_585 = arith.constant 1 : i32
    %gather3A_586 = arith.constant 0 : i32
    %gather3A_587 = arith.constant 0 : i32
    %gather3A_588 = tpu.memref_slice %arg6[%gather3A_585, %gather3A_586, %gather3A_587] : memref<8x64x128xf32, #tpu.memory_space<vmem>> -> memref<1x64x128xf32, #tpu.memory_space<vmem>>
    %gather3A_589 = tpu.memref_squeeze %gather3A_588 : memref<1x64x128xf32, #tpu.memory_space<vmem>> -> memref<64x128xf32, #tpu.memory_space<vmem>>
    %gather3A_590 = tpu.vector_load_idx %gather3A_589[%add3A_584, %add3A_566] : memref<64x128xf32, #tpu.memory_space<vmem>>[vector<16xi32>, vector<16xi32>], vector<16xf32>,
    %swap3A_591 = arith.constant 1 : i32
    %swap3A_592 = arith.index_cast %swap3A_591 : i32 to index
    %swap3A_593 = arith.constant 16 : index
    %swap3A_594 = tpu.vector_load %arg7[%swap3A_592, %swap3A_593] {strides = array<i32>} : memref<32x64xf32, #tpu.memory_space<vmem>>, vector<16xf32>,
    tpu.vector_store %arg7[%swap3A_592, %swap3A_593], %gather3A_590 {strides = array<i32>} : memref<32x64xf32, #tpu.memory_space<vmem>>, vector<16xf32>,
    %iota3A_595 = tpu.iota {dimensions = array<i32: 0>} : vector<16xi32>
    %add3A_596 = arith.constant 32 : i32
    %add3A_597 = vector.broadcast %add3A_596 : i32 to vector<16xi32>
    %add3A_598 = arith.addi %iota3A_595, %add3A_597 : vector<16xi32>
    %gather3A_599 = arith.constant 1 : i32
    %gather3A_600 = arith.constant 0 : i32
    %gather3A_601 = arith.constant 0 : i32
    %gather3A_602 = tpu.memref_slice %arg6[%gather3A_599, %gather3A_600, %gather3A_601] : memref<8x64x128xf32, #tpu.memory_space<vmem>> -> memref<1x64x128xf32, #tpu.memory_space<vmem>>
    %gather3A_603 = tpu.memref_squeeze %gather3A_602 : memref<1x64x128xf32, #tpu.memory_space<vmem>> -> memref<64x128xf32, #tpu.memory_space<vmem>>
    %gather3A_604 = tpu.vector_load_idx %gather3A_603[%add3A_598, %add3A_566] : memref<64x128xf32, #tpu.memory_space<vmem>>[vector<16xi32>, vector<16xi32>], vector<16xf32>,
    %swap3A_605 = arith.constant 1 : i32
    %swap3A_606 = arith.index_cast %swap3A_605 : i32 to index
    %swap3A_607 = arith.constant 32 : index
    %swap3A_608 = tpu.vector_load %arg7[%swap3A_606, %swap3A_607] {strides = array<i32>} : memref<32x64xf32, #tpu.memory_space<vmem>>, vector<16xf32>,
    tpu.vector_store %arg7[%swap3A_606, %swap3A_607], %gather3A_604 {strides = array<i32>} : memref<32x64xf32, #tpu.memory_space<vmem>>, vector<16xf32>,
    %iota3A_609 = tpu.iota {dimensions = array<i32: 0>} : vector<16xi32>
    %add3A_610 = arith.constant 48 : i32
    %add3A_611 = vector.broadcast %add3A_610 : i32 to vector<16xi32>
    %add3A_612 = arith.addi %iota3A_609, %add3A_611 : vector<16xi32>
    %gather3A_613 = arith.constant 1 : i32
    %gather3A_614 = arith.constant 0 : i32
    %gather3A_615 = arith.constant 0 : i32
    %gather3A_616 = tpu.memref_slice %arg6[%gather3A_613, %gather3A_614, %gather3A_615] : memref<8x64x128xf32, #tpu.memory_space<vmem>> -> memref<1x64x128xf32, #tpu.memory_space<vmem>>
    %gather3A_617 = tpu.memref_squeeze %gather3A_616 : memref<1x64x128xf32, #tpu.memory_space<vmem>> -> memref<64x128xf32, #tpu.memory_space<vmem>>
    %gather3A_618 = tpu.vector_load_idx %gather3A_617[%add3A_612, %add3A_566] : memref<64x128xf32, #tpu.memory_space<vmem>>[vector<16xi32>, vector<16xi32>], vector<16xf32>,
    %swap3A_619 = arith.constant 1 : i32
    %swap3A_620 = arith.index_cast %swap3A_619 : i32 to index
    %swap3A_621 = arith.constant 48 : index
    %swap3A_622 = tpu.vector_load %arg7[%swap3A_620, %swap3A_621] {strides = array<i32>} : memref<32x64xf32, #tpu.memory_space<vmem>>, vector<16xf32>,
    tpu.vector_store %arg7[%swap3A_620, %swap3A_621], %gather3A_618 {strides = array<i32>} : memref<32x64xf32, #tpu.memory_space<vmem>>, vector<16xf32>,
    %jit3A_623 = arith.constant 128 : i32
    %div3A_624 = arith.divsi %squeeze3A_38, %jit3A_623 : i32
    %sign3A_625 = arith.constant 0 : i32
    %sign3A_626 = arith.cmpi sgt, %squeeze3A_38, %sign3A_625 : i32
    %sign3A_627 = arith.extui %sign3A_626 : i1 to i32
    %sign3A_628 = arith.constant 0 : i32
    %sign3A_629 = arith.cmpi slt, %squeeze3A_38, %sign3A_628 : i32
    %sign3A_630 = arith.extui %sign3A_629 : i1 to i32
    %sign3A_631 = arith.subi %sign3A_627, %sign3A_630 : i32
    %sign3A_632 = arith.constant 0 : i32
    %sign3A_633 = arith.cmpi sgt, %jit3A_623, %sign3A_632 : i32
    %sign3A_634 = arith.extui %sign3A_633 : i1 to i32
    %sign3A_635 = arith.constant 0 : i32
    %sign3A_636 = arith.cmpi slt, %jit3A_623, %sign3A_635 : i32
    %sign3A_637 = arith.extui %sign3A_636 : i1 to i32
    %sign3A_638 = arith.subi %sign3A_634, %sign3A_637 : i32
    %ne3A_639 = arith.cmpi ne, %sign3A_631, %sign3A_638 : i32
    %rem3A_640 = arith.remsi %squeeze3A_38, %jit3A_623 : i32
    %ne3A_641 = arith.constant 0 : i32
    %ne3A_642 = arith.cmpi ne, %rem3A_640, %ne3A_641 : i32
    %and3A_643 = arith.andi %ne3A_639, %ne3A_642 : i1
    %sub3A_644 = arith.constant 1 : i32
    %sub3A_645 = arith.subi %div3A_624, %sub3A_644 : i32
    %select_n3A_646 = arith.select %and3A_643, %sub3A_645, %div3A_624 : i32
    %mul3A_647 = arith.constant 128 : i32
    %mul3A_648 = arith.muli %select_n3A_646, %mul3A_647 : i32
    %multiple_of3A_649 = tpu.assume_multiple %mul3A_648, 128 : i32
    %dma_start3A_650 = arith.constant 1 : i32
    %dma_start3A_651 = arith.constant 0 : i32
    %dma_start3A_652 = arith.constant 0 : i32
    %dma_start3A_653 = tpu.memref_slice %arg6[%dma_start3A_650, %dma_start3A_651, %dma_start3A_652] : memref<8x64x128xf32, #tpu.memory_space<vmem>> -> memref<1x64x128xf32, #tpu.memory_space<vmem>>
    %dma_start3A_654 = tpu.memref_squeeze %dma_start3A_653 : memref<1x64x128xf32, #tpu.memory_space<vmem>> -> memref<64x128xf32, #tpu.memory_space<vmem>>
    %dma_start3A_655 = arith.constant 0 : i32
    %dma_start3A_656 = tpu.memref_slice %arg3[%dma_start3A_655, %multiple_of3A_649] : memref<64x100000xf32, #tpu.memory_space<hbm>> -> memref<64x128xf32, #tpu.memory_space<hbm>>
    %dma_start3A_657 = arith.constant 0 : i32
    %dma_start3A_658 = arith.constant 0 : i32
    %dma_start3A_659 = tpu.memref_slice %arg6[%dma_start3A_650, %dma_start3A_657, %dma_start3A_658] : memref<8x64x128xf32, #tpu.memory_space<vmem>> -> memref<1x64x128xf32, #tpu.memory_space<vmem>>
    %dma_start3A_660 = tpu.memref_squeeze %dma_start3A_659 : memref<1x64x128xf32, #tpu.memory_space<vmem>> -> memref<64x128xf32, #tpu.memory_space<vmem>>
    %dma_start3A_661 = arith.constant 0 : i32
    %dma_start3A_662 = tpu.memref_slice %arg3[%dma_start3A_661, %multiple_of3A_649] : memref<64x100000xf32, #tpu.memory_space<hbm>> -> memref<64x128xf32, #tpu.memory_space<hbm>>
    tpu.enqueue_dma source(%dma_start3A_662 : memref<64x128xf32, #tpu.memory_space<hbm>>) target(%dma_start3A_660 : memref<64x128xf32, #tpu.memory_space<vmem>>) target_semaphore(%arg9 : memref<!tpu.dma_semaphore, #tpu.memory_space<semaphore_mem>>)
    %dma_wait3A_663 = arith.constant 2 : i32
    %dma_wait3A_664 = arith.constant 0 : i32
    %dma_wait3A_665 = arith.constant 0 : i32
    %dma_wait3A_666 = tpu.memref_slice %arg6[%dma_wait3A_663, %dma_wait3A_664, %dma_wait3A_665] : memref<8x64x128xf32, #tpu.memory_space<vmem>> -> memref<1x64x128xf32, #tpu.memory_space<vmem>>
    %dma_wait3A_667 = tpu.memref_squeeze %dma_wait3A_666 : memref<1x64x128xf32, #tpu.memory_space<vmem>> -> memref<64x128xf32, #tpu.memory_space<vmem>>
    %dma_wait3A_668 = arith.constant 0 : i32
    %dma_wait3A_669 = tpu.memref_slice %arg3[%dma_wait3A_668, %multiple_of3A_228] : memref<64x100000xf32, #tpu.memory_space<hbm>> -> memref<64x128xf32, #tpu.memory_space<hbm>>
    %dma_wait3A_670 = arith.constant 0 : i32
    %dma_wait3A_671 = arith.constant 0 : i32
    %dma_wait3A_672 = tpu.memref_slice %arg6[%dma_wait3A_663, %dma_wait3A_670, %dma_wait3A_671] : memref<8x64x128xf32, #tpu.memory_space<vmem>> -> memref<1x64x128xf32, #tpu.memory_space<vmem>>
    %dma_wait3A_673 = tpu.memref_squeeze %dma_wait3A_672 : memref<1x64x128xf32, #tpu.memory_space<vmem>> -> memref<64x128xf32, #tpu.memory_space<vmem>>
    %dma_wait3A_674 = arith.constant 0 : i32
    %dma_wait3A_675 = tpu.memref_slice %arg3[%dma_wait3A_674, %multiple_of3A_228] : memref<64x100000xf32, #tpu.memory_space<hbm>> -> memref<64x128xf32, #tpu.memory_space<hbm>>
    tpu.wait_dma2 semaphore(%arg10 : memref<!tpu.dma_semaphore, #tpu.memory_space<semaphore_mem>>) src(%dma_wait3A_675 : memref<64x128xf32, #tpu.memory_space<hbm>>) dst(%dma_wait3A_673 : memref<64x128xf32, #tpu.memory_space<vmem>>)
    %broadcast_in_dim3A_676 = arith.constant 0 : i32
    %broadcast_in_dim3A_677 = vector.broadcast %broadcast_in_dim3A_676 : i32 to vector<16xi32>
    %add3A_678 = vector.broadcast %and3A_12 : i32 to vector<16xi32>
    %add3A_679 = arith.addi %broadcast_in_dim3A_677, %add3A_678 : vector<16xi32>
    %iota3A_680 = tpu.iota {dimensions = array<i32: 0>} : vector<16xi32>
    %add3A_681 = arith.constant 0 : i32
    %add3A_682 = vector.broadcast %add3A_681 : i32 to vector<16xi32>
    %add3A_683 = arith.addi %iota3A_680, %add3A_682 : vector<16xi32>
    %gather3A_684 = arith.constant 2 : i32
    %gather3A_685 = arith.constant 0 : i32
    %gather3A_686 = arith.constant 0 : i32
    %gather3A_687 = tpu.memref_slice %arg6[%gather3A_684, %gather3A_685, %gather3A_686] : memref<8x64x128xf32, #tpu.memory_space<vmem>> -> memref<1x64x128xf32, #tpu.memory_space<vmem>>
    %gather3A_688 = tpu.memref_squeeze %gather3A_687 : memref<1x64x128xf32, #tpu.memory_space<vmem>> -> memref<64x128xf32, #tpu.memory_space<vmem>>
    %gather3A_689 = tpu.vector_load_idx %gather3A_688[%add3A_683, %add3A_679] : memref<64x128xf32, #tpu.memory_space<vmem>>[vector<16xi32>, vector<16xi32>], vector<16xf32>,
    %swap3A_690 = arith.constant 2 : i32
    %swap3A_691 = arith.index_cast %swap3A_690 : i32 to index
    %swap3A_692 = arith.constant 0 : index
    %swap3A_693 = tpu.vector_load %arg7[%swap3A_691, %swap3A_692] {strides = array<i32>} : memref<32x64xf32, #tpu.memory_space<vmem>>, vector<16xf32>,
    tpu.vector_store %arg7[%swap3A_691, %swap3A_692], %gather3A_689 {strides = array<i32>} : memref<32x64xf32, #tpu.memory_space<vmem>>, vector<16xf32>,
    %iota3A_694 = tpu.iota {dimensions = array<i32: 0>} : vector<16xi32>
    %add3A_695 = arith.constant 16 : i32
    %add3A_696 = vector.broadcast %add3A_695 : i32 to vector<16xi32>
    %add3A_697 = arith.addi %iota3A_694, %add3A_696 : vector<16xi32>
    %gather3A_698 = arith.constant 2 : i32
    %gather3A_699 = arith.constant 0 : i32
    %gather3A_700 = arith.constant 0 : i32
    %gather3A_701 = tpu.memref_slice %arg6[%gather3A_698, %gather3A_699, %gather3A_700] : memref<8x64x128xf32, #tpu.memory_space<vmem>> -> memref<1x64x128xf32, #tpu.memory_space<vmem>>
    %gather3A_702 = tpu.memref_squeeze %gather3A_701 : memref<1x64x128xf32, #tpu.memory_space<vmem>> -> memref<64x128xf32, #tpu.memory_space<vmem>>
    %gather3A_703 = tpu.vector_load_idx %gather3A_702[%add3A_697, %add3A_679] : memref<64x128xf32, #tpu.memory_space<vmem>>[vector<16xi32>, vector<16xi32>], vector<16xf32>,
    %swap3A_704 = arith.constant 2 : i32
    %swap3A_705 = arith.index_cast %swap3A_704 : i32 to index
    %swap3A_706 = arith.constant 16 : index
    %swap3A_707 = tpu.vector_load %arg7[%swap3A_705, %swap3A_706] {strides = array<i32>} : memref<32x64xf32, #tpu.memory_space<vmem>>, vector<16xf32>,
    tpu.vector_store %arg7[%swap3A_705, %swap3A_706], %gather3A_703 {strides = array<i32>} : memref<32x64xf32, #tpu.memory_space<vmem>>, vector<16xf32>,
    %iota3A_708 = tpu.iota {dimensions = array<i32: 0>} : vector<16xi32>
    %add3A_709 = arith.constant 32 : i32
    %add3A_710 = vector.broadcast %add3A_709 : i32 to vector<16xi32>
    %add3A_711 = arith.addi %iota3A_708, %add3A_710 : vector<16xi32>
    %gather3A_712 = arith.constant 2 : i32
    %gather3A_713 = arith.constant 0 : i32
    %gather3A_714 = arith.constant 0 : i32
    %gather3A_715 = tpu.memref_slice %arg6[%gather3A_712, %gather3A_713, %gather3A_714] : memref<8x64x128xf32, #tpu.memory_space<vmem>> -> memref<1x64x128xf32, #tpu.memory_space<vmem>>
    %gather3A_716 = tpu.memref_squeeze %gather3A_715 : memref<1x64x128xf32, #tpu.memory_space<vmem>> -> memref<64x128xf32, #tpu.memory_space<vmem>>
    %gather3A_717 = tpu.vector_load_idx %gather3A_716[%add3A_711, %add3A_679] : memref<64x128xf32, #tpu.memory_space<vmem>>[vector<16xi32>, vector<16xi32>], vector<16xf32>,
    %swap3A_718 = arith.constant 2 : i32
    %swap3A_719 = arith.index_cast %swap3A_718 : i32 to index
    %swap3A_720 = arith.constant 32 : index
    %swap3A_721 = tpu.vector_load %arg7[%swap3A_719, %swap3A_720] {strides = array<i32>} : memref<32x64xf32, #tpu.memory_space<vmem>>, vector<16xf32>,
    tpu.vector_store %arg7[%swap3A_719, %swap3A_720], %gather3A_717 {strides = array<i32>} : memref<32x64xf32, #tpu.memory_space<vmem>>, vector<16xf32>,
    %iota3A_722 = tpu.iota {dimensions = array<i32: 0>} : vector<16xi32>
    %add3A_723 = arith.constant 48 : i32
    %add3A_724 = vector.broadcast %add3A_723 : i32 to vector<16xi32>
    %add3A_725 = arith.addi %iota3A_722, %add3A_724 : vector<16xi32>
    %gather3A_726 = arith.constant 2 : i32
    %gather3A_727 = arith.constant 0 : i32
    %gather3A_728 = arith.constant 0 : i32
    %gather3A_729 = tpu.memref_slice %arg6[%gather3A_726, %gather3A_727, %gather3A_728] : memref<8x64x128xf32, #tpu.memory_space<vmem>> -> memref<1x64x128xf32, #tpu.memory_space<vmem>>
    %gather3A_730 = tpu.memref_squeeze %gather3A_729 : memref<1x64x128xf32, #tpu.memory_space<vmem>> -> memref<64x128xf32, #tpu.memory_space<vmem>>
    %gather3A_731 = tpu.vector_load_idx %gather3A_730[%add3A_725, %add3A_679] : memref<64x128xf32, #tpu.memory_space<vmem>>[vector<16xi32>, vector<16xi32>], vector<16xf32>,
    %swap3A_732 = arith.constant 2 : i32
    %swap3A_733 = arith.index_cast %swap3A_732 : i32 to index
    %swap3A_734 = arith.constant 48 : index
    %swap3A_735 = tpu.vector_load %arg7[%swap3A_733, %swap3A_734] {strides = array<i32>} : memref<32x64xf32, #tpu.memory_space<vmem>>, vector<16xf32>,
    tpu.vector_store %arg7[%swap3A_733, %swap3A_734], %gather3A_731 {strides = array<i32>} : memref<32x64xf32, #tpu.memory_space<vmem>>, vector<16xf32>,
    %jit3A_736 = arith.constant 128 : i32
    %div3A_737 = arith.divsi %squeeze3A_42, %jit3A_736 : i32
    %sign3A_738 = arith.constant 0 : i32
    %sign3A_739 = arith.cmpi sgt, %squeeze3A_42, %sign3A_738 : i32
    %sign3A_740 = arith.extui %sign3A_739 : i1 to i32
    %sign3A_741 = arith.constant 0 : i32
    %sign3A_742 = arith.cmpi slt, %squeeze3A_42, %sign3A_741 : i32
    %sign3A_743 = arith.extui %sign3A_742 : i1 to i32
    %sign3A_744 = arith.subi %sign3A_740, %sign3A_743 : i32
    %sign3A_745 = arith.constant 0 : i32
    %sign3A_746 = arith.cmpi sgt, %jit3A_736, %sign3A_745 : i32
    %sign3A_747 = arith.extui %sign3A_746 : i1 to i32
    %sign3A_748 = arith.constant 0 : i32
    %sign3A_749 = arith.cmpi slt, %jit3A_736, %sign3A_748 : i32
    %sign3A_750 = arith.extui %sign3A_749 : i1 to i32
    %sign3A_751 = arith.subi %sign3A_747, %sign3A_750 : i32
    %ne3A_752 = arith.cmpi ne, %sign3A_744, %sign3A_751 : i32
    %rem3A_753 = arith.remsi %squeeze3A_42, %jit3A_736 : i32
    %ne3A_754 = arith.constant 0 : i32
    %ne3A_755 = arith.cmpi ne, %rem3A_753, %ne3A_754 : i32
    %and3A_756 = arith.andi %ne3A_752, %ne3A_755 : i1
    %sub3A_757 = arith.constant 1 : i32
    %sub3A_758 = arith.subi %div3A_737, %sub3A_757 : i32
    %select_n3A_759 = arith.select %and3A_756, %sub3A_758, %div3A_737 : i32
    %mul3A_760 = arith.constant 128 : i32
    %mul3A_761 = arith.muli %select_n3A_759, %mul3A_760 : i32
    %multiple_of3A_762 = tpu.assume_multiple %mul3A_761, 128 : i32
    %dma_start3A_763 = arith.constant 2 : i32
    %dma_start3A_764 = arith.constant 0 : i32
    %dma_start3A_765 = arith.constant 0 : i32
    %dma_start3A_766 = tpu.memref_slice %arg6[%dma_start3A_763, %dma_start3A_764, %dma_start3A_765] : memref<8x64x128xf32, #tpu.memory_space<vmem>> -> memref<1x64x128xf32, #tpu.memory_space<vmem>>
    %dma_start3A_767 = tpu.memref_squeeze %dma_start3A_766 : memref<1x64x128xf32, #tpu.memory_space<vmem>> -> memref<64x128xf32, #tpu.memory_space<vmem>>
    %dma_start3A_768 = arith.constant 0 : i32
    %dma_start3A_769 = tpu.memref_slice %arg3[%dma_start3A_768, %multiple_of3A_762] : memref<64x100000xf32, #tpu.memory_space<hbm>> -> memref<64x128xf32, #tpu.memory_space<hbm>>
    %dma_start3A_770 = arith.constant 0 : i32
    %dma_start3A_771 = arith.constant 0 : i32
    %dma_start3A_772 = tpu.memref_slice %arg6[%dma_start3A_763, %dma_start3A_770, %dma_start3A_771] : memref<8x64x128xf32, #tpu.memory_space<vmem>> -> memref<1x64x128xf32, #tpu.memory_space<vmem>>
    %dma_start3A_773 = tpu.memref_squeeze %dma_start3A_772 : memref<1x64x128xf32, #tpu.memory_space<vmem>> -> memref<64x128xf32, #tpu.memory_space<vmem>>
    %dma_start3A_774 = arith.constant 0 : i32
    %dma_start3A_775 = tpu.memref_slice %arg3[%dma_start3A_774, %multiple_of3A_762] : memref<64x100000xf32, #tpu.memory_space<hbm>> -> memref<64x128xf32, #tpu.memory_space<hbm>>
    tpu.enqueue_dma source(%dma_start3A_775 : memref<64x128xf32, #tpu.memory_space<hbm>>) target(%dma_start3A_773 : memref<64x128xf32, #tpu.memory_space<vmem>>) target_semaphore(%arg10 : memref<!tpu.dma_semaphore, #tpu.memory_space<semaphore_mem>>)
    %dma_wait3A_776 = arith.constant 3 : i32
    %dma_wait3A_777 = arith.constant 0 : i32
    %dma_wait3A_778 = arith.constant 0 : i32
    %dma_wait3A_779 = tpu.memref_slice %arg6[%dma_wait3A_776, %dma_wait3A_777, %dma_wait3A_778] : memref<8x64x128xf32, #tpu.memory_space<vmem>> -> memref<1x64x128xf32, #tpu.memory_space<vmem>>
    %dma_wait3A_780 = tpu.memref_squeeze %dma_wait3A_779 : memref<1x64x128xf32, #tpu.memory_space<vmem>> -> memref<64x128xf32, #tpu.memory_space<vmem>>
    %dma_wait3A_781 = arith.constant 0 : i32
    %dma_wait3A_782 = tpu.memref_slice %arg3[%dma_wait3A_781, %multiple_of3A_268] : memref<64x100000xf32, #tpu.memory_space<hbm>> -> memref<64x128xf32, #tpu.memory_space<hbm>>
    %dma_wait3A_783 = arith.constant 0 : i32
    %dma_wait3A_784 = arith.constant 0 : i32
    %dma_wait3A_785 = tpu.memref_slice %arg6[%dma_wait3A_776, %dma_wait3A_783, %dma_wait3A_784] : memref<8x64x128xf32, #tpu.memory_space<vmem>> -> memref<1x64x128xf32, #tpu.memory_space<vmem>>
    %dma_wait3A_786 = tpu.memref_squeeze %dma_wait3A_785 : memref<1x64x128xf32, #tpu.memory_space<vmem>> -> memref<64x128xf32, #tpu.memory_space<vmem>>
    %dma_wait3A_787 = arith.constant 0 : i32
    %dma_wait3A_788 = tpu.memref_slice %arg3[%dma_wait3A_787, %multiple_of3A_268] : memref<64x100000xf32, #tpu.memory_space<hbm>> -> memref<64x128xf32, #tpu.memory_space<hbm>>
    tpu.wait_dma2 semaphore(%arg11 : memref<!tpu.dma_semaphore, #tpu.memory_space<semaphore_mem>>) src(%dma_wait3A_788 : memref<64x128xf32, #tpu.memory_space<hbm>>) dst(%dma_wait3A_786 : memref<64x128xf32, #tpu.memory_space<vmem>>)
    %broadcast_in_dim3A_789 = arith.constant 0 : i32
    %broadcast_in_dim3A_790 = vector.broadcast %broadcast_in_dim3A_789 : i32 to vector<16xi32>
    %add3A_791 = vector.broadcast %and3A_16 : i32 to vector<16xi32>
    %add3A_792 = arith.addi %broadcast_in_dim3A_790, %add3A_791 : vector<16xi32>
    %iota3A_793 = tpu.iota {dimensions = array<i32: 0>} : vector<16xi32>
    %add3A_794 = arith.constant 0 : i32
    %add3A_795 = vector.broadcast %add3A_794 : i32 to vector<16xi32>
    %add3A_796 = arith.addi %iota3A_793, %add3A_795 : vector<16xi32>
    %gather3A_797 = arith.constant 3 : i32
    %gather3A_798 = arith.constant 0 : i32
    %gather3A_799 = arith.constant 0 : i32
    %gather3A_800 = tpu.memref_slice %arg6[%gather3A_797, %gather3A_798, %gather3A_799] : memref<8x64x128xf32, #tpu.memory_space<vmem>> -> memref<1x64x128xf32, #tpu.memory_space<vmem>>
    %gather3A_801 = tpu.memref_squeeze %gather3A_800 : memref<1x64x128xf32, #tpu.memory_space<vmem>> -> memref<64x128xf32, #tpu.memory_space<vmem>>
    %gather3A_802 = tpu.vector_load_idx %gather3A_801[%add3A_796, %add3A_792] : memref<64x128xf32, #tpu.memory_space<vmem>>[vector<16xi32>, vector<16xi32>], vector<16xf32>,
    %swap3A_803 = arith.constant 3 : i32
    %swap3A_804 = arith.index_cast %swap3A_803 : i32 to index
    %swap3A_805 = arith.constant 0 : index
    %swap3A_806 = tpu.vector_load %arg7[%swap3A_804, %swap3A_805] {strides = array<i32>} : memref<32x64xf32, #tpu.memory_space<vmem>>, vector<16xf32>,
    tpu.vector_store %arg7[%swap3A_804, %swap3A_805], %gather3A_802 {strides = array<i32>} : memref<32x64xf32, #tpu.memory_space<vmem>>, vector<16xf32>,
    %iota3A_807 = tpu.iota {dimensions = array<i32: 0>} : vector<16xi32>
    %add3A_808 = arith.constant 16 : i32
    %add3A_809 = vector.broadcast %add3A_808 : i32 to vector<16xi32>
    %add3A_810 = arith.addi %iota3A_807, %add3A_809 : vector<16xi32>
    %gather3A_811 = arith.constant 3 : i32
    %gather3A_812 = arith.constant 0 : i32
    %gather3A_813 = arith.constant 0 : i32
    %gather3A_814 = tpu.memref_slice %arg6[%gather3A_811, %gather3A_812, %gather3A_813] : memref<8x64x128xf32, #tpu.memory_space<vmem>> -> memref<1x64x128xf32, #tpu.memory_space<vmem>>
    %gather3A_815 = tpu.memref_squeeze %gather3A_814 : memref<1x64x128xf32, #tpu.memory_space<vmem>> -> memref<64x128xf32, #tpu.memory_space<vmem>>
    %gather3A_816 = tpu.vector_load_idx %gather3A_815[%add3A_810, %add3A_792] : memref<64x128xf32, #tpu.memory_space<vmem>>[vector<16xi32>, vector<16xi32>], vector<16xf32>,
    %swap3A_817 = arith.constant 3 : i32
    %swap3A_818 = arith.index_cast %swap3A_817 : i32 to index
    %swap3A_819 = arith.constant 16 : index
    %swap3A_820 = tpu.vector_load %arg7[%swap3A_818, %swap3A_819] {strides = array<i32>} : memref<32x64xf32, #tpu.memory_space<vmem>>, vector<16xf32>,
    tpu.vector_store %arg7[%swap3A_818, %swap3A_819], %gather3A_816 {strides = array<i32>} : memref<32x64xf32, #tpu.memory_space<vmem>>, vector<16xf32>,
    %iota3A_821 = tpu.iota {dimensions = array<i32: 0>} : vector<16xi32>
    %add3A_822 = arith.constant 32 : i32
    %add3A_823 = vector.broadcast %add3A_822 : i32 to vector<16xi32>
    %add3A_824 = arith.addi %iota3A_821, %add3A_823 : vector<16xi32>
    %gather3A_825 = arith.constant 3 : i32
    %gather3A_826 = arith.constant 0 : i32
    %gather3A_827 = arith.constant 0 : i32
    %gather3A_828 = tpu.memref_slice %arg6[%gather3A_825, %gather3A_826, %gather3A_827] : memref<8x64x128xf32, #tpu.memory_space<vmem>> -> memref<1x64x128xf32, #tpu.memory_space<vmem>>
    %gather3A_829 = tpu.memref_squeeze %gather3A_828 : memref<1x64x128xf32, #tpu.memory_space<vmem>> -> memref<64x128xf32, #tpu.memory_space<vmem>>
    %gather3A_830 = tpu.vector_load_idx %gather3A_829[%add3A_824, %add3A_792] : memref<64x128xf32, #tpu.memory_space<vmem>>[vector<16xi32>, vector<16xi32>], vector<16xf32>,
    %swap3A_831 = arith.constant 3 : i32
    %swap3A_832 = arith.index_cast %swap3A_831 : i32 to index
    %swap3A_833 = arith.constant 32 : index
    %swap3A_834 = tpu.vector_load %arg7[%swap3A_832, %swap3A_833] {strides = array<i32>} : memref<32x64xf32, #tpu.memory_space<vmem>>, vector<16xf32>,
    tpu.vector_store %arg7[%swap3A_832, %swap3A_833], %gather3A_830 {strides = array<i32>} : memref<32x64xf32, #tpu.memory_space<vmem>>, vector<16xf32>,
    %iota3A_835 = tpu.iota {dimensions = array<i32: 0>} : vector<16xi32>
    %add3A_836 = arith.constant 48 : i32
    %add3A_837 = vector.broadcast %add3A_836 : i32 to vector<16xi32>
    %add3A_838 = arith.addi %iota3A_835, %add3A_837 : vector<16xi32>
    %gather3A_839 = arith.constant 3 : i32
    %gather3A_840 = arith.constant 0 : i32
    %gather3A_841 = arith.constant 0 : i32
    %gather3A_842 = tpu.memref_slice %arg6[%gather3A_839, %gather3A_840, %gather3A_841] : memref<8x64x128xf32, #tpu.memory_space<vmem>> -> memref<1x64x128xf32, #tpu.memory_space<vmem>>
    %gather3A_843 = tpu.memref_squeeze %gather3A_842 : memref<1x64x128xf32, #tpu.memory_space<vmem>> -> memref<64x128xf32, #tpu.memory_space<vmem>>
    %gather3A_844 = tpu.vector_load_idx %gather3A_843[%add3A_838, %add3A_792] : memref<64x128xf32, #tpu.memory_space<vmem>>[vector<16xi32>, vector<16xi32>], vector<16xf32>,
    %swap3A_845 = arith.constant 3 : i32
    %swap3A_846 = arith.index_cast %swap3A_845 : i32 to index
    %swap3A_847 = arith.constant 48 : index
    %swap3A_848 = tpu.vector_load %arg7[%swap3A_846, %swap3A_847] {strides = array<i32>} : memref<32x64xf32, #tpu.memory_space<vmem>>, vector<16xf32>,
    tpu.vector_store %arg7[%swap3A_846, %swap3A_847], %gather3A_844 {strides = array<i32>} : memref<32x64xf32, #tpu.memory_space<vmem>>, vector<16xf32>,
    %jit3A_849 = arith.constant 128 : i32
    %div3A_850 = arith.divsi %squeeze3A_46, %jit3A_849 : i32
    %sign3A_851 = arith.constant 0 : i32
    %sign3A_852 = arith.cmpi sgt, %squeeze3A_46, %sign3A_851 : i32
    %sign3A_853 = arith.extui %sign3A_852 : i1 to i32
    %sign3A_854 = arith.constant 0 : i32
    %sign3A_855 = arith.cmpi slt, %squeeze3A_46, %sign3A_854 : i32
    %sign3A_856 = arith.extui %sign3A_855 : i1 to i32
    %sign3A_857 = arith.subi %sign3A_853, %sign3A_856 : i32
    %sign3A_858 = arith.constant 0 : i32
    %sign3A_859 = arith.cmpi sgt, %jit3A_849, %sign3A_858 : i32
    %sign3A_860 = arith.extui %sign3A_859 : i1 to i32
    %sign3A_861 = arith.constant 0 : i32
    %sign3A_862 = arith.cmpi slt, %jit3A_849, %sign3A_861 : i32
    %sign3A_863 = arith.extui %sign3A_862 : i1 to i32
    %sign3A_864 = arith.subi %sign3A_860, %sign3A_863 : i32
    %ne3A_865 = arith.cmpi ne, %sign3A_857, %sign3A_864 : i32
    %rem3A_866 = arith.remsi %squeeze3A_46, %jit3A_849 : i32
    %ne3A_867 = arith.constant 0 : i32
    %ne3A_868 = arith.cmpi ne, %rem3A_866, %ne3A_867 : i32
    %and3A_869 = arith.andi %ne3A_865, %ne3A_868 : i1
    %sub3A_870 = arith.constant 1 : i32
    %sub3A_871 = arith.subi %div3A_850, %sub3A_870 : i32
    %select_n3A_872 = arith.select %and3A_869, %sub3A_871, %div3A_850 : i32
    %mul3A_873 = arith.constant 128 : i32
    %mul3A_874 = arith.muli %select_n3A_872, %mul3A_873 : i32
    %multiple_of3A_875 = tpu.assume_multiple %mul3A_874, 128 : i32
    %dma_start3A_876 = arith.constant 3 : i32
    %dma_start3A_877 = arith.constant 0 : i32
    %dma_start3A_878 = arith.constant 0 : i32
    %dma_start3A_879 = tpu.memref_slice %arg6[%dma_start3A_876, %dma_start3A_877, %dma_start3A_878] : memref<8x64x128xf32, #tpu.memory_space<vmem>> -> memref<1x64x128xf32, #tpu.memory_space<vmem>>
    %dma_start3A_880 = tpu.memref_squeeze %dma_start3A_879 : memref<1x64x128xf32, #tpu.memory_space<vmem>> -> memref<64x128xf32, #tpu.memory_space<vmem>>
    %dma_start3A_881 = arith.constant 0 : i32
    %dma_start3A_882 = tpu.memref_slice %arg3[%dma_start3A_881, %multiple_of3A_875] : memref<64x100000xf32, #tpu.memory_space<hbm>> -> memref<64x128xf32, #tpu.memory_space<hbm>>
    %dma_start3A_883 = arith.constant 0 : i32
    %dma_start3A_884 = arith.constant 0 : i32
    %dma_start3A_885 = tpu.memref_slice %arg6[%dma_start3A_876, %dma_start3A_883, %dma_start3A_884] : memref<8x64x128xf32, #tpu.memory_space<vmem>> -> memref<1x64x128xf32, #tpu.memory_space<vmem>>
    %dma_start3A_886 = tpu.memref_squeeze %dma_start3A_885 : memref<1x64x128xf32, #tpu.memory_space<vmem>> -> memref<64x128xf32, #tpu.memory_space<vmem>>
    %dma_start3A_887 = arith.constant 0 : i32
    %dma_start3A_888 = tpu.memref_slice %arg3[%dma_start3A_887, %multiple_of3A_875] : memref<64x100000xf32, #tpu.memory_space<hbm>> -> memref<64x128xf32, #tpu.memory_space<hbm>>
    tpu.enqueue_dma source(%dma_start3A_888 : memref<64x128xf32, #tpu.memory_space<hbm>>) target(%dma_start3A_886 : memref<64x128xf32, #tpu.memory_space<vmem>>) target_semaphore(%arg11 : memref<!tpu.dma_semaphore, #tpu.memory_space<semaphore_mem>>)
    %dma_wait3A_889 = arith.constant 4 : i32
    %dma_wait3A_890 = arith.constant 0 : i32
    %dma_wait3A_891 = arith.constant 0 : i32
    %dma_wait3A_892 = tpu.memref_slice %arg6[%dma_wait3A_889, %dma_wait3A_890, %dma_wait3A_891] : memref<8x64x128xf32, #tpu.memory_space<vmem>> -> memref<1x64x128xf32, #tpu.memory_space<vmem>>
    %dma_wait3A_893 = tpu.memref_squeeze %dma_wait3A_892 : memref<1x64x128xf32, #tpu.memory_space<vmem>> -> memref<64x128xf32, #tpu.memory_space<vmem>>
    %dma_wait3A_894 = arith.constant 0 : i32
    %dma_wait3A_895 = tpu.memref_slice %arg3[%dma_wait3A_894, %multiple_of3A_308] : memref<64x100000xf32, #tpu.memory_space<hbm>> -> memref<64x128xf32, #tpu.memory_space<hbm>>
    %dma_wait3A_896 = arith.constant 0 : i32
    %dma_wait3A_897 = arith.constant 0 : i32
    %dma_wait3A_898 = tpu.memref_slice %arg6[%dma_wait3A_889, %dma_wait3A_896, %dma_wait3A_897] : memref<8x64x128xf32, #tpu.memory_space<vmem>> -> memref<1x64x128xf32, #tpu.memory_space<vmem>>
    %dma_wait3A_899 = tpu.memref_squeeze %dma_wait3A_898 : memref<1x64x128xf32, #tpu.memory_space<vmem>> -> memref<64x128xf32, #tpu.memory_space<vmem>>
    %dma_wait3A_900 = arith.constant 0 : i32
    %dma_wait3A_901 = tpu.memref_slice %arg3[%dma_wait3A_900, %multiple_of3A_308] : memref<64x100000xf32, #tpu.memory_space<hbm>> -> memref<64x128xf32, #tpu.memory_space<hbm>>
    tpu.wait_dma2 semaphore(%arg12 : memref<!tpu.dma_semaphore, #tpu.memory_space<semaphore_mem>>) src(%dma_wait3A_901 : memref<64x128xf32, #tpu.memory_space<hbm>>) dst(%dma_wait3A_899 : memref<64x128xf32, #tpu.memory_space<vmem>>)
    %broadcast_in_dim3A_902 = arith.constant 0 : i32
    %broadcast_in_dim3A_903 = vector.broadcast %broadcast_in_dim3A_902 : i32 to vector<16xi32>
    %add3A_904 = vector.broadcast %and3A_20 : i32 to vector<16xi32>
    %add3A_905 = arith.addi %broadcast_in_dim3A_903, %add3A_904 : vector<16xi32>
    %iota3A_906 = tpu.iota {dimensions = array<i32: 0>} : vector<16xi32>
    %add3A_907 = arith.constant 0 : i32
    %add3A_908 = vector.broadcast %add3A_907 : i32 to vector<16xi32>
    %add3A_909 = arith.addi %iota3A_906, %add3A_908 : vector<16xi32>
    %gather3A_910 = arith.constant 4 : i32
    %gather3A_911 = arith.constant 0 : i32
    %gather3A_912 = arith.constant 0 : i32
    %gather3A_913 = tpu.memref_slice %arg6[%gather3A_910, %gather3A_911, %gather3A_912] : memref<8x64x128xf32, #tpu.memory_space<vmem>> -> memref<1x64x128xf32, #tpu.memory_space<vmem>>
    %gather3A_914 = tpu.memref_squeeze %gather3A_913 : memref<1x64x128xf32, #tpu.memory_space<vmem>> -> memref<64x128xf32, #tpu.memory_space<vmem>>
    %gather3A_915 = tpu.vector_load_idx %gather3A_914[%add3A_909, %add3A_905] : memref<64x128xf32, #tpu.memory_space<vmem>>[vector<16xi32>, vector<16xi32>], vector<16xf32>,
    %swap3A_916 = arith.constant 4 : i32
    %swap3A_917 = arith.index_cast %swap3A_916 : i32 to index
    %swap3A_918 = arith.constant 0 : index
    %swap3A_919 = tpu.vector_load %arg7[%swap3A_917, %swap3A_918] {strides = array<i32>} : memref<32x64xf32, #tpu.memory_space<vmem>>, vector<16xf32>,
    tpu.vector_store %arg7[%swap3A_917, %swap3A_918], %gather3A_915 {strides = array<i32>} : memref<32x64xf32, #tpu.memory_space<vmem>>, vector<16xf32>,
    %iota3A_920 = tpu.iota {dimensions = array<i32: 0>} : vector<16xi32>
    %add3A_921 = arith.constant 16 : i32
    %add3A_922 = vector.broadcast %add3A_921 : i32 to vector<16xi32>
    %add3A_923 = arith.addi %iota3A_920, %add3A_922 : vector<16xi32>
    %gather3A_924 = arith.constant 4 : i32
    %gather3A_925 = arith.constant 0 : i32
    %gather3A_926 = arith.constant 0 : i32
    %gather3A_927 = tpu.memref_slice %arg6[%gather3A_924, %gather3A_925, %gather3A_926] : memref<8x64x128xf32, #tpu.memory_space<vmem>> -> memref<1x64x128xf32, #tpu.memory_space<vmem>>
    %gather3A_928 = tpu.memref_squeeze %gather3A_927 : memref<1x64x128xf32, #tpu.memory_space<vmem>> -> memref<64x128xf32, #tpu.memory_space<vmem>>
    %gather3A_929 = tpu.vector_load_idx %gather3A_928[%add3A_923, %add3A_905] : memref<64x128xf32, #tpu.memory_space<vmem>>[vector<16xi32>, vector<16xi32>], vector<16xf32>,
    %swap3A_930 = arith.constant 4 : i32
    %swap3A_931 = arith.index_cast %swap3A_930 : i32 to index
    %swap3A_932 = arith.constant 16 : index
    %swap3A_933 = tpu.vector_load %arg7[%swap3A_931, %swap3A_932] {strides = array<i32>} : memref<32x64xf32, #tpu.memory_space<vmem>>, vector<16xf32>,
    tpu.vector_store %arg7[%swap3A_931, %swap3A_932], %gather3A_929 {strides = array<i32>} : memref<32x64xf32, #tpu.memory_space<vmem>>, vector<16xf32>,
    %iota3A_934 = tpu.iota {dimensions = array<i32: 0>} : vector<16xi32>
    %add3A_935 = arith.constant 32 : i32
    %add3A_936 = vector.broadcast %add3A_935 : i32 to vector<16xi32>
    %add3A_937 = arith.addi %iota3A_934, %add3A_936 : vector<16xi32>
    %gather3A_938 = arith.constant 4 : i32
    %gather3A_939 = arith.constant 0 : i32
    %gather3A_940 = arith.constant 0 : i32
    %gather3A_941 = tpu.memref_slice %arg6[%gather3A_938, %gather3A_939, %gather3A_940] : memref<8x64x128xf32, #tpu.memory_space<vmem>> -> memref<1x64x128xf32, #tpu.memory_space<vmem>>
    %gather3A_942 = tpu.memref_squeeze %gather3A_941 : memref<1x64x128xf32, #tpu.memory_space<vmem>> -> memref<64x128xf32, #tpu.memory_space<vmem>>
    %gather3A_943 = tpu.vector_load_idx %gather3A_942[%add3A_937, %add3A_905] : memref<64x128xf32, #tpu.memory_space<vmem>>[vector<16xi32>, vector<16xi32>], vector<16xf32>,
    %swap3A_944 = arith.constant 4 : i32
    %swap3A_945 = arith.index_cast %swap3A_944 : i32 to index
    %swap3A_946 = arith.constant 32 : index
    %swap3A_947 = tpu.vector_load %arg7[%swap3A_945, %swap3A_946] {strides = array<i32>} : memref<32x64xf32, #tpu.memory_space<vmem>>, vector<16xf32>,
    tpu.vector_store %arg7[%swap3A_945, %swap3A_946], %gather3A_943 {strides = array<i32>} : memref<32x64xf32, #tpu.memory_space<vmem>>, vector<16xf32>,
    %iota3A_948 = tpu.iota {dimensions = array<i32: 0>} : vector<16xi32>
    %add3A_949 = arith.constant 48 : i32
    %add3A_950 = vector.broadcast %add3A_949 : i32 to vector<16xi32>
    %add3A_951 = arith.addi %iota3A_948, %add3A_950 : vector<16xi32>
    %gather3A_952 = arith.constant 4 : i32
    %gather3A_953 = arith.constant 0 : i32
    %gather3A_954 = arith.constant 0 : i32
    %gather3A_955 = tpu.memref_slice %arg6[%gather3A_952, %gather3A_953, %gather3A_954] : memref<8x64x128xf32, #tpu.memory_space<vmem>> -> memref<1x64x128xf32, #tpu.memory_space<vmem>>
    %gather3A_956 = tpu.memref_squeeze %gather3A_955 : memref<1x64x128xf32, #tpu.memory_space<vmem>> -> memref<64x128xf32, #tpu.memory_space<vmem>>
    %gather3A_957 = tpu.vector_load_idx %gather3A_956[%add3A_951, %add3A_905] : memref<64x128xf32, #tpu.memory_space<vmem>>[vector<16xi32>, vector<16xi32>], vector<16xf32>,
    %swap3A_958 = arith.constant 4 : i32
    %swap3A_959 = arith.index_cast %swap3A_958 : i32 to index
    %swap3A_960 = arith.constant 48 : index
    %swap3A_961 = tpu.vector_load %arg7[%swap3A_959, %swap3A_960] {strides = array<i32>} : memref<32x64xf32, #tpu.memory_space<vmem>>, vector<16xf32>,
    tpu.vector_store %arg7[%swap3A_959, %swap3A_960], %gather3A_957 {strides = array<i32>} : memref<32x64xf32, #tpu.memory_space<vmem>>, vector<16xf32>,
    %jit3A_962 = arith.constant 128 : i32
    %div3A_963 = arith.divsi %squeeze3A_50, %jit3A_962 : i32
    %sign3A_964 = arith.constant 0 : i32
    %sign3A_965 = arith.cmpi sgt, %squeeze3A_50, %sign3A_964 : i32
    %sign3A_966 = arith.extui %sign3A_965 : i1 to i32
    %sign3A_967 = arith.constant 0 : i32
    %sign3A_968 = arith.cmpi slt, %squeeze3A_50, %sign3A_967 : i32
    %sign3A_969 = arith.extui %sign3A_968 : i1 to i32
    %sign3A_970 = arith.subi %sign3A_966, %sign3A_969 : i32
    %sign3A_971 = arith.constant 0 : i32
    %sign3A_972 = arith.cmpi sgt, %jit3A_962, %sign3A_971 : i32
    %sign3A_973 = arith.extui %sign3A_972 : i1 to i32
    %sign3A_974 = arith.constant 0 : i32
    %sign3A_975 = arith.cmpi slt, %jit3A_962, %sign3A_974 : i32
    %sign3A_976 = arith.extui %sign3A_975 : i1 to i32
    %sign3A_977 = arith.subi %sign3A_973, %sign3A_976 : i32
    %ne3A_978 = arith.cmpi ne, %sign3A_970, %sign3A_977 : i32
    %rem3A_979 = arith.remsi %squeeze3A_50, %jit3A_962 : i32
    %ne3A_980 = arith.constant 0 : i32
    %ne3A_981 = arith.cmpi ne, %rem3A_979, %ne3A_980 : i32
    %and3A_982 = arith.andi %ne3A_978, %ne3A_981 : i1
    %sub3A_983 = arith.constant 1 : i32
    %sub3A_984 = arith.subi %div3A_963, %sub3A_983 : i32
    %select_n3A_985 = arith.select %and3A_982, %sub3A_984, %div3A_963 : i32
    %mul3A_986 = arith.constant 128 : i32
    %mul3A_987 = arith.muli %select_n3A_985, %mul3A_986 : i32
    %multiple_of3A_988 = tpu.assume_multiple %mul3A_987, 128 : i32
    %dma_start3A_989 = arith.constant 4 : i32
    %dma_start3A_990 = arith.constant 0 : i32
    %dma_start3A_991 = arith.constant 0 : i32
    %dma_start3A_992 = tpu.memref_slice %arg6[%dma_start3A_989, %dma_start3A_990, %dma_start3A_991] : memref<8x64x128xf32, #tpu.memory_space<vmem>> -> memref<1x64x128xf32, #tpu.memory_space<vmem>>
    %dma_start3A_993 = tpu.memref_squeeze %dma_start3A_992 : memref<1x64x128xf32, #tpu.memory_space<vmem>> -> memref<64x128xf32, #tpu.memory_space<vmem>>
    %dma_start3A_994 = arith.constant 0 : i32
    %dma_start3A_995 = tpu.memref_slice %arg3[%dma_start3A_994, %multiple_of3A_988] : memref<64x100000xf32, #tpu.memory_space<hbm>> -> memref<64x128xf32, #tpu.memory_space<hbm>>
    %dma_start3A_996 = arith.constant 0 : i32
    %dma_start3A_997 = arith.constant 0 : i32
    %dma_start3A_998 = tpu.memref_slice %arg6[%dma_start3A_989, %dma_start3A_996, %dma_start3A_997] : memref<8x64x128xf32, #tpu.memory_space<vmem>> -> memref<1x64x128xf32, #tpu.memory_space<vmem>>
    %dma_start3A_999 = tpu.memref_squeeze %dma_start3A_998 : memref<1x64x128xf32, #tpu.memory_space<vmem>> -> memref<64x128xf32, #tpu.memory_space<vmem>>
    %dma_start3A_1000 = arith.constant 0 : i32
    %dma_start3A_1001 = tpu.memref_slice %arg3[%dma_start3A_1000, %multiple_of3A_988] : memref<64x100000xf32, #tpu.memory_space<hbm>> -> memref<64x128xf32, #tpu.memory_space<hbm>>
    tpu.enqueue_dma source(%dma_start3A_1001 : memref<64x128xf32, #tpu.memory_space<hbm>>) target(%dma_start3A_999 : memref<64x128xf32, #tpu.memory_space<vmem>>) target_semaphore(%arg12 : memref<!tpu.dma_semaphore, #tpu.memory_space<semaphore_mem>>)
    %dma_wait3A_1002 = arith.constant 5 : i32
    %dma_wait3A_1003 = arith.constant 0 : i32
    %dma_wait3A_1004 = arith.constant 0 : i32
    %dma_wait3A_1005 = tpu.memref_slice %arg6[%dma_wait3A_1002, %dma_wait3A_1003, %dma_wait3A_1004] : memref<8x64x128xf32, #tpu.memory_space<vmem>> -> memref<1x64x128xf32, #tpu.memory_space<vmem>>
    %dma_wait3A_1006 = tpu.memref_squeeze %dma_wait3A_1005 : memref<1x64x128xf32, #tpu.memory_space<vmem>> -> memref<64x128xf32, #tpu.memory_space<vmem>>
    %dma_wait3A_1007 = arith.constant 0 : i32
    %dma_wait3A_1008 = tpu.memref_slice %arg3[%dma_wait3A_1007, %multiple_of3A_348] : memref<64x100000xf32, #tpu.memory_space<hbm>> -> memref<64x128xf32, #tpu.memory_space<hbm>>
    %dma_wait3A_1009 = arith.constant 0 : i32
    %dma_wait3A_1010 = arith.constant 0 : i32
    %dma_wait3A_1011 = tpu.memref_slice %arg6[%dma_wait3A_1002, %dma_wait3A_1009, %dma_wait3A_1010] : memref<8x64x128xf32, #tpu.memory_space<vmem>> -> memref<1x64x128xf32, #tpu.memory_space<vmem>>
    %dma_wait3A_1012 = tpu.memref_squeeze %dma_wait3A_1011 : memref<1x64x128xf32, #tpu.memory_space<vmem>> -> memref<64x128xf32, #tpu.memory_space<vmem>>
    %dma_wait3A_1013 = arith.constant 0 : i32
    %dma_wait3A_1014 = tpu.memref_slice %arg3[%dma_wait3A_1013, %multiple_of3A_348] : memref<64x100000xf32, #tpu.memory_space<hbm>> -> memref<64x128xf32, #tpu.memory_space<hbm>>
    tpu.wait_dma2 semaphore(%arg13 : memref<!tpu.dma_semaphore, #tpu.memory_space<semaphore_mem>>) src(%dma_wait3A_1014 : memref<64x128xf32, #tpu.memory_space<hbm>>) dst(%dma_wait3A_1012 : memref<64x128xf32, #tpu.memory_space<vmem>>)
    %broadcast_in_dim3A_1015 = arith.constant 0 : i32
    %broadcast_in_dim3A_1016 = vector.broadcast %broadcast_in_dim3A_1015 : i32 to vector<16xi32>
    %add3A_1017 = vector.broadcast %and3A_24 : i32 to vector<16xi32>
    %add3A_1018 = arith.addi %broadcast_in_dim3A_1016, %add3A_1017 : vector<16xi32>
    %iota3A_1019 = tpu.iota {dimensions = array<i32: 0>} : vector<16xi32>
    %add3A_1020 = arith.constant 0 : i32
    %add3A_1021 = vector.broadcast %add3A_1020 : i32 to vector<16xi32>
    %add3A_1022 = arith.addi %iota3A_1019, %add3A_1021 : vector<16xi32>
    %gather3A_1023 = arith.constant 5 : i32
    %gather3A_1024 = arith.constant 0 : i32
    %gather3A_1025 = arith.constant 0 : i32
    %gather3A_1026 = tpu.memref_slice %arg6[%gather3A_1023, %gather3A_1024, %gather3A_1025] : memref<8x64x128xf32, #tpu.memory_space<vmem>> -> memref<1x64x128xf32, #tpu.memory_space<vmem>>
    %gather3A_1027 = tpu.memref_squeeze %gather3A_1026 : memref<1x64x128xf32, #tpu.memory_space<vmem>> -> memref<64x128xf32, #tpu.memory_space<vmem>>
    %gather3A_1028 = tpu.vector_load_idx %gather3A_1027[%add3A_1022, %add3A_1018] : memref<64x128xf32, #tpu.memory_space<vmem>>[vector<16xi32>, vector<16xi32>], vector<16xf32>,
    %swap3A_1029 = arith.constant 5 : i32
    %swap3A_1030 = arith.index_cast %swap3A_1029 : i32 to index
    %swap3A_1031 = arith.constant 0 : index
    %swap3A_1032 = tpu.vector_load %arg7[%swap3A_1030, %swap3A_1031] {strides = array<i32>} : memref<32x64xf32, #tpu.memory_space<vmem>>, vector<16xf32>,
    tpu.vector_store %arg7[%swap3A_1030, %swap3A_1031], %gather3A_1028 {strides = array<i32>} : memref<32x64xf32, #tpu.memory_space<vmem>>, vector<16xf32>,
    %iota3A_1033 = tpu.iota {dimensions = array<i32: 0>} : vector<16xi32>
    %add3A_1034 = arith.constant 16 : i32
    %add3A_1035 = vector.broadcast %add3A_1034 : i32 to vector<16xi32>
    %add3A_1036 = arith.addi %iota3A_1033, %add3A_1035 : vector<16xi32>
    %gather3A_1037 = arith.constant 5 : i32
    %gather3A_1038 = arith.constant 0 : i32
    %gather3A_1039 = arith.constant 0 : i32
    %gather3A_1040 = tpu.memref_slice %arg6[%gather3A_1037, %gather3A_1038, %gather3A_1039] : memref<8x64x128xf32, #tpu.memory_space<vmem>> -> memref<1x64x128xf32, #tpu.memory_space<vmem>>
    %gather3A_1041 = tpu.memref_squeeze %gather3A_1040 : memref<1x64x128xf32, #tpu.memory_space<vmem>> -> memref<64x128xf32, #tpu.memory_space<vmem>>
    %gather3A_1042 = tpu.vector_load_idx %gather3A_1041[%add3A_1036, %add3A_1018] : memref<64x128xf32, #tpu.memory_space<vmem>>[vector<16xi32>, vector<16xi32>], vector<16xf32>,
    %swap3A_1043 = arith.constant 5 : i32
    %swap3A_1044 = arith.index_cast %swap3A_1043 : i32 to index
    %swap3A_1045 = arith.constant 16 : index
    %swap3A_1046 = tpu.vector_load %arg7[%swap3A_1044, %swap3A_1045] {strides = array<i32>} : memref<32x64xf32, #tpu.memory_space<vmem>>, vector<16xf32>,
    tpu.vector_store %arg7[%swap3A_1044, %swap3A_1045], %gather3A_1042 {strides = array<i32>} : memref<32x64xf32, #tpu.memory_space<vmem>>, vector<16xf32>,
    %iota3A_1047 = tpu.iota {dimensions = array<i32: 0>} : vector<16xi32>
    %add3A_1048 = arith.constant 32 : i32
    %add3A_1049 = vector.broadcast %add3A_1048 : i32 to vector<16xi32>
    %add3A_1050 = arith.addi %iota3A_1047, %add3A_1049 : vector<16xi32>
    %gather3A_1051 = arith.constant 5 : i32
    %gather3A_1052 = arith.constant 0 : i32
    %gather3A_1053 = arith.constant 0 : i32
    %gather3A_1054 = tpu.memref_slice %arg6[%gather3A_1051, %gather3A_1052, %gather3A_1053] : memref<8x64x128xf32, #tpu.memory_space<vmem>> -> memref<1x64x128xf32, #tpu.memory_space<vmem>>
    %gather3A_1055 = tpu.memref_squeeze %gather3A_1054 : memref<1x64x128xf32, #tpu.memory_space<vmem>> -> memref<64x128xf32, #tpu.memory_space<vmem>>
    %gather3A_1056 = tpu.vector_load_idx %gather3A_1055[%add3A_1050, %add3A_1018] : memref<64x128xf32, #tpu.memory_space<vmem>>[vector<16xi32>, vector<16xi32>], vector<16xf32>,
    %swap3A_1057 = arith.constant 5 : i32
    %swap3A_1058 = arith.index_cast %swap3A_1057 : i32 to index
    %swap3A_1059 = arith.constant 32 : index
    %swap3A_1060 = tpu.vector_load %arg7[%swap3A_1058, %swap3A_1059] {strides = array<i32>} : memref<32x64xf32, #tpu.memory_space<vmem>>, vector<16xf32>,
    tpu.vector_store %arg7[%swap3A_1058, %swap3A_1059], %gather3A_1056 {strides = array<i32>} : memref<32x64xf32, #tpu.memory_space<vmem>>, vector<16xf32>,
    %iota3A_1061 = tpu.iota {dimensions = array<i32: 0>} : vector<16xi32>
    %add3A_1062 = arith.constant 48 : i32
    %add3A_1063 = vector.broadcast %add3A_1062 : i32 to vector<16xi32>
    %add3A_1064 = arith.addi %iota3A_1061, %add3A_1063 : vector<16xi32>
    %gather3A_1065 = arith.constant 5 : i32
    %gather3A_1066 = arith.constant 0 : i32
    %gather3A_1067 = arith.constant 0 : i32
    %gather3A_1068 = tpu.memref_slice %arg6[%gather3A_1065, %gather3A_1066, %gather3A_1067] : memref<8x64x128xf32, #tpu.memory_space<vmem>> -> memref<1x64x128xf32, #tpu.memory_space<vmem>>
    %gather3A_1069 = tpu.memref_squeeze %gather3A_1068 : memref<1x64x128xf32, #tpu.memory_space<vmem>> -> memref<64x128xf32, #tpu.memory_space<vmem>>
    %gather3A_1070 = tpu.vector_load_idx %gather3A_1069[%add3A_1064, %add3A_1018] : memref<64x128xf32, #tpu.memory_space<vmem>>[vector<16xi32>, vector<16xi32>], vector<16xf32>,
    %swap3A_1071 = arith.constant 5 : i32
    %swap3A_1072 = arith.index_cast %swap3A_1071 : i32 to index
    %swap3A_1073 = arith.constant 48 : index
    %swap3A_1074 = tpu.vector_load %arg7[%swap3A_1072, %swap3A_1073] {strides = array<i32>} : memref<32x64xf32, #tpu.memory_space<vmem>>, vector<16xf32>,
    tpu.vector_store %arg7[%swap3A_1072, %swap3A_1073], %gather3A_1070 {strides = array<i32>} : memref<32x64xf32, #tpu.memory_space<vmem>>, vector<16xf32>,
    %jit3A_1075 = arith.constant 128 : i32
    %div3A_1076 = arith.divsi %squeeze3A_54, %jit3A_1075 : i32
    %sign3A_1077 = arith.constant 0 : i32
    %sign3A_1078 = arith.cmpi sgt, %squeeze3A_54, %sign3A_1077 : i32
    %sign3A_1079 = arith.extui %sign3A_1078 : i1 to i32
    %sign3A_1080 = arith.constant 0 : i32
    %sign3A_1081 = arith.cmpi slt, %squeeze3A_54, %sign3A_1080 : i32
    %sign3A_1082 = arith.extui %sign3A_1081 : i1 to i32
    %sign3A_1083 = arith.subi %sign3A_1079, %sign3A_1082 : i32
    %sign3A_1084 = arith.constant 0 : i32
    %sign3A_1085 = arith.cmpi sgt, %jit3A_1075, %sign3A_1084 : i32
    %sign3A_1086 = arith.extui %sign3A_1085 : i1 to i32
    %sign3A_1087 = arith.constant 0 : i32
    %sign3A_1088 = arith.cmpi slt, %jit3A_1075, %sign3A_1087 : i32
    %sign3A_1089 = arith.extui %sign3A_1088 : i1 to i32
    %sign3A_1090 = arith.subi %sign3A_1086, %sign3A_1089 : i32
    %ne3A_1091 = arith.cmpi ne, %sign3A_1083, %sign3A_1090 : i32
    %rem3A_1092 = arith.remsi %squeeze3A_54, %jit3A_1075 : i32
    %ne3A_1093 = arith.constant 0 : i32
    %ne3A_1094 = arith.cmpi ne, %rem3A_1092, %ne3A_1093 : i32
    %and3A_1095 = arith.andi %ne3A_1091, %ne3A_1094 : i1
    %sub3A_1096 = arith.constant 1 : i32
    %sub3A_1097 = arith.subi %div3A_1076, %sub3A_1096 : i32
    %select_n3A_1098 = arith.select %and3A_1095, %sub3A_1097, %div3A_1076 : i32
    %mul3A_1099 = arith.constant 128 : i32
    %mul3A_1100 = arith.muli %select_n3A_1098, %mul3A_1099 : i32
    %multiple_of3A_1101 = tpu.assume_multiple %mul3A_1100, 128 : i32
    %dma_start3A_1102 = arith.constant 5 : i32
    %dma_start3A_1103 = arith.constant 0 : i32
    %dma_start3A_1104 = arith.constant 0 : i32
    %dma_start3A_1105 = tpu.memref_slice %arg6[%dma_start3A_1102, %dma_start3A_1103, %dma_start3A_1104] : memref<8x64x128xf32, #tpu.memory_space<vmem>> -> memref<1x64x128xf32, #tpu.memory_space<vmem>>
    %dma_start3A_1106 = tpu.memref_squeeze %dma_start3A_1105 : memref<1x64x128xf32, #tpu.memory_space<vmem>> -> memref<64x128xf32, #tpu.memory_space<vmem>>
    %dma_start3A_1107 = arith.constant 0 : i32
    %dma_start3A_1108 = tpu.memref_slice %arg3[%dma_start3A_1107, %multiple_of3A_1101] : memref<64x100000xf32, #tpu.memory_space<hbm>> -> memref<64x128xf32, #tpu.memory_space<hbm>>
    %dma_start3A_1109 = arith.constant 0 : i32
    %dma_start3A_1110 = arith.constant 0 : i32
    %dma_start3A_1111 = tpu.memref_slice %arg6[%dma_start3A_1102, %dma_start3A_1109, %dma_start3A_1110] : memref<8x64x128xf32, #tpu.memory_space<vmem>> -> memref<1x64x128xf32, #tpu.memory_space<vmem>>
    %dma_start3A_1112 = tpu.memref_squeeze %dma_start3A_1111 : memref<1x64x128xf32, #tpu.memory_space<vmem>> -> memref<64x128xf32, #tpu.memory_space<vmem>>
    %dma_start3A_1113 = arith.constant 0 : i32
    %dma_start3A_1114 = tpu.memref_slice %arg3[%dma_start3A_1113, %multiple_of3A_1101] : memref<64x100000xf32, #tpu.memory_space<hbm>> -> memref<64x128xf32, #tpu.memory_space<hbm>>
    tpu.enqueue_dma source(%dma_start3A_1114 : memref<64x128xf32, #tpu.memory_space<hbm>>) target(%dma_start3A_1112 : memref<64x128xf32, #tpu.memory_space<vmem>>) target_semaphore(%arg13 : memref<!tpu.dma_semaphore, #tpu.memory_space<semaphore_mem>>)
    %dma_wait3A_1115 = arith.constant 6 : i32
    %dma_wait3A_1116 = arith.constant 0 : i32
    %dma_wait3A_1117 = arith.constant 0 : i32
    %dma_wait3A_1118 = tpu.memref_slice %arg6[%dma_wait3A_1115, %dma_wait3A_1116, %dma_wait3A_1117] : memref<8x64x128xf32, #tpu.memory_space<vmem>> -> memref<1x64x128xf32, #tpu.memory_space<vmem>>
    %dma_wait3A_1119 = tpu.memref_squeeze %dma_wait3A_1118 : memref<1x64x128xf32, #tpu.memory_space<vmem>> -> memref<64x128xf32, #tpu.memory_space<vmem>>
    %dma_wait3A_1120 = arith.constant 0 : i32
    %dma_wait3A_1121 = tpu.memref_slice %arg3[%dma_wait3A_1120, %multiple_of3A_388] : memref<64x100000xf32, #tpu.memory_space<hbm>> -> memref<64x128xf32, #tpu.memory_space<hbm>>
    %dma_wait3A_1122 = arith.constant 0 : i32
    %dma_wait3A_1123 = arith.constant 0 : i32
    %dma_wait3A_1124 = tpu.memref_slice %arg6[%dma_wait3A_1115, %dma_wait3A_1122, %dma_wait3A_1123] : memref<8x64x128xf32, #tpu.memory_space<vmem>> -> memref<1x64x128xf32, #tpu.memory_space<vmem>>
    %dma_wait3A_1125 = tpu.memref_squeeze %dma_wait3A_1124 : memref<1x64x128xf32, #tpu.memory_space<vmem>> -> memref<64x128xf32, #tpu.memory_space<vmem>>
    %dma_wait3A_1126 = arith.constant 0 : i32
    %dma_wait3A_1127 = tpu.memref_slice %arg3[%dma_wait3A_1126, %multiple_of3A_388] : memref<64x100000xf32, #tpu.memory_space<hbm>> -> memref<64x128xf32, #tpu.memory_space<hbm>>
    tpu.wait_dma2 semaphore(%arg14 : memref<!tpu.dma_semaphore, #tpu.memory_space<semaphore_mem>>) src(%dma_wait3A_1127 : memref<64x128xf32, #tpu.memory_space<hbm>>) dst(%dma_wait3A_1125 : memref<64x128xf32, #tpu.memory_space<vmem>>)
    %broadcast_in_dim3A_1128 = arith.constant 0 : i32
    %broadcast_in_dim3A_1129 = vector.broadcast %broadcast_in_dim3A_1128 : i32 to vector<16xi32>
    %add3A_1130 = vector.broadcast %and3A_28 : i32 to vector<16xi32>
    %add3A_1131 = arith.addi %broadcast_in_dim3A_1129, %add3A_1130 : vector<16xi32>
    %iota3A_1132 = tpu.iota {dimensions = array<i32: 0>} : vector<16xi32>
    %add3A_1133 = arith.constant 0 : i32
    %add3A_1134 = vector.broadcast %add3A_1133 : i32 to vector<16xi32>
    %add3A_1135 = arith.addi %iota3A_1132, %add3A_1134 : vector<16xi32>
    %gather3A_1136 = arith.constant 6 : i32
    %gather3A_1137 = arith.constant 0 : i32
    %gather3A_1138 = arith.constant 0 : i32
    %gather3A_1139 = tpu.memref_slice %arg6[%gather3A_1136, %gather3A_1137, %gather3A_1138] : memref<8x64x128xf32, #tpu.memory_space<vmem>> -> memref<1x64x128xf32, #tpu.memory_space<vmem>>
    %gather3A_1140 = tpu.memref_squeeze %gather3A_1139 : memref<1x64x128xf32, #tpu.memory_space<vmem>> -> memref<64x128xf32, #tpu.memory_space<vmem>>
    %gather3A_1141 = tpu.vector_load_idx %gather3A_1140[%add3A_1135, %add3A_1131] : memref<64x128xf32, #tpu.memory_space<vmem>>[vector<16xi32>, vector<16xi32>], vector<16xf32>,
    %swap3A_1142 = arith.constant 6 : i32
    %swap3A_1143 = arith.index_cast %swap3A_1142 : i32 to index
    %swap3A_1144 = arith.constant 0 : index
    %swap3A_1145 = tpu.vector_load %arg7[%swap3A_1143, %swap3A_1144] {strides = array<i32>} : memref<32x64xf32, #tpu.memory_space<vmem>>, vector<16xf32>,
    tpu.vector_store %arg7[%swap3A_1143, %swap3A_1144], %gather3A_1141 {strides = array<i32>} : memref<32x64xf32, #tpu.memory_space<vmem>>, vector<16xf32>,
    %iota3A_1146 = tpu.iota {dimensions = array<i32: 0>} : vector<16xi32>
    %add3A_1147 = arith.constant 16 : i32
    %add3A_1148 = vector.broadcast %add3A_1147 : i32 to vector<16xi32>
    %add3A_1149 = arith.addi %iota3A_1146, %add3A_1148 : vector<16xi32>
    %gather3A_1150 = arith.constant 6 : i32
    %gather3A_1151 = arith.constant 0 : i32
    %gather3A_1152 = arith.constant 0 : i32
    %gather3A_1153 = tpu.memref_slice %arg6[%gather3A_1150, %gather3A_1151, %gather3A_1152] : memref<8x64x128xf32, #tpu.memory_space<vmem>> -> memref<1x64x128xf32, #tpu.memory_space<vmem>>
    %gather3A_1154 = tpu.memref_squeeze %gather3A_1153 : memref<1x64x128xf32, #tpu.memory_space<vmem>> -> memref<64x128xf32, #tpu.memory_space<vmem>>
    %gather3A_1155 = tpu.vector_load_idx %gather3A_1154[%add3A_1149, %add3A_1131] : memref<64x128xf32, #tpu.memory_space<vmem>>[vector<16xi32>, vector<16xi32>], vector<16xf32>,
    %swap3A_1156 = arith.constant 6 : i32
    %swap3A_1157 = arith.index_cast %swap3A_1156 : i32 to index
    %swap3A_1158 = arith.constant 16 : index
    %swap3A_1159 = tpu.vector_load %arg7[%swap3A_1157, %swap3A_1158] {strides = array<i32>} : memref<32x64xf32, #tpu.memory_space<vmem>>, vector<16xf32>,
    tpu.vector_store %arg7[%swap3A_1157, %swap3A_1158], %gather3A_1155 {strides = array<i32>} : memref<32x64xf32, #tpu.memory_space<vmem>>, vector<16xf32>,
    %iota3A_1160 = tpu.iota {dimensions = array<i32: 0>} : vector<16xi32>
    %add3A_1161 = arith.constant 32 : i32
    %add3A_1162 = vector.broadcast %add3A_1161 : i32 to vector<16xi32>
    %add3A_1163 = arith.addi %iota3A_1160, %add3A_1162 : vector<16xi32>
    %gather3A_1164 = arith.constant 6 : i32
    %gather3A_1165 = arith.constant 0 : i32
    %gather3A_1166 = arith.constant 0 : i32
    %gather3A_1167 = tpu.memref_slice %arg6[%gather3A_1164, %gather3A_1165, %gather3A_1166] : memref<8x64x128xf32, #tpu.memory_space<vmem>> -> memref<1x64x128xf32, #tpu.memory_space<vmem>>
    %gather3A_1168 = tpu.memref_squeeze %gather3A_1167 : memref<1x64x128xf32, #tpu.memory_space<vmem>> -> memref<64x128xf32, #tpu.memory_space<vmem>>
    %gather3A_1169 = tpu.vector_load_idx %gather3A_1168[%add3A_1163, %add3A_1131] : memref<64x128xf32, #tpu.memory_space<vmem>>[vector<16xi32>, vector<16xi32>], vector<16xf32>,
    %swap3A_1170 = arith.constant 6 : i32
    %swap3A_1171 = arith.index_cast %swap3A_1170 : i32 to index
    %swap3A_1172 = arith.constant 32 : index
    %swap3A_1173 = tpu.vector_load %arg7[%swap3A_1171, %swap3A_1172] {strides = array<i32>} : memref<32x64xf32, #tpu.memory_space<vmem>>, vector<16xf32>,
    tpu.vector_store %arg7[%swap3A_1171, %swap3A_1172], %gather3A_1169 {strides = array<i32>} : memref<32x64xf32, #tpu.memory_space<vmem>>, vector<16xf32>,
    %iota3A_1174 = tpu.iota {dimensions = array<i32: 0>} : vector<16xi32>
    %add3A_1175 = arith.constant 48 : i32
    %add3A_1176 = vector.broadcast %add3A_1175 : i32 to vector<16xi32>
    %add3A_1177 = arith.addi %iota3A_1174, %add3A_1176 : vector<16xi32>
    %gather3A_1178 = arith.constant 6 : i32
    %gather3A_1179 = arith.constant 0 : i32
    %gather3A_1180 = arith.constant 0 : i32
    %gather3A_1181 = tpu.memref_slice %arg6[%gather3A_1178, %gather3A_1179, %gather3A_1180] : memref<8x64x128xf32, #tpu.memory_space<vmem>> -> memref<1x64x128xf32, #tpu.memory_space<vmem>>
    %gather3A_1182 = tpu.memref_squeeze %gather3A_1181 : memref<1x64x128xf32, #tpu.memory_space<vmem>> -> memref<64x128xf32, #tpu.memory_space<vmem>>
    %gather3A_1183 = tpu.vector_load_idx %gather3A_1182[%add3A_1177, %add3A_1131] : memref<64x128xf32, #tpu.memory_space<vmem>>[vector<16xi32>, vector<16xi32>], vector<16xf32>,
    %swap3A_1184 = arith.constant 6 : i32
    %swap3A_1185 = arith.index_cast %swap3A_1184 : i32 to index
    %swap3A_1186 = arith.constant 48 : index
    %swap3A_1187 = tpu.vector_load %arg7[%swap3A_1185, %swap3A_1186] {strides = array<i32>} : memref<32x64xf32, #tpu.memory_space<vmem>>, vector<16xf32>,
    tpu.vector_store %arg7[%swap3A_1185, %swap3A_1186], %gather3A_1183 {strides = array<i32>} : memref<32x64xf32, #tpu.memory_space<vmem>>, vector<16xf32>,
    %jit3A_1188 = arith.constant 128 : i32
    %div3A_1189 = arith.divsi %squeeze3A_58, %jit3A_1188 : i32
    %sign3A_1190 = arith.constant 0 : i32
    %sign3A_1191 = arith.cmpi sgt, %squeeze3A_58, %sign3A_1190 : i32
    %sign3A_1192 = arith.extui %sign3A_1191 : i1 to i32
    %sign3A_1193 = arith.constant 0 : i32
    %sign3A_1194 = arith.cmpi slt, %squeeze3A_58, %sign3A_1193 : i32
    %sign3A_1195 = arith.extui %sign3A_1194 : i1 to i32
    %sign3A_1196 = arith.subi %sign3A_1192, %sign3A_1195 : i32
    %sign3A_1197 = arith.constant 0 : i32
    %sign3A_1198 = arith.cmpi sgt, %jit3A_1188, %sign3A_1197 : i32
    %sign3A_1199 = arith.extui %sign3A_1198 : i1 to i32
    %sign3A_1200 = arith.constant 0 : i32
    %sign3A_1201 = arith.cmpi slt, %jit3A_1188, %sign3A_1200 : i32
    %sign3A_1202 = arith.extui %sign3A_1201 : i1 to i32
    %sign3A_1203 = arith.subi %sign3A_1199, %sign3A_1202 : i32
    %ne3A_1204 = arith.cmpi ne, %sign3A_1196, %sign3A_1203 : i32
    %rem3A_1205 = arith.remsi %squeeze3A_58, %jit3A_1188 : i32
    %ne3A_1206 = arith.constant 0 : i32
    %ne3A_1207 = arith.cmpi ne, %rem3A_1205, %ne3A_1206 : i32
    %and3A_1208 = arith.andi %ne3A_1204, %ne3A_1207 : i1
    %sub3A_1209 = arith.constant 1 : i32
    %sub3A_1210 = arith.subi %div3A_1189, %sub3A_1209 : i32
    %select_n3A_1211 = arith.select %and3A_1208, %sub3A_1210, %div3A_1189 : i32
    %mul3A_1212 = arith.constant 128 : i32
    %mul3A_1213 = arith.muli %select_n3A_1211, %mul3A_1212 : i32
    %multiple_of3A_1214 = tpu.assume_multiple %mul3A_1213, 128 : i32
    %dma_start3A_1215 = arith.constant 6 : i32
    %dma_start3A_1216 = arith.constant 0 : i32
    %dma_start3A_1217 = arith.constant 0 : i32
    %dma_start3A_1218 = tpu.memref_slice %arg6[%dma_start3A_1215, %dma_start3A_1216, %dma_start3A_1217] : memref<8x64x128xf32, #tpu.memory_space<vmem>> -> memref<1x64x128xf32, #tpu.memory_space<vmem>>
    %dma_start3A_1219 = tpu.memref_squeeze %dma_start3A_1218 : memref<1x64x128xf32, #tpu.memory_space<vmem>> -> memref<64x128xf32, #tpu.memory_space<vmem>>
    %dma_start3A_1220 = arith.constant 0 : i32
    %dma_start3A_1221 = tpu.memref_slice %arg3[%dma_start3A_1220, %multiple_of3A_1214] : memref<64x100000xf32, #tpu.memory_space<hbm>> -> memref<64x128xf32, #tpu.memory_space<hbm>>
    %dma_start3A_1222 = arith.constant 0 : i32
    %dma_start3A_1223 = arith.constant 0 : i32
    %dma_start3A_1224 = tpu.memref_slice %arg6[%dma_start3A_1215, %dma_start3A_1222, %dma_start3A_1223] : memref<8x64x128xf32, #tpu.memory_space<vmem>> -> memref<1x64x128xf32, #tpu.memory_space<vmem>>
    %dma_start3A_1225 = tpu.memref_squeeze %dma_start3A_1224 : memref<1x64x128xf32, #tpu.memory_space<vmem>> -> memref<64x128xf32, #tpu.memory_space<vmem>>
    %dma_start3A_1226 = arith.constant 0 : i32
    %dma_start3A_1227 = tpu.memref_slice %arg3[%dma_start3A_1226, %multiple_of3A_1214] : memref<64x100000xf32, #tpu.memory_space<hbm>> -> memref<64x128xf32, #tpu.memory_space<hbm>>
    tpu.enqueue_dma source(%dma_start3A_1227 : memref<64x128xf32, #tpu.memory_space<hbm>>) target(%dma_start3A_1225 : memref<64x128xf32, #tpu.memory_space<vmem>>) target_semaphore(%arg14 : memref<!tpu.dma_semaphore, #tpu.memory_space<semaphore_mem>>)
    %dma_wait3A_1228 = arith.constant 7 : i32
    %dma_wait3A_1229 = arith.constant 0 : i32
    %dma_wait3A_1230 = arith.constant 0 : i32
    %dma_wait3A_1231 = tpu.memref_slice %arg6[%dma_wait3A_1228, %dma_wait3A_1229, %dma_wait3A_1230] : memref<8x64x128xf32, #tpu.memory_space<vmem>> -> memref<1x64x128xf32, #tpu.memory_space<vmem>>
    %dma_wait3A_1232 = tpu.memref_squeeze %dma_wait3A_1231 : memref<1x64x128xf32, #tpu.memory_space<vmem>> -> memref<64x128xf32, #tpu.memory_space<vmem>>
    %dma_wait3A_1233 = arith.constant 0 : i32
    %dma_wait3A_1234 = tpu.memref_slice %arg3[%dma_wait3A_1233, %multiple_of3A_428] : memref<64x100000xf32, #tpu.memory_space<hbm>> -> memref<64x128xf32, #tpu.memory_space<hbm>>
    %dma_wait3A_1235 = arith.constant 0 : i32
    %dma_wait3A_1236 = arith.constant 0 : i32
    %dma_wait3A_1237 = tpu.memref_slice %arg6[%dma_wait3A_1228, %dma_wait3A_1235, %dma_wait3A_1236] : memref<8x64x128xf32, #tpu.memory_space<vmem>> -> memref<1x64x128xf32, #tpu.memory_space<vmem>>
    %dma_wait3A_1238 = tpu.memref_squeeze %dma_wait3A_1237 : memref<1x64x128xf32, #tpu.memory_space<vmem>> -> memref<64x128xf32, #tpu.memory_space<vmem>>
    %dma_wait3A_1239 = arith.constant 0 : i32
    %dma_wait3A_1240 = tpu.memref_slice %arg3[%dma_wait3A_1239, %multiple_of3A_428] : memref<64x100000xf32, #tpu.memory_space<hbm>> -> memref<64x128xf32, #tpu.memory_space<hbm>>
    tpu.wait_dma2 semaphore(%arg15 : memref<!tpu.dma_semaphore, #tpu.memory_space<semaphore_mem>>) src(%dma_wait3A_1240 : memref<64x128xf32, #tpu.memory_space<hbm>>) dst(%dma_wait3A_1238 : memref<64x128xf32, #tpu.memory_space<vmem>>)
    %broadcast_in_dim3A_1241 = arith.constant 0 : i32
    %broadcast_in_dim3A_1242 = vector.broadcast %broadcast_in_dim3A_1241 : i32 to vector<16xi32>
    %add3A_1243 = vector.broadcast %and3A_32 : i32 to vector<16xi32>
    %add3A_1244 = arith.addi %broadcast_in_dim3A_1242, %add3A_1243 : vector<16xi32>
    %iota3A_1245 = tpu.iota {dimensions = array<i32: 0>} : vector<16xi32>
    %add3A_1246 = arith.constant 0 : i32
    %add3A_1247 = vector.broadcast %add3A_1246 : i32 to vector<16xi32>
    %add3A_1248 = arith.addi %iota3A_1245, %add3A_1247 : vector<16xi32>
    %gather3A_1249 = arith.constant 7 : i32
    %gather3A_1250 = arith.constant 0 : i32
    %gather3A_1251 = arith.constant 0 : i32
    %gather3A_1252 = tpu.memref_slice %arg6[%gather3A_1249, %gather3A_1250, %gather3A_1251] : memref<8x64x128xf32, #tpu.memory_space<vmem>> -> memref<1x64x128xf32, #tpu.memory_space<vmem>>
    %gather3A_1253 = tpu.memref_squeeze %gather3A_1252 : memref<1x64x128xf32, #tpu.memory_space<vmem>> -> memref<64x128xf32, #tpu.memory_space<vmem>>
    %gather3A_1254 = tpu.vector_load_idx %gather3A_1253[%add3A_1248, %add3A_1244] : memref<64x128xf32, #tpu.memory_space<vmem>>[vector<16xi32>, vector<16xi32>], vector<16xf32>,
    %swap3A_1255 = arith.constant 7 : i32
    %swap3A_1256 = arith.index_cast %swap3A_1255 : i32 to index
    %swap3A_1257 = arith.constant 0 : index
    %swap3A_1258 = tpu.vector_load %arg7[%swap3A_1256, %swap3A_1257] {strides = array<i32>} : memref<32x64xf32, #tpu.memory_space<vmem>>, vector<16xf32>,
    tpu.vector_store %arg7[%swap3A_1256, %swap3A_1257], %gather3A_1254 {strides = array<i32>} : memref<32x64xf32, #tpu.memory_space<vmem>>, vector<16xf32>,
    %iota3A_1259 = tpu.iota {dimensions = array<i32: 0>} : vector<16xi32>
    %add3A_1260 = arith.constant 16 : i32
    %add3A_1261 = vector.broadcast %add3A_1260 : i32 to vector<16xi32>
    %add3A_1262 = arith.addi %iota3A_1259, %add3A_1261 : vector<16xi32>
    %gather3A_1263 = arith.constant 7 : i32
    %gather3A_1264 = arith.constant 0 : i32
    %gather3A_1265 = arith.constant 0 : i32
    %gather3A_1266 = tpu.memref_slice %arg6[%gather3A_1263, %gather3A_1264, %gather3A_1265] : memref<8x64x128xf32, #tpu.memory_space<vmem>> -> memref<1x64x128xf32, #tpu.memory_space<vmem>>
    %gather3A_1267 = tpu.memref_squeeze %gather3A_1266 : memref<1x64x128xf32, #tpu.memory_space<vmem>> -> memref<64x128xf32, #tpu.memory_space<vmem>>
    %gather3A_1268 = tpu.vector_load_idx %gather3A_1267[%add3A_1262, %add3A_1244] : memref<64x128xf32, #tpu.memory_space<vmem>>[vector<16xi32>, vector<16xi32>], vector<16xf32>,
    %swap3A_1269 = arith.constant 7 : i32
    %swap3A_1270 = arith.index_cast %swap3A_1269 : i32 to index
    %swap3A_1271 = arith.constant 16 : index
    %swap3A_1272 = tpu.vector_load %arg7[%swap3A_1270, %swap3A_1271] {strides = array<i32>} : memref<32x64xf32, #tpu.memory_space<vmem>>, vector<16xf32>,
    tpu.vector_store %arg7[%swap3A_1270, %swap3A_1271], %gather3A_1268 {strides = array<i32>} : memref<32x64xf32, #tpu.memory_space<vmem>>, vector<16xf32>,
    %iota3A_1273 = tpu.iota {dimensions = array<i32: 0>} : vector<16xi32>
    %add3A_1274 = arith.constant 32 : i32
    %add3A_1275 = vector.broadcast %add3A_1274 : i32 to vector<16xi32>
    %add3A_1276 = arith.addi %iota3A_1273, %add3A_1275 : vector<16xi32>
    %gather3A_1277 = arith.constant 7 : i32
    %gather3A_1278 = arith.constant 0 : i32
    %gather3A_1279 = arith.constant 0 : i32
    %gather3A_1280 = tpu.memref_slice %arg6[%gather3A_1277, %gather3A_1278, %gather3A_1279] : memref<8x64x128xf32, #tpu.memory_space<vmem>> -> memref<1x64x128xf32, #tpu.memory_space<vmem>>
    %gather3A_1281 = tpu.memref_squeeze %gather3A_1280 : memref<1x64x128xf32, #tpu.memory_space<vmem>> -> memref<64x128xf32, #tpu.memory_space<vmem>>
    %gather3A_1282 = tpu.vector_load_idx %gather3A_1281[%add3A_1276, %add3A_1244] : memref<64x128xf32, #tpu.memory_space<vmem>>[vector<16xi32>, vector<16xi32>], vector<16xf32>,
    %swap3A_1283 = arith.constant 7 : i32
    %swap3A_1284 = arith.index_cast %swap3A_1283 : i32 to index
    %swap3A_1285 = arith.constant 32 : index
    %swap3A_1286 = tpu.vector_load %arg7[%swap3A_1284, %swap3A_1285] {strides = array<i32>} : memref<32x64xf32, #tpu.memory_space<vmem>>, vector<16xf32>,
    tpu.vector_store %arg7[%swap3A_1284, %swap3A_1285], %gather3A_1282 {strides = array<i32>} : memref<32x64xf32, #tpu.memory_space<vmem>>, vector<16xf32>,
    %iota3A_1287 = tpu.iota {dimensions = array<i32: 0>} : vector<16xi32>
    %add3A_1288 = arith.constant 48 : i32
    %add3A_1289 = vector.broadcast %add3A_1288 : i32 to vector<16xi32>
    %add3A_1290 = arith.addi %iota3A_1287, %add3A_1289 : vector<16xi32>
    %gather3A_1291 = arith.constant 7 : i32
    %gather3A_1292 = arith.constant 0 : i32
    %gather3A_1293 = arith.constant 0 : i32
    %gather3A_1294 = tpu.memref_slice %arg6[%gather3A_1291, %gather3A_1292, %gather3A_1293] : memref<8x64x128xf32, #tpu.memory_space<vmem>> -> memref<1x64x128xf32, #tpu.memory_space<vmem>>
    %gather3A_1295 = tpu.memref_squeeze %gather3A_1294 : memref<1x64x128xf32, #tpu.memory_space<vmem>> -> memref<64x128xf32, #tpu.memory_space<vmem>>
    %gather3A_1296 = tpu.vector_load_idx %gather3A_1295[%add3A_1290, %add3A_1244] : memref<64x128xf32, #tpu.memory_space<vmem>>[vector<16xi32>, vector<16xi32>], vector<16xf32>,
    %swap3A_1297 = arith.constant 7 : i32
    %swap3A_1298 = arith.index_cast %swap3A_1297 : i32 to index
    %swap3A_1299 = arith.constant 48 : index
    %swap3A_1300 = tpu.vector_load %arg7[%swap3A_1298, %swap3A_1299] {strides = array<i32>} : memref<32x64xf32, #tpu.memory_space<vmem>>, vector<16xf32>,
    tpu.vector_store %arg7[%swap3A_1298, %swap3A_1299], %gather3A_1296 {strides = array<i32>} : memref<32x64xf32, #tpu.memory_space<vmem>>, vector<16xf32>,
    %jit3A_1301 = arith.constant 128 : i32
    %div3A_1302 = arith.divsi %squeeze3A_62, %jit3A_1301 : i32
    %sign3A_1303 = arith.constant 0 : i32
    %sign3A_1304 = arith.cmpi sgt, %squeeze3A_62, %sign3A_1303 : i32
    %sign3A_1305 = arith.extui %sign3A_1304 : i1 to i32
    %sign3A_1306 = arith.constant 0 : i32
    %sign3A_1307 = arith.cmpi slt, %squeeze3A_62, %sign3A_1306 : i32
    %sign3A_1308 = arith.extui %sign3A_1307 : i1 to i32
    %sign3A_1309 = arith.subi %sign3A_1305, %sign3A_1308 : i32
    %sign3A_1310 = arith.constant 0 : i32
    %sign3A_1311 = arith.cmpi sgt, %jit3A_1301, %sign3A_1310 : i32
    %sign3A_1312 = arith.extui %sign3A_1311 : i1 to i32
    %sign3A_1313 = arith.constant 0 : i32
    %sign3A_1314 = arith.cmpi slt, %jit3A_1301, %sign3A_1313 : i32
    %sign3A_1315 = arith.extui %sign3A_1314 : i1 to i32
    %sign3A_1316 = arith.subi %sign3A_1312, %sign3A_1315 : i32
    %ne3A_1317 = arith.cmpi ne, %sign3A_1309, %sign3A_1316 : i32
    %rem3A_1318 = arith.remsi %squeeze3A_62, %jit3A_1301 : i32
    %ne3A_1319 = arith.constant 0 : i32
    %ne3A_1320 = arith.cmpi ne, %rem3A_1318, %ne3A_1319 : i32
    %and3A_1321 = arith.andi %ne3A_1317, %ne3A_1320 : i1
    %sub3A_1322 = arith.constant 1 : i32
    %sub3A_1323 = arith.subi %div3A_1302, %sub3A_1322 : i32
    %select_n3A_1324 = arith.select %and3A_1321, %sub3A_1323, %div3A_1302 : i32
    %mul3A_1325 = arith.constant 128 : i32
    %mul3A_1326 = arith.muli %select_n3A_1324, %mul3A_1325 : i32
    %multiple_of3A_1327 = tpu.assume_multiple %mul3A_1326, 128 : i32
    %dma_start3A_1328 = arith.constant 7 : i32
    %dma_start3A_1329 = arith.constant 0 : i32
    %dma_start3A_1330 = arith.constant 0 : i32
    %dma_start3A_1331 = tpu.memref_slice %arg6[%dma_start3A_1328, %dma_start3A_1329, %dma_start3A_1330] : memref<8x64x128xf32, #tpu.memory_space<vmem>> -> memref<1x64x128xf32, #tpu.memory_space<vmem>>
    %dma_start3A_1332 = tpu.memref_squeeze %dma_start3A_1331 : memref<1x64x128xf32, #tpu.memory_space<vmem>> -> memref<64x128xf32, #tpu.memory_space<vmem>>
    %dma_start3A_1333 = arith.constant 0 : i32
    %dma_start3A_1334 = tpu.memref_slice %arg3[%dma_start3A_1333, %multiple_of3A_1327] : memref<64x100000xf32, #tpu.memory_space<hbm>> -> memref<64x128xf32, #tpu.memory_space<hbm>>
    %dma_start3A_1335 = arith.constant 0 : i32
    %dma_start3A_1336 = arith.constant 0 : i32
    %dma_start3A_1337 = tpu.memref_slice %arg6[%dma_start3A_1328, %dma_start3A_1335, %dma_start3A_1336] : memref<8x64x128xf32, #tpu.memory_space<vmem>> -> memref<1x64x128xf32, #tpu.memory_space<vmem>>
    %dma_start3A_1338 = tpu.memref_squeeze %dma_start3A_1337 : memref<1x64x128xf32, #tpu.memory_space<vmem>> -> memref<64x128xf32, #tpu.memory_space<vmem>>
    %dma_start3A_1339 = arith.constant 0 : i32
    %dma_start3A_1340 = tpu.memref_slice %arg3[%dma_start3A_1339, %multiple_of3A_1327] : memref<64x100000xf32, #tpu.memory_space<hbm>> -> memref<64x128xf32, #tpu.memory_space<hbm>>
    tpu.enqueue_dma source(%dma_start3A_1340 : memref<64x128xf32, #tpu.memory_space<hbm>>) target(%dma_start3A_1338 : memref<64x128xf32, #tpu.memory_space<vmem>>) target_semaphore(%arg15 : memref<!tpu.dma_semaphore, #tpu.memory_space<semaphore_mem>>)
    %dma_wait3A_1341 = arith.constant 0 : i32
    %dma_wait3A_1342 = arith.constant 0 : i32
    %dma_wait3A_1343 = arith.constant 0 : i32
    %dma_wait3A_1344 = tpu.memref_slice %arg6[%dma_wait3A_1341, %dma_wait3A_1342, %dma_wait3A_1343] : memref<8x64x128xf32, #tpu.memory_space<vmem>> -> memref<1x64x128xf32, #tpu.memory_space<vmem>>
    %dma_wait3A_1345 = tpu.memref_squeeze %dma_wait3A_1344 : memref<1x64x128xf32, #tpu.memory_space<vmem>> -> memref<64x128xf32, #tpu.memory_space<vmem>>
    %dma_wait3A_1346 = arith.constant 0 : i32
    %dma_wait3A_1347 = tpu.memref_slice %arg3[%dma_wait3A_1346, %multiple_of3A_536] : memref<64x100000xf32, #tpu.memory_space<hbm>> -> memref<64x128xf32, #tpu.memory_space<hbm>>
    %dma_wait3A_1348 = arith.constant 0 : i32
    %dma_wait3A_1349 = arith.constant 0 : i32
    %dma_wait3A_1350 = tpu.memref_slice %arg6[%dma_wait3A_1341, %dma_wait3A_1348, %dma_wait3A_1349] : memref<8x64x128xf32, #tpu.memory_space<vmem>> -> memref<1x64x128xf32, #tpu.memory_space<vmem>>
    %dma_wait3A_1351 = tpu.memref_squeeze %dma_wait3A_1350 : memref<1x64x128xf32, #tpu.memory_space<vmem>> -> memref<64x128xf32, #tpu.memory_space<vmem>>
    %dma_wait3A_1352 = arith.constant 0 : i32
    %dma_wait3A_1353 = tpu.memref_slice %arg3[%dma_wait3A_1352, %multiple_of3A_536] : memref<64x100000xf32, #tpu.memory_space<hbm>> -> memref<64x128xf32, #tpu.memory_space<hbm>>
    tpu.wait_dma2 semaphore(%arg8 : memref<!tpu.dma_semaphore, #tpu.memory_space<semaphore_mem>>) src(%dma_wait3A_1353 : memref<64x128xf32, #tpu.memory_space<hbm>>) dst(%dma_wait3A_1351 : memref<64x128xf32, #tpu.memory_space<vmem>>)
    %broadcast_in_dim3A_1354 = arith.constant 0 : i32
    %broadcast_in_dim3A_1355 = vector.broadcast %broadcast_in_dim3A_1354 : i32 to vector<16xi32>
    %add3A_1356 = vector.broadcast %and3A_36 : i32 to vector<16xi32>
    %add3A_1357 = arith.addi %broadcast_in_dim3A_1355, %add3A_1356 : vector<16xi32>
    %iota3A_1358 = tpu.iota {dimensions = array<i32: 0>} : vector<16xi32>
    %add3A_1359 = arith.constant 0 : i32
    %add3A_1360 = vector.broadcast %add3A_1359 : i32 to vector<16xi32>
    %add3A_1361 = arith.addi %iota3A_1358, %add3A_1360 : vector<16xi32>
    %gather3A_1362 = arith.constant 0 : i32
    %gather3A_1363 = arith.constant 0 : i32
    %gather3A_1364 = arith.constant 0 : i32
    %gather3A_1365 = tpu.memref_slice %arg6[%gather3A_1362, %gather3A_1363, %gather3A_1364] : memref<8x64x128xf32, #tpu.memory_space<vmem>> -> memref<1x64x128xf32, #tpu.memory_space<vmem>>
    %gather3A_1366 = tpu.memref_squeeze %gather3A_1365 : memref<1x64x128xf32, #tpu.memory_space<vmem>> -> memref<64x128xf32, #tpu.memory_space<vmem>>
    %gather3A_1367 = tpu.vector_load_idx %gather3A_1366[%add3A_1361, %add3A_1357] : memref<64x128xf32, #tpu.memory_space<vmem>>[vector<16xi32>, vector<16xi32>], vector<16xf32>,
    %swap3A_1368 = arith.constant 8 : i32
    %swap3A_1369 = arith.index_cast %swap3A_1368 : i32 to index
    %swap3A_1370 = arith.constant 0 : index
    %swap3A_1371 = tpu.vector_load %arg7[%swap3A_1369, %swap3A_1370] {strides = array<i32>} : memref<32x64xf32, #tpu.memory_space<vmem>>, vector<16xf32>,
    tpu.vector_store %arg7[%swap3A_1369, %swap3A_1370], %gather3A_1367 {strides = array<i32>} : memref<32x64xf32, #tpu.memory_space<vmem>>, vector<16xf32>,
    %iota3A_1372 = tpu.iota {dimensions = array<i32: 0>} : vector<16xi32>
    %add3A_1373 = arith.constant 16 : i32
    %add3A_1374 = vector.broadcast %add3A_1373 : i32 to vector<16xi32>
    %add3A_1375 = arith.addi %iota3A_1372, %add3A_1374 : vector<16xi32>
    %gather3A_1376 = arith.constant 0 : i32
    %gather3A_1377 = arith.constant 0 : i32
    %gather3A_1378 = arith.constant 0 : i32
    %gather3A_1379 = tpu.memref_slice %arg6[%gather3A_1376, %gather3A_1377, %gather3A_1378] : memref<8x64x128xf32, #tpu.memory_space<vmem>> -> memref<1x64x128xf32, #tpu.memory_space<vmem>>
    %gather3A_1380 = tpu.memref_squeeze %gather3A_1379 : memref<1x64x128xf32, #tpu.memory_space<vmem>> -> memref<64x128xf32, #tpu.memory_space<vmem>>
    %gather3A_1381 = tpu.vector_load_idx %gather3A_1380[%add3A_1375, %add3A_1357] : memref<64x128xf32, #tpu.memory_space<vmem>>[vector<16xi32>, vector<16xi32>], vector<16xf32>,
    %swap3A_1382 = arith.constant 8 : i32
    %swap3A_1383 = arith.index_cast %swap3A_1382 : i32 to index
    %swap3A_1384 = arith.constant 16 : index
    %swap3A_1385 = tpu.vector_load %arg7[%swap3A_1383, %swap3A_1384] {strides = array<i32>} : memref<32x64xf32, #tpu.memory_space<vmem>>, vector<16xf32>,
    tpu.vector_store %arg7[%swap3A_1383, %swap3A_1384], %gather3A_1381 {strides = array<i32>} : memref<32x64xf32, #tpu.memory_space<vmem>>, vector<16xf32>,
    %iota3A_1386 = tpu.iota {dimensions = array<i32: 0>} : vector<16xi32>
    %add3A_1387 = arith.constant 32 : i32
    %add3A_1388 = vector.broadcast %add3A_1387 : i32 to vector<16xi32>
    %add3A_1389 = arith.addi %iota3A_1386, %add3A_1388 : vector<16xi32>
    %gather3A_1390 = arith.constant 0 : i32
    %gather3A_1391 = arith.constant 0 : i32
    %gather3A_1392 = arith.constant 0 : i32
    %gather3A_1393 = tpu.memref_slice %arg6[%gather3A_1390, %gather3A_1391, %gather3A_1392] : memref<8x64x128xf32, #tpu.memory_space<vmem>> -> memref<1x64x128xf32, #tpu.memory_space<vmem>>
    %gather3A_1394 = tpu.memref_squeeze %gather3A_1393 : memref<1x64x128xf32, #tpu.memory_space<vmem>> -> memref<64x128xf32, #tpu.memory_space<vmem>>
    %gather3A_1395 = tpu.vector_load_idx %gather3A_1394[%add3A_1389, %add3A_1357] : memref<64x128xf32, #tpu.memory_space<vmem>>[vector<16xi32>, vector<16xi32>], vector<16xf32>,
    %swap3A_1396 = arith.constant 8 : i32
    %swap3A_1397 = arith.index_cast %swap3A_1396 : i32 to index
    %swap3A_1398 = arith.constant 32 : index
    %swap3A_1399 = tpu.vector_load %arg7[%swap3A_1397, %swap3A_1398] {strides = array<i32>} : memref<32x64xf32, #tpu.memory_space<vmem>>, vector<16xf32>,
    tpu.vector_store %arg7[%swap3A_1397, %swap3A_1398], %gather3A_1395 {strides = array<i32>} : memref<32x64xf32, #tpu.memory_space<vmem>>, vector<16xf32>,
    %iota3A_1400 = tpu.iota {dimensions = array<i32: 0>} : vector<16xi32>
    %add3A_1401 = arith.constant 48 : i32
    %add3A_1402 = vector.broadcast %add3A_1401 : i32 to vector<16xi32>
    %add3A_1403 = arith.addi %iota3A_1400, %add3A_1402 : vector<16xi32>
    %gather3A_1404 = arith.constant 0 : i32
    %gather3A_1405 = arith.constant 0 : i32
    %gather3A_1406 = arith.constant 0 : i32
    %gather3A_1407 = tpu.memref_slice %arg6[%gather3A_1404, %gather3A_1405, %gather3A_1406] : memref<8x64x128xf32, #tpu.memory_space<vmem>> -> memref<1x64x128xf32, #tpu.memory_space<vmem>>
    %gather3A_1408 = tpu.memref_squeeze %gather3A_1407 : memref<1x64x128xf32, #tpu.memory_space<vmem>> -> memref<64x128xf32, #tpu.memory_space<vmem>>
    %gather3A_1409 = tpu.vector_load_idx %gather3A_1408[%add3A_1403, %add3A_1357] : memref<64x128xf32, #tpu.memory_space<vmem>>[vector<16xi32>, vector<16xi32>], vector<16xf32>,
    %swap3A_1410 = arith.constant 8 : i32
    %swap3A_1411 = arith.index_cast %swap3A_1410 : i32 to index
    %swap3A_1412 = arith.constant 48 : index
    %swap3A_1413 = tpu.vector_load %arg7[%swap3A_1411, %swap3A_1412] {strides = array<i32>} : memref<32x64xf32, #tpu.memory_space<vmem>>, vector<16xf32>,
    tpu.vector_store %arg7[%swap3A_1411, %swap3A_1412], %gather3A_1409 {strides = array<i32>} : memref<32x64xf32, #tpu.memory_space<vmem>>, vector<16xf32>,
    %jit3A_1414 = arith.constant 128 : i32
    %div3A_1415 = arith.divsi %squeeze3A_68, %jit3A_1414 : i32
    %sign3A_1416 = arith.constant 0 : i32
    %sign3A_1417 = arith.cmpi sgt, %squeeze3A_68, %sign3A_1416 : i32
    %sign3A_1418 = arith.extui %sign3A_1417 : i1 to i32
    %sign3A_1419 = arith.constant 0 : i32
    %sign3A_1420 = arith.cmpi slt, %squeeze3A_68, %sign3A_1419 : i32
    %sign3A_1421 = arith.extui %sign3A_1420 : i1 to i32
    %sign3A_1422 = arith.subi %sign3A_1418, %sign3A_1421 : i32
    %sign3A_1423 = arith.constant 0 : i32
    %sign3A_1424 = arith.cmpi sgt, %jit3A_1414, %sign3A_1423 : i32
    %sign3A_1425 = arith.extui %sign3A_1424 : i1 to i32
    %sign3A_1426 = arith.constant 0 : i32
    %sign3A_1427 = arith.cmpi slt, %jit3A_1414, %sign3A_1426 : i32
    %sign3A_1428 = arith.extui %sign3A_1427 : i1 to i32
    %sign3A_1429 = arith.subi %sign3A_1425, %sign3A_1428 : i32
    %ne3A_1430 = arith.cmpi ne, %sign3A_1422, %sign3A_1429 : i32
    %rem3A_1431 = arith.remsi %squeeze3A_68, %jit3A_1414 : i32
    %ne3A_1432 = arith.constant 0 : i32
    %ne3A_1433 = arith.cmpi ne, %rem3A_1431, %ne3A_1432 : i32
    %and3A_1434 = arith.andi %ne3A_1430, %ne3A_1433 : i1
    %sub3A_1435 = arith.constant 1 : i32
    %sub3A_1436 = arith.subi %div3A_1415, %sub3A_1435 : i32
    %select_n3A_1437 = arith.select %and3A_1434, %sub3A_1436, %div3A_1415 : i32
    %mul3A_1438 = arith.constant 128 : i32
    %mul3A_1439 = arith.muli %select_n3A_1437, %mul3A_1438 : i32
    %multiple_of3A_1440 = tpu.assume_multiple %mul3A_1439, 128 : i32
    %dma_start3A_1441 = arith.constant 0 : i32
    %dma_start3A_1442 = arith.constant 0 : i32
    %dma_start3A_1443 = arith.constant 0 : i32
    %dma_start3A_1444 = tpu.memref_slice %arg6[%dma_start3A_1441, %dma_start3A_1442, %dma_start3A_1443] : memref<8x64x128xf32, #tpu.memory_space<vmem>> -> memref<1x64x128xf32, #tpu.memory_space<vmem>>
    %dma_start3A_1445 = tpu.memref_squeeze %dma_start3A_1444 : memref<1x64x128xf32, #tpu.memory_space<vmem>> -> memref<64x128xf32, #tpu.memory_space<vmem>>
    %dma_start3A_1446 = arith.constant 0 : i32
    %dma_start3A_1447 = tpu.memref_slice %arg3[%dma_start3A_1446, %multiple_of3A_1440] : memref<64x100000xf32, #tpu.memory_space<hbm>> -> memref<64x128xf32, #tpu.memory_space<hbm>>
    %dma_start3A_1448 = arith.constant 0 : i32
    %dma_start3A_1449 = arith.constant 0 : i32
    %dma_start3A_1450 = tpu.memref_slice %arg6[%dma_start3A_1441, %dma_start3A_1448, %dma_start3A_1449] : memref<8x64x128xf32, #tpu.memory_space<vmem>> -> memref<1x64x128xf32, #tpu.memory_space<vmem>>
    %dma_start3A_1451 = tpu.memref_squeeze %dma_start3A_1450 : memref<1x64x128xf32, #tpu.memory_space<vmem>> -> memref<64x128xf32, #tpu.memory_space<vmem>>
    %dma_start3A_1452 = arith.constant 0 : i32
    %dma_start3A_1453 = tpu.memref_slice %arg3[%dma_start3A_1452, %multiple_of3A_1440] : memref<64x100000xf32, #tpu.memory_space<hbm>> -> memref<64x128xf32, #tpu.memory_space<hbm>>
    tpu.enqueue_dma source(%dma_start3A_1453 : memref<64x128xf32, #tpu.memory_space<hbm>>) target(%dma_start3A_1451 : memref<64x128xf32, #tpu.memory_space<vmem>>) target_semaphore(%arg8 : memref<!tpu.dma_semaphore, #tpu.memory_space<semaphore_mem>>)
    %dma_wait3A_1454 = arith.constant 1 : i32
    %dma_wait3A_1455 = arith.constant 0 : i32
    %dma_wait3A_1456 = arith.constant 0 : i32
    %dma_wait3A_1457 = tpu.memref_slice %arg6[%dma_wait3A_1454, %dma_wait3A_1455, %dma_wait3A_1456] : memref<8x64x128xf32, #tpu.memory_space<vmem>> -> memref<1x64x128xf32, #tpu.memory_space<vmem>>
    %dma_wait3A_1458 = tpu.memref_squeeze %dma_wait3A_1457 : memref<1x64x128xf32, #tpu.memory_space<vmem>> -> memref<64x128xf32, #tpu.memory_space<vmem>>
    %dma_wait3A_1459 = arith.constant 0 : i32
    %dma_wait3A_1460 = tpu.memref_slice %arg3[%dma_wait3A_1459, %multiple_of3A_649] : memref<64x100000xf32, #tpu.memory_space<hbm>> -> memref<64x128xf32, #tpu.memory_space<hbm>>
    %dma_wait3A_1461 = arith.constant 0 : i32
    %dma_wait3A_1462 = arith.constant 0 : i32
    %dma_wait3A_1463 = tpu.memref_slice %arg6[%dma_wait3A_1454, %dma_wait3A_1461, %dma_wait3A_1462] : memref<8x64x128xf32, #tpu.memory_space<vmem>> -> memref<1x64x128xf32, #tpu.memory_space<vmem>>
    %dma_wait3A_1464 = tpu.memref_squeeze %dma_wait3A_1463 : memref<1x64x128xf32, #tpu.memory_space<vmem>> -> memref<64x128xf32, #tpu.memory_space<vmem>>
    %dma_wait3A_1465 = arith.constant 0 : i32
    %dma_wait3A_1466 = tpu.memref_slice %arg3[%dma_wait3A_1465, %multiple_of3A_649] : memref<64x100000xf32, #tpu.memory_space<hbm>> -> memref<64x128xf32, #tpu.memory_space<hbm>>
    tpu.wait_dma2 semaphore(%arg9 : memref<!tpu.dma_semaphore, #tpu.memory_space<semaphore_mem>>) src(%dma_wait3A_1466 : memref<64x128xf32, #tpu.memory_space<hbm>>) dst(%dma_wait3A_1464 : memref<64x128xf32, #tpu.memory_space<vmem>>)
    %broadcast_in_dim3A_1467 = arith.constant 0 : i32
    %broadcast_in_dim3A_1468 = vector.broadcast %broadcast_in_dim3A_1467 : i32 to vector<16xi32>
    %add3A_1469 = vector.broadcast %and3A_40 : i32 to vector<16xi32>
    %add3A_1470 = arith.addi %broadcast_in_dim3A_1468, %add3A_1469 : vector<16xi32>
    %iota3A_1471 = tpu.iota {dimensions = array<i32: 0>} : vector<16xi32>
    %add3A_1472 = arith.constant 0 : i32
    %add3A_1473 = vector.broadcast %add3A_1472 : i32 to vector<16xi32>
    %add3A_1474 = arith.addi %iota3A_1471, %add3A_1473 : vector<16xi32>
    %gather3A_1475 = arith.constant 1 : i32
    %gather3A_1476 = arith.constant 0 : i32
    %gather3A_1477 = arith.constant 0 : i32
    %gather3A_1478 = tpu.memref_slice %arg6[%gather3A_1475, %gather3A_1476, %gather3A_1477] : memref<8x64x128xf32, #tpu.memory_space<vmem>> -> memref<1x64x128xf32, #tpu.memory_space<vmem>>
    %gather3A_1479 = tpu.memref_squeeze %gather3A_1478 : memref<1x64x128xf32, #tpu.memory_space<vmem>> -> memref<64x128xf32, #tpu.memory_space<vmem>>
    %gather3A_1480 = tpu.vector_load_idx %gather3A_1479[%add3A_1474, %add3A_1470] : memref<64x128xf32, #tpu.memory_space<vmem>>[vector<16xi32>, vector<16xi32>], vector<16xf32>,
    %swap3A_1481 = arith.constant 9 : i32
    %swap3A_1482 = arith.index_cast %swap3A_1481 : i32 to index
    %swap3A_1483 = arith.constant 0 : index
    %swap3A_1484 = tpu.vector_load %arg7[%swap3A_1482, %swap3A_1483] {strides = array<i32>} : memref<32x64xf32, #tpu.memory_space<vmem>>, vector<16xf32>,
    tpu.vector_store %arg7[%swap3A_1482, %swap3A_1483], %gather3A_1480 {strides = array<i32>} : memref<32x64xf32, #tpu.memory_space<vmem>>, vector<16xf32>,
    %iota3A_1485 = tpu.iota {dimensions = array<i32: 0>} : vector<16xi32>
    %add3A_1486 = arith.constant 16 : i32
    %add3A_1487 = vector.broadcast %add3A_1486 : i32 to vector<16xi32>
    %add3A_1488 = arith.addi %iota3A_1485, %add3A_1487 : vector<16xi32>
    %gather3A_1489 = arith.constant 1 : i32
    %gather3A_1490 = arith.constant 0 : i32
    %gather3A_1491 = arith.constant 0 : i32
    %gather3A_1492 = tpu.memref_slice %arg6[%gather3A_1489, %gather3A_1490, %gather3A_1491] : memref<8x64x128xf32, #tpu.memory_space<vmem>> -> memref<1x64x128xf32, #tpu.memory_space<vmem>>
    %gather3A_1493 = tpu.memref_squeeze %gather3A_1492 : memref<1x64x128xf32, #tpu.memory_space<vmem>> -> memref<64x128xf32, #tpu.memory_space<vmem>>
    %gather3A_1494 = tpu.vector_load_idx %gather3A_1493[%add3A_1488, %add3A_1470] : memref<64x128xf32, #tpu.memory_space<vmem>>[vector<16xi32>, vector<16xi32>], vector<16xf32>,
    %swap3A_1495 = arith.constant 9 : i32
    %swap3A_1496 = arith.index_cast %swap3A_1495 : i32 to index
    %swap3A_1497 = arith.constant 16 : index
    %swap3A_1498 = tpu.vector_load %arg7[%swap3A_1496, %swap3A_1497] {strides = array<i32>} : memref<32x64xf32, #tpu.memory_space<vmem>>, vector<16xf32>,
    tpu.vector_store %arg7[%swap3A_1496, %swap3A_1497], %gather3A_1494 {strides = array<i32>} : memref<32x64xf32, #tpu.memory_space<vmem>>, vector<16xf32>,
    %iota3A_1499 = tpu.iota {dimensions = array<i32: 0>} : vector<16xi32>
    %add3A_1500 = arith.constant 32 : i32
    %add3A_1501 = vector.broadcast %add3A_1500 : i32 to vector<16xi32>
    %add3A_1502 = arith.addi %iota3A_1499, %add3A_1501 : vector<16xi32>
    %gather3A_1503 = arith.constant 1 : i32
    %gather3A_1504 = arith.constant 0 : i32
    %gather3A_1505 = arith.constant 0 : i32
    %gather3A_1506 = tpu.memref_slice %arg6[%gather3A_1503, %gather3A_1504, %gather3A_1505] : memref<8x64x128xf32, #tpu.memory_space<vmem>> -> memref<1x64x128xf32, #tpu.memory_space<vmem>>
    %gather3A_1507 = tpu.memref_squeeze %gather3A_1506 : memref<1x64x128xf32, #tpu.memory_space<vmem>> -> memref<64x128xf32, #tpu.memory_space<vmem>>
    %gather3A_1508 = tpu.vector_load_idx %gather3A_1507[%add3A_1502, %add3A_1470] : memref<64x128xf32, #tpu.memory_space<vmem>>[vector<16xi32>, vector<16xi32>], vector<16xf32>,
    %swap3A_1509 = arith.constant 9 : i32
    %swap3A_1510 = arith.index_cast %swap3A_1509 : i32 to index
    %swap3A_1511 = arith.constant 32 : index
    %swap3A_1512 = tpu.vector_load %arg7[%swap3A_1510, %swap3A_1511] {strides = array<i32>} : memref<32x64xf32, #tpu.memory_space<vmem>>, vector<16xf32>,
    tpu.vector_store %arg7[%swap3A_1510, %swap3A_1511], %gather3A_1508 {strides = array<i32>} : memref<32x64xf32, #tpu.memory_space<vmem>>, vector<16xf32>,
    %iota3A_1513 = tpu.iota {dimensions = array<i32: 0>} : vector<16xi32>
    %add3A_1514 = arith.constant 48 : i32
    %add3A_1515 = vector.broadcast %add3A_1514 : i32 to vector<16xi32>
    %add3A_1516 = arith.addi %iota3A_1513, %add3A_1515 : vector<16xi32>
    %gather3A_1517 = arith.constant 1 : i32
    %gather3A_1518 = arith.constant 0 : i32
    %gather3A_1519 = arith.constant 0 : i32
    %gather3A_1520 = tpu.memref_slice %arg6[%gather3A_1517, %gather3A_1518, %gather3A_1519] : memref<8x64x128xf32, #tpu.memory_space<vmem>> -> memref<1x64x128xf32, #tpu.memory_space<vmem>>
    %gather3A_1521 = tpu.memref_squeeze %gather3A_1520 : memref<1x64x128xf32, #tpu.memory_space<vmem>> -> memref<64x128xf32, #tpu.memory_space<vmem>>
    %gather3A_1522 = tpu.vector_load_idx %gather3A_1521[%add3A_1516, %add3A_1470] : memref<64x128xf32, #tpu.memory_space<vmem>>[vector<16xi32>, vector<16xi32>], vector<16xf32>,
    %swap3A_1523 = arith.constant 9 : i32
    %swap3A_1524 = arith.index_cast %swap3A_1523 : i32 to index
    %swap3A_1525 = arith.constant 48 : index
    %swap3A_1526 = tpu.vector_load %arg7[%swap3A_1524, %swap3A_1525] {strides = array<i32>} : memref<32x64xf32, #tpu.memory_space<vmem>>, vector<16xf32>,
    tpu.vector_store %arg7[%swap3A_1524, %swap3A_1525], %gather3A_1522 {strides = array<i32>} : memref<32x64xf32, #tpu.memory_space<vmem>>, vector<16xf32>,
    %jit3A_1527 = arith.constant 128 : i32
    %div3A_1528 = arith.divsi %squeeze3A_72, %jit3A_1527 : i32
    %sign3A_1529 = arith.constant 0 : i32
    %sign3A_1530 = arith.cmpi sgt, %squeeze3A_72, %sign3A_1529 : i32
    %sign3A_1531 = arith.extui %sign3A_1530 : i1 to i32
    %sign3A_1532 = arith.constant 0 : i32
    %sign3A_1533 = arith.cmpi slt, %squeeze3A_72, %sign3A_1532 : i32
    %sign3A_1534 = arith.extui %sign3A_1533 : i1 to i32
    %sign3A_1535 = arith.subi %sign3A_1531, %sign3A_1534 : i32
    %sign3A_1536 = arith.constant 0 : i32
    %sign3A_1537 = arith.cmpi sgt, %jit3A_1527, %sign3A_1536 : i32
    %sign3A_1538 = arith.extui %sign3A_1537 : i1 to i32
    %sign3A_1539 = arith.constant 0 : i32
    %sign3A_1540 = arith.cmpi slt, %jit3A_1527, %sign3A_1539 : i32
    %sign3A_1541 = arith.extui %sign3A_1540 : i1 to i32
    %sign3A_1542 = arith.subi %sign3A_1538, %sign3A_1541 : i32
    %ne3A_1543 = arith.cmpi ne, %sign3A_1535, %sign3A_1542 : i32
    %rem3A_1544 = arith.remsi %squeeze3A_72, %jit3A_1527 : i32
    %ne3A_1545 = arith.constant 0 : i32
    %ne3A_1546 = arith.cmpi ne, %rem3A_1544, %ne3A_1545 : i32
    %and3A_1547 = arith.andi %ne3A_1543, %ne3A_1546 : i1
    %sub3A_1548 = arith.constant 1 : i32
    %sub3A_1549 = arith.subi %div3A_1528, %sub3A_1548 : i32
    %select_n3A_1550 = arith.select %and3A_1547, %sub3A_1549, %div3A_1528 : i32
    %mul3A_1551 = arith.constant 128 : i32
    %mul3A_1552 = arith.muli %select_n3A_1550, %mul3A_1551 : i32
    %multiple_of3A_1553 = tpu.assume_multiple %mul3A_1552, 128 : i32
    %dma_start3A_1554 = arith.constant 1 : i32
    %dma_start3A_1555 = arith.constant 0 : i32
    %dma_start3A_1556 = arith.constant 0 : i32
    %dma_start3A_1557 = tpu.memref_slice %arg6[%dma_start3A_1554, %dma_start3A_1555, %dma_start3A_1556] : memref<8x64x128xf32, #tpu.memory_space<vmem>> -> memref<1x64x128xf32, #tpu.memory_space<vmem>>
    %dma_start3A_1558 = tpu.memref_squeeze %dma_start3A_1557 : memref<1x64x128xf32, #tpu.memory_space<vmem>> -> memref<64x128xf32, #tpu.memory_space<vmem>>
    %dma_start3A_1559 = arith.constant 0 : i32
    %dma_start3A_1560 = tpu.memref_slice %arg3[%dma_start3A_1559, %multiple_of3A_1553] : memref<64x100000xf32, #tpu.memory_space<hbm>> -> memref<64x128xf32, #tpu.memory_space<hbm>>
    %dma_start3A_1561 = arith.constant 0 : i32
    %dma_start3A_1562 = arith.constant 0 : i32
    %dma_start3A_1563 = tpu.memref_slice %arg6[%dma_start3A_1554, %dma_start3A_1561, %dma_start3A_1562] : memref<8x64x128xf32, #tpu.memory_space<vmem>> -> memref<1x64x128xf32, #tpu.memory_space<vmem>>
    %dma_start3A_1564 = tpu.memref_squeeze %dma_start3A_1563 : memref<1x64x128xf32, #tpu.memory_space<vmem>> -> memref<64x128xf32, #tpu.memory_space<vmem>>
    %dma_start3A_1565 = arith.constant 0 : i32
    %dma_start3A_1566 = tpu.memref_slice %arg3[%dma_start3A_1565, %multiple_of3A_1553] : memref<64x100000xf32, #tpu.memory_space<hbm>> -> memref<64x128xf32, #tpu.memory_space<hbm>>
    tpu.enqueue_dma source(%dma_start3A_1566 : memref<64x128xf32, #tpu.memory_space<hbm>>) target(%dma_start3A_1564 : memref<64x128xf32, #tpu.memory_space<vmem>>) target_semaphore(%arg9 : memref<!tpu.dma_semaphore, #tpu.memory_space<semaphore_mem>>)
    %dma_wait3A_1567 = arith.constant 2 : i32
    %dma_wait3A_1568 = arith.constant 0 : i32
    %dma_wait3A_1569 = arith.constant 0 : i32
    %dma_wait3A_1570 = tpu.memref_slice %arg6[%dma_wait3A_1567, %dma_wait3A_1568, %dma_wait3A_1569] : memref<8x64x128xf32, #tpu.memory_space<vmem>> -> memref<1x64x128xf32, #tpu.memory_space<vmem>>
    %dma_wait3A_1571 = tpu.memref_squeeze %dma_wait3A_1570 : memref<1x64x128xf32, #tpu.memory_space<vmem>> -> memref<64x128xf32, #tpu.memory_space<vmem>>
    %dma_wait3A_1572 = arith.constant 0 : i32
    %dma_wait3A_1573 = tpu.memref_slice %arg3[%dma_wait3A_1572, %multiple_of3A_762] : memref<64x100000xf32, #tpu.memory_space<hbm>> -> memref<64x128xf32, #tpu.memory_space<hbm>>
    %dma_wait3A_1574 = arith.constant 0 : i32
    %dma_wait3A_1575 = arith.constant 0 : i32
    %dma_wait3A_1576 = tpu.memref_slice %arg6[%dma_wait3A_1567, %dma_wait3A_1574, %dma_wait3A_1575] : memref<8x64x128xf32, #tpu.memory_space<vmem>> -> memref<1x64x128xf32, #tpu.memory_space<vmem>>
    %dma_wait3A_1577 = tpu.memref_squeeze %dma_wait3A_1576 : memref<1x64x128xf32, #tpu.memory_space<vmem>> -> memref<64x128xf32, #tpu.memory_space<vmem>>
    %dma_wait3A_1578 = arith.constant 0 : i32
    %dma_wait3A_1579 = tpu.memref_slice %arg3[%dma_wait3A_1578, %multiple_of3A_762] : memref<64x100000xf32, #tpu.memory_space<hbm>> -> memref<64x128xf32, #tpu.memory_space<hbm>>
    tpu.wait_dma2 semaphore(%arg10 : memref<!tpu.dma_semaphore, #tpu.memory_space<semaphore_mem>>) src(%dma_wait3A_1579 : memref<64x128xf32, #tpu.memory_space<hbm>>) dst(%dma_wait3A_1577 : memref<64x128xf32, #tpu.memory_space<vmem>>)
    %broadcast_in_dim3A_1580 = arith.constant 0 : i32
    %broadcast_in_dim3A_1581 = vector.broadcast %broadcast_in_dim3A_1580 : i32 to vector<16xi32>
    %add3A_1582 = vector.broadcast %and3A_44 : i32 to vector<16xi32>
    %add3A_1583 = arith.addi %broadcast_in_dim3A_1581, %add3A_1582 : vector<16xi32>
    %iota3A_1584 = tpu.iota {dimensions = array<i32: 0>} : vector<16xi32>
    %add3A_1585 = arith.constant 0 : i32
    %add3A_1586 = vector.broadcast %add3A_1585 : i32 to vector<16xi32>
    %add3A_1587 = arith.addi %iota3A_1584, %add3A_1586 : vector<16xi32>
    %gather3A_1588 = arith.constant 2 : i32
    %gather3A_1589 = arith.constant 0 : i32
    %gather3A_1590 = arith.constant 0 : i32
    %gather3A_1591 = tpu.memref_slice %arg6[%gather3A_1588, %gather3A_1589, %gather3A_1590] : memref<8x64x128xf32, #tpu.memory_space<vmem>> -> memref<1x64x128xf32, #tpu.memory_space<vmem>>
    %gather3A_1592 = tpu.memref_squeeze %gather3A_1591 : memref<1x64x128xf32, #tpu.memory_space<vmem>> -> memref<64x128xf32, #tpu.memory_space<vmem>>
    %gather3A_1593 = tpu.vector_load_idx %gather3A_1592[%add3A_1587, %add3A_1583] : memref<64x128xf32, #tpu.memory_space<vmem>>[vector<16xi32>, vector<16xi32>], vector<16xf32>,
    %swap3A_1594 = arith.constant 10 : i32
    %swap3A_1595 = arith.index_cast %swap3A_1594 : i32 to index
    %swap3A_1596 = arith.constant 0 : index
    %swap3A_1597 = tpu.vector_load %arg7[%swap3A_1595, %swap3A_1596] {strides = array<i32>} : memref<32x64xf32, #tpu.memory_space<vmem>>, vector<16xf32>,
    tpu.vector_store %arg7[%swap3A_1595, %swap3A_1596], %gather3A_1593 {strides = array<i32>} : memref<32x64xf32, #tpu.memory_space<vmem>>, vector<16xf32>,
    %iota3A_1598 = tpu.iota {dimensions = array<i32: 0>} : vector<16xi32>
    %add3A_1599 = arith.constant 16 : i32
    %add3A_1600 = vector.broadcast %add3A_1599 : i32 to vector<16xi32>
    %add3A_1601 = arith.addi %iota3A_1598, %add3A_1600 : vector<16xi32>
    %gather3A_1602 = arith.constant 2 : i32
    %gather3A_1603 = arith.constant 0 : i32
    %gather3A_1604 = arith.constant 0 : i32
    %gather3A_1605 = tpu.memref_slice %arg6[%gather3A_1602, %gather3A_1603, %gather3A_1604] : memref<8x64x128xf32, #tpu.memory_space<vmem>> -> memref<1x64x128xf32, #tpu.memory_space<vmem>>
    %gather3A_1606 = tpu.memref_squeeze %gather3A_1605 : memref<1x64x128xf32, #tpu.memory_space<vmem>> -> memref<64x128xf32, #tpu.memory_space<vmem>>
    %gather3A_1607 = tpu.vector_load_idx %gather3A_1606[%add3A_1601, %add3A_1583] : memref<64x128xf32, #tpu.memory_space<vmem>>[vector<16xi32>, vector<16xi32>], vector<16xf32>,
    %swap3A_1608 = arith.constant 10 : i32
    %swap3A_1609 = arith.index_cast %swap3A_1608 : i32 to index
    %swap3A_1610 = arith.constant 16 : index
    %swap3A_1611 = tpu.vector_load %arg7[%swap3A_1609, %swap3A_1610] {strides = array<i32>} : memref<32x64xf32, #tpu.memory_space<vmem>>, vector<16xf32>,
    tpu.vector_store %arg7[%swap3A_1609, %swap3A_1610], %gather3A_1607 {strides = array<i32>} : memref<32x64xf32, #tpu.memory_space<vmem>>, vector<16xf32>,
    %iota3A_1612 = tpu.iota {dimensions = array<i32: 0>} : vector<16xi32>
    %add3A_1613 = arith.constant 32 : i32
    %add3A_1614 = vector.broadcast %add3A_1613 : i32 to vector<16xi32>
    %add3A_1615 = arith.addi %iota3A_1612, %add3A_1614 : vector<16xi32>
    %gather3A_1616 = arith.constant 2 : i32
    %gather3A_1617 = arith.constant 0 : i32
    %gather3A_1618 = arith.constant 0 : i32
    %gather3A_1619 = tpu.memref_slice %arg6[%gather3A_1616, %gather3A_1617, %gather3A_1618] : memref<8x64x128xf32, #tpu.memory_space<vmem>> -> memref<1x64x128xf32, #tpu.memory_space<vmem>>
    %gather3A_1620 = tpu.memref_squeeze %gather3A_1619 : memref<1x64x128xf32, #tpu.memory_space<vmem>> -> memref<64x128xf32, #tpu.memory_space<vmem>>
    %gather3A_1621 = tpu.vector_load_idx %gather3A_1620[%add3A_1615, %add3A_1583] : memref<64x128xf32, #tpu.memory_space<vmem>>[vector<16xi32>, vector<16xi32>], vector<16xf32>,
    %swap3A_1622 = arith.constant 10 : i32
    %swap3A_1623 = arith.index_cast %swap3A_1622 : i32 to index
    %swap3A_1624 = arith.constant 32 : index
    %swap3A_1625 = tpu.vector_load %arg7[%swap3A_1623, %swap3A_1624] {strides = array<i32>} : memref<32x64xf32, #tpu.memory_space<vmem>>, vector<16xf32>,
    tpu.vector_store %arg7[%swap3A_1623, %swap3A_1624], %gather3A_1621 {strides = array<i32>} : memref<32x64xf32, #tpu.memory_space<vmem>>, vector<16xf32>,
    %iota3A_1626 = tpu.iota {dimensions = array<i32: 0>} : vector<16xi32>
    %add3A_1627 = arith.constant 48 : i32
    %add3A_1628 = vector.broadcast %add3A_1627 : i32 to vector<16xi32>
    %add3A_1629 = arith.addi %iota3A_1626, %add3A_1628 : vector<16xi32>
    %gather3A_1630 = arith.constant 2 : i32
    %gather3A_1631 = arith.constant 0 : i32
    %gather3A_1632 = arith.constant 0 : i32
    %gather3A_1633 = tpu.memref_slice %arg6[%gather3A_1630, %gather3A_1631, %gather3A_1632] : memref<8x64x128xf32, #tpu.memory_space<vmem>> -> memref<1x64x128xf32, #tpu.memory_space<vmem>>
    %gather3A_1634 = tpu.memref_squeeze %gather3A_1633 : memref<1x64x128xf32, #tpu.memory_space<vmem>> -> memref<64x128xf32, #tpu.memory_space<vmem>>
    %gather3A_1635 = tpu.vector_load_idx %gather3A_1634[%add3A_1629, %add3A_1583] : memref<64x128xf32, #tpu.memory_space<vmem>>[vector<16xi32>, vector<16xi32>], vector<16xf32>,
    %swap3A_1636 = arith.constant 10 : i32
    %swap3A_1637 = arith.index_cast %swap3A_1636 : i32 to index
    %swap3A_1638 = arith.constant 48 : index
    %swap3A_1639 = tpu.vector_load %arg7[%swap3A_1637, %swap3A_1638] {strides = array<i32>} : memref<32x64xf32, #tpu.memory_space<vmem>>, vector<16xf32>,
    tpu.vector_store %arg7[%swap3A_1637, %swap3A_1638], %gather3A_1635 {strides = array<i32>} : memref<32x64xf32, #tpu.memory_space<vmem>>, vector<16xf32>,
    %jit3A_1640 = arith.constant 128 : i32
    %div3A_1641 = arith.divsi %squeeze3A_76, %jit3A_1640 : i32
    %sign3A_1642 = arith.constant 0 : i32
    %sign3A_1643 = arith.cmpi sgt, %squeeze3A_76, %sign3A_1642 : i32
    %sign3A_1644 = arith.extui %sign3A_1643 : i1 to i32
    %sign3A_1645 = arith.constant 0 : i32
    %sign3A_1646 = arith.cmpi slt, %squeeze3A_76, %sign3A_1645 : i32
    %sign3A_1647 = arith.extui %sign3A_1646 : i1 to i32
    %sign3A_1648 = arith.subi %sign3A_1644, %sign3A_1647 : i32
    %sign3A_1649 = arith.constant 0 : i32
    %sign3A_1650 = arith.cmpi sgt, %jit3A_1640, %sign3A_1649 : i32
    %sign3A_1651 = arith.extui %sign3A_1650 : i1 to i32
    %sign3A_1652 = arith.constant 0 : i32
    %sign3A_1653 = arith.cmpi slt, %jit3A_1640, %sign3A_1652 : i32
    %sign3A_1654 = arith.extui %sign3A_1653 : i1 to i32
    %sign3A_1655 = arith.subi %sign3A_1651, %sign3A_1654 : i32
    %ne3A_1656 = arith.cmpi ne, %sign3A_1648, %sign3A_1655 : i32
    %rem3A_1657 = arith.remsi %squeeze3A_76, %jit3A_1640 : i32
    %ne3A_1658 = arith.constant 0 : i32
    %ne3A_1659 = arith.cmpi ne, %rem3A_1657, %ne3A_1658 : i32
    %and3A_1660 = arith.andi %ne3A_1656, %ne3A_1659 : i1
    %sub3A_1661 = arith.constant 1 : i32
    %sub3A_1662 = arith.subi %div3A_1641, %sub3A_1661 : i32
    %select_n3A_1663 = arith.select %and3A_1660, %sub3A_1662, %div3A_1641 : i32
    %mul3A_1664 = arith.constant 128 : i32
    %mul3A_1665 = arith.muli %select_n3A_1663, %mul3A_1664 : i32
    %multiple_of3A_1666 = tpu.assume_multiple %mul3A_1665, 128 : i32
    %dma_start3A_1667 = arith.constant 2 : i32
    %dma_start3A_1668 = arith.constant 0 : i32
    %dma_start3A_1669 = arith.constant 0 : i32
    %dma_start3A_1670 = tpu.memref_slice %arg6[%dma_start3A_1667, %dma_start3A_1668, %dma_start3A_1669] : memref<8x64x128xf32, #tpu.memory_space<vmem>> -> memref<1x64x128xf32, #tpu.memory_space<vmem>>
    %dma_start3A_1671 = tpu.memref_squeeze %dma_start3A_1670 : memref<1x64x128xf32, #tpu.memory_space<vmem>> -> memref<64x128xf32, #tpu.memory_space<vmem>>
    %dma_start3A_1672 = arith.constant 0 : i32
    %dma_start3A_1673 = tpu.memref_slice %arg3[%dma_start3A_1672, %multiple_of3A_1666] : memref<64x100000xf32, #tpu.memory_space<hbm>> -> memref<64x128xf32, #tpu.memory_space<hbm>>
    %dma_start3A_1674 = arith.constant 0 : i32
    %dma_start3A_1675 = arith.constant 0 : i32
    %dma_start3A_1676 = tpu.memref_slice %arg6[%dma_start3A_1667, %dma_start3A_1674, %dma_start3A_1675] : memref<8x64x128xf32, #tpu.memory_space<vmem>> -> memref<1x64x128xf32, #tpu.memory_space<vmem>>
    %dma_start3A_1677 = tpu.memref_squeeze %dma_start3A_1676 : memref<1x64x128xf32, #tpu.memory_space<vmem>> -> memref<64x128xf32, #tpu.memory_space<vmem>>
    %dma_start3A_1678 = arith.constant 0 : i32
    %dma_start3A_1679 = tpu.memref_slice %arg3[%dma_start3A_1678, %multiple_of3A_1666] : memref<64x100000xf32, #tpu.memory_space<hbm>> -> memref<64x128xf32, #tpu.memory_space<hbm>>
    tpu.enqueue_dma source(%dma_start3A_1679 : memref<64x128xf32, #tpu.memory_space<hbm>>) target(%dma_start3A_1677 : memref<64x128xf32, #tpu.memory_space<vmem>>) target_semaphore(%arg10 : memref<!tpu.dma_semaphore, #tpu.memory_space<semaphore_mem>>)
    %dma_wait3A_1680 = arith.constant 3 : i32
    %dma_wait3A_1681 = arith.constant 0 : i32
    %dma_wait3A_1682 = arith.constant 0 : i32
    %dma_wait3A_1683 = tpu.memref_slice %arg6[%dma_wait3A_1680, %dma_wait3A_1681, %dma_wait3A_1682] : memref<8x64x128xf32, #tpu.memory_space<vmem>> -> memref<1x64x128xf32, #tpu.memory_space<vmem>>
    %dma_wait3A_1684 = tpu.memref_squeeze %dma_wait3A_1683 : memref<1x64x128xf32, #tpu.memory_space<vmem>> -> memref<64x128xf32, #tpu.memory_space<vmem>>
    %dma_wait3A_1685 = arith.constant 0 : i32
    %dma_wait3A_1686 = tpu.memref_slice %arg3[%dma_wait3A_1685, %multiple_of3A_875] : memref<64x100000xf32, #tpu.memory_space<hbm>> -> memref<64x128xf32, #tpu.memory_space<hbm>>
    %dma_wait3A_1687 = arith.constant 0 : i32
    %dma_wait3A_1688 = arith.constant 0 : i32
    %dma_wait3A_1689 = tpu.memref_slice %arg6[%dma_wait3A_1680, %dma_wait3A_1687, %dma_wait3A_1688] : memref<8x64x128xf32, #tpu.memory_space<vmem>> -> memref<1x64x128xf32, #tpu.memory_space<vmem>>
    %dma_wait3A_1690 = tpu.memref_squeeze %dma_wait3A_1689 : memref<1x64x128xf32, #tpu.memory_space<vmem>> -> memref<64x128xf32, #tpu.memory_space<vmem>>
    %dma_wait3A_1691 = arith.constant 0 : i32
    %dma_wait3A_1692 = tpu.memref_slice %arg3[%dma_wait3A_1691, %multiple_of3A_875] : memref<64x100000xf32, #tpu.memory_space<hbm>> -> memref<64x128xf32, #tpu.memory_space<hbm>>
    tpu.wait_dma2 semaphore(%arg11 : memref<!tpu.dma_semaphore, #tpu.memory_space<semaphore_mem>>) src(%dma_wait3A_1692 : memref<64x128xf32, #tpu.memory_space<hbm>>) dst(%dma_wait3A_1690 : memref<64x128xf32, #tpu.memory_space<vmem>>)
    %broadcast_in_dim3A_1693 = arith.constant 0 : i32
    %broadcast_in_dim3A_1694 = vector.broadcast %broadcast_in_dim3A_1693 : i32 to vector<16xi32>
    %add3A_1695 = vector.broadcast %and3A_48 : i32 to vector<16xi32>
    %add3A_1696 = arith.addi %broadcast_in_dim3A_1694, %add3A_1695 : vector<16xi32>
    %iota3A_1697 = tpu.iota {dimensions = array<i32: 0>} : vector<16xi32>
    %add3A_1698 = arith.constant 0 : i32
    %add3A_1699 = vector.broadcast %add3A_1698 : i32 to vector<16xi32>
    %add3A_1700 = arith.addi %iota3A_1697, %add3A_1699 : vector<16xi32>
    %gather3A_1701 = arith.constant 3 : i32
    %gather3A_1702 = arith.constant 0 : i32
    %gather3A_1703 = arith.constant 0 : i32
    %gather3A_1704 = tpu.memref_slice %arg6[%gather3A_1701, %gather3A_1702, %gather3A_1703] : memref<8x64x128xf32, #tpu.memory_space<vmem>> -> memref<1x64x128xf32, #tpu.memory_space<vmem>>
    %gather3A_1705 = tpu.memref_squeeze %gather3A_1704 : memref<1x64x128xf32, #tpu.memory_space<vmem>> -> memref<64x128xf32, #tpu.memory_space<vmem>>
    %gather3A_1706 = tpu.vector_load_idx %gather3A_1705[%add3A_1700, %add3A_1696] : memref<64x128xf32, #tpu.memory_space<vmem>>[vector<16xi32>, vector<16xi32>], vector<16xf32>,
    %swap3A_1707 = arith.constant 11 : i32
    %swap3A_1708 = arith.index_cast %swap3A_1707 : i32 to index
    %swap3A_1709 = arith.constant 0 : index
    %swap3A_1710 = tpu.vector_load %arg7[%swap3A_1708, %swap3A_1709] {strides = array<i32>} : memref<32x64xf32, #tpu.memory_space<vmem>>, vector<16xf32>,
    tpu.vector_store %arg7[%swap3A_1708, %swap3A_1709], %gather3A_1706 {strides = array<i32>} : memref<32x64xf32, #tpu.memory_space<vmem>>, vector<16xf32>,
    %iota3A_1711 = tpu.iota {dimensions = array<i32: 0>} : vector<16xi32>
    %add3A_1712 = arith.constant 16 : i32
    %add3A_1713 = vector.broadcast %add3A_1712 : i32 to vector<16xi32>
    %add3A_1714 = arith.addi %iota3A_1711, %add3A_1713 : vector<16xi32>
    %gather3A_1715 = arith.constant 3 : i32
    %gather3A_1716 = arith.constant 0 : i32
    %gather3A_1717 = arith.constant 0 : i32
    %gather3A_1718 = tpu.memref_slice %arg6[%gather3A_1715, %gather3A_1716, %gather3A_1717] : memref<8x64x128xf32, #tpu.memory_space<vmem>> -> memref<1x64x128xf32, #tpu.memory_space<vmem>>
    %gather3A_1719 = tpu.memref_squeeze %gather3A_1718 : memref<1x64x128xf32, #tpu.memory_space<vmem>> -> memref<64x128xf32, #tpu.memory_space<vmem>>
    %gather3A_1720 = tpu.vector_load_idx %gather3A_1719[%add3A_1714, %add3A_1696] : memref<64x128xf32, #tpu.memory_space<vmem>>[vector<16xi32>, vector<16xi32>], vector<16xf32>,
    %swap3A_1721 = arith.constant 11 : i32
    %swap3A_1722 = arith.index_cast %swap3A_1721 : i32 to index
    %swap3A_1723 = arith.constant 16 : index
    %swap3A_1724 = tpu.vector_load %arg7[%swap3A_1722, %swap3A_1723] {strides = array<i32>} : memref<32x64xf32, #tpu.memory_space<vmem>>, vector<16xf32>,
    tpu.vector_store %arg7[%swap3A_1722, %swap3A_1723], %gather3A_1720 {strides = array<i32>} : memref<32x64xf32, #tpu.memory_space<vmem>>, vector<16xf32>,
    %iota3A_1725 = tpu.iota {dimensions = array<i32: 0>} : vector<16xi32>
    %add3A_1726 = arith.constant 32 : i32
    %add3A_1727 = vector.broadcast %add3A_1726 : i32 to vector<16xi32>
    %add3A_1728 = arith.addi %iota3A_1725, %add3A_1727 : vector<16xi32>
    %gather3A_1729 = arith.constant 3 : i32
    %gather3A_1730 = arith.constant 0 : i32
    %gather3A_1731 = arith.constant 0 : i32
    %gather3A_1732 = tpu.memref_slice %arg6[%gather3A_1729, %gather3A_1730, %gather3A_1731] : memref<8x64x128xf32, #tpu.memory_space<vmem>> -> memref<1x64x128xf32, #tpu.memory_space<vmem>>
    %gather3A_1733 = tpu.memref_squeeze %gather3A_1732 : memref<1x64x128xf32, #tpu.memory_space<vmem>> -> memref<64x128xf32, #tpu.memory_space<vmem>>
    %gather3A_1734 = tpu.vector_load_idx %gather3A_1733[%add3A_1728, %add3A_1696] : memref<64x128xf32, #tpu.memory_space<vmem>>[vector<16xi32>, vector<16xi32>], vector<16xf32>,
    %swap3A_1735 = arith.constant 11 : i32
    %swap3A_1736 = arith.index_cast %swap3A_1735 : i32 to index
    %swap3A_1737 = arith.constant 32 : index
    %swap3A_1738 = tpu.vector_load %arg7[%swap3A_1736, %swap3A_1737] {strides = array<i32>} : memref<32x64xf32, #tpu.memory_space<vmem>>, vector<16xf32>,
    tpu.vector_store %arg7[%swap3A_1736, %swap3A_1737], %gather3A_1734 {strides = array<i32>} : memref<32x64xf32, #tpu.memory_space<vmem>>, vector<16xf32>,
    %iota3A_1739 = tpu.iota {dimensions = array<i32: 0>} : vector<16xi32>
    %add3A_1740 = arith.constant 48 : i32
    %add3A_1741 = vector.broadcast %add3A_1740 : i32 to vector<16xi32>
    %add3A_1742 = arith.addi %iota3A_1739, %add3A_1741 : vector<16xi32>
    %gather3A_1743 = arith.constant 3 : i32
    %gather3A_1744 = arith.constant 0 : i32
    %gather3A_1745 = arith.constant 0 : i32
    %gather3A_1746 = tpu.memref_slice %arg6[%gather3A_1743, %gather3A_1744, %gather3A_1745] : memref<8x64x128xf32, #tpu.memory_space<vmem>> -> memref<1x64x128xf32, #tpu.memory_space<vmem>>
    %gather3A_1747 = tpu.memref_squeeze %gather3A_1746 : memref<1x64x128xf32, #tpu.memory_space<vmem>> -> memref<64x128xf32, #tpu.memory_space<vmem>>
    %gather3A_1748 = tpu.vector_load_idx %gather3A_1747[%add3A_1742, %add3A_1696] : memref<64x128xf32, #tpu.memory_space<vmem>>[vector<16xi32>, vector<16xi32>], vector<16xf32>,
    %swap3A_1749 = arith.constant 11 : i32
    %swap3A_1750 = arith.index_cast %swap3A_1749 : i32 to index
    %swap3A_1751 = arith.constant 48 : index
    %swap3A_1752 = tpu.vector_load %arg7[%swap3A_1750, %swap3A_1751] {strides = array<i32>} : memref<32x64xf32, #tpu.memory_space<vmem>>, vector<16xf32>,
    tpu.vector_store %arg7[%swap3A_1750, %swap3A_1751], %gather3A_1748 {strides = array<i32>} : memref<32x64xf32, #tpu.memory_space<vmem>>, vector<16xf32>,
    %jit3A_1753 = arith.constant 128 : i32
    %div3A_1754 = arith.divsi %squeeze3A_80, %jit3A_1753 : i32
    %sign3A_1755 = arith.constant 0 : i32
    %sign3A_1756 = arith.cmpi sgt, %squeeze3A_80, %sign3A_1755 : i32
    %sign3A_1757 = arith.extui %sign3A_1756 : i1 to i32
    %sign3A_1758 = arith.constant 0 : i32
    %sign3A_1759 = arith.cmpi slt, %squeeze3A_80, %sign3A_1758 : i32
    %sign3A_1760 = arith.extui %sign3A_1759 : i1 to i32
    %sign3A_1761 = arith.subi %sign3A_1757, %sign3A_1760 : i32
    %sign3A_1762 = arith.constant 0 : i32
    %sign3A_1763 = arith.cmpi sgt, %jit3A_1753, %sign3A_1762 : i32
    %sign3A_1764 = arith.extui %sign3A_1763 : i1 to i32
    %sign3A_1765 = arith.constant 0 : i32
    %sign3A_1766 = arith.cmpi slt, %jit3A_1753, %sign3A_1765 : i32
    %sign3A_1767 = arith.extui %sign3A_1766 : i1 to i32
    %sign3A_1768 = arith.subi %sign3A_1764, %sign3A_1767 : i32
    %ne3A_1769 = arith.cmpi ne, %sign3A_1761, %sign3A_1768 : i32
    %rem3A_1770 = arith.remsi %squeeze3A_80, %jit3A_1753 : i32
    %ne3A_1771 = arith.constant 0 : i32
    %ne3A_1772 = arith.cmpi ne, %rem3A_1770, %ne3A_1771 : i32
    %and3A_1773 = arith.andi %ne3A_1769, %ne3A_1772 : i1
    %sub3A_1774 = arith.constant 1 : i32
    %sub3A_1775 = arith.subi %div3A_1754, %sub3A_1774 : i32
    %select_n3A_1776 = arith.select %and3A_1773, %sub3A_1775, %div3A_1754 : i32
    %mul3A_1777 = arith.constant 128 : i32
    %mul3A_1778 = arith.muli %select_n3A_1776, %mul3A_1777 : i32
    %multiple_of3A_1779 = tpu.assume_multiple %mul3A_1778, 128 : i32
    %dma_start3A_1780 = arith.constant 3 : i32
    %dma_start3A_1781 = arith.constant 0 : i32
    %dma_start3A_1782 = arith.constant 0 : i32
    %dma_start3A_1783 = tpu.memref_slice %arg6[%dma_start3A_1780, %dma_start3A_1781, %dma_start3A_1782] : memref<8x64x128xf32, #tpu.memory_space<vmem>> -> memref<1x64x128xf32, #tpu.memory_space<vmem>>
    %dma_start3A_1784 = tpu.memref_squeeze %dma_start3A_1783 : memref<1x64x128xf32, #tpu.memory_space<vmem>> -> memref<64x128xf32, #tpu.memory_space<vmem>>
    %dma_start3A_1785 = arith.constant 0 : i32
    %dma_start3A_1786 = tpu.memref_slice %arg3[%dma_start3A_1785, %multiple_of3A_1779] : memref<64x100000xf32, #tpu.memory_space<hbm>> -> memref<64x128xf32, #tpu.memory_space<hbm>>
    %dma_start3A_1787 = arith.constant 0 : i32
    %dma_start3A_1788 = arith.constant 0 : i32
    %dma_start3A_1789 = tpu.memref_slice %arg6[%dma_start3A_1780, %dma_start3A_1787, %dma_start3A_1788] : memref<8x64x128xf32, #tpu.memory_space<vmem>> -> memref<1x64x128xf32, #tpu.memory_space<vmem>>
    %dma_start3A_1790 = tpu.memref_squeeze %dma_start3A_1789 : memref<1x64x128xf32, #tpu.memory_space<vmem>> -> memref<64x128xf32, #tpu.memory_space<vmem>>
    %dma_start3A_1791 = arith.constant 0 : i32
    %dma_start3A_1792 = tpu.memref_slice %arg3[%dma_start3A_1791, %multiple_of3A_1779] : memref<64x100000xf32, #tpu.memory_space<hbm>> -> memref<64x128xf32, #tpu.memory_space<hbm>>
    tpu.enqueue_dma source(%dma_start3A_1792 : memref<64x128xf32, #tpu.memory_space<hbm>>) target(%dma_start3A_1790 : memref<64x128xf32, #tpu.memory_space<vmem>>) target_semaphore(%arg11 : memref<!tpu.dma_semaphore, #tpu.memory_space<semaphore_mem>>)
    %dma_wait3A_1793 = arith.constant 4 : i32
    %dma_wait3A_1794 = arith.constant 0 : i32
    %dma_wait3A_1795 = arith.constant 0 : i32
    %dma_wait3A_1796 = tpu.memref_slice %arg6[%dma_wait3A_1793, %dma_wait3A_1794, %dma_wait3A_1795] : memref<8x64x128xf32, #tpu.memory_space<vmem>> -> memref<1x64x128xf32, #tpu.memory_space<vmem>>
    %dma_wait3A_1797 = tpu.memref_squeeze %dma_wait3A_1796 : memref<1x64x128xf32, #tpu.memory_space<vmem>> -> memref<64x128xf32, #tpu.memory_space<vmem>>
    %dma_wait3A_1798 = arith.constant 0 : i32
    %dma_wait3A_1799 = tpu.memref_slice %arg3[%dma_wait3A_1798, %multiple_of3A_988] : memref<64x100000xf32, #tpu.memory_space<hbm>> -> memref<64x128xf32, #tpu.memory_space<hbm>>
    %dma_wait3A_1800 = arith.constant 0 : i32
    %dma_wait3A_1801 = arith.constant 0 : i32
    %dma_wait3A_1802 = tpu.memref_slice %arg6[%dma_wait3A_1793, %dma_wait3A_1800, %dma_wait3A_1801] : memref<8x64x128xf32, #tpu.memory_space<vmem>> -> memref<1x64x128xf32, #tpu.memory_space<vmem>>
    %dma_wait3A_1803 = tpu.memref_squeeze %dma_wait3A_1802 : memref<1x64x128xf32, #tpu.memory_space<vmem>> -> memref<64x128xf32, #tpu.memory_space<vmem>>
    %dma_wait3A_1804 = arith.constant 0 : i32
    %dma_wait3A_1805 = tpu.memref_slice %arg3[%dma_wait3A_1804, %multiple_of3A_988] : memref<64x100000xf32, #tpu.memory_space<hbm>> -> memref<64x128xf32, #tpu.memory_space<hbm>>
    tpu.wait_dma2 semaphore(%arg12 : memref<!tpu.dma_semaphore, #tpu.memory_space<semaphore_mem>>) src(%dma_wait3A_1805 : memref<64x128xf32, #tpu.memory_space<hbm>>) dst(%dma_wait3A_1803 : memref<64x128xf32, #tpu.memory_space<vmem>>)
    %broadcast_in_dim3A_1806 = arith.constant 0 : i32
    %broadcast_in_dim3A_1807 = vector.broadcast %broadcast_in_dim3A_1806 : i32 to vector<16xi32>
    %add3A_1808 = vector.broadcast %and3A_52 : i32 to vector<16xi32>
    %add3A_1809 = arith.addi %broadcast_in_dim3A_1807, %add3A_1808 : vector<16xi32>
    %iota3A_1810 = tpu.iota {dimensions = array<i32: 0>} : vector<16xi32>
    %add3A_1811 = arith.constant 0 : i32
    %add3A_1812 = vector.broadcast %add3A_1811 : i32 to vector<16xi32>
    %add3A_1813 = arith.addi %iota3A_1810, %add3A_1812 : vector<16xi32>
    %gather3A_1814 = arith.constant 4 : i32
    %gather3A_1815 = arith.constant 0 : i32
    %gather3A_1816 = arith.constant 0 : i32
    %gather3A_1817 = tpu.memref_slice %arg6[%gather3A_1814, %gather3A_1815, %gather3A_1816] : memref<8x64x128xf32, #tpu.memory_space<vmem>> -> memref<1x64x128xf32, #tpu.memory_space<vmem>>
    %gather3A_1818 = tpu.memref_squeeze %gather3A_1817 : memref<1x64x128xf32, #tpu.memory_space<vmem>> -> memref<64x128xf32, #tpu.memory_space<vmem>>
    %gather3A_1819 = tpu.vector_load_idx %gather3A_1818[%add3A_1813, %add3A_1809] : memref<64x128xf32, #tpu.memory_space<vmem>>[vector<16xi32>, vector<16xi32>], vector<16xf32>,
    %swap3A_1820 = arith.constant 12 : i32
    %swap3A_1821 = arith.index_cast %swap3A_1820 : i32 to index
    %swap3A_1822 = arith.constant 0 : index
    %swap3A_1823 = tpu.vector_load %arg7[%swap3A_1821, %swap3A_1822] {strides = array<i32>} : memref<32x64xf32, #tpu.memory_space<vmem>>, vector<16xf32>,
    tpu.vector_store %arg7[%swap3A_1821, %swap3A_1822], %gather3A_1819 {strides = array<i32>} : memref<32x64xf32, #tpu.memory_space<vmem>>, vector<16xf32>,
    %iota3A_1824 = tpu.iota {dimensions = array<i32: 0>} : vector<16xi32>
    %add3A_1825 = arith.constant 16 : i32
    %add3A_1826 = vector.broadcast %add3A_1825 : i32 to vector<16xi32>
    %add3A_1827 = arith.addi %iota3A_1824, %add3A_1826 : vector<16xi32>
    %gather3A_1828 = arith.constant 4 : i32
    %gather3A_1829 = arith.constant 0 : i32
    %gather3A_1830 = arith.constant 0 : i32
    %gather3A_1831 = tpu.memref_slice %arg6[%gather3A_1828, %gather3A_1829, %gather3A_1830] : memref<8x64x128xf32, #tpu.memory_space<vmem>> -> memref<1x64x128xf32, #tpu.memory_space<vmem>>
    %gather3A_1832 = tpu.memref_squeeze %gather3A_1831 : memref<1x64x128xf32, #tpu.memory_space<vmem>> -> memref<64x128xf32, #tpu.memory_space<vmem>>
    %gather3A_1833 = tpu.vector_load_idx %gather3A_1832[%add3A_1827, %add3A_1809] : memref<64x128xf32, #tpu.memory_space<vmem>>[vector<16xi32>, vector<16xi32>], vector<16xf32>,
    %swap3A_1834 = arith.constant 12 : i32
    %swap3A_1835 = arith.index_cast %swap3A_1834 : i32 to index
    %swap3A_1836 = arith.constant 16 : index
    %swap3A_1837 = tpu.vector_load %arg7[%swap3A_1835, %swap3A_1836] {strides = array<i32>} : memref<32x64xf32, #tpu.memory_space<vmem>>, vector<16xf32>,
    tpu.vector_store %arg7[%swap3A_1835, %swap3A_1836], %gather3A_1833 {strides = array<i32>} : memref<32x64xf32, #tpu.memory_space<vmem>>, vector<16xf32>,
    %iota3A_1838 = tpu.iota {dimensions = array<i32: 0>} : vector<16xi32>
    %add3A_1839 = arith.constant 32 : i32
    %add3A_1840 = vector.broadcast %add3A_1839 : i32 to vector<16xi32>
    %add3A_1841 = arith.addi %iota3A_1838, %add3A_1840 : vector<16xi32>
    %gather3A_1842 = arith.constant 4 : i32
    %gather3A_1843 = arith.constant 0 : i32
    %gather3A_1844 = arith.constant 0 : i32
    %gather3A_1845 = tpu.memref_slice %arg6[%gather3A_1842, %gather3A_1843, %gather3A_1844] : memref<8x64x128xf32, #tpu.memory_space<vmem>> -> memref<1x64x128xf32, #tpu.memory_space<vmem>>
    %gather3A_1846 = tpu.memref_squeeze %gather3A_1845 : memref<1x64x128xf32, #tpu.memory_space<vmem>> -> memref<64x128xf32, #tpu.memory_space<vmem>>
    %gather3A_1847 = tpu.vector_load_idx %gather3A_1846[%add3A_1841, %add3A_1809] : memref<64x128xf32, #tpu.memory_space<vmem>>[vector<16xi32>, vector<16xi32>], vector<16xf32>,
    %swap3A_1848 = arith.constant 12 : i32
    %swap3A_1849 = arith.index_cast %swap3A_1848 : i32 to index
    %swap3A_1850 = arith.constant 32 : index
    %swap3A_1851 = tpu.vector_load %arg7[%swap3A_1849, %swap3A_1850] {strides = array<i32>} : memref<32x64xf32, #tpu.memory_space<vmem>>, vector<16xf32>,
    tpu.vector_store %arg7[%swap3A_1849, %swap3A_1850], %gather3A_1847 {strides = array<i32>} : memref<32x64xf32, #tpu.memory_space<vmem>>, vector<16xf32>,
    %iota3A_1852 = tpu.iota {dimensions = array<i32: 0>} : vector<16xi32>
    %add3A_1853 = arith.constant 48 : i32
    %add3A_1854 = vector.broadcast %add3A_1853 : i32 to vector<16xi32>
    %add3A_1855 = arith.addi %iota3A_1852, %add3A_1854 : vector<16xi32>
    %gather3A_1856 = arith.constant 4 : i32
    %gather3A_1857 = arith.constant 0 : i32
    %gather3A_1858 = arith.constant 0 : i32
    %gather3A_1859 = tpu.memref_slice %arg6[%gather3A_1856, %gather3A_1857, %gather3A_1858] : memref<8x64x128xf32, #tpu.memory_space<vmem>> -> memref<1x64x128xf32, #tpu.memory_space<vmem>>
    %gather3A_1860 = tpu.memref_squeeze %gather3A_1859 : memref<1x64x128xf32, #tpu.memory_space<vmem>> -> memref<64x128xf32, #tpu.memory_space<vmem>>
    %gather3A_1861 = tpu.vector_load_idx %gather3A_1860[%add3A_1855, %add3A_1809] : memref<64x128xf32, #tpu.memory_space<vmem>>[vector<16xi32>, vector<16xi32>], vector<16xf32>,
    %swap3A_1862 = arith.constant 12 : i32
    %swap3A_1863 = arith.index_cast %swap3A_1862 : i32 to index
    %swap3A_1864 = arith.constant 48 : index
    %swap3A_1865 = tpu.vector_load %arg7[%swap3A_1863, %swap3A_1864] {strides = array<i32>} : memref<32x64xf32, #tpu.memory_space<vmem>>, vector<16xf32>,
    tpu.vector_store %arg7[%swap3A_1863, %swap3A_1864], %gather3A_1861 {strides = array<i32>} : memref<32x64xf32, #tpu.memory_space<vmem>>, vector<16xf32>,
    %jit3A_1866 = arith.constant 128 : i32
    %div3A_1867 = arith.divsi %squeeze3A_84, %jit3A_1866 : i32
    %sign3A_1868 = arith.constant 0 : i32
    %sign3A_1869 = arith.cmpi sgt, %squeeze3A_84, %sign3A_1868 : i32
    %sign3A_1870 = arith.extui %sign3A_1869 : i1 to i32
    %sign3A_1871 = arith.constant 0 : i32
    %sign3A_1872 = arith.cmpi slt, %squeeze3A_84, %sign3A_1871 : i32
    %sign3A_1873 = arith.extui %sign3A_1872 : i1 to i32
    %sign3A_1874 = arith.subi %sign3A_1870, %sign3A_1873 : i32
    %sign3A_1875 = arith.constant 0 : i32
    %sign3A_1876 = arith.cmpi sgt, %jit3A_1866, %sign3A_1875 : i32
    %sign3A_1877 = arith.extui %sign3A_1876 : i1 to i32
    %sign3A_1878 = arith.constant 0 : i32
    %sign3A_1879 = arith.cmpi slt, %jit3A_1866, %sign3A_1878 : i32
    %sign3A_1880 = arith.extui %sign3A_1879 : i1 to i32
    %sign3A_1881 = arith.subi %sign3A_1877, %sign3A_1880 : i32
    %ne3A_1882 = arith.cmpi ne, %sign3A_1874, %sign3A_1881 : i32
    %rem3A_1883 = arith.remsi %squeeze3A_84, %jit3A_1866 : i32
    %ne3A_1884 = arith.constant 0 : i32
    %ne3A_1885 = arith.cmpi ne, %rem3A_1883, %ne3A_1884 : i32
    %and3A_1886 = arith.andi %ne3A_1882, %ne3A_1885 : i1
    %sub3A_1887 = arith.constant 1 : i32
    %sub3A_1888 = arith.subi %div3A_1867, %sub3A_1887 : i32
    %select_n3A_1889 = arith.select %and3A_1886, %sub3A_1888, %div3A_1867 : i32
    %mul3A_1890 = arith.constant 128 : i32
    %mul3A_1891 = arith.muli %select_n3A_1889, %mul3A_1890 : i32
    %multiple_of3A_1892 = tpu.assume_multiple %mul3A_1891, 128 : i32
    %dma_start3A_1893 = arith.constant 4 : i32
    %dma_start3A_1894 = arith.constant 0 : i32
    %dma_start3A_1895 = arith.constant 0 : i32
    %dma_start3A_1896 = tpu.memref_slice %arg6[%dma_start3A_1893, %dma_start3A_1894, %dma_start3A_1895] : memref<8x64x128xf32, #tpu.memory_space<vmem>> -> memref<1x64x128xf32, #tpu.memory_space<vmem>>
    %dma_start3A_1897 = tpu.memref_squeeze %dma_start3A_1896 : memref<1x64x128xf32, #tpu.memory_space<vmem>> -> memref<64x128xf32, #tpu.memory_space<vmem>>
    %dma_start3A_1898 = arith.constant 0 : i32
    %dma_start3A_1899 = tpu.memref_slice %arg3[%dma_start3A_1898, %multiple_of3A_1892] : memref<64x100000xf32, #tpu.memory_space<hbm>> -> memref<64x128xf32, #tpu.memory_space<hbm>>
    %dma_start3A_1900 = arith.constant 0 : i32
    %dma_start3A_1901 = arith.constant 0 : i32
    %dma_start3A_1902 = tpu.memref_slice %arg6[%dma_start3A_1893, %dma_start3A_1900, %dma_start3A_1901] : memref<8x64x128xf32, #tpu.memory_space<vmem>> -> memref<1x64x128xf32, #tpu.memory_space<vmem>>
    %dma_start3A_1903 = tpu.memref_squeeze %dma_start3A_1902 : memref<1x64x128xf32, #tpu.memory_space<vmem>> -> memref<64x128xf32, #tpu.memory_space<vmem>>
    %dma_start3A_1904 = arith.constant 0 : i32
    %dma_start3A_1905 = tpu.memref_slice %arg3[%dma_start3A_1904, %multiple_of3A_1892] : memref<64x100000xf32, #tpu.memory_space<hbm>> -> memref<64x128xf32, #tpu.memory_space<hbm>>
    tpu.enqueue_dma source(%dma_start3A_1905 : memref<64x128xf32, #tpu.memory_space<hbm>>) target(%dma_start3A_1903 : memref<64x128xf32, #tpu.memory_space<vmem>>) target_semaphore(%arg12 : memref<!tpu.dma_semaphore, #tpu.memory_space<semaphore_mem>>)
    %dma_wait3A_1906 = arith.constant 5 : i32
    %dma_wait3A_1907 = arith.constant 0 : i32
    %dma_wait3A_1908 = arith.constant 0 : i32
    %dma_wait3A_1909 = tpu.memref_slice %arg6[%dma_wait3A_1906, %dma_wait3A_1907, %dma_wait3A_1908] : memref<8x64x128xf32, #tpu.memory_space<vmem>> -> memref<1x64x128xf32, #tpu.memory_space<vmem>>
    %dma_wait3A_1910 = tpu.memref_squeeze %dma_wait3A_1909 : memref<1x64x128xf32, #tpu.memory_space<vmem>> -> memref<64x128xf32, #tpu.memory_space<vmem>>
    %dma_wait3A_1911 = arith.constant 0 : i32
    %dma_wait3A_1912 = tpu.memref_slice %arg3[%dma_wait3A_1911, %multiple_of3A_1101] : memref<64x100000xf32, #tpu.memory_space<hbm>> -> memref<64x128xf32, #tpu.memory_space<hbm>>
    %dma_wait3A_1913 = arith.constant 0 : i32
    %dma_wait3A_1914 = arith.constant 0 : i32
    %dma_wait3A_1915 = tpu.memref_slice %arg6[%dma_wait3A_1906, %dma_wait3A_1913, %dma_wait3A_1914] : memref<8x64x128xf32, #tpu.memory_space<vmem>> -> memref<1x64x128xf32, #tpu.memory_space<vmem>>
    %dma_wait3A_1916 = tpu.memref_squeeze %dma_wait3A_1915 : memref<1x64x128xf32, #tpu.memory_space<vmem>> -> memref<64x128xf32, #tpu.memory_space<vmem>>
    %dma_wait3A_1917 = arith.constant 0 : i32
    %dma_wait3A_1918 = tpu.memref_slice %arg3[%dma_wait3A_1917, %multiple_of3A_1101] : memref<64x100000xf32, #tpu.memory_space<hbm>> -> memref<64x128xf32, #tpu.memory_space<hbm>>
    tpu.wait_dma2 semaphore(%arg13 : memref<!tpu.dma_semaphore, #tpu.memory_space<semaphore_mem>>) src(%dma_wait3A_1918 : memref<64x128xf32, #tpu.memory_space<hbm>>) dst(%dma_wait3A_1916 : memref<64x128xf32, #tpu.memory_space<vmem>>)
    %broadcast_in_dim3A_1919 = arith.constant 0 : i32
    %broadcast_in_dim3A_1920 = vector.broadcast %broadcast_in_dim3A_1919 : i32 to vector<16xi32>
    %add3A_1921 = vector.broadcast %and3A_56 : i32 to vector<16xi32>
    %add3A_1922 = arith.addi %broadcast_in_dim3A_1920, %add3A_1921 : vector<16xi32>
    %iota3A_1923 = tpu.iota {dimensions = array<i32: 0>} : vector<16xi32>
    %add3A_1924 = arith.constant 0 : i32
    %add3A_1925 = vector.broadcast %add3A_1924 : i32 to vector<16xi32>
    %add3A_1926 = arith.addi %iota3A_1923, %add3A_1925 : vector<16xi32>
    %gather3A_1927 = arith.constant 5 : i32
    %gather3A_1928 = arith.constant 0 : i32
    %gather3A_1929 = arith.constant 0 : i32
    %gather3A_1930 = tpu.memref_slice %arg6[%gather3A_1927, %gather3A_1928, %gather3A_1929] : memref<8x64x128xf32, #tpu.memory_space<vmem>> -> memref<1x64x128xf32, #tpu.memory_space<vmem>>
    %gather3A_1931 = tpu.memref_squeeze %gather3A_1930 : memref<1x64x128xf32, #tpu.memory_space<vmem>> -> memref<64x128xf32, #tpu.memory_space<vmem>>
    %gather3A_1932 = tpu.vector_load_idx %gather3A_1931[%add3A_1926, %add3A_1922] : memref<64x128xf32, #tpu.memory_space<vmem>>[vector<16xi32>, vector<16xi32>], vector<16xf32>,
    %swap3A_1933 = arith.constant 13 : i32
    %swap3A_1934 = arith.index_cast %swap3A_1933 : i32 to index
    %swap3A_1935 = arith.constant 0 : index
    %swap3A_1936 = tpu.vector_load %arg7[%swap3A_1934, %swap3A_1935] {strides = array<i32>} : memref<32x64xf32, #tpu.memory_space<vmem>>, vector<16xf32>,
    tpu.vector_store %arg7[%swap3A_1934, %swap3A_1935], %gather3A_1932 {strides = array<i32>} : memref<32x64xf32, #tpu.memory_space<vmem>>, vector<16xf32>,
    %iota3A_1937 = tpu.iota {dimensions = array<i32: 0>} : vector<16xi32>
    %add3A_1938 = arith.constant 16 : i32
    %add3A_1939 = vector.broadcast %add3A_1938 : i32 to vector<16xi32>
    %add3A_1940 = arith.addi %iota3A_1937, %add3A_1939 : vector<16xi32>
    %gather3A_1941 = arith.constant 5 : i32
    %gather3A_1942 = arith.constant 0 : i32
    %gather3A_1943 = arith.constant 0 : i32
    %gather3A_1944 = tpu.memref_slice %arg6[%gather3A_1941, %gather3A_1942, %gather3A_1943] : memref<8x64x128xf32, #tpu.memory_space<vmem>> -> memref<1x64x128xf32, #tpu.memory_space<vmem>>
    %gather3A_1945 = tpu.memref_squeeze %gather3A_1944 : memref<1x64x128xf32, #tpu.memory_space<vmem>> -> memref<64x128xf32, #tpu.memory_space<vmem>>
    %gather3A_1946 = tpu.vector_load_idx %gather3A_1945[%add3A_1940, %add3A_1922] : memref<64x128xf32, #tpu.memory_space<vmem>>[vector<16xi32>, vector<16xi32>], vector<16xf32>,
    %swap3A_1947 = arith.constant 13 : i32
    %swap3A_1948 = arith.index_cast %swap3A_1947 : i32 to index
    %swap3A_1949 = arith.constant 16 : index
    %swap3A_1950 = tpu.vector_load %arg7[%swap3A_1948, %swap3A_1949] {strides = array<i32>} : memref<32x64xf32, #tpu.memory_space<vmem>>, vector<16xf32>,
    tpu.vector_store %arg7[%swap3A_1948, %swap3A_1949], %gather3A_1946 {strides = array<i32>} : memref<32x64xf32, #tpu.memory_space<vmem>>, vector<16xf32>,
    %iota3A_1951 = tpu.iota {dimensions = array<i32: 0>} : vector<16xi32>
    %add3A_1952 = arith.constant 32 : i32
    %add3A_1953 = vector.broadcast %add3A_1952 : i32 to vector<16xi32>
    %add3A_1954 = arith.addi %iota3A_1951, %add3A_1953 : vector<16xi32>
    %gather3A_1955 = arith.constant 5 : i32
    %gather3A_1956 = arith.constant 0 : i32
    %gather3A_1957 = arith.constant 0 : i32
    %gather3A_1958 = tpu.memref_slice %arg6[%gather3A_1955, %gather3A_1956, %gather3A_1957] : memref<8x64x128xf32, #tpu.memory_space<vmem>> -> memref<1x64x128xf32, #tpu.memory_space<vmem>>
    %gather3A_1959 = tpu.memref_squeeze %gather3A_1958 : memref<1x64x128xf32, #tpu.memory_space<vmem>> -> memref<64x128xf32, #tpu.memory_space<vmem>>
    %gather3A_1960 = tpu.vector_load_idx %gather3A_1959[%add3A_1954, %add3A_1922] : memref<64x128xf32, #tpu.memory_space<vmem>>[vector<16xi32>, vector<16xi32>], vector<16xf32>,
    %swap3A_1961 = arith.constant 13 : i32
    %swap3A_1962 = arith.index_cast %swap3A_1961 : i32 to index
    %swap3A_1963 = arith.constant 32 : index
    %swap3A_1964 = tpu.vector_load %arg7[%swap3A_1962, %swap3A_1963] {strides = array<i32>} : memref<32x64xf32, #tpu.memory_space<vmem>>, vector<16xf32>,
    tpu.vector_store %arg7[%swap3A_1962, %swap3A_1963], %gather3A_1960 {strides = array<i32>} : memref<32x64xf32, #tpu.memory_space<vmem>>, vector<16xf32>,
    %iota3A_1965 = tpu.iota {dimensions = array<i32: 0>} : vector<16xi32>
    %add3A_1966 = arith.constant 48 : i32
    %add3A_1967 = vector.broadcast %add3A_1966 : i32 to vector<16xi32>
    %add3A_1968 = arith.addi %iota3A_1965, %add3A_1967 : vector<16xi32>
    %gather3A_1969 = arith.constant 5 : i32
    %gather3A_1970 = arith.constant 0 : i32
    %gather3A_1971 = arith.constant 0 : i32
    %gather3A_1972 = tpu.memref_slice %arg6[%gather3A_1969, %gather3A_1970, %gather3A_1971] : memref<8x64x128xf32, #tpu.memory_space<vmem>> -> memref<1x64x128xf32, #tpu.memory_space<vmem>>
    %gather3A_1973 = tpu.memref_squeeze %gather3A_1972 : memref<1x64x128xf32, #tpu.memory_space<vmem>> -> memref<64x128xf32, #tpu.memory_space<vmem>>
    %gather3A_1974 = tpu.vector_load_idx %gather3A_1973[%add3A_1968, %add3A_1922] : memref<64x128xf32, #tpu.memory_space<vmem>>[vector<16xi32>, vector<16xi32>], vector<16xf32>,
    %swap3A_1975 = arith.constant 13 : i32
    %swap3A_1976 = arith.index_cast %swap3A_1975 : i32 to index
    %swap3A_1977 = arith.constant 48 : index
    %swap3A_1978 = tpu.vector_load %arg7[%swap3A_1976, %swap3A_1977] {strides = array<i32>} : memref<32x64xf32, #tpu.memory_space<vmem>>, vector<16xf32>,
    tpu.vector_store %arg7[%swap3A_1976, %swap3A_1977], %gather3A_1974 {strides = array<i32>} : memref<32x64xf32, #tpu.memory_space<vmem>>, vector<16xf32>,
    %jit3A_1979 = arith.constant 128 : i32
    %div3A_1980 = arith.divsi %squeeze3A_88, %jit3A_1979 : i32
    %sign3A_1981 = arith.constant 0 : i32
    %sign3A_1982 = arith.cmpi sgt, %squeeze3A_88, %sign3A_1981 : i32
    %sign3A_1983 = arith.extui %sign3A_1982 : i1 to i32
    %sign3A_1984 = arith.constant 0 : i32
    %sign3A_1985 = arith.cmpi slt, %squeeze3A_88, %sign3A_1984 : i32
    %sign3A_1986 = arith.extui %sign3A_1985 : i1 to i32
    %sign3A_1987 = arith.subi %sign3A_1983, %sign3A_1986 : i32
    %sign3A_1988 = arith.constant 0 : i32
    %sign3A_1989 = arith.cmpi sgt, %jit3A_1979, %sign3A_1988 : i32
    %sign3A_1990 = arith.extui %sign3A_1989 : i1 to i32
    %sign3A_1991 = arith.constant 0 : i32
    %sign3A_1992 = arith.cmpi slt, %jit3A_1979, %sign3A_1991 : i32
    %sign3A_1993 = arith.extui %sign3A_1992 : i1 to i32
    %sign3A_1994 = arith.subi %sign3A_1990, %sign3A_1993 : i32
    %ne3A_1995 = arith.cmpi ne, %sign3A_1987, %sign3A_1994 : i32
    %rem3A_1996 = arith.remsi %squeeze3A_88, %jit3A_1979 : i32
    %ne3A_1997 = arith.constant 0 : i32
    %ne3A_1998 = arith.cmpi ne, %rem3A_1996, %ne3A_1997 : i32
    %and3A_1999 = arith.andi %ne3A_1995, %ne3A_1998 : i1
    %sub3A_2000 = arith.constant 1 : i32
    %sub3A_2001 = arith.subi %div3A_1980, %sub3A_2000 : i32
    %select_n3A_2002 = arith.select %and3A_1999, %sub3A_2001, %div3A_1980 : i32
    %mul3A_2003 = arith.constant 128 : i32
    %mul3A_2004 = arith.muli %select_n3A_2002, %mul3A_2003 : i32
    %multiple_of3A_2005 = tpu.assume_multiple %mul3A_2004, 128 : i32
    %dma_start3A_2006 = arith.constant 5 : i32
    %dma_start3A_2007 = arith.constant 0 : i32
    %dma_start3A_2008 = arith.constant 0 : i32
    %dma_start3A_2009 = tpu.memref_slice %arg6[%dma_start3A_2006, %dma_start3A_2007, %dma_start3A_2008] : memref<8x64x128xf32, #tpu.memory_space<vmem>> -> memref<1x64x128xf32, #tpu.memory_space<vmem>>
    %dma_start3A_2010 = tpu.memref_squeeze %dma_start3A_2009 : memref<1x64x128xf32, #tpu.memory_space<vmem>> -> memref<64x128xf32, #tpu.memory_space<vmem>>
    %dma_start3A_2011 = arith.constant 0 : i32
    %dma_start3A_2012 = tpu.memref_slice %arg3[%dma_start3A_2011, %multiple_of3A_2005] : memref<64x100000xf32, #tpu.memory_space<hbm>> -> memref<64x128xf32, #tpu.memory_space<hbm>>
    %dma_start3A_2013 = arith.constant 0 : i32
    %dma_start3A_2014 = arith.constant 0 : i32
    %dma_start3A_2015 = tpu.memref_slice %arg6[%dma_start3A_2006, %dma_start3A_2013, %dma_start3A_2014] : memref<8x64x128xf32, #tpu.memory_space<vmem>> -> memref<1x64x128xf32, #tpu.memory_space<vmem>>
    %dma_start3A_2016 = tpu.memref_squeeze %dma_start3A_2015 : memref<1x64x128xf32, #tpu.memory_space<vmem>> -> memref<64x128xf32, #tpu.memory_space<vmem>>
    %dma_start3A_2017 = arith.constant 0 : i32
    %dma_start3A_2018 = tpu.memref_slice %arg3[%dma_start3A_2017, %multiple_of3A_2005] : memref<64x100000xf32, #tpu.memory_space<hbm>> -> memref<64x128xf32, #tpu.memory_space<hbm>>
    tpu.enqueue_dma source(%dma_start3A_2018 : memref<64x128xf32, #tpu.memory_space<hbm>>) target(%dma_start3A_2016 : memref<64x128xf32, #tpu.memory_space<vmem>>) target_semaphore(%arg13 : memref<!tpu.dma_semaphore, #tpu.memory_space<semaphore_mem>>)
    %dma_wait3A_2019 = arith.constant 6 : i32
    %dma_wait3A_2020 = arith.constant 0 : i32
    %dma_wait3A_2021 = arith.constant 0 : i32
    %dma_wait3A_2022 = tpu.memref_slice %arg6[%dma_wait3A_2019, %dma_wait3A_2020, %dma_wait3A_2021] : memref<8x64x128xf32, #tpu.memory_space<vmem>> -> memref<1x64x128xf32, #tpu.memory_space<vmem>>
    %dma_wait3A_2023 = tpu.memref_squeeze %dma_wait3A_2022 : memref<1x64x128xf32, #tpu.memory_space<vmem>> -> memref<64x128xf32, #tpu.memory_space<vmem>>
    %dma_wait3A_2024 = arith.constant 0 : i32
    %dma_wait3A_2025 = tpu.memref_slice %arg3[%dma_wait3A_2024, %multiple_of3A_1214] : memref<64x100000xf32, #tpu.memory_space<hbm>> -> memref<64x128xf32, #tpu.memory_space<hbm>>
    %dma_wait3A_2026 = arith.constant 0 : i32
    %dma_wait3A_2027 = arith.constant 0 : i32
    %dma_wait3A_2028 = tpu.memref_slice %arg6[%dma_wait3A_2019, %dma_wait3A_2026, %dma_wait3A_2027] : memref<8x64x128xf32, #tpu.memory_space<vmem>> -> memref<1x64x128xf32, #tpu.memory_space<vmem>>
    %dma_wait3A_2029 = tpu.memref_squeeze %dma_wait3A_2028 : memref<1x64x128xf32, #tpu.memory_space<vmem>> -> memref<64x128xf32, #tpu.memory_space<vmem>>
    %dma_wait3A_2030 = arith.constant 0 : i32
    %dma_wait3A_2031 = tpu.memref_slice %arg3[%dma_wait3A_2030, %multiple_of3A_1214] : memref<64x100000xf32, #tpu.memory_space<hbm>> -> memref<64x128xf32, #tpu.memory_space<hbm>>
    tpu.wait_dma2 semaphore(%arg14 : memref<!tpu.dma_semaphore, #tpu.memory_space<semaphore_mem>>) src(%dma_wait3A_2031 : memref<64x128xf32, #tpu.memory_space<hbm>>) dst(%dma_wait3A_2029 : memref<64x128xf32, #tpu.memory_space<vmem>>)
    %broadcast_in_dim3A_2032 = arith.constant 0 : i32
    %broadcast_in_dim3A_2033 = vector.broadcast %broadcast_in_dim3A_2032 : i32 to vector<16xi32>
    %add3A_2034 = vector.broadcast %and3A_60 : i32 to vector<16xi32>
    %add3A_2035 = arith.addi %broadcast_in_dim3A_2033, %add3A_2034 : vector<16xi32>
    %iota3A_2036 = tpu.iota {dimensions = array<i32: 0>} : vector<16xi32>
    %add3A_2037 = arith.constant 0 : i32
    %add3A_2038 = vector.broadcast %add3A_2037 : i32 to vector<16xi32>
    %add3A_2039 = arith.addi %iota3A_2036, %add3A_2038 : vector<16xi32>
    %gather3A_2040 = arith.constant 6 : i32
    %gather3A_2041 = arith.constant 0 : i32
    %gather3A_2042 = arith.constant 0 : i32
    %gather3A_2043 = tpu.memref_slice %arg6[%gather3A_2040, %gather3A_2041, %gather3A_2042] : memref<8x64x128xf32, #tpu.memory_space<vmem>> -> memref<1x64x128xf32, #tpu.memory_space<vmem>>
    %gather3A_2044 = tpu.memref_squeeze %gather3A_2043 : memref<1x64x128xf32, #tpu.memory_space<vmem>> -> memref<64x128xf32, #tpu.memory_space<vmem>>
    %gather3A_2045 = tpu.vector_load_idx %gather3A_2044[%add3A_2039, %add3A_2035] : memref<64x128xf32, #tpu.memory_space<vmem>>[vector<16xi32>, vector<16xi32>], vector<16xf32>,
    %swap3A_2046 = arith.constant 14 : i32
    %swap3A_2047 = arith.index_cast %swap3A_2046 : i32 to index
    %swap3A_2048 = arith.constant 0 : index
    %swap3A_2049 = tpu.vector_load %arg7[%swap3A_2047, %swap3A_2048] {strides = array<i32>} : memref<32x64xf32, #tpu.memory_space<vmem>>, vector<16xf32>,
    tpu.vector_store %arg7[%swap3A_2047, %swap3A_2048], %gather3A_2045 {strides = array<i32>} : memref<32x64xf32, #tpu.memory_space<vmem>>, vector<16xf32>,
    %iota3A_2050 = tpu.iota {dimensions = array<i32: 0>} : vector<16xi32>
    %add3A_2051 = arith.constant 16 : i32
    %add3A_2052 = vector.broadcast %add3A_2051 : i32 to vector<16xi32>
    %add3A_2053 = arith.addi %iota3A_2050, %add3A_2052 : vector<16xi32>
    %gather3A_2054 = arith.constant 6 : i32
    %gather3A_2055 = arith.constant 0 : i32
    %gather3A_2056 = arith.constant 0 : i32
    %gather3A_2057 = tpu.memref_slice %arg6[%gather3A_2054, %gather3A_2055, %gather3A_2056] : memref<8x64x128xf32, #tpu.memory_space<vmem>> -> memref<1x64x128xf32, #tpu.memory_space<vmem>>
    %gather3A_2058 = tpu.memref_squeeze %gather3A_2057 : memref<1x64x128xf32, #tpu.memory_space<vmem>> -> memref<64x128xf32, #tpu.memory_space<vmem>>
    %gather3A_2059 = tpu.vector_load_idx %gather3A_2058[%add3A_2053, %add3A_2035] : memref<64x128xf32, #tpu.memory_space<vmem>>[vector<16xi32>, vector<16xi32>], vector<16xf32>,
    %swap3A_2060 = arith.constant 14 : i32
    %swap3A_2061 = arith.index_cast %swap3A_2060 : i32 to index
    %swap3A_2062 = arith.constant 16 : index
    %swap3A_2063 = tpu.vector_load %arg7[%swap3A_2061, %swap3A_2062] {strides = array<i32>} : memref<32x64xf32, #tpu.memory_space<vmem>>, vector<16xf32>,
    tpu.vector_store %arg7[%swap3A_2061, %swap3A_2062], %gather3A_2059 {strides = array<i32>} : memref<32x64xf32, #tpu.memory_space<vmem>>, vector<16xf32>,
    %iota3A_2064 = tpu.iota {dimensions = array<i32: 0>} : vector<16xi32>
    %add3A_2065 = arith.constant 32 : i32
    %add3A_2066 = vector.broadcast %add3A_2065 : i32 to vector<16xi32>
    %add3A_2067 = arith.addi %iota3A_2064, %add3A_2066 : vector<16xi32>
    %gather3A_2068 = arith.constant 6 : i32
    %gather3A_2069 = arith.constant 0 : i32
    %gather3A_2070 = arith.constant 0 : i32
    %gather3A_2071 = tpu.memref_slice %arg6[%gather3A_2068, %gather3A_2069, %gather3A_2070] : memref<8x64x128xf32, #tpu.memory_space<vmem>> -> memref<1x64x128xf32, #tpu.memory_space<vmem>>
    %gather3A_2072 = tpu.memref_squeeze %gather3A_2071 : memref<1x64x128xf32, #tpu.memory_space<vmem>> -> memref<64x128xf32, #tpu.memory_space<vmem>>
    %gather3A_2073 = tpu.vector_load_idx %gather3A_2072[%add3A_2067, %add3A_2035] : memref<64x128xf32, #tpu.memory_space<vmem>>[vector<16xi32>, vector<16xi32>], vector<16xf32>,
    %swap3A_2074 = arith.constant 14 : i32
    %swap3A_2075 = arith.index_cast %swap3A_2074 : i32 to index
    %swap3A_2076 = arith.constant 32 : index
    %swap3A_2077 = tpu.vector_load %arg7[%swap3A_2075, %swap3A_2076] {strides = array<i32>} : memref<32x64xf32, #tpu.memory_space<vmem>>, vector<16xf32>,
    tpu.vector_store %arg7[%swap3A_2075, %swap3A_2076], %gather3A_2073 {strides = array<i32>} : memref<32x64xf32, #tpu.memory_space<vmem>>, vector<16xf32>,
    %iota3A_2078 = tpu.iota {dimensions = array<i32: 0>} : vector<16xi32>
    %add3A_2079 = arith.constant 48 : i32
    %add3A_2080 = vector.broadcast %add3A_2079 : i32 to vector<16xi32>
    %add3A_2081 = arith.addi %iota3A_2078, %add3A_2080 : vector<16xi32>
    %gather3A_2082 = arith.constant 6 : i32
    %gather3A_2083 = arith.constant 0 : i32
    %gather3A_2084 = arith.constant 0 : i32
    %gather3A_2085 = tpu.memref_slice %arg6[%gather3A_2082, %gather3A_2083, %gather3A_2084] : memref<8x64x128xf32, #tpu.memory_space<vmem>> -> memref<1x64x128xf32, #tpu.memory_space<vmem>>
    %gather3A_2086 = tpu.memref_squeeze %gather3A_2085 : memref<1x64x128xf32, #tpu.memory_space<vmem>> -> memref<64x128xf32, #tpu.memory_space<vmem>>
    %gather3A_2087 = tpu.vector_load_idx %gather3A_2086[%add3A_2081, %add3A_2035] : memref<64x128xf32, #tpu.memory_space<vmem>>[vector<16xi32>, vector<16xi32>], vector<16xf32>,
    %swap3A_2088 = arith.constant 14 : i32
    %swap3A_2089 = arith.index_cast %swap3A_2088 : i32 to index
    %swap3A_2090 = arith.constant 48 : index
    %swap3A_2091 = tpu.vector_load %arg7[%swap3A_2089, %swap3A_2090] {strides = array<i32>} : memref<32x64xf32, #tpu.memory_space<vmem>>, vector<16xf32>,
    tpu.vector_store %arg7[%swap3A_2089, %swap3A_2090], %gather3A_2087 {strides = array<i32>} : memref<32x64xf32, #tpu.memory_space<vmem>>, vector<16xf32>,
    %jit3A_2092 = arith.constant 128 : i32
    %div3A_2093 = arith.divsi %squeeze3A_92, %jit3A_2092 : i32
    %sign3A_2094 = arith.constant 0 : i32
    %sign3A_2095 = arith.cmpi sgt, %squeeze3A_92, %sign3A_2094 : i32
    %sign3A_2096 = arith.extui %sign3A_2095 : i1 to i32
    %sign3A_2097 = arith.constant 0 : i32
    %sign3A_2098 = arith.cmpi slt, %squeeze3A_92, %sign3A_2097 : i32
    %sign3A_2099 = arith.extui %sign3A_2098 : i1 to i32
    %sign3A_2100 = arith.subi %sign3A_2096, %sign3A_2099 : i32
    %sign3A_2101 = arith.constant 0 : i32
    %sign3A_2102 = arith.cmpi sgt, %jit3A_2092, %sign3A_2101 : i32
    %sign3A_2103 = arith.extui %sign3A_2102 : i1 to i32
    %sign3A_2104 = arith.constant 0 : i32
    %sign3A_2105 = arith.cmpi slt, %jit3A_2092, %sign3A_2104 : i32
    %sign3A_2106 = arith.extui %sign3A_2105 : i1 to i32
    %sign3A_2107 = arith.subi %sign3A_2103, %sign3A_2106 : i32
    %ne3A_2108 = arith.cmpi ne, %sign3A_2100, %sign3A_2107 : i32
    %rem3A_2109 = arith.remsi %squeeze3A_92, %jit3A_2092 : i32
    %ne3A_2110 = arith.constant 0 : i32
    %ne3A_2111 = arith.cmpi ne, %rem3A_2109, %ne3A_2110 : i32
    %and3A_2112 = arith.andi %ne3A_2108, %ne3A_2111 : i1
    %sub3A_2113 = arith.constant 1 : i32
    %sub3A_2114 = arith.subi %div3A_2093, %sub3A_2113 : i32
    %select_n3A_2115 = arith.select %and3A_2112, %sub3A_2114, %div3A_2093 : i32
    %mul3A_2116 = arith.constant 128 : i32
    %mul3A_2117 = arith.muli %select_n3A_2115, %mul3A_2116 : i32
    %multiple_of3A_2118 = tpu.assume_multiple %mul3A_2117, 128 : i32
    %dma_start3A_2119 = arith.constant 6 : i32
    %dma_start3A_2120 = arith.constant 0 : i32
    %dma_start3A_2121 = arith.constant 0 : i32
    %dma_start3A_2122 = tpu.memref_slice %arg6[%dma_start3A_2119, %dma_start3A_2120, %dma_start3A_2121] : memref<8x64x128xf32, #tpu.memory_space<vmem>> -> memref<1x64x128xf32, #tpu.memory_space<vmem>>
    %dma_start3A_2123 = tpu.memref_squeeze %dma_start3A_2122 : memref<1x64x128xf32, #tpu.memory_space<vmem>> -> memref<64x128xf32, #tpu.memory_space<vmem>>
    %dma_start3A_2124 = arith.constant 0 : i32
    %dma_start3A_2125 = tpu.memref_slice %arg3[%dma_start3A_2124, %multiple_of3A_2118] : memref<64x100000xf32, #tpu.memory_space<hbm>> -> memref<64x128xf32, #tpu.memory_space<hbm>>
    %dma_start3A_2126 = arith.constant 0 : i32
    %dma_start3A_2127 = arith.constant 0 : i32
    %dma_start3A_2128 = tpu.memref_slice %arg6[%dma_start3A_2119, %dma_start3A_2126, %dma_start3A_2127] : memref<8x64x128xf32, #tpu.memory_space<vmem>> -> memref<1x64x128xf32, #tpu.memory_space<vmem>>
    %dma_start3A_2129 = tpu.memref_squeeze %dma_start3A_2128 : memref<1x64x128xf32, #tpu.memory_space<vmem>> -> memref<64x128xf32, #tpu.memory_space<vmem>>
    %dma_start3A_2130 = arith.constant 0 : i32
    %dma_start3A_2131 = tpu.memref_slice %arg3[%dma_start3A_2130, %multiple_of3A_2118] : memref<64x100000xf32, #tpu.memory_space<hbm>> -> memref<64x128xf32, #tpu.memory_space<hbm>>
    tpu.enqueue_dma source(%dma_start3A_2131 : memref<64x128xf32, #tpu.memory_space<hbm>>) target(%dma_start3A_2129 : memref<64x128xf32, #tpu.memory_space<vmem>>) target_semaphore(%arg14 : memref<!tpu.dma_semaphore, #tpu.memory_space<semaphore_mem>>)
    %dma_wait3A_2132 = arith.constant 7 : i32
    %dma_wait3A_2133 = arith.constant 0 : i32
    %dma_wait3A_2134 = arith.constant 0 : i32
    %dma_wait3A_2135 = tpu.memref_slice %arg6[%dma_wait3A_2132, %dma_wait3A_2133, %dma_wait3A_2134] : memref<8x64x128xf32, #tpu.memory_space<vmem>> -> memref<1x64x128xf32, #tpu.memory_space<vmem>>
    %dma_wait3A_2136 = tpu.memref_squeeze %dma_wait3A_2135 : memref<1x64x128xf32, #tpu.memory_space<vmem>> -> memref<64x128xf32, #tpu.memory_space<vmem>>
    %dma_wait3A_2137 = arith.constant 0 : i32
    %dma_wait3A_2138 = tpu.memref_slice %arg3[%dma_wait3A_2137, %multiple_of3A_1327] : memref<64x100000xf32, #tpu.memory_space<hbm>> -> memref<64x128xf32, #tpu.memory_space<hbm>>
    %dma_wait3A_2139 = arith.constant 0 : i32
    %dma_wait3A_2140 = arith.constant 0 : i32
    %dma_wait3A_2141 = tpu.memref_slice %arg6[%dma_wait3A_2132, %dma_wait3A_2139, %dma_wait3A_2140] : memref<8x64x128xf32, #tpu.memory_space<vmem>> -> memref<1x64x128xf32, #tpu.memory_space<vmem>>
    %dma_wait3A_2142 = tpu.memref_squeeze %dma_wait3A_2141 : memref<1x64x128xf32, #tpu.memory_space<vmem>> -> memref<64x128xf32, #tpu.memory_space<vmem>>
    %dma_wait3A_2143 = arith.constant 0 : i32
    %dma_wait3A_2144 = tpu.memref_slice %arg3[%dma_wait3A_2143, %multiple_of3A_1327] : memref<64x100000xf32, #tpu.memory_space<hbm>> -> memref<64x128xf32, #tpu.memory_space<hbm>>
    tpu.wait_dma2 semaphore(%arg15 : memref<!tpu.dma_semaphore, #tpu.memory_space<semaphore_mem>>) src(%dma_wait3A_2144 : memref<64x128xf32, #tpu.memory_space<hbm>>) dst(%dma_wait3A_2142 : memref<64x128xf32, #tpu.memory_space<vmem>>)
    %broadcast_in_dim3A_2145 = arith.constant 0 : i32
    %broadcast_in_dim3A_2146 = vector.broadcast %broadcast_in_dim3A_2145 : i32 to vector<16xi32>
    %add3A_2147 = vector.broadcast %and3A_64 : i32 to vector<16xi32>
    %add3A_2148 = arith.addi %broadcast_in_dim3A_2146, %add3A_2147 : vector<16xi32>
    %iota3A_2149 = tpu.iota {dimensions = array<i32: 0>} : vector<16xi32>
    %add3A_2150 = arith.constant 0 : i32
    %add3A_2151 = vector.broadcast %add3A_2150 : i32 to vector<16xi32>
    %add3A_2152 = arith.addi %iota3A_2149, %add3A_2151 : vector<16xi32>
    %gather3A_2153 = arith.constant 7 : i32
    %gather3A_2154 = arith.constant 0 : i32
    %gather3A_2155 = arith.constant 0 : i32
    %gather3A_2156 = tpu.memref_slice %arg6[%gather3A_2153, %gather3A_2154, %gather3A_2155] : memref<8x64x128xf32, #tpu.memory_space<vmem>> -> memref<1x64x128xf32, #tpu.memory_space<vmem>>
    %gather3A_2157 = tpu.memref_squeeze %gather3A_2156 : memref<1x64x128xf32, #tpu.memory_space<vmem>> -> memref<64x128xf32, #tpu.memory_space<vmem>>
    %gather3A_2158 = tpu.vector_load_idx %gather3A_2157[%add3A_2152, %add3A_2148] : memref<64x128xf32, #tpu.memory_space<vmem>>[vector<16xi32>, vector<16xi32>], vector<16xf32>,
    %swap3A_2159 = arith.constant 15 : i32
    %swap3A_2160 = arith.index_cast %swap3A_2159 : i32 to index
    %swap3A_2161 = arith.constant 0 : index
    %swap3A_2162 = tpu.vector_load %arg7[%swap3A_2160, %swap3A_2161] {strides = array<i32>} : memref<32x64xf32, #tpu.memory_space<vmem>>, vector<16xf32>,
    tpu.vector_store %arg7[%swap3A_2160, %swap3A_2161], %gather3A_2158 {strides = array<i32>} : memref<32x64xf32, #tpu.memory_space<vmem>>, vector<16xf32>,
    %iota3A_2163 = tpu.iota {dimensions = array<i32: 0>} : vector<16xi32>
    %add3A_2164 = arith.constant 16 : i32
    %add3A_2165 = vector.broadcast %add3A_2164 : i32 to vector<16xi32>
    %add3A_2166 = arith.addi %iota3A_2163, %add3A_2165 : vector<16xi32>
    %gather3A_2167 = arith.constant 7 : i32
    %gather3A_2168 = arith.constant 0 : i32
    %gather3A_2169 = arith.constant 0 : i32
    %gather3A_2170 = tpu.memref_slice %arg6[%gather3A_2167, %gather3A_2168, %gather3A_2169] : memref<8x64x128xf32, #tpu.memory_space<vmem>> -> memref<1x64x128xf32, #tpu.memory_space<vmem>>
    %gather3A_2171 = tpu.memref_squeeze %gather3A_2170 : memref<1x64x128xf32, #tpu.memory_space<vmem>> -> memref<64x128xf32, #tpu.memory_space<vmem>>
    %gather3A_2172 = tpu.vector_load_idx %gather3A_2171[%add3A_2166, %add3A_2148] : memref<64x128xf32, #tpu.memory_space<vmem>>[vector<16xi32>, vector<16xi32>], vector<16xf32>,
    %swap3A_2173 = arith.constant 15 : i32
    %swap3A_2174 = arith.index_cast %swap3A_2173 : i32 to index
    %swap3A_2175 = arith.constant 16 : index
    %swap3A_2176 = tpu.vector_load %arg7[%swap3A_2174, %swap3A_2175] {strides = array<i32>} : memref<32x64xf32, #tpu.memory_space<vmem>>, vector<16xf32>,
    tpu.vector_store %arg7[%swap3A_2174, %swap3A_2175], %gather3A_2172 {strides = array<i32>} : memref<32x64xf32, #tpu.memory_space<vmem>>, vector<16xf32>,
    %iota3A_2177 = tpu.iota {dimensions = array<i32: 0>} : vector<16xi32>
    %add3A_2178 = arith.constant 32 : i32
    %add3A_2179 = vector.broadcast %add3A_2178 : i32 to vector<16xi32>
    %add3A_2180 = arith.addi %iota3A_2177, %add3A_2179 : vector<16xi32>
    %gather3A_2181 = arith.constant 7 : i32
    %gather3A_2182 = arith.constant 0 : i32
    %gather3A_2183 = arith.constant 0 : i32
    %gather3A_2184 = tpu.memref_slice %arg6[%gather3A_2181, %gather3A_2182, %gather3A_2183] : memref<8x64x128xf32, #tpu.memory_space<vmem>> -> memref<1x64x128xf32, #tpu.memory_space<vmem>>
    %gather3A_2185 = tpu.memref_squeeze %gather3A_2184 : memref<1x64x128xf32, #tpu.memory_space<vmem>> -> memref<64x128xf32, #tpu.memory_space<vmem>>
    %gather3A_2186 = tpu.vector_load_idx %gather3A_2185[%add3A_2180, %add3A_2148] : memref<64x128xf32, #tpu.memory_space<vmem>>[vector<16xi32>, vector<16xi32>], vector<16xf32>,
    %swap3A_2187 = arith.constant 15 : i32
    %swap3A_2188 = arith.index_cast %swap3A_2187 : i32 to index
    %swap3A_2189 = arith.constant 32 : index
    %swap3A_2190 = tpu.vector_load %arg7[%swap3A_2188, %swap3A_2189] {strides = array<i32>} : memref<32x64xf32, #tpu.memory_space<vmem>>, vector<16xf32>,
    tpu.vector_store %arg7[%swap3A_2188, %swap3A_2189], %gather3A_2186 {strides = array<i32>} : memref<32x64xf32, #tpu.memory_space<vmem>>, vector<16xf32>,
    %iota3A_2191 = tpu.iota {dimensions = array<i32: 0>} : vector<16xi32>
    %add3A_2192 = arith.constant 48 : i32
    %add3A_2193 = vector.broadcast %add3A_2192 : i32 to vector<16xi32>
    %add3A_2194 = arith.addi %iota3A_2191, %add3A_2193 : vector<16xi32>
    %gather3A_2195 = arith.constant 7 : i32
    %gather3A_2196 = arith.constant 0 : i32
    %gather3A_2197 = arith.constant 0 : i32
    %gather3A_2198 = tpu.memref_slice %arg6[%gather3A_2195, %gather3A_2196, %gather3A_2197] : memref<8x64x128xf32, #tpu.memory_space<vmem>> -> memref<1x64x128xf32, #tpu.memory_space<vmem>>
    %gather3A_2199 = tpu.memref_squeeze %gather3A_2198 : memref<1x64x128xf32, #tpu.memory_space<vmem>> -> memref<64x128xf32, #tpu.memory_space<vmem>>
    %gather3A_2200 = tpu.vector_load_idx %gather3A_2199[%add3A_2194, %add3A_2148] : memref<64x128xf32, #tpu.memory_space<vmem>>[vector<16xi32>, vector<16xi32>], vector<16xf32>,
    %swap3A_2201 = arith.constant 15 : i32
    %swap3A_2202 = arith.index_cast %swap3A_2201 : i32 to index
    %swap3A_2203 = arith.constant 48 : index
    %swap3A_2204 = tpu.vector_load %arg7[%swap3A_2202, %swap3A_2203] {strides = array<i32>} : memref<32x64xf32, #tpu.memory_space<vmem>>, vector<16xf32>,
    tpu.vector_store %arg7[%swap3A_2202, %swap3A_2203], %gather3A_2200 {strides = array<i32>} : memref<32x64xf32, #tpu.memory_space<vmem>>, vector<16xf32>,
    %jit3A_2205 = arith.constant 128 : i32
    %div3A_2206 = arith.divsi %squeeze3A_96, %jit3A_2205 : i32
    %sign3A_2207 = arith.constant 0 : i32
    %sign3A_2208 = arith.cmpi sgt, %squeeze3A_96, %sign3A_2207 : i32
    %sign3A_2209 = arith.extui %sign3A_2208 : i1 to i32
    %sign3A_2210 = arith.constant 0 : i32
    %sign3A_2211 = arith.cmpi slt, %squeeze3A_96, %sign3A_2210 : i32
    %sign3A_2212 = arith.extui %sign3A_2211 : i1 to i32
    %sign3A_2213 = arith.subi %sign3A_2209, %sign3A_2212 : i32
    %sign3A_2214 = arith.constant 0 : i32
    %sign3A_2215 = arith.cmpi sgt, %jit3A_2205, %sign3A_2214 : i32
    %sign3A_2216 = arith.extui %sign3A_2215 : i1 to i32
    %sign3A_2217 = arith.constant 0 : i32
    %sign3A_2218 = arith.cmpi slt, %jit3A_2205, %sign3A_2217 : i32
    %sign3A_2219 = arith.extui %sign3A_2218 : i1 to i32
    %sign3A_2220 = arith.subi %sign3A_2216, %sign3A_2219 : i32
    %ne3A_2221 = arith.cmpi ne, %sign3A_2213, %sign3A_2220 : i32
    %rem3A_2222 = arith.remsi %squeeze3A_96, %jit3A_2205 : i32
    %ne3A_2223 = arith.constant 0 : i32
    %ne3A_2224 = arith.cmpi ne, %rem3A_2222, %ne3A_2223 : i32
    %and3A_2225 = arith.andi %ne3A_2221, %ne3A_2224 : i1
    %sub3A_2226 = arith.constant 1 : i32
    %sub3A_2227 = arith.subi %div3A_2206, %sub3A_2226 : i32
    %select_n3A_2228 = arith.select %and3A_2225, %sub3A_2227, %div3A_2206 : i32
    %mul3A_2229 = arith.constant 128 : i32
    %mul3A_2230 = arith.muli %select_n3A_2228, %mul3A_2229 : i32
    %multiple_of3A_2231 = tpu.assume_multiple %mul3A_2230, 128 : i32
    %dma_start3A_2232 = arith.constant 7 : i32
    %dma_start3A_2233 = arith.constant 0 : i32
    %dma_start3A_2234 = arith.constant 0 : i32
    %dma_start3A_2235 = tpu.memref_slice %arg6[%dma_start3A_2232, %dma_start3A_2233, %dma_start3A_2234] : memref<8x64x128xf32, #tpu.memory_space<vmem>> -> memref<1x64x128xf32, #tpu.memory_space<vmem>>
    %dma_start3A_2236 = tpu.memref_squeeze %dma_start3A_2235 : memref<1x64x128xf32, #tpu.memory_space<vmem>> -> memref<64x128xf32, #tpu.memory_space<vmem>>
    %dma_start3A_2237 = arith.constant 0 : i32
    %dma_start3A_2238 = tpu.memref_slice %arg3[%dma_start3A_2237, %multiple_of3A_2231] : memref<64x100000xf32, #tpu.memory_space<hbm>> -> memref<64x128xf32, #tpu.memory_space<hbm>>
    %dma_start3A_2239 = arith.constant 0 : i32
    %dma_start3A_2240 = arith.constant 0 : i32
    %dma_start3A_2241 = tpu.memref_slice %arg6[%dma_start3A_2232, %dma_start3A_2239, %dma_start3A_2240] : memref<8x64x128xf32, #tpu.memory_space<vmem>> -> memref<1x64x128xf32, #tpu.memory_space<vmem>>
    %dma_start3A_2242 = tpu.memref_squeeze %dma_start3A_2241 : memref<1x64x128xf32, #tpu.memory_space<vmem>> -> memref<64x128xf32, #tpu.memory_space<vmem>>
    %dma_start3A_2243 = arith.constant 0 : i32
    %dma_start3A_2244 = tpu.memref_slice %arg3[%dma_start3A_2243, %multiple_of3A_2231] : memref<64x100000xf32, #tpu.memory_space<hbm>> -> memref<64x128xf32, #tpu.memory_space<hbm>>
    tpu.enqueue_dma source(%dma_start3A_2244 : memref<64x128xf32, #tpu.memory_space<hbm>>) target(%dma_start3A_2242 : memref<64x128xf32, #tpu.memory_space<vmem>>) target_semaphore(%arg15 : memref<!tpu.dma_semaphore, #tpu.memory_space<semaphore_mem>>)
    %dma_wait3A_2245 = arith.constant 0 : i32
    %dma_wait3A_2246 = arith.constant 0 : i32
    %dma_wait3A_2247 = arith.constant 0 : i32
    %dma_wait3A_2248 = tpu.memref_slice %arg6[%dma_wait3A_2245, %dma_wait3A_2246, %dma_wait3A_2247] : memref<8x64x128xf32, #tpu.memory_space<vmem>> -> memref<1x64x128xf32, #tpu.memory_space<vmem>>
    %dma_wait3A_2249 = tpu.memref_squeeze %dma_wait3A_2248 : memref<1x64x128xf32, #tpu.memory_space<vmem>> -> memref<64x128xf32, #tpu.memory_space<vmem>>
    %dma_wait3A_2250 = arith.constant 0 : i32
    %dma_wait3A_2251 = tpu.memref_slice %arg3[%dma_wait3A_2250, %multiple_of3A_1440] : memref<64x100000xf32, #tpu.memory_space<hbm>> -> memref<64x128xf32, #tpu.memory_space<hbm>>
    %dma_wait3A_2252 = arith.constant 0 : i32
    %dma_wait3A_2253 = arith.constant 0 : i32
    %dma_wait3A_2254 = tpu.memref_slice %arg6[%dma_wait3A_2245, %dma_wait3A_2252, %dma_wait3A_2253] : memref<8x64x128xf32, #tpu.memory_space<vmem>> -> memref<1x64x128xf32, #tpu.memory_space<vmem>>
    %dma_wait3A_2255 = tpu.memref_squeeze %dma_wait3A_2254 : memref<1x64x128xf32, #tpu.memory_space<vmem>> -> memref<64x128xf32, #tpu.memory_space<vmem>>
    %dma_wait3A_2256 = arith.constant 0 : i32
    %dma_wait3A_2257 = tpu.memref_slice %arg3[%dma_wait3A_2256, %multiple_of3A_1440] : memref<64x100000xf32, #tpu.memory_space<hbm>> -> memref<64x128xf32, #tpu.memory_space<hbm>>
    tpu.wait_dma2 semaphore(%arg8 : memref<!tpu.dma_semaphore, #tpu.memory_space<semaphore_mem>>) src(%dma_wait3A_2257 : memref<64x128xf32, #tpu.memory_space<hbm>>) dst(%dma_wait3A_2255 : memref<64x128xf32, #tpu.memory_space<vmem>>)
    %broadcast_in_dim3A_2258 = arith.constant 0 : i32
    %broadcast_in_dim3A_2259 = vector.broadcast %broadcast_in_dim3A_2258 : i32 to vector<16xi32>
    %add3A_2260 = vector.broadcast %and3A_70 : i32 to vector<16xi32>
    %add3A_2261 = arith.addi %broadcast_in_dim3A_2259, %add3A_2260 : vector<16xi32>
    %iota3A_2262 = tpu.iota {dimensions = array<i32: 0>} : vector<16xi32>
    %add3A_2263 = arith.constant 0 : i32
    %add3A_2264 = vector.broadcast %add3A_2263 : i32 to vector<16xi32>
    %add3A_2265 = arith.addi %iota3A_2262, %add3A_2264 : vector<16xi32>
    %gather3A_2266 = arith.constant 0 : i32
    %gather3A_2267 = arith.constant 0 : i32
    %gather3A_2268 = arith.constant 0 : i32
    %gather3A_2269 = tpu.memref_slice %arg6[%gather3A_2266, %gather3A_2267, %gather3A_2268] : memref<8x64x128xf32, #tpu.memory_space<vmem>> -> memref<1x64x128xf32, #tpu.memory_space<vmem>>
    %gather3A_2270 = tpu.memref_squeeze %gather3A_2269 : memref<1x64x128xf32, #tpu.memory_space<vmem>> -> memref<64x128xf32, #tpu.memory_space<vmem>>
    %gather3A_2271 = tpu.vector_load_idx %gather3A_2270[%add3A_2265, %add3A_2261] : memref<64x128xf32, #tpu.memory_space<vmem>>[vector<16xi32>, vector<16xi32>], vector<16xf32>,
    %swap3A_2272 = arith.constant 16 : i32
    %swap3A_2273 = arith.index_cast %swap3A_2272 : i32 to index
    %swap3A_2274 = arith.constant 0 : index
    %swap3A_2275 = tpu.vector_load %arg7[%swap3A_2273, %swap3A_2274] {strides = array<i32>} : memref<32x64xf32, #tpu.memory_space<vmem>>, vector<16xf32>,
    tpu.vector_store %arg7[%swap3A_2273, %swap3A_2274], %gather3A_2271 {strides = array<i32>} : memref<32x64xf32, #tpu.memory_space<vmem>>, vector<16xf32>,
    %iota3A_2276 = tpu.iota {dimensions = array<i32: 0>} : vector<16xi32>
    %add3A_2277 = arith.constant 16 : i32
    %add3A_2278 = vector.broadcast %add3A_2277 : i32 to vector<16xi32>
    %add3A_2279 = arith.addi %iota3A_2276, %add3A_2278 : vector<16xi32>
    %gather3A_2280 = arith.constant 0 : i32
    %gather3A_2281 = arith.constant 0 : i32
    %gather3A_2282 = arith.constant 0 : i32
    %gather3A_2283 = tpu.memref_slice %arg6[%gather3A_2280, %gather3A_2281, %gather3A_2282] : memref<8x64x128xf32, #tpu.memory_space<vmem>> -> memref<1x64x128xf32, #tpu.memory_space<vmem>>
    %gather3A_2284 = tpu.memref_squeeze %gather3A_2283 : memref<1x64x128xf32, #tpu.memory_space<vmem>> -> memref<64x128xf32, #tpu.memory_space<vmem>>
    %gather3A_2285 = tpu.vector_load_idx %gather3A_2284[%add3A_2279, %add3A_2261] : memref<64x128xf32, #tpu.memory_space<vmem>>[vector<16xi32>, vector<16xi32>], vector<16xf32>,
    %swap3A_2286 = arith.constant 16 : i32
    %swap3A_2287 = arith.index_cast %swap3A_2286 : i32 to index
    %swap3A_2288 = arith.constant 16 : index
    %swap3A_2289 = tpu.vector_load %arg7[%swap3A_2287, %swap3A_2288] {strides = array<i32>} : memref<32x64xf32, #tpu.memory_space<vmem>>, vector<16xf32>,
    tpu.vector_store %arg7[%swap3A_2287, %swap3A_2288], %gather3A_2285 {strides = array<i32>} : memref<32x64xf32, #tpu.memory_space<vmem>>, vector<16xf32>,
    %iota3A_2290 = tpu.iota {dimensions = array<i32: 0>} : vector<16xi32>
    %add3A_2291 = arith.constant 32 : i32
    %add3A_2292 = vector.broadcast %add3A_2291 : i32 to vector<16xi32>
    %add3A_2293 = arith.addi %iota3A_2290, %add3A_2292 : vector<16xi32>
    %gather3A_2294 = arith.constant 0 : i32
    %gather3A_2295 = arith.constant 0 : i32
    %gather3A_2296 = arith.constant 0 : i32
    %gather3A_2297 = tpu.memref_slice %arg6[%gather3A_2294, %gather3A_2295, %gather3A_2296] : memref<8x64x128xf32, #tpu.memory_space<vmem>> -> memref<1x64x128xf32, #tpu.memory_space<vmem>>
    %gather3A_2298 = tpu.memref_squeeze %gather3A_2297 : memref<1x64x128xf32, #tpu.memory_space<vmem>> -> memref<64x128xf32, #tpu.memory_space<vmem>>
    %gather3A_2299 = tpu.vector_load_idx %gather3A_2298[%add3A_2293, %add3A_2261] : memref<64x128xf32, #tpu.memory_space<vmem>>[vector<16xi32>, vector<16xi32>], vector<16xf32>,
    %swap3A_2300 = arith.constant 16 : i32
    %swap3A_2301 = arith.index_cast %swap3A_2300 : i32 to index
    %swap3A_2302 = arith.constant 32 : index
    %swap3A_2303 = tpu.vector_load %arg7[%swap3A_2301, %swap3A_2302] {strides = array<i32>} : memref<32x64xf32, #tpu.memory_space<vmem>>, vector<16xf32>,
    tpu.vector_store %arg7[%swap3A_2301, %swap3A_2302], %gather3A_2299 {strides = array<i32>} : memref<32x64xf32, #tpu.memory_space<vmem>>, vector<16xf32>,
    %iota3A_2304 = tpu.iota {dimensions = array<i32: 0>} : vector<16xi32>
    %add3A_2305 = arith.constant 48 : i32
    %add3A_2306 = vector.broadcast %add3A_2305 : i32 to vector<16xi32>
    %add3A_2307 = arith.addi %iota3A_2304, %add3A_2306 : vector<16xi32>
    %gather3A_2308 = arith.constant 0 : i32
    %gather3A_2309 = arith.constant 0 : i32
    %gather3A_2310 = arith.constant 0 : i32
    %gather3A_2311 = tpu.memref_slice %arg6[%gather3A_2308, %gather3A_2309, %gather3A_2310] : memref<8x64x128xf32, #tpu.memory_space<vmem>> -> memref<1x64x128xf32, #tpu.memory_space<vmem>>
    %gather3A_2312 = tpu.memref_squeeze %gather3A_2311 : memref<1x64x128xf32, #tpu.memory_space<vmem>> -> memref<64x128xf32, #tpu.memory_space<vmem>>
    %gather3A_2313 = tpu.vector_load_idx %gather3A_2312[%add3A_2307, %add3A_2261] : memref<64x128xf32, #tpu.memory_space<vmem>>[vector<16xi32>, vector<16xi32>], vector<16xf32>,
    %swap3A_2314 = arith.constant 16 : i32
    %swap3A_2315 = arith.index_cast %swap3A_2314 : i32 to index
    %swap3A_2316 = arith.constant 48 : index
    %swap3A_2317 = tpu.vector_load %arg7[%swap3A_2315, %swap3A_2316] {strides = array<i32>} : memref<32x64xf32, #tpu.memory_space<vmem>>, vector<16xf32>,
    tpu.vector_store %arg7[%swap3A_2315, %swap3A_2316], %gather3A_2313 {strides = array<i32>} : memref<32x64xf32, #tpu.memory_space<vmem>>, vector<16xf32>,
    %jit3A_2318 = arith.constant 128 : i32
    %div3A_2319 = arith.divsi %squeeze3A_100, %jit3A_2318 : i32
    %sign3A_2320 = arith.constant 0 : i32
    %sign3A_2321 = arith.cmpi sgt, %squeeze3A_100, %sign3A_2320 : i32
    %sign3A_2322 = arith.extui %sign3A_2321 : i1 to i32
    %sign3A_2323 = arith.constant 0 : i32
    %sign3A_2324 = arith.cmpi slt, %squeeze3A_100, %sign3A_2323 : i32
    %sign3A_2325 = arith.extui %sign3A_2324 : i1 to i32
    %sign3A_2326 = arith.subi %sign3A_2322, %sign3A_2325 : i32
    %sign3A_2327 = arith.constant 0 : i32
    %sign3A_2328 = arith.cmpi sgt, %jit3A_2318, %sign3A_2327 : i32
    %sign3A_2329 = arith.extui %sign3A_2328 : i1 to i32
    %sign3A_2330 = arith.constant 0 : i32
    %sign3A_2331 = arith.cmpi slt, %jit3A_2318, %sign3A_2330 : i32
    %sign3A_2332 = arith.extui %sign3A_2331 : i1 to i32
    %sign3A_2333 = arith.subi %sign3A_2329, %sign3A_2332 : i32
    %ne3A_2334 = arith.cmpi ne, %sign3A_2326, %sign3A_2333 : i32
    %rem3A_2335 = arith.remsi %squeeze3A_100, %jit3A_2318 : i32
    %ne3A_2336 = arith.constant 0 : i32
    %ne3A_2337 = arith.cmpi ne, %rem3A_2335, %ne3A_2336 : i32
    %and3A_2338 = arith.andi %ne3A_2334, %ne3A_2337 : i1
    %sub3A_2339 = arith.constant 1 : i32
    %sub3A_2340 = arith.subi %div3A_2319, %sub3A_2339 : i32
    %select_n3A_2341 = arith.select %and3A_2338, %sub3A_2340, %div3A_2319 : i32
    %mul3A_2342 = arith.constant 128 : i32
    %mul3A_2343 = arith.muli %select_n3A_2341, %mul3A_2342 : i32
    %multiple_of3A_2344 = tpu.assume_multiple %mul3A_2343, 128 : i32
    %dma_start3A_2345 = arith.constant 0 : i32
    %dma_start3A_2346 = arith.constant 0 : i32
    %dma_start3A_2347 = arith.constant 0 : i32
    %dma_start3A_2348 = tpu.memref_slice %arg6[%dma_start3A_2345, %dma_start3A_2346, %dma_start3A_2347] : memref<8x64x128xf32, #tpu.memory_space<vmem>> -> memref<1x64x128xf32, #tpu.memory_space<vmem>>
    %dma_start3A_2349 = tpu.memref_squeeze %dma_start3A_2348 : memref<1x64x128xf32, #tpu.memory_space<vmem>> -> memref<64x128xf32, #tpu.memory_space<vmem>>
    %dma_start3A_2350 = arith.constant 0 : i32
    %dma_start3A_2351 = tpu.memref_slice %arg3[%dma_start3A_2350, %multiple_of3A_2344] : memref<64x100000xf32, #tpu.memory_space<hbm>> -> memref<64x128xf32, #tpu.memory_space<hbm>>
    %dma_start3A_2352 = arith.constant 0 : i32
    %dma_start3A_2353 = arith.constant 0 : i32
    %dma_start3A_2354 = tpu.memref_slice %arg6[%dma_start3A_2345, %dma_start3A_2352, %dma_start3A_2353] : memref<8x64x128xf32, #tpu.memory_space<vmem>> -> memref<1x64x128xf32, #tpu.memory_space<vmem>>
    %dma_start3A_2355 = tpu.memref_squeeze %dma_start3A_2354 : memref<1x64x128xf32, #tpu.memory_space<vmem>> -> memref<64x128xf32, #tpu.memory_space<vmem>>
    %dma_start3A_2356 = arith.constant 0 : i32
    %dma_start3A_2357 = tpu.memref_slice %arg3[%dma_start3A_2356, %multiple_of3A_2344] : memref<64x100000xf32, #tpu.memory_space<hbm>> -> memref<64x128xf32, #tpu.memory_space<hbm>>
    tpu.enqueue_dma source(%dma_start3A_2357 : memref<64x128xf32, #tpu.memory_space<hbm>>) target(%dma_start3A_2355 : memref<64x128xf32, #tpu.memory_space<vmem>>) target_semaphore(%arg8 : memref<!tpu.dma_semaphore, #tpu.memory_space<semaphore_mem>>)
    %dma_wait3A_2358 = arith.constant 1 : i32
    %dma_wait3A_2359 = arith.constant 0 : i32
    %dma_wait3A_2360 = arith.constant 0 : i32
    %dma_wait3A_2361 = tpu.memref_slice %arg6[%dma_wait3A_2358, %dma_wait3A_2359, %dma_wait3A_2360] : memref<8x64x128xf32, #tpu.memory_space<vmem>> -> memref<1x64x128xf32, #tpu.memory_space<vmem>>
    %dma_wait3A_2362 = tpu.memref_squeeze %dma_wait3A_2361 : memref<1x64x128xf32, #tpu.memory_space<vmem>> -> memref<64x128xf32, #tpu.memory_space<vmem>>
    %dma_wait3A_2363 = arith.constant 0 : i32
    %dma_wait3A_2364 = tpu.memref_slice %arg3[%dma_wait3A_2363, %multiple_of3A_1553] : memref<64x100000xf32, #tpu.memory_space<hbm>> -> memref<64x128xf32, #tpu.memory_space<hbm>>
    %dma_wait3A_2365 = arith.constant 0 : i32
    %dma_wait3A_2366 = arith.constant 0 : i32
    %dma_wait3A_2367 = tpu.memref_slice %arg6[%dma_wait3A_2358, %dma_wait3A_2365, %dma_wait3A_2366] : memref<8x64x128xf32, #tpu.memory_space<vmem>> -> memref<1x64x128xf32, #tpu.memory_space<vmem>>
    %dma_wait3A_2368 = tpu.memref_squeeze %dma_wait3A_2367 : memref<1x64x128xf32, #tpu.memory_space<vmem>> -> memref<64x128xf32, #tpu.memory_space<vmem>>
    %dma_wait3A_2369 = arith.constant 0 : i32
    %dma_wait3A_2370 = tpu.memref_slice %arg3[%dma_wait3A_2369, %multiple_of3A_1553] : memref<64x100000xf32, #tpu.memory_space<hbm>> -> memref<64x128xf32, #tpu.memory_space<hbm>>
    tpu.wait_dma2 semaphore(%arg9 : memref<!tpu.dma_semaphore, #tpu.memory_space<semaphore_mem>>) src(%dma_wait3A_2370 : memref<64x128xf32, #tpu.memory_space<hbm>>) dst(%dma_wait3A_2368 : memref<64x128xf32, #tpu.memory_space<vmem>>)
    %broadcast_in_dim3A_2371 = arith.constant 0 : i32
    %broadcast_in_dim3A_2372 = vector.broadcast %broadcast_in_dim3A_2371 : i32 to vector<16xi32>
    %add3A_2373 = vector.broadcast %and3A_74 : i32 to vector<16xi32>
    %add3A_2374 = arith.addi %broadcast_in_dim3A_2372, %add3A_2373 : vector<16xi32>
    %iota3A_2375 = tpu.iota {dimensions = array<i32: 0>} : vector<16xi32>
    %add3A_2376 = arith.constant 0 : i32
    %add3A_2377 = vector.broadcast %add3A_2376 : i32 to vector<16xi32>
    %add3A_2378 = arith.addi %iota3A_2375, %add3A_2377 : vector<16xi32>
    %gather3A_2379 = arith.constant 1 : i32
    %gather3A_2380 = arith.constant 0 : i32
    %gather3A_2381 = arith.constant 0 : i32
    %gather3A_2382 = tpu.memref_slice %arg6[%gather3A_2379, %gather3A_2380, %gather3A_2381] : memref<8x64x128xf32, #tpu.memory_space<vmem>> -> memref<1x64x128xf32, #tpu.memory_space<vmem>>
    %gather3A_2383 = tpu.memref_squeeze %gather3A_2382 : memref<1x64x128xf32, #tpu.memory_space<vmem>> -> memref<64x128xf32, #tpu.memory_space<vmem>>
    %gather3A_2384 = tpu.vector_load_idx %gather3A_2383[%add3A_2378, %add3A_2374] : memref<64x128xf32, #tpu.memory_space<vmem>>[vector<16xi32>, vector<16xi32>], vector<16xf32>,
    %swap3A_2385 = arith.constant 17 : i32
    %swap3A_2386 = arith.index_cast %swap3A_2385 : i32 to index
    %swap3A_2387 = arith.constant 0 : index
    %swap3A_2388 = tpu.vector_load %arg7[%swap3A_2386, %swap3A_2387] {strides = array<i32>} : memref<32x64xf32, #tpu.memory_space<vmem>>, vector<16xf32>,
    tpu.vector_store %arg7[%swap3A_2386, %swap3A_2387], %gather3A_2384 {strides = array<i32>} : memref<32x64xf32, #tpu.memory_space<vmem>>, vector<16xf32>,
    %iota3A_2389 = tpu.iota {dimensions = array<i32: 0>} : vector<16xi32>
    %add3A_2390 = arith.constant 16 : i32
    %add3A_2391 = vector.broadcast %add3A_2390 : i32 to vector<16xi32>
    %add3A_2392 = arith.addi %iota3A_2389, %add3A_2391 : vector<16xi32>
    %gather3A_2393 = arith.constant 1 : i32
    %gather3A_2394 = arith.constant 0 : i32
    %gather3A_2395 = arith.constant 0 : i32
    %gather3A_2396 = tpu.memref_slice %arg6[%gather3A_2393, %gather3A_2394, %gather3A_2395] : memref<8x64x128xf32, #tpu.memory_space<vmem>> -> memref<1x64x128xf32, #tpu.memory_space<vmem>>
    %gather3A_2397 = tpu.memref_squeeze %gather3A_2396 : memref<1x64x128xf32, #tpu.memory_space<vmem>> -> memref<64x128xf32, #tpu.memory_space<vmem>>
    %gather3A_2398 = tpu.vector_load_idx %gather3A_2397[%add3A_2392, %add3A_2374] : memref<64x128xf32, #tpu.memory_space<vmem>>[vector<16xi32>, vector<16xi32>], vector<16xf32>,
    %swap3A_2399 = arith.constant 17 : i32
    %swap3A_2400 = arith.index_cast %swap3A_2399 : i32 to index
    %swap3A_2401 = arith.constant 16 : index
    %swap3A_2402 = tpu.vector_load %arg7[%swap3A_2400, %swap3A_2401] {strides = array<i32>} : memref<32x64xf32, #tpu.memory_space<vmem>>, vector<16xf32>,
    tpu.vector_store %arg7[%swap3A_2400, %swap3A_2401], %gather3A_2398 {strides = array<i32>} : memref<32x64xf32, #tpu.memory_space<vmem>>, vector<16xf32>,
    %iota3A_2403 = tpu.iota {dimensions = array<i32: 0>} : vector<16xi32>
    %add3A_2404 = arith.constant 32 : i32
    %add3A_2405 = vector.broadcast %add3A_2404 : i32 to vector<16xi32>
    %add3A_2406 = arith.addi %iota3A_2403, %add3A_2405 : vector<16xi32>
    %gather3A_2407 = arith.constant 1 : i32
    %gather3A_2408 = arith.constant 0 : i32
    %gather3A_2409 = arith.constant 0 : i32
    %gather3A_2410 = tpu.memref_slice %arg6[%gather3A_2407, %gather3A_2408, %gather3A_2409] : memref<8x64x128xf32, #tpu.memory_space<vmem>> -> memref<1x64x128xf32, #tpu.memory_space<vmem>>
    %gather3A_2411 = tpu.memref_squeeze %gather3A_2410 : memref<1x64x128xf32, #tpu.memory_space<vmem>> -> memref<64x128xf32, #tpu.memory_space<vmem>>
    %gather3A_2412 = tpu.vector_load_idx %gather3A_2411[%add3A_2406, %add3A_2374] : memref<64x128xf32, #tpu.memory_space<vmem>>[vector<16xi32>, vector<16xi32>], vector<16xf32>,
    %swap3A_2413 = arith.constant 17 : i32
    %swap3A_2414 = arith.index_cast %swap3A_2413 : i32 to index
    %swap3A_2415 = arith.constant 32 : index
    %swap3A_2416 = tpu.vector_load %arg7[%swap3A_2414, %swap3A_2415] {strides = array<i32>} : memref<32x64xf32, #tpu.memory_space<vmem>>, vector<16xf32>,
    tpu.vector_store %arg7[%swap3A_2414, %swap3A_2415], %gather3A_2412 {strides = array<i32>} : memref<32x64xf32, #tpu.memory_space<vmem>>, vector<16xf32>,
    %iota3A_2417 = tpu.iota {dimensions = array<i32: 0>} : vector<16xi32>
    %add3A_2418 = arith.constant 48 : i32
    %add3A_2419 = vector.broadcast %add3A_2418 : i32 to vector<16xi32>
    %add3A_2420 = arith.addi %iota3A_2417, %add3A_2419 : vector<16xi32>
    %gather3A_2421 = arith.constant 1 : i32
    %gather3A_2422 = arith.constant 0 : i32
    %gather3A_2423 = arith.constant 0 : i32
    %gather3A_2424 = tpu.memref_slice %arg6[%gather3A_2421, %gather3A_2422, %gather3A_2423] : memref<8x64x128xf32, #tpu.memory_space<vmem>> -> memref<1x64x128xf32, #tpu.memory_space<vmem>>
    %gather3A_2425 = tpu.memref_squeeze %gather3A_2424 : memref<1x64x128xf32, #tpu.memory_space<vmem>> -> memref<64x128xf32, #tpu.memory_space<vmem>>
    %gather3A_2426 = tpu.vector_load_idx %gather3A_2425[%add3A_2420, %add3A_2374] : memref<64x128xf32, #tpu.memory_space<vmem>>[vector<16xi32>, vector<16xi32>], vector<16xf32>,
    %swap3A_2427 = arith.constant 17 : i32
    %swap3A_2428 = arith.index_cast %swap3A_2427 : i32 to index
    %swap3A_2429 = arith.constant 48 : index
    %swap3A_2430 = tpu.vector_load %arg7[%swap3A_2428, %swap3A_2429] {strides = array<i32>} : memref<32x64xf32, #tpu.memory_space<vmem>>, vector<16xf32>,
    tpu.vector_store %arg7[%swap3A_2428, %swap3A_2429], %gather3A_2426 {strides = array<i32>} : memref<32x64xf32, #tpu.memory_space<vmem>>, vector<16xf32>,
    %jit3A_2431 = arith.constant 128 : i32
    %div3A_2432 = arith.divsi %squeeze3A_104, %jit3A_2431 : i32
    %sign3A_2433 = arith.constant 0 : i32
    %sign3A_2434 = arith.cmpi sgt, %squeeze3A_104, %sign3A_2433 : i32
    %sign3A_2435 = arith.extui %sign3A_2434 : i1 to i32
    %sign3A_2436 = arith.constant 0 : i32
    %sign3A_2437 = arith.cmpi slt, %squeeze3A_104, %sign3A_2436 : i32
    %sign3A_2438 = arith.extui %sign3A_2437 : i1 to i32
    %sign3A_2439 = arith.subi %sign3A_2435, %sign3A_2438 : i32
    %sign3A_2440 = arith.constant 0 : i32
    %sign3A_2441 = arith.cmpi sgt, %jit3A_2431, %sign3A_2440 : i32
    %sign3A_2442 = arith.extui %sign3A_2441 : i1 to i32
    %sign3A_2443 = arith.constant 0 : i32
    %sign3A_2444 = arith.cmpi slt, %jit3A_2431, %sign3A_2443 : i32
    %sign3A_2445 = arith.extui %sign3A_2444 : i1 to i32
    %sign3A_2446 = arith.subi %sign3A_2442, %sign3A_2445 : i32
    %ne3A_2447 = arith.cmpi ne, %sign3A_2439, %sign3A_2446 : i32
    %rem3A_2448 = arith.remsi %squeeze3A_104, %jit3A_2431 : i32
    %ne3A_2449 = arith.constant 0 : i32
    %ne3A_2450 = arith.cmpi ne, %rem3A_2448, %ne3A_2449 : i32
    %and3A_2451 = arith.andi %ne3A_2447, %ne3A_2450 : i1
    %sub3A_2452 = arith.constant 1 : i32
    %sub3A_2453 = arith.subi %div3A_2432, %sub3A_2452 : i32
    %select_n3A_2454 = arith.select %and3A_2451, %sub3A_2453, %div3A_2432 : i32
    %mul3A_2455 = arith.constant 128 : i32
    %mul3A_2456 = arith.muli %select_n3A_2454, %mul3A_2455 : i32
    %multiple_of3A_2457 = tpu.assume_multiple %mul3A_2456, 128 : i32
    %dma_start3A_2458 = arith.constant 1 : i32
    %dma_start3A_2459 = arith.constant 0 : i32
    %dma_start3A_2460 = arith.constant 0 : i32
    %dma_start3A_2461 = tpu.memref_slice %arg6[%dma_start3A_2458, %dma_start3A_2459, %dma_start3A_2460] : memref<8x64x128xf32, #tpu.memory_space<vmem>> -> memref<1x64x128xf32, #tpu.memory_space<vmem>>
    %dma_start3A_2462 = tpu.memref_squeeze %dma_start3A_2461 : memref<1x64x128xf32, #tpu.memory_space<vmem>> -> memref<64x128xf32, #tpu.memory_space<vmem>>
    %dma_start3A_2463 = arith.constant 0 : i32
    %dma_start3A_2464 = tpu.memref_slice %arg3[%dma_start3A_2463, %multiple_of3A_2457] : memref<64x100000xf32, #tpu.memory_space<hbm>> -> memref<64x128xf32, #tpu.memory_space<hbm>>
    %dma_start3A_2465 = arith.constant 0 : i32
    %dma_start3A_2466 = arith.constant 0 : i32
    %dma_start3A_2467 = tpu.memref_slice %arg6[%dma_start3A_2458, %dma_start3A_2465, %dma_start3A_2466] : memref<8x64x128xf32, #tpu.memory_space<vmem>> -> memref<1x64x128xf32, #tpu.memory_space<vmem>>
    %dma_start3A_2468 = tpu.memref_squeeze %dma_start3A_2467 : memref<1x64x128xf32, #tpu.memory_space<vmem>> -> memref<64x128xf32, #tpu.memory_space<vmem>>
    %dma_start3A_2469 = arith.constant 0 : i32
    %dma_start3A_2470 = tpu.memref_slice %arg3[%dma_start3A_2469, %multiple_of3A_2457] : memref<64x100000xf32, #tpu.memory_space<hbm>> -> memref<64x128xf32, #tpu.memory_space<hbm>>
    tpu.enqueue_dma source(%dma_start3A_2470 : memref<64x128xf32, #tpu.memory_space<hbm>>) target(%dma_start3A_2468 : memref<64x128xf32, #tpu.memory_space<vmem>>) target_semaphore(%arg9 : memref<!tpu.dma_semaphore, #tpu.memory_space<semaphore_mem>>)
    %dma_wait3A_2471 = arith.constant 2 : i32
    %dma_wait3A_2472 = arith.constant 0 : i32
    %dma_wait3A_2473 = arith.constant 0 : i32
    %dma_wait3A_2474 = tpu.memref_slice %arg6[%dma_wait3A_2471, %dma_wait3A_2472, %dma_wait3A_2473] : memref<8x64x128xf32, #tpu.memory_space<vmem>> -> memref<1x64x128xf32, #tpu.memory_space<vmem>>
    %dma_wait3A_2475 = tpu.memref_squeeze %dma_wait3A_2474 : memref<1x64x128xf32, #tpu.memory_space<vmem>> -> memref<64x128xf32, #tpu.memory_space<vmem>>
    %dma_wait3A_2476 = arith.constant 0 : i32
    %dma_wait3A_2477 = tpu.memref_slice %arg3[%dma_wait3A_2476, %multiple_of3A_1666] : memref<64x100000xf32, #tpu.memory_space<hbm>> -> memref<64x128xf32, #tpu.memory_space<hbm>>
    %dma_wait3A_2478 = arith.constant 0 : i32
    %dma_wait3A_2479 = arith.constant 0 : i32
    %dma_wait3A_2480 = tpu.memref_slice %arg6[%dma_wait3A_2471, %dma_wait3A_2478, %dma_wait3A_2479] : memref<8x64x128xf32, #tpu.memory_space<vmem>> -> memref<1x64x128xf32, #tpu.memory_space<vmem>>
    %dma_wait3A_2481 = tpu.memref_squeeze %dma_wait3A_2480 : memref<1x64x128xf32, #tpu.memory_space<vmem>> -> memref<64x128xf32, #tpu.memory_space<vmem>>
    %dma_wait3A_2482 = arith.constant 0 : i32
    %dma_wait3A_2483 = tpu.memref_slice %arg3[%dma_wait3A_2482, %multiple_of3A_1666] : memref<64x100000xf32, #tpu.memory_space<hbm>> -> memref<64x128xf32, #tpu.memory_space<hbm>>
    tpu.wait_dma2 semaphore(%arg10 : memref<!tpu.dma_semaphore, #tpu.memory_space<semaphore_mem>>) src(%dma_wait3A_2483 : memref<64x128xf32, #tpu.memory_space<hbm>>) dst(%dma_wait3A_2481 : memref<64x128xf32, #tpu.memory_space<vmem>>)
    %broadcast_in_dim3A_2484 = arith.constant 0 : i32
    %broadcast_in_dim3A_2485 = vector.broadcast %broadcast_in_dim3A_2484 : i32 to vector<16xi32>
    %add3A_2486 = vector.broadcast %and3A_78 : i32 to vector<16xi32>
    %add3A_2487 = arith.addi %broadcast_in_dim3A_2485, %add3A_2486 : vector<16xi32>
    %iota3A_2488 = tpu.iota {dimensions = array<i32: 0>} : vector<16xi32>
    %add3A_2489 = arith.constant 0 : i32
    %add3A_2490 = vector.broadcast %add3A_2489 : i32 to vector<16xi32>
    %add3A_2491 = arith.addi %iota3A_2488, %add3A_2490 : vector<16xi32>
    %gather3A_2492 = arith.constant 2 : i32
    %gather3A_2493 = arith.constant 0 : i32
    %gather3A_2494 = arith.constant 0 : i32
    %gather3A_2495 = tpu.memref_slice %arg6[%gather3A_2492, %gather3A_2493, %gather3A_2494] : memref<8x64x128xf32, #tpu.memory_space<vmem>> -> memref<1x64x128xf32, #tpu.memory_space<vmem>>
    %gather3A_2496 = tpu.memref_squeeze %gather3A_2495 : memref<1x64x128xf32, #tpu.memory_space<vmem>> -> memref<64x128xf32, #tpu.memory_space<vmem>>
    %gather3A_2497 = tpu.vector_load_idx %gather3A_2496[%add3A_2491, %add3A_2487] : memref<64x128xf32, #tpu.memory_space<vmem>>[vector<16xi32>, vector<16xi32>], vector<16xf32>,
    %swap3A_2498 = arith.constant 18 : i32
    %swap3A_2499 = arith.index_cast %swap3A_2498 : i32 to index
    %swap3A_2500 = arith.constant 0 : index
    %swap3A_2501 = tpu.vector_load %arg7[%swap3A_2499, %swap3A_2500] {strides = array<i32>} : memref<32x64xf32, #tpu.memory_space<vmem>>, vector<16xf32>,
    tpu.vector_store %arg7[%swap3A_2499, %swap3A_2500], %gather3A_2497 {strides = array<i32>} : memref<32x64xf32, #tpu.memory_space<vmem>>, vector<16xf32>,
    %iota3A_2502 = tpu.iota {dimensions = array<i32: 0>} : vector<16xi32>
    %add3A_2503 = arith.constant 16 : i32
    %add3A_2504 = vector.broadcast %add3A_2503 : i32 to vector<16xi32>
    %add3A_2505 = arith.addi %iota3A_2502, %add3A_2504 : vector<16xi32>
    %gather3A_2506 = arith.constant 2 : i32
    %gather3A_2507 = arith.constant 0 : i32
    %gather3A_2508 = arith.constant 0 : i32
    %gather3A_2509 = tpu.memref_slice %arg6[%gather3A_2506, %gather3A_2507, %gather3A_2508] : memref<8x64x128xf32, #tpu.memory_space<vmem>> -> memref<1x64x128xf32, #tpu.memory_space<vmem>>
    %gather3A_2510 = tpu.memref_squeeze %gather3A_2509 : memref<1x64x128xf32, #tpu.memory_space<vmem>> -> memref<64x128xf32, #tpu.memory_space<vmem>>
    %gather3A_2511 = tpu.vector_load_idx %gather3A_2510[%add3A_2505, %add3A_2487] : memref<64x128xf32, #tpu.memory_space<vmem>>[vector<16xi32>, vector<16xi32>], vector<16xf32>,
    %swap3A_2512 = arith.constant 18 : i32
    %swap3A_2513 = arith.index_cast %swap3A_2512 : i32 to index
    %swap3A_2514 = arith.constant 16 : index
    %swap3A_2515 = tpu.vector_load %arg7[%swap3A_2513, %swap3A_2514] {strides = array<i32>} : memref<32x64xf32, #tpu.memory_space<vmem>>, vector<16xf32>,
    tpu.vector_store %arg7[%swap3A_2513, %swap3A_2514], %gather3A_2511 {strides = array<i32>} : memref<32x64xf32, #tpu.memory_space<vmem>>, vector<16xf32>,
    %iota3A_2516 = tpu.iota {dimensions = array<i32: 0>} : vector<16xi32>
    %add3A_2517 = arith.constant 32 : i32
    %add3A_2518 = vector.broadcast %add3A_2517 : i32 to vector<16xi32>
    %add3A_2519 = arith.addi %iota3A_2516, %add3A_2518 : vector<16xi32>
    %gather3A_2520 = arith.constant 2 : i32
    %gather3A_2521 = arith.constant 0 : i32
    %gather3A_2522 = arith.constant 0 : i32
    %gather3A_2523 = tpu.memref_slice %arg6[%gather3A_2520, %gather3A_2521, %gather3A_2522] : memref<8x64x128xf32, #tpu.memory_space<vmem>> -> memref<1x64x128xf32, #tpu.memory_space<vmem>>
    %gather3A_2524 = tpu.memref_squeeze %gather3A_2523 : memref<1x64x128xf32, #tpu.memory_space<vmem>> -> memref<64x128xf32, #tpu.memory_space<vmem>>
    %gather3A_2525 = tpu.vector_load_idx %gather3A_2524[%add3A_2519, %add3A_2487] : memref<64x128xf32, #tpu.memory_space<vmem>>[vector<16xi32>, vector<16xi32>], vector<16xf32>,
    %swap3A_2526 = arith.constant 18 : i32
    %swap3A_2527 = arith.index_cast %swap3A_2526 : i32 to index
    %swap3A_2528 = arith.constant 32 : index
    %swap3A_2529 = tpu.vector_load %arg7[%swap3A_2527, %swap3A_2528] {strides = array<i32>} : memref<32x64xf32, #tpu.memory_space<vmem>>, vector<16xf32>,
    tpu.vector_store %arg7[%swap3A_2527, %swap3A_2528], %gather3A_2525 {strides = array<i32>} : memref<32x64xf32, #tpu.memory_space<vmem>>, vector<16xf32>,
    %iota3A_2530 = tpu.iota {dimensions = array<i32: 0>} : vector<16xi32>
    %add3A_2531 = arith.constant 48 : i32
    %add3A_2532 = vector.broadcast %add3A_2531 : i32 to vector<16xi32>
    %add3A_2533 = arith.addi %iota3A_2530, %add3A_2532 : vector<16xi32>
    %gather3A_2534 = arith.constant 2 : i32
    %gather3A_2535 = arith.constant 0 : i32
    %gather3A_2536 = arith.constant 0 : i32
    %gather3A_2537 = tpu.memref_slice %arg6[%gather3A_2534, %gather3A_2535, %gather3A_2536] : memref<8x64x128xf32, #tpu.memory_space<vmem>> -> memref<1x64x128xf32, #tpu.memory_space<vmem>>
    %gather3A_2538 = tpu.memref_squeeze %gather3A_2537 : memref<1x64x128xf32, #tpu.memory_space<vmem>> -> memref<64x128xf32, #tpu.memory_space<vmem>>
    %gather3A_2539 = tpu.vector_load_idx %gather3A_2538[%add3A_2533, %add3A_2487] : memref<64x128xf32, #tpu.memory_space<vmem>>[vector<16xi32>, vector<16xi32>], vector<16xf32>,
    %swap3A_2540 = arith.constant 18 : i32
    %swap3A_2541 = arith.index_cast %swap3A_2540 : i32 to index
    %swap3A_2542 = arith.constant 48 : index
    %swap3A_2543 = tpu.vector_load %arg7[%swap3A_2541, %swap3A_2542] {strides = array<i32>} : memref<32x64xf32, #tpu.memory_space<vmem>>, vector<16xf32>,
    tpu.vector_store %arg7[%swap3A_2541, %swap3A_2542], %gather3A_2539 {strides = array<i32>} : memref<32x64xf32, #tpu.memory_space<vmem>>, vector<16xf32>,
    %jit3A_2544 = arith.constant 128 : i32
    %div3A_2545 = arith.divsi %squeeze3A_108, %jit3A_2544 : i32
    %sign3A_2546 = arith.constant 0 : i32
    %sign3A_2547 = arith.cmpi sgt, %squeeze3A_108, %sign3A_2546 : i32
    %sign3A_2548 = arith.extui %sign3A_2547 : i1 to i32
    %sign3A_2549 = arith.constant 0 : i32
    %sign3A_2550 = arith.cmpi slt, %squeeze3A_108, %sign3A_2549 : i32
    %sign3A_2551 = arith.extui %sign3A_2550 : i1 to i32
    %sign3A_2552 = arith.subi %sign3A_2548, %sign3A_2551 : i32
    %sign3A_2553 = arith.constant 0 : i32
    %sign3A_2554 = arith.cmpi sgt, %jit3A_2544, %sign3A_2553 : i32
    %sign3A_2555 = arith.extui %sign3A_2554 : i1 to i32
    %sign3A_2556 = arith.constant 0 : i32
    %sign3A_2557 = arith.cmpi slt, %jit3A_2544, %sign3A_2556 : i32
    %sign3A_2558 = arith.extui %sign3A_2557 : i1 to i32
    %sign3A_2559 = arith.subi %sign3A_2555, %sign3A_2558 : i32
    %ne3A_2560 = arith.cmpi ne, %sign3A_2552, %sign3A_2559 : i32
    %rem3A_2561 = arith.remsi %squeeze3A_108, %jit3A_2544 : i32
    %ne3A_2562 = arith.constant 0 : i32
    %ne3A_2563 = arith.cmpi ne, %rem3A_2561, %ne3A_2562 : i32
    %and3A_2564 = arith.andi %ne3A_2560, %ne3A_2563 : i1
    %sub3A_2565 = arith.constant 1 : i32
    %sub3A_2566 = arith.subi %div3A_2545, %sub3A_2565 : i32
    %select_n3A_2567 = arith.select %and3A_2564, %sub3A_2566, %div3A_2545 : i32
    %mul3A_2568 = arith.constant 128 : i32
    %mul3A_2569 = arith.muli %select_n3A_2567, %mul3A_2568 : i32
    %multiple_of3A_2570 = tpu.assume_multiple %mul3A_2569, 128 : i32
    %dma_start3A_2571 = arith.constant 2 : i32
    %dma_start3A_2572 = arith.constant 0 : i32
    %dma_start3A_2573 = arith.constant 0 : i32
    %dma_start3A_2574 = tpu.memref_slice %arg6[%dma_start3A_2571, %dma_start3A_2572, %dma_start3A_2573] : memref<8x64x128xf32, #tpu.memory_space<vmem>> -> memref<1x64x128xf32, #tpu.memory_space<vmem>>
    %dma_start3A_2575 = tpu.memref_squeeze %dma_start3A_2574 : memref<1x64x128xf32, #tpu.memory_space<vmem>> -> memref<64x128xf32, #tpu.memory_space<vmem>>
    %dma_start3A_2576 = arith.constant 0 : i32
    %dma_start3A_2577 = tpu.memref_slice %arg3[%dma_start3A_2576, %multiple_of3A_2570] : memref<64x100000xf32, #tpu.memory_space<hbm>> -> memref<64x128xf32, #tpu.memory_space<hbm>>
    %dma_start3A_2578 = arith.constant 0 : i32
    %dma_start3A_2579 = arith.constant 0 : i32
    %dma_start3A_2580 = tpu.memref_slice %arg6[%dma_start3A_2571, %dma_start3A_2578, %dma_start3A_2579] : memref<8x64x128xf32, #tpu.memory_space<vmem>> -> memref<1x64x128xf32, #tpu.memory_space<vmem>>
    %dma_start3A_2581 = tpu.memref_squeeze %dma_start3A_2580 : memref<1x64x128xf32, #tpu.memory_space<vmem>> -> memref<64x128xf32, #tpu.memory_space<vmem>>
    %dma_start3A_2582 = arith.constant 0 : i32
    %dma_start3A_2583 = tpu.memref_slice %arg3[%dma_start3A_2582, %multiple_of3A_2570] : memref<64x100000xf32, #tpu.memory_space<hbm>> -> memref<64x128xf32, #tpu.memory_space<hbm>>
    tpu.enqueue_dma source(%dma_start3A_2583 : memref<64x128xf32, #tpu.memory_space<hbm>>) target(%dma_start3A_2581 : memref<64x128xf32, #tpu.memory_space<vmem>>) target_semaphore(%arg10 : memref<!tpu.dma_semaphore, #tpu.memory_space<semaphore_mem>>)
    %dma_wait3A_2584 = arith.constant 3 : i32
    %dma_wait3A_2585 = arith.constant 0 : i32
    %dma_wait3A_2586 = arith.constant 0 : i32
    %dma_wait3A_2587 = tpu.memref_slice %arg6[%dma_wait3A_2584, %dma_wait3A_2585, %dma_wait3A_2586] : memref<8x64x128xf32, #tpu.memory_space<vmem>> -> memref<1x64x128xf32, #tpu.memory_space<vmem>>
    %dma_wait3A_2588 = tpu.memref_squeeze %dma_wait3A_2587 : memref<1x64x128xf32, #tpu.memory_space<vmem>> -> memref<64x128xf32, #tpu.memory_space<vmem>>
    %dma_wait3A_2589 = arith.constant 0 : i32
    %dma_wait3A_2590 = tpu.memref_slice %arg3[%dma_wait3A_2589, %multiple_of3A_1779] : memref<64x100000xf32, #tpu.memory_space<hbm>> -> memref<64x128xf32, #tpu.memory_space<hbm>>
    %dma_wait3A_2591 = arith.constant 0 : i32
    %dma_wait3A_2592 = arith.constant 0 : i32
    %dma_wait3A_2593 = tpu.memref_slice %arg6[%dma_wait3A_2584, %dma_wait3A_2591, %dma_wait3A_2592] : memref<8x64x128xf32, #tpu.memory_space<vmem>> -> memref<1x64x128xf32, #tpu.memory_space<vmem>>
    %dma_wait3A_2594 = tpu.memref_squeeze %dma_wait3A_2593 : memref<1x64x128xf32, #tpu.memory_space<vmem>> -> memref<64x128xf32, #tpu.memory_space<vmem>>
    %dma_wait3A_2595 = arith.constant 0 : i32
    %dma_wait3A_2596 = tpu.memref_slice %arg3[%dma_wait3A_2595, %multiple_of3A_1779] : memref<64x100000xf32, #tpu.memory_space<hbm>> -> memref<64x128xf32, #tpu.memory_space<hbm>>
    tpu.wait_dma2 semaphore(%arg11 : memref<!tpu.dma_semaphore, #tpu.memory_space<semaphore_mem>>) src(%dma_wait3A_2596 : memref<64x128xf32, #tpu.memory_space<hbm>>) dst(%dma_wait3A_2594 : memref<64x128xf32, #tpu.memory_space<vmem>>)
    %broadcast_in_dim3A_2597 = arith.constant 0 : i32
    %broadcast_in_dim3A_2598 = vector.broadcast %broadcast_in_dim3A_2597 : i32 to vector<16xi32>
    %add3A_2599 = vector.broadcast %and3A_82 : i32 to vector<16xi32>
    %add3A_2600 = arith.addi %broadcast_in_dim3A_2598, %add3A_2599 : vector<16xi32>
    %iota3A_2601 = tpu.iota {dimensions = array<i32: 0>} : vector<16xi32>
    %add3A_2602 = arith.constant 0 : i32
    %add3A_2603 = vector.broadcast %add3A_2602 : i32 to vector<16xi32>
    %add3A_2604 = arith.addi %iota3A_2601, %add3A_2603 : vector<16xi32>
    %gather3A_2605 = arith.constant 3 : i32
    %gather3A_2606 = arith.constant 0 : i32
    %gather3A_2607 = arith.constant 0 : i32
    %gather3A_2608 = tpu.memref_slice %arg6[%gather3A_2605, %gather3A_2606, %gather3A_2607] : memref<8x64x128xf32, #tpu.memory_space<vmem>> -> memref<1x64x128xf32, #tpu.memory_space<vmem>>
    %gather3A_2609 = tpu.memref_squeeze %gather3A_2608 : memref<1x64x128xf32, #tpu.memory_space<vmem>> -> memref<64x128xf32, #tpu.memory_space<vmem>>
    %gather3A_2610 = tpu.vector_load_idx %gather3A_2609[%add3A_2604, %add3A_2600] : memref<64x128xf32, #tpu.memory_space<vmem>>[vector<16xi32>, vector<16xi32>], vector<16xf32>,
    %swap3A_2611 = arith.constant 19 : i32
    %swap3A_2612 = arith.index_cast %swap3A_2611 : i32 to index
    %swap3A_2613 = arith.constant 0 : index
    %swap3A_2614 = tpu.vector_load %arg7[%swap3A_2612, %swap3A_2613] {strides = array<i32>} : memref<32x64xf32, #tpu.memory_space<vmem>>, vector<16xf32>,
    tpu.vector_store %arg7[%swap3A_2612, %swap3A_2613], %gather3A_2610 {strides = array<i32>} : memref<32x64xf32, #tpu.memory_space<vmem>>, vector<16xf32>,
    %iota3A_2615 = tpu.iota {dimensions = array<i32: 0>} : vector<16xi32>
    %add3A_2616 = arith.constant 16 : i32
    %add3A_2617 = vector.broadcast %add3A_2616 : i32 to vector<16xi32>
    %add3A_2618 = arith.addi %iota3A_2615, %add3A_2617 : vector<16xi32>
    %gather3A_2619 = arith.constant 3 : i32
    %gather3A_2620 = arith.constant 0 : i32
    %gather3A_2621 = arith.constant 0 : i32
    %gather3A_2622 = tpu.memref_slice %arg6[%gather3A_2619, %gather3A_2620, %gather3A_2621] : memref<8x64x128xf32, #tpu.memory_space<vmem>> -> memref<1x64x128xf32, #tpu.memory_space<vmem>>
    %gather3A_2623 = tpu.memref_squeeze %gather3A_2622 : memref<1x64x128xf32, #tpu.memory_space<vmem>> -> memref<64x128xf32, #tpu.memory_space<vmem>>
    %gather3A_2624 = tpu.vector_load_idx %gather3A_2623[%add3A_2618, %add3A_2600] : memref<64x128xf32, #tpu.memory_space<vmem>>[vector<16xi32>, vector<16xi32>], vector<16xf32>,
    %swap3A_2625 = arith.constant 19 : i32
    %swap3A_2626 = arith.index_cast %swap3A_2625 : i32 to index
    %swap3A_2627 = arith.constant 16 : index
    %swap3A_2628 = tpu.vector_load %arg7[%swap3A_2626, %swap3A_2627] {strides = array<i32>} : memref<32x64xf32, #tpu.memory_space<vmem>>, vector<16xf32>,
    tpu.vector_store %arg7[%swap3A_2626, %swap3A_2627], %gather3A_2624 {strides = array<i32>} : memref<32x64xf32, #tpu.memory_space<vmem>>, vector<16xf32>,
    %iota3A_2629 = tpu.iota {dimensions = array<i32: 0>} : vector<16xi32>
    %add3A_2630 = arith.constant 32 : i32
    %add3A_2631 = vector.broadcast %add3A_2630 : i32 to vector<16xi32>
    %add3A_2632 = arith.addi %iota3A_2629, %add3A_2631 : vector<16xi32>
    %gather3A_2633 = arith.constant 3 : i32
    %gather3A_2634 = arith.constant 0 : i32
    %gather3A_2635 = arith.constant 0 : i32
    %gather3A_2636 = tpu.memref_slice %arg6[%gather3A_2633, %gather3A_2634, %gather3A_2635] : memref<8x64x128xf32, #tpu.memory_space<vmem>> -> memref<1x64x128xf32, #tpu.memory_space<vmem>>
    %gather3A_2637 = tpu.memref_squeeze %gather3A_2636 : memref<1x64x128xf32, #tpu.memory_space<vmem>> -> memref<64x128xf32, #tpu.memory_space<vmem>>
    %gather3A_2638 = tpu.vector_load_idx %gather3A_2637[%add3A_2632, %add3A_2600] : memref<64x128xf32, #tpu.memory_space<vmem>>[vector<16xi32>, vector<16xi32>], vector<16xf32>,
    %swap3A_2639 = arith.constant 19 : i32
    %swap3A_2640 = arith.index_cast %swap3A_2639 : i32 to index
    %swap3A_2641 = arith.constant 32 : index
    %swap3A_2642 = tpu.vector_load %arg7[%swap3A_2640, %swap3A_2641] {strides = array<i32>} : memref<32x64xf32, #tpu.memory_space<vmem>>, vector<16xf32>,
    tpu.vector_store %arg7[%swap3A_2640, %swap3A_2641], %gather3A_2638 {strides = array<i32>} : memref<32x64xf32, #tpu.memory_space<vmem>>, vector<16xf32>,
    %iota3A_2643 = tpu.iota {dimensions = array<i32: 0>} : vector<16xi32>
    %add3A_2644 = arith.constant 48 : i32
    %add3A_2645 = vector.broadcast %add3A_2644 : i32 to vector<16xi32>
    %add3A_2646 = arith.addi %iota3A_2643, %add3A_2645 : vector<16xi32>
    %gather3A_2647 = arith.constant 3 : i32
    %gather3A_2648 = arith.constant 0 : i32
    %gather3A_2649 = arith.constant 0 : i32
    %gather3A_2650 = tpu.memref_slice %arg6[%gather3A_2647, %gather3A_2648, %gather3A_2649] : memref<8x64x128xf32, #tpu.memory_space<vmem>> -> memref<1x64x128xf32, #tpu.memory_space<vmem>>
    %gather3A_2651 = tpu.memref_squeeze %gather3A_2650 : memref<1x64x128xf32, #tpu.memory_space<vmem>> -> memref<64x128xf32, #tpu.memory_space<vmem>>
    %gather3A_2652 = tpu.vector_load_idx %gather3A_2651[%add3A_2646, %add3A_2600] : memref<64x128xf32, #tpu.memory_space<vmem>>[vector<16xi32>, vector<16xi32>], vector<16xf32>,
    %swap3A_2653 = arith.constant 19 : i32
    %swap3A_2654 = arith.index_cast %swap3A_2653 : i32 to index
    %swap3A_2655 = arith.constant 48 : index
    %swap3A_2656 = tpu.vector_load %arg7[%swap3A_2654, %swap3A_2655] {strides = array<i32>} : memref<32x64xf32, #tpu.memory_space<vmem>>, vector<16xf32>,
    tpu.vector_store %arg7[%swap3A_2654, %swap3A_2655], %gather3A_2652 {strides = array<i32>} : memref<32x64xf32, #tpu.memory_space<vmem>>, vector<16xf32>,
    %jit3A_2657 = arith.constant 128 : i32
    %div3A_2658 = arith.divsi %squeeze3A_112, %jit3A_2657 : i32
    %sign3A_2659 = arith.constant 0 : i32
    %sign3A_2660 = arith.cmpi sgt, %squeeze3A_112, %sign3A_2659 : i32
    %sign3A_2661 = arith.extui %sign3A_2660 : i1 to i32
    %sign3A_2662 = arith.constant 0 : i32
    %sign3A_2663 = arith.cmpi slt, %squeeze3A_112, %sign3A_2662 : i32
    %sign3A_2664 = arith.extui %sign3A_2663 : i1 to i32
    %sign3A_2665 = arith.subi %sign3A_2661, %sign3A_2664 : i32
    %sign3A_2666 = arith.constant 0 : i32
    %sign3A_2667 = arith.cmpi sgt, %jit3A_2657, %sign3A_2666 : i32
    %sign3A_2668 = arith.extui %sign3A_2667 : i1 to i32
    %sign3A_2669 = arith.constant 0 : i32
    %sign3A_2670 = arith.cmpi slt, %jit3A_2657, %sign3A_2669 : i32
    %sign3A_2671 = arith.extui %sign3A_2670 : i1 to i32
    %sign3A_2672 = arith.subi %sign3A_2668, %sign3A_2671 : i32
    %ne3A_2673 = arith.cmpi ne, %sign3A_2665, %sign3A_2672 : i32
    %rem3A_2674 = arith.remsi %squeeze3A_112, %jit3A_2657 : i32
    %ne3A_2675 = arith.constant 0 : i32
    %ne3A_2676 = arith.cmpi ne, %rem3A_2674, %ne3A_2675 : i32
    %and3A_2677 = arith.andi %ne3A_2673, %ne3A_2676 : i1
    %sub3A_2678 = arith.constant 1 : i32
    %sub3A_2679 = arith.subi %div3A_2658, %sub3A_2678 : i32
    %select_n3A_2680 = arith.select %and3A_2677, %sub3A_2679, %div3A_2658 : i32
    %mul3A_2681 = arith.constant 128 : i32
    %mul3A_2682 = arith.muli %select_n3A_2680, %mul3A_2681 : i32
    %multiple_of3A_2683 = tpu.assume_multiple %mul3A_2682, 128 : i32
    %dma_start3A_2684 = arith.constant 3 : i32
    %dma_start3A_2685 = arith.constant 0 : i32
    %dma_start3A_2686 = arith.constant 0 : i32
    %dma_start3A_2687 = tpu.memref_slice %arg6[%dma_start3A_2684, %dma_start3A_2685, %dma_start3A_2686] : memref<8x64x128xf32, #tpu.memory_space<vmem>> -> memref<1x64x128xf32, #tpu.memory_space<vmem>>
    %dma_start3A_2688 = tpu.memref_squeeze %dma_start3A_2687 : memref<1x64x128xf32, #tpu.memory_space<vmem>> -> memref<64x128xf32, #tpu.memory_space<vmem>>
    %dma_start3A_2689 = arith.constant 0 : i32
    %dma_start3A_2690 = tpu.memref_slice %arg3[%dma_start3A_2689, %multiple_of3A_2683] : memref<64x100000xf32, #tpu.memory_space<hbm>> -> memref<64x128xf32, #tpu.memory_space<hbm>>
    %dma_start3A_2691 = arith.constant 0 : i32
    %dma_start3A_2692 = arith.constant 0 : i32
    %dma_start3A_2693 = tpu.memref_slice %arg6[%dma_start3A_2684, %dma_start3A_2691, %dma_start3A_2692] : memref<8x64x128xf32, #tpu.memory_space<vmem>> -> memref<1x64x128xf32, #tpu.memory_space<vmem>>
    %dma_start3A_2694 = tpu.memref_squeeze %dma_start3A_2693 : memref<1x64x128xf32, #tpu.memory_space<vmem>> -> memref<64x128xf32, #tpu.memory_space<vmem>>
    %dma_start3A_2695 = arith.constant 0 : i32
    %dma_start3A_2696 = tpu.memref_slice %arg3[%dma_start3A_2695, %multiple_of3A_2683] : memref<64x100000xf32, #tpu.memory_space<hbm>> -> memref<64x128xf32, #tpu.memory_space<hbm>>
    tpu.enqueue_dma source(%dma_start3A_2696 : memref<64x128xf32, #tpu.memory_space<hbm>>) target(%dma_start3A_2694 : memref<64x128xf32, #tpu.memory_space<vmem>>) target_semaphore(%arg11 : memref<!tpu.dma_semaphore, #tpu.memory_space<semaphore_mem>>)
    %dma_wait3A_2697 = arith.constant 4 : i32
    %dma_wait3A_2698 = arith.constant 0 : i32
    %dma_wait3A_2699 = arith.constant 0 : i32
    %dma_wait3A_2700 = tpu.memref_slice %arg6[%dma_wait3A_2697, %dma_wait3A_2698, %dma_wait3A_2699] : memref<8x64x128xf32, #tpu.memory_space<vmem>> -> memref<1x64x128xf32, #tpu.memory_space<vmem>>
    %dma_wait3A_2701 = tpu.memref_squeeze %dma_wait3A_2700 : memref<1x64x128xf32, #tpu.memory_space<vmem>> -> memref<64x128xf32, #tpu.memory_space<vmem>>
    %dma_wait3A_2702 = arith.constant 0 : i32
    %dma_wait3A_2703 = tpu.memref_slice %arg3[%dma_wait3A_2702, %multiple_of3A_1892] : memref<64x100000xf32, #tpu.memory_space<hbm>> -> memref<64x128xf32, #tpu.memory_space<hbm>>
    %dma_wait3A_2704 = arith.constant 0 : i32
    %dma_wait3A_2705 = arith.constant 0 : i32
    %dma_wait3A_2706 = tpu.memref_slice %arg6[%dma_wait3A_2697, %dma_wait3A_2704, %dma_wait3A_2705] : memref<8x64x128xf32, #tpu.memory_space<vmem>> -> memref<1x64x128xf32, #tpu.memory_space<vmem>>
    %dma_wait3A_2707 = tpu.memref_squeeze %dma_wait3A_2706 : memref<1x64x128xf32, #tpu.memory_space<vmem>> -> memref<64x128xf32, #tpu.memory_space<vmem>>
    %dma_wait3A_2708 = arith.constant 0 : i32
    %dma_wait3A_2709 = tpu.memref_slice %arg3[%dma_wait3A_2708, %multiple_of3A_1892] : memref<64x100000xf32, #tpu.memory_space<hbm>> -> memref<64x128xf32, #tpu.memory_space<hbm>>
    tpu.wait_dma2 semaphore(%arg12 : memref<!tpu.dma_semaphore, #tpu.memory_space<semaphore_mem>>) src(%dma_wait3A_2709 : memref<64x128xf32, #tpu.memory_space<hbm>>) dst(%dma_wait3A_2707 : memref<64x128xf32, #tpu.memory_space<vmem>>)
    %broadcast_in_dim3A_2710 = arith.constant 0 : i32
    %broadcast_in_dim3A_2711 = vector.broadcast %broadcast_in_dim3A_2710 : i32 to vector<16xi32>
    %add3A_2712 = vector.broadcast %and3A_86 : i32 to vector<16xi32>
    %add3A_2713 = arith.addi %broadcast_in_dim3A_2711, %add3A_2712 : vector<16xi32>
    %iota3A_2714 = tpu.iota {dimensions = array<i32: 0>} : vector<16xi32>
    %add3A_2715 = arith.constant 0 : i32
    %add3A_2716 = vector.broadcast %add3A_2715 : i32 to vector<16xi32>
    %add3A_2717 = arith.addi %iota3A_2714, %add3A_2716 : vector<16xi32>
    %gather3A_2718 = arith.constant 4 : i32
    %gather3A_2719 = arith.constant 0 : i32
    %gather3A_2720 = arith.constant 0 : i32
    %gather3A_2721 = tpu.memref_slice %arg6[%gather3A_2718, %gather3A_2719, %gather3A_2720] : memref<8x64x128xf32, #tpu.memory_space<vmem>> -> memref<1x64x128xf32, #tpu.memory_space<vmem>>
    %gather3A_2722 = tpu.memref_squeeze %gather3A_2721 : memref<1x64x128xf32, #tpu.memory_space<vmem>> -> memref<64x128xf32, #tpu.memory_space<vmem>>
    %gather3A_2723 = tpu.vector_load_idx %gather3A_2722[%add3A_2717, %add3A_2713] : memref<64x128xf32, #tpu.memory_space<vmem>>[vector<16xi32>, vector<16xi32>], vector<16xf32>,
    %swap3A_2724 = arith.constant 20 : i32
    %swap3A_2725 = arith.index_cast %swap3A_2724 : i32 to index
    %swap3A_2726 = arith.constant 0 : index
    %swap3A_2727 = tpu.vector_load %arg7[%swap3A_2725, %swap3A_2726] {strides = array<i32>} : memref<32x64xf32, #tpu.memory_space<vmem>>, vector<16xf32>,
    tpu.vector_store %arg7[%swap3A_2725, %swap3A_2726], %gather3A_2723 {strides = array<i32>} : memref<32x64xf32, #tpu.memory_space<vmem>>, vector<16xf32>,
    %iota3A_2728 = tpu.iota {dimensions = array<i32: 0>} : vector<16xi32>
    %add3A_2729 = arith.constant 16 : i32
    %add3A_2730 = vector.broadcast %add3A_2729 : i32 to vector<16xi32>
    %add3A_2731 = arith.addi %iota3A_2728, %add3A_2730 : vector<16xi32>
    %gather3A_2732 = arith.constant 4 : i32
    %gather3A_2733 = arith.constant 0 : i32
    %gather3A_2734 = arith.constant 0 : i32
    %gather3A_2735 = tpu.memref_slice %arg6[%gather3A_2732, %gather3A_2733, %gather3A_2734] : memref<8x64x128xf32, #tpu.memory_space<vmem>> -> memref<1x64x128xf32, #tpu.memory_space<vmem>>
    %gather3A_2736 = tpu.memref_squeeze %gather3A_2735 : memref<1x64x128xf32, #tpu.memory_space<vmem>> -> memref<64x128xf32, #tpu.memory_space<vmem>>
    %gather3A_2737 = tpu.vector_load_idx %gather3A_2736[%add3A_2731, %add3A_2713] : memref<64x128xf32, #tpu.memory_space<vmem>>[vector<16xi32>, vector<16xi32>], vector<16xf32>,
    %swap3A_2738 = arith.constant 20 : i32
    %swap3A_2739 = arith.index_cast %swap3A_2738 : i32 to index
    %swap3A_2740 = arith.constant 16 : index
    %swap3A_2741 = tpu.vector_load %arg7[%swap3A_2739, %swap3A_2740] {strides = array<i32>} : memref<32x64xf32, #tpu.memory_space<vmem>>, vector<16xf32>,
    tpu.vector_store %arg7[%swap3A_2739, %swap3A_2740], %gather3A_2737 {strides = array<i32>} : memref<32x64xf32, #tpu.memory_space<vmem>>, vector<16xf32>,
    %iota3A_2742 = tpu.iota {dimensions = array<i32: 0>} : vector<16xi32>
    %add3A_2743 = arith.constant 32 : i32
    %add3A_2744 = vector.broadcast %add3A_2743 : i32 to vector<16xi32>
    %add3A_2745 = arith.addi %iota3A_2742, %add3A_2744 : vector<16xi32>
    %gather3A_2746 = arith.constant 4 : i32
    %gather3A_2747 = arith.constant 0 : i32
    %gather3A_2748 = arith.constant 0 : i32
    %gather3A_2749 = tpu.memref_slice %arg6[%gather3A_2746, %gather3A_2747, %gather3A_2748] : memref<8x64x128xf32, #tpu.memory_space<vmem>> -> memref<1x64x128xf32, #tpu.memory_space<vmem>>
    %gather3A_2750 = tpu.memref_squeeze %gather3A_2749 : memref<1x64x128xf32, #tpu.memory_space<vmem>> -> memref<64x128xf32, #tpu.memory_space<vmem>>
    %gather3A_2751 = tpu.vector_load_idx %gather3A_2750[%add3A_2745, %add3A_2713] : memref<64x128xf32, #tpu.memory_space<vmem>>[vector<16xi32>, vector<16xi32>], vector<16xf32>,
    %swap3A_2752 = arith.constant 20 : i32
    %swap3A_2753 = arith.index_cast %swap3A_2752 : i32 to index
    %swap3A_2754 = arith.constant 32 : index
    %swap3A_2755 = tpu.vector_load %arg7[%swap3A_2753, %swap3A_2754] {strides = array<i32>} : memref<32x64xf32, #tpu.memory_space<vmem>>, vector<16xf32>,
    tpu.vector_store %arg7[%swap3A_2753, %swap3A_2754], %gather3A_2751 {strides = array<i32>} : memref<32x64xf32, #tpu.memory_space<vmem>>, vector<16xf32>,
    %iota3A_2756 = tpu.iota {dimensions = array<i32: 0>} : vector<16xi32>
    %add3A_2757 = arith.constant 48 : i32
    %add3A_2758 = vector.broadcast %add3A_2757 : i32 to vector<16xi32>
    %add3A_2759 = arith.addi %iota3A_2756, %add3A_2758 : vector<16xi32>
    %gather3A_2760 = arith.constant 4 : i32
    %gather3A_2761 = arith.constant 0 : i32
    %gather3A_2762 = arith.constant 0 : i32
    %gather3A_2763 = tpu.memref_slice %arg6[%gather3A_2760, %gather3A_2761, %gather3A_2762] : memref<8x64x128xf32, #tpu.memory_space<vmem>> -> memref<1x64x128xf32, #tpu.memory_space<vmem>>
    %gather3A_2764 = tpu.memref_squeeze %gather3A_2763 : memref<1x64x128xf32, #tpu.memory_space<vmem>> -> memref<64x128xf32, #tpu.memory_space<vmem>>
    %gather3A_2765 = tpu.vector_load_idx %gather3A_2764[%add3A_2759, %add3A_2713] : memref<64x128xf32, #tpu.memory_space<vmem>>[vector<16xi32>, vector<16xi32>], vector<16xf32>,
    %swap3A_2766 = arith.constant 20 : i32
    %swap3A_2767 = arith.index_cast %swap3A_2766 : i32 to index
    %swap3A_2768 = arith.constant 48 : index
    %swap3A_2769 = tpu.vector_load %arg7[%swap3A_2767, %swap3A_2768] {strides = array<i32>} : memref<32x64xf32, #tpu.memory_space<vmem>>, vector<16xf32>,
    tpu.vector_store %arg7[%swap3A_2767, %swap3A_2768], %gather3A_2765 {strides = array<i32>} : memref<32x64xf32, #tpu.memory_space<vmem>>, vector<16xf32>,
    %jit3A_2770 = arith.constant 128 : i32
    %div3A_2771 = arith.divsi %squeeze3A_116, %jit3A_2770 : i32
    %sign3A_2772 = arith.constant 0 : i32
    %sign3A_2773 = arith.cmpi sgt, %squeeze3A_116, %sign3A_2772 : i32
    %sign3A_2774 = arith.extui %sign3A_2773 : i1 to i32
    %sign3A_2775 = arith.constant 0 : i32
    %sign3A_2776 = arith.cmpi slt, %squeeze3A_116, %sign3A_2775 : i32
    %sign3A_2777 = arith.extui %sign3A_2776 : i1 to i32
    %sign3A_2778 = arith.subi %sign3A_2774, %sign3A_2777 : i32
    %sign3A_2779 = arith.constant 0 : i32
    %sign3A_2780 = arith.cmpi sgt, %jit3A_2770, %sign3A_2779 : i32
    %sign3A_2781 = arith.extui %sign3A_2780 : i1 to i32
    %sign3A_2782 = arith.constant 0 : i32
    %sign3A_2783 = arith.cmpi slt, %jit3A_2770, %sign3A_2782 : i32
    %sign3A_2784 = arith.extui %sign3A_2783 : i1 to i32
    %sign3A_2785 = arith.subi %sign3A_2781, %sign3A_2784 : i32
    %ne3A_2786 = arith.cmpi ne, %sign3A_2778, %sign3A_2785 : i32
    %rem3A_2787 = arith.remsi %squeeze3A_116, %jit3A_2770 : i32
    %ne3A_2788 = arith.constant 0 : i32
    %ne3A_2789 = arith.cmpi ne, %rem3A_2787, %ne3A_2788 : i32
    %and3A_2790 = arith.andi %ne3A_2786, %ne3A_2789 : i1
    %sub3A_2791 = arith.constant 1 : i32
    %sub3A_2792 = arith.subi %div3A_2771, %sub3A_2791 : i32
    %select_n3A_2793 = arith.select %and3A_2790, %sub3A_2792, %div3A_2771 : i32
    %mul3A_2794 = arith.constant 128 : i32
    %mul3A_2795 = arith.muli %select_n3A_2793, %mul3A_2794 : i32
    %multiple_of3A_2796 = tpu.assume_multiple %mul3A_2795, 128 : i32
    %dma_start3A_2797 = arith.constant 4 : i32
    %dma_start3A_2798 = arith.constant 0 : i32
    %dma_start3A_2799 = arith.constant 0 : i32
    %dma_start3A_2800 = tpu.memref_slice %arg6[%dma_start3A_2797, %dma_start3A_2798, %dma_start3A_2799] : memref<8x64x128xf32, #tpu.memory_space<vmem>> -> memref<1x64x128xf32, #tpu.memory_space<vmem>>
    %dma_start3A_2801 = tpu.memref_squeeze %dma_start3A_2800 : memref<1x64x128xf32, #tpu.memory_space<vmem>> -> memref<64x128xf32, #tpu.memory_space<vmem>>
    %dma_start3A_2802 = arith.constant 0 : i32
    %dma_start3A_2803 = tpu.memref_slice %arg3[%dma_start3A_2802, %multiple_of3A_2796] : memref<64x100000xf32, #tpu.memory_space<hbm>> -> memref<64x128xf32, #tpu.memory_space<hbm>>
    %dma_start3A_2804 = arith.constant 0 : i32
    %dma_start3A_2805 = arith.constant 0 : i32
    %dma_start3A_2806 = tpu.memref_slice %arg6[%dma_start3A_2797, %dma_start3A_2804, %dma_start3A_2805] : memref<8x64x128xf32, #tpu.memory_space<vmem>> -> memref<1x64x128xf32, #tpu.memory_space<vmem>>
    %dma_start3A_2807 = tpu.memref_squeeze %dma_start3A_2806 : memref<1x64x128xf32, #tpu.memory_space<vmem>> -> memref<64x128xf32, #tpu.memory_space<vmem>>
    %dma_start3A_2808 = arith.constant 0 : i32
    %dma_start3A_2809 = tpu.memref_slice %arg3[%dma_start3A_2808, %multiple_of3A_2796] : memref<64x100000xf32, #tpu.memory_space<hbm>> -> memref<64x128xf32, #tpu.memory_space<hbm>>
    tpu.enqueue_dma source(%dma_start3A_2809 : memref<64x128xf32, #tpu.memory_space<hbm>>) target(%dma_start3A_2807 : memref<64x128xf32, #tpu.memory_space<vmem>>) target_semaphore(%arg12 : memref<!tpu.dma_semaphore, #tpu.memory_space<semaphore_mem>>)
    %dma_wait3A_2810 = arith.constant 5 : i32
    %dma_wait3A_2811 = arith.constant 0 : i32
    %dma_wait3A_2812 = arith.constant 0 : i32
    %dma_wait3A_2813 = tpu.memref_slice %arg6[%dma_wait3A_2810, %dma_wait3A_2811, %dma_wait3A_2812] : memref<8x64x128xf32, #tpu.memory_space<vmem>> -> memref<1x64x128xf32, #tpu.memory_space<vmem>>
    %dma_wait3A_2814 = tpu.memref_squeeze %dma_wait3A_2813 : memref<1x64x128xf32, #tpu.memory_space<vmem>> -> memref<64x128xf32, #tpu.memory_space<vmem>>
    %dma_wait3A_2815 = arith.constant 0 : i32
    %dma_wait3A_2816 = tpu.memref_slice %arg3[%dma_wait3A_2815, %multiple_of3A_2005] : memref<64x100000xf32, #tpu.memory_space<hbm>> -> memref<64x128xf32, #tpu.memory_space<hbm>>
    %dma_wait3A_2817 = arith.constant 0 : i32
    %dma_wait3A_2818 = arith.constant 0 : i32
    %dma_wait3A_2819 = tpu.memref_slice %arg6[%dma_wait3A_2810, %dma_wait3A_2817, %dma_wait3A_2818] : memref<8x64x128xf32, #tpu.memory_space<vmem>> -> memref<1x64x128xf32, #tpu.memory_space<vmem>>
    %dma_wait3A_2820 = tpu.memref_squeeze %dma_wait3A_2819 : memref<1x64x128xf32, #tpu.memory_space<vmem>> -> memref<64x128xf32, #tpu.memory_space<vmem>>
    %dma_wait3A_2821 = arith.constant 0 : i32
    %dma_wait3A_2822 = tpu.memref_slice %arg3[%dma_wait3A_2821, %multiple_of3A_2005] : memref<64x100000xf32, #tpu.memory_space<hbm>> -> memref<64x128xf32, #tpu.memory_space<hbm>>
    tpu.wait_dma2 semaphore(%arg13 : memref<!tpu.dma_semaphore, #tpu.memory_space<semaphore_mem>>) src(%dma_wait3A_2822 : memref<64x128xf32, #tpu.memory_space<hbm>>) dst(%dma_wait3A_2820 : memref<64x128xf32, #tpu.memory_space<vmem>>)
    %broadcast_in_dim3A_2823 = arith.constant 0 : i32
    %broadcast_in_dim3A_2824 = vector.broadcast %broadcast_in_dim3A_2823 : i32 to vector<16xi32>
    %add3A_2825 = vector.broadcast %and3A_90 : i32 to vector<16xi32>
    %add3A_2826 = arith.addi %broadcast_in_dim3A_2824, %add3A_2825 : vector<16xi32>
    %iota3A_2827 = tpu.iota {dimensions = array<i32: 0>} : vector<16xi32>
    %add3A_2828 = arith.constant 0 : i32
    %add3A_2829 = vector.broadcast %add3A_2828 : i32 to vector<16xi32>
    %add3A_2830 = arith.addi %iota3A_2827, %add3A_2829 : vector<16xi32>
    %gather3A_2831 = arith.constant 5 : i32
    %gather3A_2832 = arith.constant 0 : i32
    %gather3A_2833 = arith.constant 0 : i32
    %gather3A_2834 = tpu.memref_slice %arg6[%gather3A_2831, %gather3A_2832, %gather3A_2833] : memref<8x64x128xf32, #tpu.memory_space<vmem>> -> memref<1x64x128xf32, #tpu.memory_space<vmem>>
    %gather3A_2835 = tpu.memref_squeeze %gather3A_2834 : memref<1x64x128xf32, #tpu.memory_space<vmem>> -> memref<64x128xf32, #tpu.memory_space<vmem>>
    %gather3A_2836 = tpu.vector_load_idx %gather3A_2835[%add3A_2830, %add3A_2826] : memref<64x128xf32, #tpu.memory_space<vmem>>[vector<16xi32>, vector<16xi32>], vector<16xf32>,
    %swap3A_2837 = arith.constant 21 : i32
    %swap3A_2838 = arith.index_cast %swap3A_2837 : i32 to index
    %swap3A_2839 = arith.constant 0 : index
    %swap3A_2840 = tpu.vector_load %arg7[%swap3A_2838, %swap3A_2839] {strides = array<i32>} : memref<32x64xf32, #tpu.memory_space<vmem>>, vector<16xf32>,
    tpu.vector_store %arg7[%swap3A_2838, %swap3A_2839], %gather3A_2836 {strides = array<i32>} : memref<32x64xf32, #tpu.memory_space<vmem>>, vector<16xf32>,
    %iota3A_2841 = tpu.iota {dimensions = array<i32: 0>} : vector<16xi32>
    %add3A_2842 = arith.constant 16 : i32
    %add3A_2843 = vector.broadcast %add3A_2842 : i32 to vector<16xi32>
    %add3A_2844 = arith.addi %iota3A_2841, %add3A_2843 : vector<16xi32>
    %gather3A_2845 = arith.constant 5 : i32
    %gather3A_2846 = arith.constant 0 : i32
    %gather3A_2847 = arith.constant 0 : i32
    %gather3A_2848 = tpu.memref_slice %arg6[%gather3A_2845, %gather3A_2846, %gather3A_2847] : memref<8x64x128xf32, #tpu.memory_space<vmem>> -> memref<1x64x128xf32, #tpu.memory_space<vmem>>
    %gather3A_2849 = tpu.memref_squeeze %gather3A_2848 : memref<1x64x128xf32, #tpu.memory_space<vmem>> -> memref<64x128xf32, #tpu.memory_space<vmem>>
    %gather3A_2850 = tpu.vector_load_idx %gather3A_2849[%add3A_2844, %add3A_2826] : memref<64x128xf32, #tpu.memory_space<vmem>>[vector<16xi32>, vector<16xi32>], vector<16xf32>,
    %swap3A_2851 = arith.constant 21 : i32
    %swap3A_2852 = arith.index_cast %swap3A_2851 : i32 to index
    %swap3A_2853 = arith.constant 16 : index
    %swap3A_2854 = tpu.vector_load %arg7[%swap3A_2852, %swap3A_2853] {strides = array<i32>} : memref<32x64xf32, #tpu.memory_space<vmem>>, vector<16xf32>,
    tpu.vector_store %arg7[%swap3A_2852, %swap3A_2853], %gather3A_2850 {strides = array<i32>} : memref<32x64xf32, #tpu.memory_space<vmem>>, vector<16xf32>,
    %iota3A_2855 = tpu.iota {dimensions = array<i32: 0>} : vector<16xi32>
    %add3A_2856 = arith.constant 32 : i32
    %add3A_2857 = vector.broadcast %add3A_2856 : i32 to vector<16xi32>
    %add3A_2858 = arith.addi %iota3A_2855, %add3A_2857 : vector<16xi32>
    %gather3A_2859 = arith.constant 5 : i32
    %gather3A_2860 = arith.constant 0 : i32
    %gather3A_2861 = arith.constant 0 : i32
    %gather3A_2862 = tpu.memref_slice %arg6[%gather3A_2859, %gather3A_2860, %gather3A_2861] : memref<8x64x128xf32, #tpu.memory_space<vmem>> -> memref<1x64x128xf32, #tpu.memory_space<vmem>>
    %gather3A_2863 = tpu.memref_squeeze %gather3A_2862 : memref<1x64x128xf32, #tpu.memory_space<vmem>> -> memref<64x128xf32, #tpu.memory_space<vmem>>
    %gather3A_2864 = tpu.vector_load_idx %gather3A_2863[%add3A_2858, %add3A_2826] : memref<64x128xf32, #tpu.memory_space<vmem>>[vector<16xi32>, vector<16xi32>], vector<16xf32>,
    %swap3A_2865 = arith.constant 21 : i32
    %swap3A_2866 = arith.index_cast %swap3A_2865 : i32 to index
    %swap3A_2867 = arith.constant 32 : index
    %swap3A_2868 = tpu.vector_load %arg7[%swap3A_2866, %swap3A_2867] {strides = array<i32>} : memref<32x64xf32, #tpu.memory_space<vmem>>, vector<16xf32>,
    tpu.vector_store %arg7[%swap3A_2866, %swap3A_2867], %gather3A_2864 {strides = array<i32>} : memref<32x64xf32, #tpu.memory_space<vmem>>, vector<16xf32>,
    %iota3A_2869 = tpu.iota {dimensions = array<i32: 0>} : vector<16xi32>
    %add3A_2870 = arith.constant 48 : i32
    %add3A_2871 = vector.broadcast %add3A_2870 : i32 to vector<16xi32>
    %add3A_2872 = arith.addi %iota3A_2869, %add3A_2871 : vector<16xi32>
    %gather3A_2873 = arith.constant 5 : i32
    %gather3A_2874 = arith.constant 0 : i32
    %gather3A_2875 = arith.constant 0 : i32
    %gather3A_2876 = tpu.memref_slice %arg6[%gather3A_2873, %gather3A_2874, %gather3A_2875] : memref<8x64x128xf32, #tpu.memory_space<vmem>> -> memref<1x64x128xf32, #tpu.memory_space<vmem>>
    %gather3A_2877 = tpu.memref_squeeze %gather3A_2876 : memref<1x64x128xf32, #tpu.memory_space<vmem>> -> memref<64x128xf32, #tpu.memory_space<vmem>>
    %gather3A_2878 = tpu.vector_load_idx %gather3A_2877[%add3A_2872, %add3A_2826] : memref<64x128xf32, #tpu.memory_space<vmem>>[vector<16xi32>, vector<16xi32>], vector<16xf32>,
    %swap3A_2879 = arith.constant 21 : i32
    %swap3A_2880 = arith.index_cast %swap3A_2879 : i32 to index
    %swap3A_2881 = arith.constant 48 : index
    %swap3A_2882 = tpu.vector_load %arg7[%swap3A_2880, %swap3A_2881] {strides = array<i32>} : memref<32x64xf32, #tpu.memory_space<vmem>>, vector<16xf32>,
    tpu.vector_store %arg7[%swap3A_2880, %swap3A_2881], %gather3A_2878 {strides = array<i32>} : memref<32x64xf32, #tpu.memory_space<vmem>>, vector<16xf32>,
    %jit3A_2883 = arith.constant 128 : i32
    %div3A_2884 = arith.divsi %squeeze3A_120, %jit3A_2883 : i32
    %sign3A_2885 = arith.constant 0 : i32
    %sign3A_2886 = arith.cmpi sgt, %squeeze3A_120, %sign3A_2885 : i32
    %sign3A_2887 = arith.extui %sign3A_2886 : i1 to i32
    %sign3A_2888 = arith.constant 0 : i32
    %sign3A_2889 = arith.cmpi slt, %squeeze3A_120, %sign3A_2888 : i32
    %sign3A_2890 = arith.extui %sign3A_2889 : i1 to i32
    %sign3A_2891 = arith.subi %sign3A_2887, %sign3A_2890 : i32
    %sign3A_2892 = arith.constant 0 : i32
    %sign3A_2893 = arith.cmpi sgt, %jit3A_2883, %sign3A_2892 : i32
    %sign3A_2894 = arith.extui %sign3A_2893 : i1 to i32
    %sign3A_2895 = arith.constant 0 : i32
    %sign3A_2896 = arith.cmpi slt, %jit3A_2883, %sign3A_2895 : i32
    %sign3A_2897 = arith.extui %sign3A_2896 : i1 to i32
    %sign3A_2898 = arith.subi %sign3A_2894, %sign3A_2897 : i32
    %ne3A_2899 = arith.cmpi ne, %sign3A_2891, %sign3A_2898 : i32
    %rem3A_2900 = arith.remsi %squeeze3A_120, %jit3A_2883 : i32
    %ne3A_2901 = arith.constant 0 : i32
    %ne3A_2902 = arith.cmpi ne, %rem3A_2900, %ne3A_2901 : i32
    %and3A_2903 = arith.andi %ne3A_2899, %ne3A_2902 : i1
    %sub3A_2904 = arith.constant 1 : i32
    %sub3A_2905 = arith.subi %div3A_2884, %sub3A_2904 : i32
    %select_n3A_2906 = arith.select %and3A_2903, %sub3A_2905, %div3A_2884 : i32
    %mul3A_2907 = arith.constant 128 : i32
    %mul3A_2908 = arith.muli %select_n3A_2906, %mul3A_2907 : i32
    %multiple_of3A_2909 = tpu.assume_multiple %mul3A_2908, 128 : i32
    %dma_start3A_2910 = arith.constant 5 : i32
    %dma_start3A_2911 = arith.constant 0 : i32
    %dma_start3A_2912 = arith.constant 0 : i32
    %dma_start3A_2913 = tpu.memref_slice %arg6[%dma_start3A_2910, %dma_start3A_2911, %dma_start3A_2912] : memref<8x64x128xf32, #tpu.memory_space<vmem>> -> memref<1x64x128xf32, #tpu.memory_space<vmem>>
    %dma_start3A_2914 = tpu.memref_squeeze %dma_start3A_2913 : memref<1x64x128xf32, #tpu.memory_space<vmem>> -> memref<64x128xf32, #tpu.memory_space<vmem>>
    %dma_start3A_2915 = arith.constant 0 : i32
    %dma_start3A_2916 = tpu.memref_slice %arg3[%dma_start3A_2915, %multiple_of3A_2909] : memref<64x100000xf32, #tpu.memory_space<hbm>> -> memref<64x128xf32, #tpu.memory_space<hbm>>
    %dma_start3A_2917 = arith.constant 0 : i32
    %dma_start3A_2918 = arith.constant 0 : i32
    %dma_start3A_2919 = tpu.memref_slice %arg6[%dma_start3A_2910, %dma_start3A_2917, %dma_start3A_2918] : memref<8x64x128xf32, #tpu.memory_space<vmem>> -> memref<1x64x128xf32, #tpu.memory_space<vmem>>
    %dma_start3A_2920 = tpu.memref_squeeze %dma_start3A_2919 : memref<1x64x128xf32, #tpu.memory_space<vmem>> -> memref<64x128xf32, #tpu.memory_space<vmem>>
    %dma_start3A_2921 = arith.constant 0 : i32
    %dma_start3A_2922 = tpu.memref_slice %arg3[%dma_start3A_2921, %multiple_of3A_2909] : memref<64x100000xf32, #tpu.memory_space<hbm>> -> memref<64x128xf32, #tpu.memory_space<hbm>>
    tpu.enqueue_dma source(%dma_start3A_2922 : memref<64x128xf32, #tpu.memory_space<hbm>>) target(%dma_start3A_2920 : memref<64x128xf32, #tpu.memory_space<vmem>>) target_semaphore(%arg13 : memref<!tpu.dma_semaphore, #tpu.memory_space<semaphore_mem>>)
    %dma_wait3A_2923 = arith.constant 6 : i32
    %dma_wait3A_2924 = arith.constant 0 : i32
    %dma_wait3A_2925 = arith.constant 0 : i32
    %dma_wait3A_2926 = tpu.memref_slice %arg6[%dma_wait3A_2923, %dma_wait3A_2924, %dma_wait3A_2925] : memref<8x64x128xf32, #tpu.memory_space<vmem>> -> memref<1x64x128xf32, #tpu.memory_space<vmem>>
    %dma_wait3A_2927 = tpu.memref_squeeze %dma_wait3A_2926 : memref<1x64x128xf32, #tpu.memory_space<vmem>> -> memref<64x128xf32, #tpu.memory_space<vmem>>
    %dma_wait3A_2928 = arith.constant 0 : i32
    %dma_wait3A_2929 = tpu.memref_slice %arg3[%dma_wait3A_2928, %multiple_of3A_2118] : memref<64x100000xf32, #tpu.memory_space<hbm>> -> memref<64x128xf32, #tpu.memory_space<hbm>>
    %dma_wait3A_2930 = arith.constant 0 : i32
    %dma_wait3A_2931 = arith.constant 0 : i32
    %dma_wait3A_2932 = tpu.memref_slice %arg6[%dma_wait3A_2923, %dma_wait3A_2930, %dma_wait3A_2931] : memref<8x64x128xf32, #tpu.memory_space<vmem>> -> memref<1x64x128xf32, #tpu.memory_space<vmem>>
    %dma_wait3A_2933 = tpu.memref_squeeze %dma_wait3A_2932 : memref<1x64x128xf32, #tpu.memory_space<vmem>> -> memref<64x128xf32, #tpu.memory_space<vmem>>
    %dma_wait3A_2934 = arith.constant 0 : i32
    %dma_wait3A_2935 = tpu.memref_slice %arg3[%dma_wait3A_2934, %multiple_of3A_2118] : memref<64x100000xf32, #tpu.memory_space<hbm>> -> memref<64x128xf32, #tpu.memory_space<hbm>>
    tpu.wait_dma2 semaphore(%arg14 : memref<!tpu.dma_semaphore, #tpu.memory_space<semaphore_mem>>) src(%dma_wait3A_2935 : memref<64x128xf32, #tpu.memory_space<hbm>>) dst(%dma_wait3A_2933 : memref<64x128xf32, #tpu.memory_space<vmem>>)
    %broadcast_in_dim3A_2936 = arith.constant 0 : i32
    %broadcast_in_dim3A_2937 = vector.broadcast %broadcast_in_dim3A_2936 : i32 to vector<16xi32>
    %add3A_2938 = vector.broadcast %and3A_94 : i32 to vector<16xi32>
    %add3A_2939 = arith.addi %broadcast_in_dim3A_2937, %add3A_2938 : vector<16xi32>
    %iota3A_2940 = tpu.iota {dimensions = array<i32: 0>} : vector<16xi32>
    %add3A_2941 = arith.constant 0 : i32
    %add3A_2942 = vector.broadcast %add3A_2941 : i32 to vector<16xi32>
    %add3A_2943 = arith.addi %iota3A_2940, %add3A_2942 : vector<16xi32>
    %gather3A_2944 = arith.constant 6 : i32
    %gather3A_2945 = arith.constant 0 : i32
    %gather3A_2946 = arith.constant 0 : i32
    %gather3A_2947 = tpu.memref_slice %arg6[%gather3A_2944, %gather3A_2945, %gather3A_2946] : memref<8x64x128xf32, #tpu.memory_space<vmem>> -> memref<1x64x128xf32, #tpu.memory_space<vmem>>
    %gather3A_2948 = tpu.memref_squeeze %gather3A_2947 : memref<1x64x128xf32, #tpu.memory_space<vmem>> -> memref<64x128xf32, #tpu.memory_space<vmem>>
    %gather3A_2949 = tpu.vector_load_idx %gather3A_2948[%add3A_2943, %add3A_2939] : memref<64x128xf32, #tpu.memory_space<vmem>>[vector<16xi32>, vector<16xi32>], vector<16xf32>,
    %swap3A_2950 = arith.constant 22 : i32
    %swap3A_2951 = arith.index_cast %swap3A_2950 : i32 to index
    %swap3A_2952 = arith.constant 0 : index
    %swap3A_2953 = tpu.vector_load %arg7[%swap3A_2951, %swap3A_2952] {strides = array<i32>} : memref<32x64xf32, #tpu.memory_space<vmem>>, vector<16xf32>,
    tpu.vector_store %arg7[%swap3A_2951, %swap3A_2952], %gather3A_2949 {strides = array<i32>} : memref<32x64xf32, #tpu.memory_space<vmem>>, vector<16xf32>,
    %iota3A_2954 = tpu.iota {dimensions = array<i32: 0>} : vector<16xi32>
    %add3A_2955 = arith.constant 16 : i32
    %add3A_2956 = vector.broadcast %add3A_2955 : i32 to vector<16xi32>
    %add3A_2957 = arith.addi %iota3A_2954, %add3A_2956 : vector<16xi32>
    %gather3A_2958 = arith.constant 6 : i32
    %gather3A_2959 = arith.constant 0 : i32
    %gather3A_2960 = arith.constant 0 : i32
    %gather3A_2961 = tpu.memref_slice %arg6[%gather3A_2958, %gather3A_2959, %gather3A_2960] : memref<8x64x128xf32, #tpu.memory_space<vmem>> -> memref<1x64x128xf32, #tpu.memory_space<vmem>>
    %gather3A_2962 = tpu.memref_squeeze %gather3A_2961 : memref<1x64x128xf32, #tpu.memory_space<vmem>> -> memref<64x128xf32, #tpu.memory_space<vmem>>
    %gather3A_2963 = tpu.vector_load_idx %gather3A_2962[%add3A_2957, %add3A_2939] : memref<64x128xf32, #tpu.memory_space<vmem>>[vector<16xi32>, vector<16xi32>], vector<16xf32>,
    %swap3A_2964 = arith.constant 22 : i32
    %swap3A_2965 = arith.index_cast %swap3A_2964 : i32 to index
    %swap3A_2966 = arith.constant 16 : index
    %swap3A_2967 = tpu.vector_load %arg7[%swap3A_2965, %swap3A_2966] {strides = array<i32>} : memref<32x64xf32, #tpu.memory_space<vmem>>, vector<16xf32>,
    tpu.vector_store %arg7[%swap3A_2965, %swap3A_2966], %gather3A_2963 {strides = array<i32>} : memref<32x64xf32, #tpu.memory_space<vmem>>, vector<16xf32>,
    %iota3A_2968 = tpu.iota {dimensions = array<i32: 0>} : vector<16xi32>
    %add3A_2969 = arith.constant 32 : i32
    %add3A_2970 = vector.broadcast %add3A_2969 : i32 to vector<16xi32>
    %add3A_2971 = arith.addi %iota3A_2968, %add3A_2970 : vector<16xi32>
    %gather3A_2972 = arith.constant 6 : i32
    %gather3A_2973 = arith.constant 0 : i32
    %gather3A_2974 = arith.constant 0 : i32
    %gather3A_2975 = tpu.memref_slice %arg6[%gather3A_2972, %gather3A_2973, %gather3A_2974] : memref<8x64x128xf32, #tpu.memory_space<vmem>> -> memref<1x64x128xf32, #tpu.memory_space<vmem>>
    %gather3A_2976 = tpu.memref_squeeze %gather3A_2975 : memref<1x64x128xf32, #tpu.memory_space<vmem>> -> memref<64x128xf32, #tpu.memory_space<vmem>>
    %gather3A_2977 = tpu.vector_load_idx %gather3A_2976[%add3A_2971, %add3A_2939] : memref<64x128xf32, #tpu.memory_space<vmem>>[vector<16xi32>, vector<16xi32>], vector<16xf32>,
    %swap3A_2978 = arith.constant 22 : i32
    %swap3A_2979 = arith.index_cast %swap3A_2978 : i32 to index
    %swap3A_2980 = arith.constant 32 : index
    %swap3A_2981 = tpu.vector_load %arg7[%swap3A_2979, %swap3A_2980] {strides = array<i32>} : memref<32x64xf32, #tpu.memory_space<vmem>>, vector<16xf32>,
    tpu.vector_store %arg7[%swap3A_2979, %swap3A_2980], %gather3A_2977 {strides = array<i32>} : memref<32x64xf32, #tpu.memory_space<vmem>>, vector<16xf32>,
    %iota3A_2982 = tpu.iota {dimensions = array<i32: 0>} : vector<16xi32>
    %add3A_2983 = arith.constant 48 : i32
    %add3A_2984 = vector.broadcast %add3A_2983 : i32 to vector<16xi32>
    %add3A_2985 = arith.addi %iota3A_2982, %add3A_2984 : vector<16xi32>
    %gather3A_2986 = arith.constant 6 : i32
    %gather3A_2987 = arith.constant 0 : i32
    %gather3A_2988 = arith.constant 0 : i32
    %gather3A_2989 = tpu.memref_slice %arg6[%gather3A_2986, %gather3A_2987, %gather3A_2988] : memref<8x64x128xf32, #tpu.memory_space<vmem>> -> memref<1x64x128xf32, #tpu.memory_space<vmem>>
    %gather3A_2990 = tpu.memref_squeeze %gather3A_2989 : memref<1x64x128xf32, #tpu.memory_space<vmem>> -> memref<64x128xf32, #tpu.memory_space<vmem>>
    %gather3A_2991 = tpu.vector_load_idx %gather3A_2990[%add3A_2985, %add3A_2939] : memref<64x128xf32, #tpu.memory_space<vmem>>[vector<16xi32>, vector<16xi32>], vector<16xf32>,
    %swap3A_2992 = arith.constant 22 : i32
    %swap3A_2993 = arith.index_cast %swap3A_2992 : i32 to index
    %swap3A_2994 = arith.constant 48 : index
    %swap3A_2995 = tpu.vector_load %arg7[%swap3A_2993, %swap3A_2994] {strides = array<i32>} : memref<32x64xf32, #tpu.memory_space<vmem>>, vector<16xf32>,
    tpu.vector_store %arg7[%swap3A_2993, %swap3A_2994], %gather3A_2991 {strides = array<i32>} : memref<32x64xf32, #tpu.memory_space<vmem>>, vector<16xf32>,
    %jit3A_2996 = arith.constant 128 : i32
    %div3A_2997 = arith.divsi %squeeze3A_124, %jit3A_2996 : i32
    %sign3A_2998 = arith.constant 0 : i32
    %sign3A_2999 = arith.cmpi sgt, %squeeze3A_124, %sign3A_2998 : i32
    %sign3A_3000 = arith.extui %sign3A_2999 : i1 to i32
    %sign3A_3001 = arith.constant 0 : i32
    %sign3A_3002 = arith.cmpi slt, %squeeze3A_124, %sign3A_3001 : i32
    %sign3A_3003 = arith.extui %sign3A_3002 : i1 to i32
    %sign3A_3004 = arith.subi %sign3A_3000, %sign3A_3003 : i32
    %sign3A_3005 = arith.constant 0 : i32
    %sign3A_3006 = arith.cmpi sgt, %jit3A_2996, %sign3A_3005 : i32
    %sign3A_3007 = arith.extui %sign3A_3006 : i1 to i32
    %sign3A_3008 = arith.constant 0 : i32
    %sign3A_3009 = arith.cmpi slt, %jit3A_2996, %sign3A_3008 : i32
    %sign3A_3010 = arith.extui %sign3A_3009 : i1 to i32
    %sign3A_3011 = arith.subi %sign3A_3007, %sign3A_3010 : i32
    %ne3A_3012 = arith.cmpi ne, %sign3A_3004, %sign3A_3011 : i32
    %rem3A_3013 = arith.remsi %squeeze3A_124, %jit3A_2996 : i32
    %ne3A_3014 = arith.constant 0 : i32
    %ne3A_3015 = arith.cmpi ne, %rem3A_3013, %ne3A_3014 : i32
    %and3A_3016 = arith.andi %ne3A_3012, %ne3A_3015 : i1
    %sub3A_3017 = arith.constant 1 : i32
    %sub3A_3018 = arith.subi %div3A_2997, %sub3A_3017 : i32
    %select_n3A_3019 = arith.select %and3A_3016, %sub3A_3018, %div3A_2997 : i32
    %mul3A_3020 = arith.constant 128 : i32
    %mul3A_3021 = arith.muli %select_n3A_3019, %mul3A_3020 : i32
    %multiple_of3A_3022 = tpu.assume_multiple %mul3A_3021, 128 : i32
    %dma_start3A_3023 = arith.constant 6 : i32
    %dma_start3A_3024 = arith.constant 0 : i32
    %dma_start3A_3025 = arith.constant 0 : i32
    %dma_start3A_3026 = tpu.memref_slice %arg6[%dma_start3A_3023, %dma_start3A_3024, %dma_start3A_3025] : memref<8x64x128xf32, #tpu.memory_space<vmem>> -> memref<1x64x128xf32, #tpu.memory_space<vmem>>
    %dma_start3A_3027 = tpu.memref_squeeze %dma_start3A_3026 : memref<1x64x128xf32, #tpu.memory_space<vmem>> -> memref<64x128xf32, #tpu.memory_space<vmem>>
    %dma_start3A_3028 = arith.constant 0 : i32
    %dma_start3A_3029 = tpu.memref_slice %arg3[%dma_start3A_3028, %multiple_of3A_3022] : memref<64x100000xf32, #tpu.memory_space<hbm>> -> memref<64x128xf32, #tpu.memory_space<hbm>>
    %dma_start3A_3030 = arith.constant 0 : i32
    %dma_start3A_3031 = arith.constant 0 : i32
    %dma_start3A_3032 = tpu.memref_slice %arg6[%dma_start3A_3023, %dma_start3A_3030, %dma_start3A_3031] : memref<8x64x128xf32, #tpu.memory_space<vmem>> -> memref<1x64x128xf32, #tpu.memory_space<vmem>>
    %dma_start3A_3033 = tpu.memref_squeeze %dma_start3A_3032 : memref<1x64x128xf32, #tpu.memory_space<vmem>> -> memref<64x128xf32, #tpu.memory_space<vmem>>
    %dma_start3A_3034 = arith.constant 0 : i32
    %dma_start3A_3035 = tpu.memref_slice %arg3[%dma_start3A_3034, %multiple_of3A_3022] : memref<64x100000xf32, #tpu.memory_space<hbm>> -> memref<64x128xf32, #tpu.memory_space<hbm>>
    tpu.enqueue_dma source(%dma_start3A_3035 : memref<64x128xf32, #tpu.memory_space<hbm>>) target(%dma_start3A_3033 : memref<64x128xf32, #tpu.memory_space<vmem>>) target_semaphore(%arg14 : memref<!tpu.dma_semaphore, #tpu.memory_space<semaphore_mem>>)
    %dma_wait3A_3036 = arith.constant 7 : i32
    %dma_wait3A_3037 = arith.constant 0 : i32
    %dma_wait3A_3038 = arith.constant 0 : i32
    %dma_wait3A_3039 = tpu.memref_slice %arg6[%dma_wait3A_3036, %dma_wait3A_3037, %dma_wait3A_3038] : memref<8x64x128xf32, #tpu.memory_space<vmem>> -> memref<1x64x128xf32, #tpu.memory_space<vmem>>
    %dma_wait3A_3040 = tpu.memref_squeeze %dma_wait3A_3039 : memref<1x64x128xf32, #tpu.memory_space<vmem>> -> memref<64x128xf32, #tpu.memory_space<vmem>>
    %dma_wait3A_3041 = arith.constant 0 : i32
    %dma_wait3A_3042 = tpu.memref_slice %arg3[%dma_wait3A_3041, %multiple_of3A_2231] : memref<64x100000xf32, #tpu.memory_space<hbm>> -> memref<64x128xf32, #tpu.memory_space<hbm>>
    %dma_wait3A_3043 = arith.constant 0 : i32
    %dma_wait3A_3044 = arith.constant 0 : i32
    %dma_wait3A_3045 = tpu.memref_slice %arg6[%dma_wait3A_3036, %dma_wait3A_3043, %dma_wait3A_3044] : memref<8x64x128xf32, #tpu.memory_space<vmem>> -> memref<1x64x128xf32, #tpu.memory_space<vmem>>
    %dma_wait3A_3046 = tpu.memref_squeeze %dma_wait3A_3045 : memref<1x64x128xf32, #tpu.memory_space<vmem>> -> memref<64x128xf32, #tpu.memory_space<vmem>>
    %dma_wait3A_3047 = arith.constant 0 : i32
    %dma_wait3A_3048 = tpu.memref_slice %arg3[%dma_wait3A_3047, %multiple_of3A_2231] : memref<64x100000xf32, #tpu.memory_space<hbm>> -> memref<64x128xf32, #tpu.memory_space<hbm>>
    tpu.wait_dma2 semaphore(%arg15 : memref<!tpu.dma_semaphore, #tpu.memory_space<semaphore_mem>>) src(%dma_wait3A_3048 : memref<64x128xf32, #tpu.memory_space<hbm>>) dst(%dma_wait3A_3046 : memref<64x128xf32, #tpu.memory_space<vmem>>)
    %broadcast_in_dim3A_3049 = arith.constant 0 : i32
    %broadcast_in_dim3A_3050 = vector.broadcast %broadcast_in_dim3A_3049 : i32 to vector<16xi32>
    %add3A_3051 = vector.broadcast %and3A_98 : i32 to vector<16xi32>
    %add3A_3052 = arith.addi %broadcast_in_dim3A_3050, %add3A_3051 : vector<16xi32>
    %iota3A_3053 = tpu.iota {dimensions = array<i32: 0>} : vector<16xi32>
    %add3A_3054 = arith.constant 0 : i32
    %add3A_3055 = vector.broadcast %add3A_3054 : i32 to vector<16xi32>
    %add3A_3056 = arith.addi %iota3A_3053, %add3A_3055 : vector<16xi32>
    %gather3A_3057 = arith.constant 7 : i32
    %gather3A_3058 = arith.constant 0 : i32
    %gather3A_3059 = arith.constant 0 : i32
    %gather3A_3060 = tpu.memref_slice %arg6[%gather3A_3057, %gather3A_3058, %gather3A_3059] : memref<8x64x128xf32, #tpu.memory_space<vmem>> -> memref<1x64x128xf32, #tpu.memory_space<vmem>>
    %gather3A_3061 = tpu.memref_squeeze %gather3A_3060 : memref<1x64x128xf32, #tpu.memory_space<vmem>> -> memref<64x128xf32, #tpu.memory_space<vmem>>
    %gather3A_3062 = tpu.vector_load_idx %gather3A_3061[%add3A_3056, %add3A_3052] : memref<64x128xf32, #tpu.memory_space<vmem>>[vector<16xi32>, vector<16xi32>], vector<16xf32>,
    %swap3A_3063 = arith.constant 23 : i32
    %swap3A_3064 = arith.index_cast %swap3A_3063 : i32 to index
    %swap3A_3065 = arith.constant 0 : index
    %swap3A_3066 = tpu.vector_load %arg7[%swap3A_3064, %swap3A_3065] {strides = array<i32>} : memref<32x64xf32, #tpu.memory_space<vmem>>, vector<16xf32>,
    tpu.vector_store %arg7[%swap3A_3064, %swap3A_3065], %gather3A_3062 {strides = array<i32>} : memref<32x64xf32, #tpu.memory_space<vmem>>, vector<16xf32>,
    %iota3A_3067 = tpu.iota {dimensions = array<i32: 0>} : vector<16xi32>
    %add3A_3068 = arith.constant 16 : i32
    %add3A_3069 = vector.broadcast %add3A_3068 : i32 to vector<16xi32>
    %add3A_3070 = arith.addi %iota3A_3067, %add3A_3069 : vector<16xi32>
    %gather3A_3071 = arith.constant 7 : i32
    %gather3A_3072 = arith.constant 0 : i32
    %gather3A_3073 = arith.constant 0 : i32
    %gather3A_3074 = tpu.memref_slice %arg6[%gather3A_3071, %gather3A_3072, %gather3A_3073] : memref<8x64x128xf32, #tpu.memory_space<vmem>> -> memref<1x64x128xf32, #tpu.memory_space<vmem>>
    %gather3A_3075 = tpu.memref_squeeze %gather3A_3074 : memref<1x64x128xf32, #tpu.memory_space<vmem>> -> memref<64x128xf32, #tpu.memory_space<vmem>>
    %gather3A_3076 = tpu.vector_load_idx %gather3A_3075[%add3A_3070, %add3A_3052] : memref<64x128xf32, #tpu.memory_space<vmem>>[vector<16xi32>, vector<16xi32>], vector<16xf32>,
    %swap3A_3077 = arith.constant 23 : i32
    %swap3A_3078 = arith.index_cast %swap3A_3077 : i32 to index
    %swap3A_3079 = arith.constant 16 : index
    %swap3A_3080 = tpu.vector_load %arg7[%swap3A_3078, %swap3A_3079] {strides = array<i32>} : memref<32x64xf32, #tpu.memory_space<vmem>>, vector<16xf32>,
    tpu.vector_store %arg7[%swap3A_3078, %swap3A_3079], %gather3A_3076 {strides = array<i32>} : memref<32x64xf32, #tpu.memory_space<vmem>>, vector<16xf32>,
    %iota3A_3081 = tpu.iota {dimensions = array<i32: 0>} : vector<16xi32>
    %add3A_3082 = arith.constant 32 : i32
    %add3A_3083 = vector.broadcast %add3A_3082 : i32 to vector<16xi32>
    %add3A_3084 = arith.addi %iota3A_3081, %add3A_3083 : vector<16xi32>
    %gather3A_3085 = arith.constant 7 : i32
    %gather3A_3086 = arith.constant 0 : i32
    %gather3A_3087 = arith.constant 0 : i32
    %gather3A_3088 = tpu.memref_slice %arg6[%gather3A_3085, %gather3A_3086, %gather3A_3087] : memref<8x64x128xf32, #tpu.memory_space<vmem>> -> memref<1x64x128xf32, #tpu.memory_space<vmem>>
    %gather3A_3089 = tpu.memref_squeeze %gather3A_3088 : memref<1x64x128xf32, #tpu.memory_space<vmem>> -> memref<64x128xf32, #tpu.memory_space<vmem>>
    %gather3A_3090 = tpu.vector_load_idx %gather3A_3089[%add3A_3084, %add3A_3052] : memref<64x128xf32, #tpu.memory_space<vmem>>[vector<16xi32>, vector<16xi32>], vector<16xf32>,
    %swap3A_3091 = arith.constant 23 : i32
    %swap3A_3092 = arith.index_cast %swap3A_3091 : i32 to index
    %swap3A_3093 = arith.constant 32 : index
    %swap3A_3094 = tpu.vector_load %arg7[%swap3A_3092, %swap3A_3093] {strides = array<i32>} : memref<32x64xf32, #tpu.memory_space<vmem>>, vector<16xf32>,
    tpu.vector_store %arg7[%swap3A_3092, %swap3A_3093], %gather3A_3090 {strides = array<i32>} : memref<32x64xf32, #tpu.memory_space<vmem>>, vector<16xf32>,
    %iota3A_3095 = tpu.iota {dimensions = array<i32: 0>} : vector<16xi32>
    %add3A_3096 = arith.constant 48 : i32
    %add3A_3097 = vector.broadcast %add3A_3096 : i32 to vector<16xi32>
    %add3A_3098 = arith.addi %iota3A_3095, %add3A_3097 : vector<16xi32>
    %gather3A_3099 = arith.constant 7 : i32
    %gather3A_3100 = arith.constant 0 : i32
    %gather3A_3101 = arith.constant 0 : i32
    %gather3A_3102 = tpu.memref_slice %arg6[%gather3A_3099, %gather3A_3100, %gather3A_3101] : memref<8x64x128xf32, #tpu.memory_space<vmem>> -> memref<1x64x128xf32, #tpu.memory_space<vmem>>
    %gather3A_3103 = tpu.memref_squeeze %gather3A_3102 : memref<1x64x128xf32, #tpu.memory_space<vmem>> -> memref<64x128xf32, #tpu.memory_space<vmem>>
    %gather3A_3104 = tpu.vector_load_idx %gather3A_3103[%add3A_3098, %add3A_3052] : memref<64x128xf32, #tpu.memory_space<vmem>>[vector<16xi32>, vector<16xi32>], vector<16xf32>,
    %swap3A_3105 = arith.constant 23 : i32
    %swap3A_3106 = arith.index_cast %swap3A_3105 : i32 to index
    %swap3A_3107 = arith.constant 48 : index
    %swap3A_3108 = tpu.vector_load %arg7[%swap3A_3106, %swap3A_3107] {strides = array<i32>} : memref<32x64xf32, #tpu.memory_space<vmem>>, vector<16xf32>,
    tpu.vector_store %arg7[%swap3A_3106, %swap3A_3107], %gather3A_3104 {strides = array<i32>} : memref<32x64xf32, #tpu.memory_space<vmem>>, vector<16xf32>,
    %jit3A_3109 = arith.constant 128 : i32
    %div3A_3110 = arith.divsi %squeeze3A_128, %jit3A_3109 : i32
    %sign3A_3111 = arith.constant 0 : i32
    %sign3A_3112 = arith.cmpi sgt, %squeeze3A_128, %sign3A_3111 : i32
    %sign3A_3113 = arith.extui %sign3A_3112 : i1 to i32
    %sign3A_3114 = arith.constant 0 : i32
    %sign3A_3115 = arith.cmpi slt, %squeeze3A_128, %sign3A_3114 : i32
    %sign3A_3116 = arith.extui %sign3A_3115 : i1 to i32
    %sign3A_3117 = arith.subi %sign3A_3113, %sign3A_3116 : i32
    %sign3A_3118 = arith.constant 0 : i32
    %sign3A_3119 = arith.cmpi sgt, %jit3A_3109, %sign3A_3118 : i32
    %sign3A_3120 = arith.extui %sign3A_3119 : i1 to i32
    %sign3A_3121 = arith.constant 0 : i32
    %sign3A_3122 = arith.cmpi slt, %jit3A_3109, %sign3A_3121 : i32
    %sign3A_3123 = arith.extui %sign3A_3122 : i1 to i32
    %sign3A_3124 = arith.subi %sign3A_3120, %sign3A_3123 : i32
    %ne3A_3125 = arith.cmpi ne, %sign3A_3117, %sign3A_3124 : i32
    %rem3A_3126 = arith.remsi %squeeze3A_128, %jit3A_3109 : i32
    %ne3A_3127 = arith.constant 0 : i32
    %ne3A_3128 = arith.cmpi ne, %rem3A_3126, %ne3A_3127 : i32
    %and3A_3129 = arith.andi %ne3A_3125, %ne3A_3128 : i1
    %sub3A_3130 = arith.constant 1 : i32
    %sub3A_3131 = arith.subi %div3A_3110, %sub3A_3130 : i32
    %select_n3A_3132 = arith.select %and3A_3129, %sub3A_3131, %div3A_3110 : i32
    %mul3A_3133 = arith.constant 128 : i32
    %mul3A_3134 = arith.muli %select_n3A_3132, %mul3A_3133 : i32
    %multiple_of3A_3135 = tpu.assume_multiple %mul3A_3134, 128 : i32
    %dma_start3A_3136 = arith.constant 7 : i32
    %dma_start3A_3137 = arith.constant 0 : i32
    %dma_start3A_3138 = arith.constant 0 : i32
    %dma_start3A_3139 = tpu.memref_slice %arg6[%dma_start3A_3136, %dma_start3A_3137, %dma_start3A_3138] : memref<8x64x128xf32, #tpu.memory_space<vmem>> -> memref<1x64x128xf32, #tpu.memory_space<vmem>>
    %dma_start3A_3140 = tpu.memref_squeeze %dma_start3A_3139 : memref<1x64x128xf32, #tpu.memory_space<vmem>> -> memref<64x128xf32, #tpu.memory_space<vmem>>
    %dma_start3A_3141 = arith.constant 0 : i32
    %dma_start3A_3142 = tpu.memref_slice %arg3[%dma_start3A_3141, %multiple_of3A_3135] : memref<64x100000xf32, #tpu.memory_space<hbm>> -> memref<64x128xf32, #tpu.memory_space<hbm>>
    %dma_start3A_3143 = arith.constant 0 : i32
    %dma_start3A_3144 = arith.constant 0 : i32
    %dma_start3A_3145 = tpu.memref_slice %arg6[%dma_start3A_3136, %dma_start3A_3143, %dma_start3A_3144] : memref<8x64x128xf32, #tpu.memory_space<vmem>> -> memref<1x64x128xf32, #tpu.memory_space<vmem>>
    %dma_start3A_3146 = tpu.memref_squeeze %dma_start3A_3145 : memref<1x64x128xf32, #tpu.memory_space<vmem>> -> memref<64x128xf32, #tpu.memory_space<vmem>>
    %dma_start3A_3147 = arith.constant 0 : i32
    %dma_start3A_3148 = tpu.memref_slice %arg3[%dma_start3A_3147, %multiple_of3A_3135] : memref<64x100000xf32, #tpu.memory_space<hbm>> -> memref<64x128xf32, #tpu.memory_space<hbm>>
    tpu.enqueue_dma source(%dma_start3A_3148 : memref<64x128xf32, #tpu.memory_space<hbm>>) target(%dma_start3A_3146 : memref<64x128xf32, #tpu.memory_space<vmem>>) target_semaphore(%arg15 : memref<!tpu.dma_semaphore, #tpu.memory_space<semaphore_mem>>)
    %dma_wait3A_3149 = arith.constant 0 : i32
    %dma_wait3A_3150 = arith.constant 0 : i32
    %dma_wait3A_3151 = arith.constant 0 : i32
    %dma_wait3A_3152 = tpu.memref_slice %arg6[%dma_wait3A_3149, %dma_wait3A_3150, %dma_wait3A_3151] : memref<8x64x128xf32, #tpu.memory_space<vmem>> -> memref<1x64x128xf32, #tpu.memory_space<vmem>>
    %dma_wait3A_3153 = tpu.memref_squeeze %dma_wait3A_3152 : memref<1x64x128xf32, #tpu.memory_space<vmem>> -> memref<64x128xf32, #tpu.memory_space<vmem>>
    %dma_wait3A_3154 = arith.constant 0 : i32
    %dma_wait3A_3155 = tpu.memref_slice %arg3[%dma_wait3A_3154, %multiple_of3A_2344] : memref<64x100000xf32, #tpu.memory_space<hbm>> -> memref<64x128xf32, #tpu.memory_space<hbm>>
    %dma_wait3A_3156 = arith.constant 0 : i32
    %dma_wait3A_3157 = arith.constant 0 : i32
    %dma_wait3A_3158 = tpu.memref_slice %arg6[%dma_wait3A_3149, %dma_wait3A_3156, %dma_wait3A_3157] : memref<8x64x128xf32, #tpu.memory_space<vmem>> -> memref<1x64x128xf32, #tpu.memory_space<vmem>>
    %dma_wait3A_3159 = tpu.memref_squeeze %dma_wait3A_3158 : memref<1x64x128xf32, #tpu.memory_space<vmem>> -> memref<64x128xf32, #tpu.memory_space<vmem>>
    %dma_wait3A_3160 = arith.constant 0 : i32
    %dma_wait3A_3161 = tpu.memref_slice %arg3[%dma_wait3A_3160, %multiple_of3A_2344] : memref<64x100000xf32, #tpu.memory_space<hbm>> -> memref<64x128xf32, #tpu.memory_space<hbm>>
    tpu.wait_dma2 semaphore(%arg8 : memref<!tpu.dma_semaphore, #tpu.memory_space<semaphore_mem>>) src(%dma_wait3A_3161 : memref<64x128xf32, #tpu.memory_space<hbm>>) dst(%dma_wait3A_3159 : memref<64x128xf32, #tpu.memory_space<vmem>>)
    %broadcast_in_dim3A_3162 = arith.constant 0 : i32
    %broadcast_in_dim3A_3163 = vector.broadcast %broadcast_in_dim3A_3162 : i32 to vector<16xi32>
    %add3A_3164 = vector.broadcast %and3A_102 : i32 to vector<16xi32>
    %add3A_3165 = arith.addi %broadcast_in_dim3A_3163, %add3A_3164 : vector<16xi32>
    %iota3A_3166 = tpu.iota {dimensions = array<i32: 0>} : vector<16xi32>
    %add3A_3167 = arith.constant 0 : i32
    %add3A_3168 = vector.broadcast %add3A_3167 : i32 to vector<16xi32>
    %add3A_3169 = arith.addi %iota3A_3166, %add3A_3168 : vector<16xi32>
    %gather3A_3170 = arith.constant 0 : i32
    %gather3A_3171 = arith.constant 0 : i32
    %gather3A_3172 = arith.constant 0 : i32
    %gather3A_3173 = tpu.memref_slice %arg6[%gather3A_3170, %gather3A_3171, %gather3A_3172] : memref<8x64x128xf32, #tpu.memory_space<vmem>> -> memref<1x64x128xf32, #tpu.memory_space<vmem>>
    %gather3A_3174 = tpu.memref_squeeze %gather3A_3173 : memref<1x64x128xf32, #tpu.memory_space<vmem>> -> memref<64x128xf32, #tpu.memory_space<vmem>>
    %gather3A_3175 = tpu.vector_load_idx %gather3A_3174[%add3A_3169, %add3A_3165] : memref<64x128xf32, #tpu.memory_space<vmem>>[vector<16xi32>, vector<16xi32>], vector<16xf32>,
    %swap3A_3176 = arith.constant 24 : i32
    %swap3A_3177 = arith.index_cast %swap3A_3176 : i32 to index
    %swap3A_3178 = arith.constant 0 : index
    %swap3A_3179 = tpu.vector_load %arg7[%swap3A_3177, %swap3A_3178] {strides = array<i32>} : memref<32x64xf32, #tpu.memory_space<vmem>>, vector<16xf32>,
    tpu.vector_store %arg7[%swap3A_3177, %swap3A_3178], %gather3A_3175 {strides = array<i32>} : memref<32x64xf32, #tpu.memory_space<vmem>>, vector<16xf32>,
    %iota3A_3180 = tpu.iota {dimensions = array<i32: 0>} : vector<16xi32>
    %add3A_3181 = arith.constant 16 : i32
    %add3A_3182 = vector.broadcast %add3A_3181 : i32 to vector<16xi32>
    %add3A_3183 = arith.addi %iota3A_3180, %add3A_3182 : vector<16xi32>
    %gather3A_3184 = arith.constant 0 : i32
    %gather3A_3185 = arith.constant 0 : i32
    %gather3A_3186 = arith.constant 0 : i32
    %gather3A_3187 = tpu.memref_slice %arg6[%gather3A_3184, %gather3A_3185, %gather3A_3186] : memref<8x64x128xf32, #tpu.memory_space<vmem>> -> memref<1x64x128xf32, #tpu.memory_space<vmem>>
    %gather3A_3188 = tpu.memref_squeeze %gather3A_3187 : memref<1x64x128xf32, #tpu.memory_space<vmem>> -> memref<64x128xf32, #tpu.memory_space<vmem>>
    %gather3A_3189 = tpu.vector_load_idx %gather3A_3188[%add3A_3183, %add3A_3165] : memref<64x128xf32, #tpu.memory_space<vmem>>[vector<16xi32>, vector<16xi32>], vector<16xf32>,
    %swap3A_3190 = arith.constant 24 : i32
    %swap3A_3191 = arith.index_cast %swap3A_3190 : i32 to index
    %swap3A_3192 = arith.constant 16 : index
    %swap3A_3193 = tpu.vector_load %arg7[%swap3A_3191, %swap3A_3192] {strides = array<i32>} : memref<32x64xf32, #tpu.memory_space<vmem>>, vector<16xf32>,
    tpu.vector_store %arg7[%swap3A_3191, %swap3A_3192], %gather3A_3189 {strides = array<i32>} : memref<32x64xf32, #tpu.memory_space<vmem>>, vector<16xf32>,
    %iota3A_3194 = tpu.iota {dimensions = array<i32: 0>} : vector<16xi32>
    %add3A_3195 = arith.constant 32 : i32
    %add3A_3196 = vector.broadcast %add3A_3195 : i32 to vector<16xi32>
    %add3A_3197 = arith.addi %iota3A_3194, %add3A_3196 : vector<16xi32>
    %gather3A_3198 = arith.constant 0 : i32
    %gather3A_3199 = arith.constant 0 : i32
    %gather3A_3200 = arith.constant 0 : i32
    %gather3A_3201 = tpu.memref_slice %arg6[%gather3A_3198, %gather3A_3199, %gather3A_3200] : memref<8x64x128xf32, #tpu.memory_space<vmem>> -> memref<1x64x128xf32, #tpu.memory_space<vmem>>
    %gather3A_3202 = tpu.memref_squeeze %gather3A_3201 : memref<1x64x128xf32, #tpu.memory_space<vmem>> -> memref<64x128xf32, #tpu.memory_space<vmem>>
    %gather3A_3203 = tpu.vector_load_idx %gather3A_3202[%add3A_3197, %add3A_3165] : memref<64x128xf32, #tpu.memory_space<vmem>>[vector<16xi32>, vector<16xi32>], vector<16xf32>,
    %swap3A_3204 = arith.constant 24 : i32
    %swap3A_3205 = arith.index_cast %swap3A_3204 : i32 to index
    %swap3A_3206 = arith.constant 32 : index
    %swap3A_3207 = tpu.vector_load %arg7[%swap3A_3205, %swap3A_3206] {strides = array<i32>} : memref<32x64xf32, #tpu.memory_space<vmem>>, vector<16xf32>,
    tpu.vector_store %arg7[%swap3A_3205, %swap3A_3206], %gather3A_3203 {strides = array<i32>} : memref<32x64xf32, #tpu.memory_space<vmem>>, vector<16xf32>,
    %iota3A_3208 = tpu.iota {dimensions = array<i32: 0>} : vector<16xi32>
    %add3A_3209 = arith.constant 48 : i32
    %add3A_3210 = vector.broadcast %add3A_3209 : i32 to vector<16xi32>
    %add3A_3211 = arith.addi %iota3A_3208, %add3A_3210 : vector<16xi32>
    %gather3A_3212 = arith.constant 0 : i32
    %gather3A_3213 = arith.constant 0 : i32
    %gather3A_3214 = arith.constant 0 : i32
    %gather3A_3215 = tpu.memref_slice %arg6[%gather3A_3212, %gather3A_3213, %gather3A_3214] : memref<8x64x128xf32, #tpu.memory_space<vmem>> -> memref<1x64x128xf32, #tpu.memory_space<vmem>>
    %gather3A_3216 = tpu.memref_squeeze %gather3A_3215 : memref<1x64x128xf32, #tpu.memory_space<vmem>> -> memref<64x128xf32, #tpu.memory_space<vmem>>
    %gather3A_3217 = tpu.vector_load_idx %gather3A_3216[%add3A_3211, %add3A_3165] : memref<64x128xf32, #tpu.memory_space<vmem>>[vector<16xi32>, vector<16xi32>], vector<16xf32>,
    %swap3A_3218 = arith.constant 24 : i32
    %swap3A_3219 = arith.index_cast %swap3A_3218 : i32 to index
    %swap3A_3220 = arith.constant 48 : index
    %swap3A_3221 = tpu.vector_load %arg7[%swap3A_3219, %swap3A_3220] {strides = array<i32>} : memref<32x64xf32, #tpu.memory_space<vmem>>, vector<16xf32>,
    tpu.vector_store %arg7[%swap3A_3219, %swap3A_3220], %gather3A_3217 {strides = array<i32>} : memref<32x64xf32, #tpu.memory_space<vmem>>, vector<16xf32>,
    %dma_wait3A_3222 = arith.constant 1 : i32
    %dma_wait3A_3223 = arith.constant 0 : i32
    %dma_wait3A_3224 = arith.constant 0 : i32
    %dma_wait3A_3225 = tpu.memref_slice %arg6[%dma_wait3A_3222, %dma_wait3A_3223, %dma_wait3A_3224] : memref<8x64x128xf32, #tpu.memory_space<vmem>> -> memref<1x64x128xf32, #tpu.memory_space<vmem>>
    %dma_wait3A_3226 = tpu.memref_squeeze %dma_wait3A_3225 : memref<1x64x128xf32, #tpu.memory_space<vmem>> -> memref<64x128xf32, #tpu.memory_space<vmem>>
    %dma_wait3A_3227 = arith.constant 0 : i32
    %dma_wait3A_3228 = tpu.memref_slice %arg3[%dma_wait3A_3227, %multiple_of3A_2457] : memref<64x100000xf32, #tpu.memory_space<hbm>> -> memref<64x128xf32, #tpu.memory_space<hbm>>
    %dma_wait3A_3229 = arith.constant 0 : i32
    %dma_wait3A_3230 = arith.constant 0 : i32
    %dma_wait3A_3231 = tpu.memref_slice %arg6[%dma_wait3A_3222, %dma_wait3A_3229, %dma_wait3A_3230] : memref<8x64x128xf32, #tpu.memory_space<vmem>> -> memref<1x64x128xf32, #tpu.memory_space<vmem>>
    %dma_wait3A_3232 = tpu.memref_squeeze %dma_wait3A_3231 : memref<1x64x128xf32, #tpu.memory_space<vmem>> -> memref<64x128xf32, #tpu.memory_space<vmem>>
    %dma_wait3A_3233 = arith.constant 0 : i32
    %dma_wait3A_3234 = tpu.memref_slice %arg3[%dma_wait3A_3233, %multiple_of3A_2457] : memref<64x100000xf32, #tpu.memory_space<hbm>> -> memref<64x128xf32, #tpu.memory_space<hbm>>
    tpu.wait_dma2 semaphore(%arg9 : memref<!tpu.dma_semaphore, #tpu.memory_space<semaphore_mem>>) src(%dma_wait3A_3234 : memref<64x128xf32, #tpu.memory_space<hbm>>) dst(%dma_wait3A_3232 : memref<64x128xf32, #tpu.memory_space<vmem>>)
    %broadcast_in_dim3A_3235 = arith.constant 0 : i32
    %broadcast_in_dim3A_3236 = vector.broadcast %broadcast_in_dim3A_3235 : i32 to vector<16xi32>
    %add3A_3237 = vector.broadcast %and3A_106 : i32 to vector<16xi32>
    %add3A_3238 = arith.addi %broadcast_in_dim3A_3236, %add3A_3237 : vector<16xi32>
    %iota3A_3239 = tpu.iota {dimensions = array<i32: 0>} : vector<16xi32>
    %add3A_3240 = arith.constant 0 : i32
    %add3A_3241 = vector.broadcast %add3A_3240 : i32 to vector<16xi32>
    %add3A_3242 = arith.addi %iota3A_3239, %add3A_3241 : vector<16xi32>
    %gather3A_3243 = arith.constant 1 : i32
    %gather3A_3244 = arith.constant 0 : i32
    %gather3A_3245 = arith.constant 0 : i32
    %gather3A_3246 = tpu.memref_slice %arg6[%gather3A_3243, %gather3A_3244, %gather3A_3245] : memref<8x64x128xf32, #tpu.memory_space<vmem>> -> memref<1x64x128xf32, #tpu.memory_space<vmem>>
    %gather3A_3247 = tpu.memref_squeeze %gather3A_3246 : memref<1x64x128xf32, #tpu.memory_space<vmem>> -> memref<64x128xf32, #tpu.memory_space<vmem>>
    %gather3A_3248 = tpu.vector_load_idx %gather3A_3247[%add3A_3242, %add3A_3238] : memref<64x128xf32, #tpu.memory_space<vmem>>[vector<16xi32>, vector<16xi32>], vector<16xf32>,
    %swap3A_3249 = arith.constant 25 : i32
    %swap3A_3250 = arith.index_cast %swap3A_3249 : i32 to index
    %swap3A_3251 = arith.constant 0 : index
    %swap3A_3252 = tpu.vector_load %arg7[%swap3A_3250, %swap3A_3251] {strides = array<i32>} : memref<32x64xf32, #tpu.memory_space<vmem>>, vector<16xf32>,
    tpu.vector_store %arg7[%swap3A_3250, %swap3A_3251], %gather3A_3248 {strides = array<i32>} : memref<32x64xf32, #tpu.memory_space<vmem>>, vector<16xf32>,
    %iota3A_3253 = tpu.iota {dimensions = array<i32: 0>} : vector<16xi32>
    %add3A_3254 = arith.constant 16 : i32
    %add3A_3255 = vector.broadcast %add3A_3254 : i32 to vector<16xi32>
    %add3A_3256 = arith.addi %iota3A_3253, %add3A_3255 : vector<16xi32>
    %gather3A_3257 = arith.constant 1 : i32
    %gather3A_3258 = arith.constant 0 : i32
    %gather3A_3259 = arith.constant 0 : i32
    %gather3A_3260 = tpu.memref_slice %arg6[%gather3A_3257, %gather3A_3258, %gather3A_3259] : memref<8x64x128xf32, #tpu.memory_space<vmem>> -> memref<1x64x128xf32, #tpu.memory_space<vmem>>
    %gather3A_3261 = tpu.memref_squeeze %gather3A_3260 : memref<1x64x128xf32, #tpu.memory_space<vmem>> -> memref<64x128xf32, #tpu.memory_space<vmem>>
    %gather3A_3262 = tpu.vector_load_idx %gather3A_3261[%add3A_3256, %add3A_3238] : memref<64x128xf32, #tpu.memory_space<vmem>>[vector<16xi32>, vector<16xi32>], vector<16xf32>,
    %swap3A_3263 = arith.constant 25 : i32
    %swap3A_3264 = arith.index_cast %swap3A_3263 : i32 to index
    %swap3A_3265 = arith.constant 16 : index
    %swap3A_3266 = tpu.vector_load %arg7[%swap3A_3264, %swap3A_3265] {strides = array<i32>} : memref<32x64xf32, #tpu.memory_space<vmem>>, vector<16xf32>,
    tpu.vector_store %arg7[%swap3A_3264, %swap3A_3265], %gather3A_3262 {strides = array<i32>} : memref<32x64xf32, #tpu.memory_space<vmem>>, vector<16xf32>,
    %iota3A_3267 = tpu.iota {dimensions = array<i32: 0>} : vector<16xi32>
    %add3A_3268 = arith.constant 32 : i32
    %add3A_3269 = vector.broadcast %add3A_3268 : i32 to vector<16xi32>
    %add3A_3270 = arith.addi %iota3A_3267, %add3A_3269 : vector<16xi32>
    %gather3A_3271 = arith.constant 1 : i32
    %gather3A_3272 = arith.constant 0 : i32
    %gather3A_3273 = arith.constant 0 : i32
    %gather3A_3274 = tpu.memref_slice %arg6[%gather3A_3271, %gather3A_3272, %gather3A_3273] : memref<8x64x128xf32, #tpu.memory_space<vmem>> -> memref<1x64x128xf32, #tpu.memory_space<vmem>>
    %gather3A_3275 = tpu.memref_squeeze %gather3A_3274 : memref<1x64x128xf32, #tpu.memory_space<vmem>> -> memref<64x128xf32, #tpu.memory_space<vmem>>
    %gather3A_3276 = tpu.vector_load_idx %gather3A_3275[%add3A_3270, %add3A_3238] : memref<64x128xf32, #tpu.memory_space<vmem>>[vector<16xi32>, vector<16xi32>], vector<16xf32>,
    %swap3A_3277 = arith.constant 25 : i32
    %swap3A_3278 = arith.index_cast %swap3A_3277 : i32 to index
    %swap3A_3279 = arith.constant 32 : index
    %swap3A_3280 = tpu.vector_load %arg7[%swap3A_3278, %swap3A_3279] {strides = array<i32>} : memref<32x64xf32, #tpu.memory_space<vmem>>, vector<16xf32>,
    tpu.vector_store %arg7[%swap3A_3278, %swap3A_3279], %gather3A_3276 {strides = array<i32>} : memref<32x64xf32, #tpu.memory_space<vmem>>, vector<16xf32>,
    %iota3A_3281 = tpu.iota {dimensions = array<i32: 0>} : vector<16xi32>
    %add3A_3282 = arith.constant 48 : i32
    %add3A_3283 = vector.broadcast %add3A_3282 : i32 to vector<16xi32>
    %add3A_3284 = arith.addi %iota3A_3281, %add3A_3283 : vector<16xi32>
    %gather3A_3285 = arith.constant 1 : i32
    %gather3A_3286 = arith.constant 0 : i32
    %gather3A_3287 = arith.constant 0 : i32
    %gather3A_3288 = tpu.memref_slice %arg6[%gather3A_3285, %gather3A_3286, %gather3A_3287] : memref<8x64x128xf32, #tpu.memory_space<vmem>> -> memref<1x64x128xf32, #tpu.memory_space<vmem>>
    %gather3A_3289 = tpu.memref_squeeze %gather3A_3288 : memref<1x64x128xf32, #tpu.memory_space<vmem>> -> memref<64x128xf32, #tpu.memory_space<vmem>>
    %gather3A_3290 = tpu.vector_load_idx %gather3A_3289[%add3A_3284, %add3A_3238] : memref<64x128xf32, #tpu.memory_space<vmem>>[vector<16xi32>, vector<16xi32>], vector<16xf32>,
    %swap3A_3291 = arith.constant 25 : i32
    %swap3A_3292 = arith.index_cast %swap3A_3291 : i32 to index
    %swap3A_3293 = arith.constant 48 : index
    %swap3A_3294 = tpu.vector_load %arg7[%swap3A_3292, %swap3A_3293] {strides = array<i32>} : memref<32x64xf32, #tpu.memory_space<vmem>>, vector<16xf32>,
    tpu.vector_store %arg7[%swap3A_3292, %swap3A_3293], %gather3A_3290 {strides = array<i32>} : memref<32x64xf32, #tpu.memory_space<vmem>>, vector<16xf32>,
    %dma_wait3A_3295 = arith.constant 2 : i32
    %dma_wait3A_3296 = arith.constant 0 : i32
    %dma_wait3A_3297 = arith.constant 0 : i32
    %dma_wait3A_3298 = tpu.memref_slice %arg6[%dma_wait3A_3295, %dma_wait3A_3296, %dma_wait3A_3297] : memref<8x64x128xf32, #tpu.memory_space<vmem>> -> memref<1x64x128xf32, #tpu.memory_space<vmem>>
    %dma_wait3A_3299 = tpu.memref_squeeze %dma_wait3A_3298 : memref<1x64x128xf32, #tpu.memory_space<vmem>> -> memref<64x128xf32, #tpu.memory_space<vmem>>
    %dma_wait3A_3300 = arith.constant 0 : i32
    %dma_wait3A_3301 = tpu.memref_slice %arg3[%dma_wait3A_3300, %multiple_of3A_2570] : memref<64x100000xf32, #tpu.memory_space<hbm>> -> memref<64x128xf32, #tpu.memory_space<hbm>>
    %dma_wait3A_3302 = arith.constant 0 : i32
    %dma_wait3A_3303 = arith.constant 0 : i32
    %dma_wait3A_3304 = tpu.memref_slice %arg6[%dma_wait3A_3295, %dma_wait3A_3302, %dma_wait3A_3303] : memref<8x64x128xf32, #tpu.memory_space<vmem>> -> memref<1x64x128xf32, #tpu.memory_space<vmem>>
    %dma_wait3A_3305 = tpu.memref_squeeze %dma_wait3A_3304 : memref<1x64x128xf32, #tpu.memory_space<vmem>> -> memref<64x128xf32, #tpu.memory_space<vmem>>
    %dma_wait3A_3306 = arith.constant 0 : i32
    %dma_wait3A_3307 = tpu.memref_slice %arg3[%dma_wait3A_3306, %multiple_of3A_2570] : memref<64x100000xf32, #tpu.memory_space<hbm>> -> memref<64x128xf32, #tpu.memory_space<hbm>>
    tpu.wait_dma2 semaphore(%arg10 : memref<!tpu.dma_semaphore, #tpu.memory_space<semaphore_mem>>) src(%dma_wait3A_3307 : memref<64x128xf32, #tpu.memory_space<hbm>>) dst(%dma_wait3A_3305 : memref<64x128xf32, #tpu.memory_space<vmem>>)
    %broadcast_in_dim3A_3308 = arith.constant 0 : i32
    %broadcast_in_dim3A_3309 = vector.broadcast %broadcast_in_dim3A_3308 : i32 to vector<16xi32>
    %add3A_3310 = vector.broadcast %and3A_110 : i32 to vector<16xi32>
    %add3A_3311 = arith.addi %broadcast_in_dim3A_3309, %add3A_3310 : vector<16xi32>
    %iota3A_3312 = tpu.iota {dimensions = array<i32: 0>} : vector<16xi32>
    %add3A_3313 = arith.constant 0 : i32
    %add3A_3314 = vector.broadcast %add3A_3313 : i32 to vector<16xi32>
    %add3A_3315 = arith.addi %iota3A_3312, %add3A_3314 : vector<16xi32>
    %gather3A_3316 = arith.constant 2 : i32
    %gather3A_3317 = arith.constant 0 : i32
    %gather3A_3318 = arith.constant 0 : i32
    %gather3A_3319 = tpu.memref_slice %arg6[%gather3A_3316, %gather3A_3317, %gather3A_3318] : memref<8x64x128xf32, #tpu.memory_space<vmem>> -> memref<1x64x128xf32, #tpu.memory_space<vmem>>
    %gather3A_3320 = tpu.memref_squeeze %gather3A_3319 : memref<1x64x128xf32, #tpu.memory_space<vmem>> -> memref<64x128xf32, #tpu.memory_space<vmem>>
    %gather3A_3321 = tpu.vector_load_idx %gather3A_3320[%add3A_3315, %add3A_3311] : memref<64x128xf32, #tpu.memory_space<vmem>>[vector<16xi32>, vector<16xi32>], vector<16xf32>,
    %swap3A_3322 = arith.constant 26 : i32
    %swap3A_3323 = arith.index_cast %swap3A_3322 : i32 to index
    %swap3A_3324 = arith.constant 0 : index
    %swap3A_3325 = tpu.vector_load %arg7[%swap3A_3323, %swap3A_3324] {strides = array<i32>} : memref<32x64xf32, #tpu.memory_space<vmem>>, vector<16xf32>,
    tpu.vector_store %arg7[%swap3A_3323, %swap3A_3324], %gather3A_3321 {strides = array<i32>} : memref<32x64xf32, #tpu.memory_space<vmem>>, vector<16xf32>,
    %iota3A_3326 = tpu.iota {dimensions = array<i32: 0>} : vector<16xi32>
    %add3A_3327 = arith.constant 16 : i32
    %add3A_3328 = vector.broadcast %add3A_3327 : i32 to vector<16xi32>
    %add3A_3329 = arith.addi %iota3A_3326, %add3A_3328 : vector<16xi32>
    %gather3A_3330 = arith.constant 2 : i32
    %gather3A_3331 = arith.constant 0 : i32
    %gather3A_3332 = arith.constant 0 : i32
    %gather3A_3333 = tpu.memref_slice %arg6[%gather3A_3330, %gather3A_3331, %gather3A_3332] : memref<8x64x128xf32, #tpu.memory_space<vmem>> -> memref<1x64x128xf32, #tpu.memory_space<vmem>>
    %gather3A_3334 = tpu.memref_squeeze %gather3A_3333 : memref<1x64x128xf32, #tpu.memory_space<vmem>> -> memref<64x128xf32, #tpu.memory_space<vmem>>
    %gather3A_3335 = tpu.vector_load_idx %gather3A_3334[%add3A_3329, %add3A_3311] : memref<64x128xf32, #tpu.memory_space<vmem>>[vector<16xi32>, vector<16xi32>], vector<16xf32>,
    %swap3A_3336 = arith.constant 26 : i32
    %swap3A_3337 = arith.index_cast %swap3A_3336 : i32 to index
    %swap3A_3338 = arith.constant 16 : index
    %swap3A_3339 = tpu.vector_load %arg7[%swap3A_3337, %swap3A_3338] {strides = array<i32>} : memref<32x64xf32, #tpu.memory_space<vmem>>, vector<16xf32>,
    tpu.vector_store %arg7[%swap3A_3337, %swap3A_3338], %gather3A_3335 {strides = array<i32>} : memref<32x64xf32, #tpu.memory_space<vmem>>, vector<16xf32>,
    %iota3A_3340 = tpu.iota {dimensions = array<i32: 0>} : vector<16xi32>
    %add3A_3341 = arith.constant 32 : i32
    %add3A_3342 = vector.broadcast %add3A_3341 : i32 to vector<16xi32>
    %add3A_3343 = arith.addi %iota3A_3340, %add3A_3342 : vector<16xi32>
    %gather3A_3344 = arith.constant 2 : i32
    %gather3A_3345 = arith.constant 0 : i32
    %gather3A_3346 = arith.constant 0 : i32
    %gather3A_3347 = tpu.memref_slice %arg6[%gather3A_3344, %gather3A_3345, %gather3A_3346] : memref<8x64x128xf32, #tpu.memory_space<vmem>> -> memref<1x64x128xf32, #tpu.memory_space<vmem>>
    %gather3A_3348 = tpu.memref_squeeze %gather3A_3347 : memref<1x64x128xf32, #tpu.memory_space<vmem>> -> memref<64x128xf32, #tpu.memory_space<vmem>>
    %gather3A_3349 = tpu.vector_load_idx %gather3A_3348[%add3A_3343, %add3A_3311] : memref<64x128xf32, #tpu.memory_space<vmem>>[vector<16xi32>, vector<16xi32>], vector<16xf32>,
    %swap3A_3350 = arith.constant 26 : i32
    %swap3A_3351 = arith.index_cast %swap3A_3350 : i32 to index
    %swap3A_3352 = arith.constant 32 : index
    %swap3A_3353 = tpu.vector_load %arg7[%swap3A_3351, %swap3A_3352] {strides = array<i32>} : memref<32x64xf32, #tpu.memory_space<vmem>>, vector<16xf32>,
    tpu.vector_store %arg7[%swap3A_3351, %swap3A_3352], %gather3A_3349 {strides = array<i32>} : memref<32x64xf32, #tpu.memory_space<vmem>>, vector<16xf32>,
    %iota3A_3354 = tpu.iota {dimensions = array<i32: 0>} : vector<16xi32>
    %add3A_3355 = arith.constant 48 : i32
    %add3A_3356 = vector.broadcast %add3A_3355 : i32 to vector<16xi32>
    %add3A_3357 = arith.addi %iota3A_3354, %add3A_3356 : vector<16xi32>
    %gather3A_3358 = arith.constant 2 : i32
    %gather3A_3359 = arith.constant 0 : i32
    %gather3A_3360 = arith.constant 0 : i32
    %gather3A_3361 = tpu.memref_slice %arg6[%gather3A_3358, %gather3A_3359, %gather3A_3360] : memref<8x64x128xf32, #tpu.memory_space<vmem>> -> memref<1x64x128xf32, #tpu.memory_space<vmem>>
    %gather3A_3362 = tpu.memref_squeeze %gather3A_3361 : memref<1x64x128xf32, #tpu.memory_space<vmem>> -> memref<64x128xf32, #tpu.memory_space<vmem>>
    %gather3A_3363 = tpu.vector_load_idx %gather3A_3362[%add3A_3357, %add3A_3311] : memref<64x128xf32, #tpu.memory_space<vmem>>[vector<16xi32>, vector<16xi32>], vector<16xf32>,
    %swap3A_3364 = arith.constant 26 : i32
    %swap3A_3365 = arith.index_cast %swap3A_3364 : i32 to index
    %swap3A_3366 = arith.constant 48 : index
    %swap3A_3367 = tpu.vector_load %arg7[%swap3A_3365, %swap3A_3366] {strides = array<i32>} : memref<32x64xf32, #tpu.memory_space<vmem>>, vector<16xf32>,
    tpu.vector_store %arg7[%swap3A_3365, %swap3A_3366], %gather3A_3363 {strides = array<i32>} : memref<32x64xf32, #tpu.memory_space<vmem>>, vector<16xf32>,
    %dma_wait3A_3368 = arith.constant 3 : i32
    %dma_wait3A_3369 = arith.constant 0 : i32
    %dma_wait3A_3370 = arith.constant 0 : i32
    %dma_wait3A_3371 = tpu.memref_slice %arg6[%dma_wait3A_3368, %dma_wait3A_3369, %dma_wait3A_3370] : memref<8x64x128xf32, #tpu.memory_space<vmem>> -> memref<1x64x128xf32, #tpu.memory_space<vmem>>
    %dma_wait3A_3372 = tpu.memref_squeeze %dma_wait3A_3371 : memref<1x64x128xf32, #tpu.memory_space<vmem>> -> memref<64x128xf32, #tpu.memory_space<vmem>>
    %dma_wait3A_3373 = arith.constant 0 : i32
    %dma_wait3A_3374 = tpu.memref_slice %arg3[%dma_wait3A_3373, %multiple_of3A_2683] : memref<64x100000xf32, #tpu.memory_space<hbm>> -> memref<64x128xf32, #tpu.memory_space<hbm>>
    %dma_wait3A_3375 = arith.constant 0 : i32
    %dma_wait3A_3376 = arith.constant 0 : i32
    %dma_wait3A_3377 = tpu.memref_slice %arg6[%dma_wait3A_3368, %dma_wait3A_3375, %dma_wait3A_3376] : memref<8x64x128xf32, #tpu.memory_space<vmem>> -> memref<1x64x128xf32, #tpu.memory_space<vmem>>
    %dma_wait3A_3378 = tpu.memref_squeeze %dma_wait3A_3377 : memref<1x64x128xf32, #tpu.memory_space<vmem>> -> memref<64x128xf32, #tpu.memory_space<vmem>>
    %dma_wait3A_3379 = arith.constant 0 : i32
    %dma_wait3A_3380 = tpu.memref_slice %arg3[%dma_wait3A_3379, %multiple_of3A_2683] : memref<64x100000xf32, #tpu.memory_space<hbm>> -> memref<64x128xf32, #tpu.memory_space<hbm>>
    tpu.wait_dma2 semaphore(%arg11 : memref<!tpu.dma_semaphore, #tpu.memory_space<semaphore_mem>>) src(%dma_wait3A_3380 : memref<64x128xf32, #tpu.memory_space<hbm>>) dst(%dma_wait3A_3378 : memref<64x128xf32, #tpu.memory_space<vmem>>)
    %broadcast_in_dim3A_3381 = arith.constant 0 : i32
    %broadcast_in_dim3A_3382 = vector.broadcast %broadcast_in_dim3A_3381 : i32 to vector<16xi32>
    %add3A_3383 = vector.broadcast %and3A_114 : i32 to vector<16xi32>
    %add3A_3384 = arith.addi %broadcast_in_dim3A_3382, %add3A_3383 : vector<16xi32>
    %iota3A_3385 = tpu.iota {dimensions = array<i32: 0>} : vector<16xi32>
    %add3A_3386 = arith.constant 0 : i32
    %add3A_3387 = vector.broadcast %add3A_3386 : i32 to vector<16xi32>
    %add3A_3388 = arith.addi %iota3A_3385, %add3A_3387 : vector<16xi32>
    %gather3A_3389 = arith.constant 3 : i32
    %gather3A_3390 = arith.constant 0 : i32
    %gather3A_3391 = arith.constant 0 : i32
    %gather3A_3392 = tpu.memref_slice %arg6[%gather3A_3389, %gather3A_3390, %gather3A_3391] : memref<8x64x128xf32, #tpu.memory_space<vmem>> -> memref<1x64x128xf32, #tpu.memory_space<vmem>>
    %gather3A_3393 = tpu.memref_squeeze %gather3A_3392 : memref<1x64x128xf32, #tpu.memory_space<vmem>> -> memref<64x128xf32, #tpu.memory_space<vmem>>
    %gather3A_3394 = tpu.vector_load_idx %gather3A_3393[%add3A_3388, %add3A_3384] : memref<64x128xf32, #tpu.memory_space<vmem>>[vector<16xi32>, vector<16xi32>], vector<16xf32>,
    %swap3A_3395 = arith.constant 27 : i32
    %swap3A_3396 = arith.index_cast %swap3A_3395 : i32 to index
    %swap3A_3397 = arith.constant 0 : index
    %swap3A_3398 = tpu.vector_load %arg7[%swap3A_3396, %swap3A_3397] {strides = array<i32>} : memref<32x64xf32, #tpu.memory_space<vmem>>, vector<16xf32>,
    tpu.vector_store %arg7[%swap3A_3396, %swap3A_3397], %gather3A_3394 {strides = array<i32>} : memref<32x64xf32, #tpu.memory_space<vmem>>, vector<16xf32>,
    %iota3A_3399 = tpu.iota {dimensions = array<i32: 0>} : vector<16xi32>
    %add3A_3400 = arith.constant 16 : i32
    %add3A_3401 = vector.broadcast %add3A_3400 : i32 to vector<16xi32>
    %add3A_3402 = arith.addi %iota3A_3399, %add3A_3401 : vector<16xi32>
    %gather3A_3403 = arith.constant 3 : i32
    %gather3A_3404 = arith.constant 0 : i32
    %gather3A_3405 = arith.constant 0 : i32
    %gather3A_3406 = tpu.memref_slice %arg6[%gather3A_3403, %gather3A_3404, %gather3A_3405] : memref<8x64x128xf32, #tpu.memory_space<vmem>> -> memref<1x64x128xf32, #tpu.memory_space<vmem>>
    %gather3A_3407 = tpu.memref_squeeze %gather3A_3406 : memref<1x64x128xf32, #tpu.memory_space<vmem>> -> memref<64x128xf32, #tpu.memory_space<vmem>>
    %gather3A_3408 = tpu.vector_load_idx %gather3A_3407[%add3A_3402, %add3A_3384] : memref<64x128xf32, #tpu.memory_space<vmem>>[vector<16xi32>, vector<16xi32>], vector<16xf32>,
    %swap3A_3409 = arith.constant 27 : i32
    %swap3A_3410 = arith.index_cast %swap3A_3409 : i32 to index
    %swap3A_3411 = arith.constant 16 : index
    %swap3A_3412 = tpu.vector_load %arg7[%swap3A_3410, %swap3A_3411] {strides = array<i32>} : memref<32x64xf32, #tpu.memory_space<vmem>>, vector<16xf32>,
    tpu.vector_store %arg7[%swap3A_3410, %swap3A_3411], %gather3A_3408 {strides = array<i32>} : memref<32x64xf32, #tpu.memory_space<vmem>>, vector<16xf32>,
    %iota3A_3413 = tpu.iota {dimensions = array<i32: 0>} : vector<16xi32>
    %add3A_3414 = arith.constant 32 : i32
    %add3A_3415 = vector.broadcast %add3A_3414 : i32 to vector<16xi32>
    %add3A_3416 = arith.addi %iota3A_3413, %add3A_3415 : vector<16xi32>
    %gather3A_3417 = arith.constant 3 : i32
    %gather3A_3418 = arith.constant 0 : i32
    %gather3A_3419 = arith.constant 0 : i32
    %gather3A_3420 = tpu.memref_slice %arg6[%gather3A_3417, %gather3A_3418, %gather3A_3419] : memref<8x64x128xf32, #tpu.memory_space<vmem>> -> memref<1x64x128xf32, #tpu.memory_space<vmem>>
    %gather3A_3421 = tpu.memref_squeeze %gather3A_3420 : memref<1x64x128xf32, #tpu.memory_space<vmem>> -> memref<64x128xf32, #tpu.memory_space<vmem>>
    %gather3A_3422 = tpu.vector_load_idx %gather3A_3421[%add3A_3416, %add3A_3384] : memref<64x128xf32, #tpu.memory_space<vmem>>[vector<16xi32>, vector<16xi32>], vector<16xf32>,
    %swap3A_3423 = arith.constant 27 : i32
    %swap3A_3424 = arith.index_cast %swap3A_3423 : i32 to index
    %swap3A_3425 = arith.constant 32 : index
    %swap3A_3426 = tpu.vector_load %arg7[%swap3A_3424, %swap3A_3425] {strides = array<i32>} : memref<32x64xf32, #tpu.memory_space<vmem>>, vector<16xf32>,
    tpu.vector_store %arg7[%swap3A_3424, %swap3A_3425], %gather3A_3422 {strides = array<i32>} : memref<32x64xf32, #tpu.memory_space<vmem>>, vector<16xf32>,
    %iota3A_3427 = tpu.iota {dimensions = array<i32: 0>} : vector<16xi32>
    %add3A_3428 = arith.constant 48 : i32
    %add3A_3429 = vector.broadcast %add3A_3428 : i32 to vector<16xi32>
    %add3A_3430 = arith.addi %iota3A_3427, %add3A_3429 : vector<16xi32>
    %gather3A_3431 = arith.constant 3 : i32
    %gather3A_3432 = arith.constant 0 : i32
    %gather3A_3433 = arith.constant 0 : i32
    %gather3A_3434 = tpu.memref_slice %arg6[%gather3A_3431, %gather3A_3432, %gather3A_3433] : memref<8x64x128xf32, #tpu.memory_space<vmem>> -> memref<1x64x128xf32, #tpu.memory_space<vmem>>
    %gather3A_3435 = tpu.memref_squeeze %gather3A_3434 : memref<1x64x128xf32, #tpu.memory_space<vmem>> -> memref<64x128xf32, #tpu.memory_space<vmem>>
    %gather3A_3436 = tpu.vector_load_idx %gather3A_3435[%add3A_3430, %add3A_3384] : memref<64x128xf32, #tpu.memory_space<vmem>>[vector<16xi32>, vector<16xi32>], vector<16xf32>,
    %swap3A_3437 = arith.constant 27 : i32
    %swap3A_3438 = arith.index_cast %swap3A_3437 : i32 to index
    %swap3A_3439 = arith.constant 48 : index
    %swap3A_3440 = tpu.vector_load %arg7[%swap3A_3438, %swap3A_3439] {strides = array<i32>} : memref<32x64xf32, #tpu.memory_space<vmem>>, vector<16xf32>,
    tpu.vector_store %arg7[%swap3A_3438, %swap3A_3439], %gather3A_3436 {strides = array<i32>} : memref<32x64xf32, #tpu.memory_space<vmem>>, vector<16xf32>,
    %dma_wait3A_3441 = arith.constant 4 : i32
    %dma_wait3A_3442 = arith.constant 0 : i32
    %dma_wait3A_3443 = arith.constant 0 : i32
    %dma_wait3A_3444 = tpu.memref_slice %arg6[%dma_wait3A_3441, %dma_wait3A_3442, %dma_wait3A_3443] : memref<8x64x128xf32, #tpu.memory_space<vmem>> -> memref<1x64x128xf32, #tpu.memory_space<vmem>>
    %dma_wait3A_3445 = tpu.memref_squeeze %dma_wait3A_3444 : memref<1x64x128xf32, #tpu.memory_space<vmem>> -> memref<64x128xf32, #tpu.memory_space<vmem>>
    %dma_wait3A_3446 = arith.constant 0 : i32
    %dma_wait3A_3447 = tpu.memref_slice %arg3[%dma_wait3A_3446, %multiple_of3A_2796] : memref<64x100000xf32, #tpu.memory_space<hbm>> -> memref<64x128xf32, #tpu.memory_space<hbm>>
    %dma_wait3A_3448 = arith.constant 0 : i32
    %dma_wait3A_3449 = arith.constant 0 : i32
    %dma_wait3A_3450 = tpu.memref_slice %arg6[%dma_wait3A_3441, %dma_wait3A_3448, %dma_wait3A_3449] : memref<8x64x128xf32, #tpu.memory_space<vmem>> -> memref<1x64x128xf32, #tpu.memory_space<vmem>>
    %dma_wait3A_3451 = tpu.memref_squeeze %dma_wait3A_3450 : memref<1x64x128xf32, #tpu.memory_space<vmem>> -> memref<64x128xf32, #tpu.memory_space<vmem>>
    %dma_wait3A_3452 = arith.constant 0 : i32
    %dma_wait3A_3453 = tpu.memref_slice %arg3[%dma_wait3A_3452, %multiple_of3A_2796] : memref<64x100000xf32, #tpu.memory_space<hbm>> -> memref<64x128xf32, #tpu.memory_space<hbm>>
    tpu.wait_dma2 semaphore(%arg12 : memref<!tpu.dma_semaphore, #tpu.memory_space<semaphore_mem>>) src(%dma_wait3A_3453 : memref<64x128xf32, #tpu.memory_space<hbm>>) dst(%dma_wait3A_3451 : memref<64x128xf32, #tpu.memory_space<vmem>>)
    %broadcast_in_dim3A_3454 = arith.constant 0 : i32
    %broadcast_in_dim3A_3455 = vector.broadcast %broadcast_in_dim3A_3454 : i32 to vector<16xi32>
    %add3A_3456 = vector.broadcast %and3A_118 : i32 to vector<16xi32>
    %add3A_3457 = arith.addi %broadcast_in_dim3A_3455, %add3A_3456 : vector<16xi32>
    %iota3A_3458 = tpu.iota {dimensions = array<i32: 0>} : vector<16xi32>
    %add3A_3459 = arith.constant 0 : i32
    %add3A_3460 = vector.broadcast %add3A_3459 : i32 to vector<16xi32>
    %add3A_3461 = arith.addi %iota3A_3458, %add3A_3460 : vector<16xi32>
    %gather3A_3462 = arith.constant 4 : i32
    %gather3A_3463 = arith.constant 0 : i32
    %gather3A_3464 = arith.constant 0 : i32
    %gather3A_3465 = tpu.memref_slice %arg6[%gather3A_3462, %gather3A_3463, %gather3A_3464] : memref<8x64x128xf32, #tpu.memory_space<vmem>> -> memref<1x64x128xf32, #tpu.memory_space<vmem>>
    %gather3A_3466 = tpu.memref_squeeze %gather3A_3465 : memref<1x64x128xf32, #tpu.memory_space<vmem>> -> memref<64x128xf32, #tpu.memory_space<vmem>>
    %gather3A_3467 = tpu.vector_load_idx %gather3A_3466[%add3A_3461, %add3A_3457] : memref<64x128xf32, #tpu.memory_space<vmem>>[vector<16xi32>, vector<16xi32>], vector<16xf32>,
    %swap3A_3468 = arith.constant 28 : i32
    %swap3A_3469 = arith.index_cast %swap3A_3468 : i32 to index
    %swap3A_3470 = arith.constant 0 : index
    %swap3A_3471 = tpu.vector_load %arg7[%swap3A_3469, %swap3A_3470] {strides = array<i32>} : memref<32x64xf32, #tpu.memory_space<vmem>>, vector<16xf32>,
    tpu.vector_store %arg7[%swap3A_3469, %swap3A_3470], %gather3A_3467 {strides = array<i32>} : memref<32x64xf32, #tpu.memory_space<vmem>>, vector<16xf32>,
    %iota3A_3472 = tpu.iota {dimensions = array<i32: 0>} : vector<16xi32>
    %add3A_3473 = arith.constant 16 : i32
    %add3A_3474 = vector.broadcast %add3A_3473 : i32 to vector<16xi32>
    %add3A_3475 = arith.addi %iota3A_3472, %add3A_3474 : vector<16xi32>
    %gather3A_3476 = arith.constant 4 : i32
    %gather3A_3477 = arith.constant 0 : i32
    %gather3A_3478 = arith.constant 0 : i32
    %gather3A_3479 = tpu.memref_slice %arg6[%gather3A_3476, %gather3A_3477, %gather3A_3478] : memref<8x64x128xf32, #tpu.memory_space<vmem>> -> memref<1x64x128xf32, #tpu.memory_space<vmem>>
    %gather3A_3480 = tpu.memref_squeeze %gather3A_3479 : memref<1x64x128xf32, #tpu.memory_space<vmem>> -> memref<64x128xf32, #tpu.memory_space<vmem>>
    %gather3A_3481 = tpu.vector_load_idx %gather3A_3480[%add3A_3475, %add3A_3457] : memref<64x128xf32, #tpu.memory_space<vmem>>[vector<16xi32>, vector<16xi32>], vector<16xf32>,
    %swap3A_3482 = arith.constant 28 : i32
    %swap3A_3483 = arith.index_cast %swap3A_3482 : i32 to index
    %swap3A_3484 = arith.constant 16 : index
    %swap3A_3485 = tpu.vector_load %arg7[%swap3A_3483, %swap3A_3484] {strides = array<i32>} : memref<32x64xf32, #tpu.memory_space<vmem>>, vector<16xf32>,
    tpu.vector_store %arg7[%swap3A_3483, %swap3A_3484], %gather3A_3481 {strides = array<i32>} : memref<32x64xf32, #tpu.memory_space<vmem>>, vector<16xf32>,
    %iota3A_3486 = tpu.iota {dimensions = array<i32: 0>} : vector<16xi32>
    %add3A_3487 = arith.constant 32 : i32
    %add3A_3488 = vector.broadcast %add3A_3487 : i32 to vector<16xi32>
    %add3A_3489 = arith.addi %iota3A_3486, %add3A_3488 : vector<16xi32>
    %gather3A_3490 = arith.constant 4 : i32
    %gather3A_3491 = arith.constant 0 : i32
    %gather3A_3492 = arith.constant 0 : i32
    %gather3A_3493 = tpu.memref_slice %arg6[%gather3A_3490, %gather3A_3491, %gather3A_3492] : memref<8x64x128xf32, #tpu.memory_space<vmem>> -> memref<1x64x128xf32, #tpu.memory_space<vmem>>
    %gather3A_3494 = tpu.memref_squeeze %gather3A_3493 : memref<1x64x128xf32, #tpu.memory_space<vmem>> -> memref<64x128xf32, #tpu.memory_space<vmem>>
    %gather3A_3495 = tpu.vector_load_idx %gather3A_3494[%add3A_3489, %add3A_3457] : memref<64x128xf32, #tpu.memory_space<vmem>>[vector<16xi32>, vector<16xi32>], vector<16xf32>,
    %swap3A_3496 = arith.constant 28 : i32
    %swap3A_3497 = arith.index_cast %swap3A_3496 : i32 to index
    %swap3A_3498 = arith.constant 32 : index
    %swap3A_3499 = tpu.vector_load %arg7[%swap3A_3497, %swap3A_3498] {strides = array<i32>} : memref<32x64xf32, #tpu.memory_space<vmem>>, vector<16xf32>,
    tpu.vector_store %arg7[%swap3A_3497, %swap3A_3498], %gather3A_3495 {strides = array<i32>} : memref<32x64xf32, #tpu.memory_space<vmem>>, vector<16xf32>,
    %iota3A_3500 = tpu.iota {dimensions = array<i32: 0>} : vector<16xi32>
    %add3A_3501 = arith.constant 48 : i32
    %add3A_3502 = vector.broadcast %add3A_3501 : i32 to vector<16xi32>
    %add3A_3503 = arith.addi %iota3A_3500, %add3A_3502 : vector<16xi32>
    %gather3A_3504 = arith.constant 4 : i32
    %gather3A_3505 = arith.constant 0 : i32
    %gather3A_3506 = arith.constant 0 : i32
    %gather3A_3507 = tpu.memref_slice %arg6[%gather3A_3504, %gather3A_3505, %gather3A_3506] : memref<8x64x128xf32, #tpu.memory_space<vmem>> -> memref<1x64x128xf32, #tpu.memory_space<vmem>>
    %gather3A_3508 = tpu.memref_squeeze %gather3A_3507 : memref<1x64x128xf32, #tpu.memory_space<vmem>> -> memref<64x128xf32, #tpu.memory_space<vmem>>
    %gather3A_3509 = tpu.vector_load_idx %gather3A_3508[%add3A_3503, %add3A_3457] : memref<64x128xf32, #tpu.memory_space<vmem>>[vector<16xi32>, vector<16xi32>], vector<16xf32>,
    %swap3A_3510 = arith.constant 28 : i32
    %swap3A_3511 = arith.index_cast %swap3A_3510 : i32 to index
    %swap3A_3512 = arith.constant 48 : index
    %swap3A_3513 = tpu.vector_load %arg7[%swap3A_3511, %swap3A_3512] {strides = array<i32>} : memref<32x64xf32, #tpu.memory_space<vmem>>, vector<16xf32>,
    tpu.vector_store %arg7[%swap3A_3511, %swap3A_3512], %gather3A_3509 {strides = array<i32>} : memref<32x64xf32, #tpu.memory_space<vmem>>, vector<16xf32>,
    %dma_wait3A_3514 = arith.constant 5 : i32
    %dma_wait3A_3515 = arith.constant 0 : i32
    %dma_wait3A_3516 = arith.constant 0 : i32
    %dma_wait3A_3517 = tpu.memref_slice %arg6[%dma_wait3A_3514, %dma_wait3A_3515, %dma_wait3A_3516] : memref<8x64x128xf32, #tpu.memory_space<vmem>> -> memref<1x64x128xf32, #tpu.memory_space<vmem>>
    %dma_wait3A_3518 = tpu.memref_squeeze %dma_wait3A_3517 : memref<1x64x128xf32, #tpu.memory_space<vmem>> -> memref<64x128xf32, #tpu.memory_space<vmem>>
    %dma_wait3A_3519 = arith.constant 0 : i32
    %dma_wait3A_3520 = tpu.memref_slice %arg3[%dma_wait3A_3519, %multiple_of3A_2909] : memref<64x100000xf32, #tpu.memory_space<hbm>> -> memref<64x128xf32, #tpu.memory_space<hbm>>
    %dma_wait3A_3521 = arith.constant 0 : i32
    %dma_wait3A_3522 = arith.constant 0 : i32
    %dma_wait3A_3523 = tpu.memref_slice %arg6[%dma_wait3A_3514, %dma_wait3A_3521, %dma_wait3A_3522] : memref<8x64x128xf32, #tpu.memory_space<vmem>> -> memref<1x64x128xf32, #tpu.memory_space<vmem>>
    %dma_wait3A_3524 = tpu.memref_squeeze %dma_wait3A_3523 : memref<1x64x128xf32, #tpu.memory_space<vmem>> -> memref<64x128xf32, #tpu.memory_space<vmem>>
    %dma_wait3A_3525 = arith.constant 0 : i32
    %dma_wait3A_3526 = tpu.memref_slice %arg3[%dma_wait3A_3525, %multiple_of3A_2909] : memref<64x100000xf32, #tpu.memory_space<hbm>> -> memref<64x128xf32, #tpu.memory_space<hbm>>
    tpu.wait_dma2 semaphore(%arg13 : memref<!tpu.dma_semaphore, #tpu.memory_space<semaphore_mem>>) src(%dma_wait3A_3526 : memref<64x128xf32, #tpu.memory_space<hbm>>) dst(%dma_wait3A_3524 : memref<64x128xf32, #tpu.memory_space<vmem>>)
    %broadcast_in_dim3A_3527 = arith.constant 0 : i32
    %broadcast_in_dim3A_3528 = vector.broadcast %broadcast_in_dim3A_3527 : i32 to vector<16xi32>
    %add3A_3529 = vector.broadcast %and3A_122 : i32 to vector<16xi32>
    %add3A_3530 = arith.addi %broadcast_in_dim3A_3528, %add3A_3529 : vector<16xi32>
    %iota3A_3531 = tpu.iota {dimensions = array<i32: 0>} : vector<16xi32>
    %add3A_3532 = arith.constant 0 : i32
    %add3A_3533 = vector.broadcast %add3A_3532 : i32 to vector<16xi32>
    %add3A_3534 = arith.addi %iota3A_3531, %add3A_3533 : vector<16xi32>
    %gather3A_3535 = arith.constant 5 : i32
    %gather3A_3536 = arith.constant 0 : i32
    %gather3A_3537 = arith.constant 0 : i32
    %gather3A_3538 = tpu.memref_slice %arg6[%gather3A_3535, %gather3A_3536, %gather3A_3537] : memref<8x64x128xf32, #tpu.memory_space<vmem>> -> memref<1x64x128xf32, #tpu.memory_space<vmem>>
    %gather3A_3539 = tpu.memref_squeeze %gather3A_3538 : memref<1x64x128xf32, #tpu.memory_space<vmem>> -> memref<64x128xf32, #tpu.memory_space<vmem>>
    %gather3A_3540 = tpu.vector_load_idx %gather3A_3539[%add3A_3534, %add3A_3530] : memref<64x128xf32, #tpu.memory_space<vmem>>[vector<16xi32>, vector<16xi32>], vector<16xf32>,
    %swap3A_3541 = arith.constant 29 : i32
    %swap3A_3542 = arith.index_cast %swap3A_3541 : i32 to index
    %swap3A_3543 = arith.constant 0 : index
    %swap3A_3544 = tpu.vector_load %arg7[%swap3A_3542, %swap3A_3543] {strides = array<i32>} : memref<32x64xf32, #tpu.memory_space<vmem>>, vector<16xf32>,
    tpu.vector_store %arg7[%swap3A_3542, %swap3A_3543], %gather3A_3540 {strides = array<i32>} : memref<32x64xf32, #tpu.memory_space<vmem>>, vector<16xf32>,
    %iota3A_3545 = tpu.iota {dimensions = array<i32: 0>} : vector<16xi32>
    %add3A_3546 = arith.constant 16 : i32
    %add3A_3547 = vector.broadcast %add3A_3546 : i32 to vector<16xi32>
    %add3A_3548 = arith.addi %iota3A_3545, %add3A_3547 : vector<16xi32>
    %gather3A_3549 = arith.constant 5 : i32
    %gather3A_3550 = arith.constant 0 : i32
    %gather3A_3551 = arith.constant 0 : i32
    %gather3A_3552 = tpu.memref_slice %arg6[%gather3A_3549, %gather3A_3550, %gather3A_3551] : memref<8x64x128xf32, #tpu.memory_space<vmem>> -> memref<1x64x128xf32, #tpu.memory_space<vmem>>
    %gather3A_3553 = tpu.memref_squeeze %gather3A_3552 : memref<1x64x128xf32, #tpu.memory_space<vmem>> -> memref<64x128xf32, #tpu.memory_space<vmem>>
    %gather3A_3554 = tpu.vector_load_idx %gather3A_3553[%add3A_3548, %add3A_3530] : memref<64x128xf32, #tpu.memory_space<vmem>>[vector<16xi32>, vector<16xi32>], vector<16xf32>,
    %swap3A_3555 = arith.constant 29 : i32
    %swap3A_3556 = arith.index_cast %swap3A_3555 : i32 to index
    %swap3A_3557 = arith.constant 16 : index
    %swap3A_3558 = tpu.vector_load %arg7[%swap3A_3556, %swap3A_3557] {strides = array<i32>} : memref<32x64xf32, #tpu.memory_space<vmem>>, vector<16xf32>,
    tpu.vector_store %arg7[%swap3A_3556, %swap3A_3557], %gather3A_3554 {strides = array<i32>} : memref<32x64xf32, #tpu.memory_space<vmem>>, vector<16xf32>,
    %iota3A_3559 = tpu.iota {dimensions = array<i32: 0>} : vector<16xi32>
    %add3A_3560 = arith.constant 32 : i32
    %add3A_3561 = vector.broadcast %add3A_3560 : i32 to vector<16xi32>
    %add3A_3562 = arith.addi %iota3A_3559, %add3A_3561 : vector<16xi32>
    %gather3A_3563 = arith.constant 5 : i32
    %gather3A_3564 = arith.constant 0 : i32
    %gather3A_3565 = arith.constant 0 : i32
    %gather3A_3566 = tpu.memref_slice %arg6[%gather3A_3563, %gather3A_3564, %gather3A_3565] : memref<8x64x128xf32, #tpu.memory_space<vmem>> -> memref<1x64x128xf32, #tpu.memory_space<vmem>>
    %gather3A_3567 = tpu.memref_squeeze %gather3A_3566 : memref<1x64x128xf32, #tpu.memory_space<vmem>> -> memref<64x128xf32, #tpu.memory_space<vmem>>
    %gather3A_3568 = tpu.vector_load_idx %gather3A_3567[%add3A_3562, %add3A_3530] : memref<64x128xf32, #tpu.memory_space<vmem>>[vector<16xi32>, vector<16xi32>], vector<16xf32>,
    %swap3A_3569 = arith.constant 29 : i32
    %swap3A_3570 = arith.index_cast %swap3A_3569 : i32 to index
    %swap3A_3571 = arith.constant 32 : index
    %swap3A_3572 = tpu.vector_load %arg7[%swap3A_3570, %swap3A_3571] {strides = array<i32>} : memref<32x64xf32, #tpu.memory_space<vmem>>, vector<16xf32>,
    tpu.vector_store %arg7[%swap3A_3570, %swap3A_3571], %gather3A_3568 {strides = array<i32>} : memref<32x64xf32, #tpu.memory_space<vmem>>, vector<16xf32>,
    %iota3A_3573 = tpu.iota {dimensions = array<i32: 0>} : vector<16xi32>
    %add3A_3574 = arith.constant 48 : i32
    %add3A_3575 = vector.broadcast %add3A_3574 : i32 to vector<16xi32>
    %add3A_3576 = arith.addi %iota3A_3573, %add3A_3575 : vector<16xi32>
    %gather3A_3577 = arith.constant 5 : i32
    %gather3A_3578 = arith.constant 0 : i32
    %gather3A_3579 = arith.constant 0 : i32
    %gather3A_3580 = tpu.memref_slice %arg6[%gather3A_3577, %gather3A_3578, %gather3A_3579] : memref<8x64x128xf32, #tpu.memory_space<vmem>> -> memref<1x64x128xf32, #tpu.memory_space<vmem>>
    %gather3A_3581 = tpu.memref_squeeze %gather3A_3580 : memref<1x64x128xf32, #tpu.memory_space<vmem>> -> memref<64x128xf32, #tpu.memory_space<vmem>>
    %gather3A_3582 = tpu.vector_load_idx %gather3A_3581[%add3A_3576, %add3A_3530] : memref<64x128xf32, #tpu.memory_space<vmem>>[vector<16xi32>, vector<16xi32>], vector<16xf32>,
    %swap3A_3583 = arith.constant 29 : i32
    %swap3A_3584 = arith.index_cast %swap3A_3583 : i32 to index
    %swap3A_3585 = arith.constant 48 : index
    %swap3A_3586 = tpu.vector_load %arg7[%swap3A_3584, %swap3A_3585] {strides = array<i32>} : memref<32x64xf32, #tpu.memory_space<vmem>>, vector<16xf32>,
    tpu.vector_store %arg7[%swap3A_3584, %swap3A_3585], %gather3A_3582 {strides = array<i32>} : memref<32x64xf32, #tpu.memory_space<vmem>>, vector<16xf32>,
    %dma_wait3A_3587 = arith.constant 6 : i32
    %dma_wait3A_3588 = arith.constant 0 : i32
    %dma_wait3A_3589 = arith.constant 0 : i32
    %dma_wait3A_3590 = tpu.memref_slice %arg6[%dma_wait3A_3587, %dma_wait3A_3588, %dma_wait3A_3589] : memref<8x64x128xf32, #tpu.memory_space<vmem>> -> memref<1x64x128xf32, #tpu.memory_space<vmem>>
    %dma_wait3A_3591 = tpu.memref_squeeze %dma_wait3A_3590 : memref<1x64x128xf32, #tpu.memory_space<vmem>> -> memref<64x128xf32, #tpu.memory_space<vmem>>
    %dma_wait3A_3592 = arith.constant 0 : i32
    %dma_wait3A_3593 = tpu.memref_slice %arg3[%dma_wait3A_3592, %multiple_of3A_3022] : memref<64x100000xf32, #tpu.memory_space<hbm>> -> memref<64x128xf32, #tpu.memory_space<hbm>>
    %dma_wait3A_3594 = arith.constant 0 : i32
    %dma_wait3A_3595 = arith.constant 0 : i32
    %dma_wait3A_3596 = tpu.memref_slice %arg6[%dma_wait3A_3587, %dma_wait3A_3594, %dma_wait3A_3595] : memref<8x64x128xf32, #tpu.memory_space<vmem>> -> memref<1x64x128xf32, #tpu.memory_space<vmem>>
    %dma_wait3A_3597 = tpu.memref_squeeze %dma_wait3A_3596 : memref<1x64x128xf32, #tpu.memory_space<vmem>> -> memref<64x128xf32, #tpu.memory_space<vmem>>
    %dma_wait3A_3598 = arith.constant 0 : i32
    %dma_wait3A_3599 = tpu.memref_slice %arg3[%dma_wait3A_3598, %multiple_of3A_3022] : memref<64x100000xf32, #tpu.memory_space<hbm>> -> memref<64x128xf32, #tpu.memory_space<hbm>>
    tpu.wait_dma2 semaphore(%arg14 : memref<!tpu.dma_semaphore, #tpu.memory_space<semaphore_mem>>) src(%dma_wait3A_3599 : memref<64x128xf32, #tpu.memory_space<hbm>>) dst(%dma_wait3A_3597 : memref<64x128xf32, #tpu.memory_space<vmem>>)
    %broadcast_in_dim3A_3600 = arith.constant 0 : i32
    %broadcast_in_dim3A_3601 = vector.broadcast %broadcast_in_dim3A_3600 : i32 to vector<16xi32>
    %add3A_3602 = vector.broadcast %and3A_126 : i32 to vector<16xi32>
    %add3A_3603 = arith.addi %broadcast_in_dim3A_3601, %add3A_3602 : vector<16xi32>
    %iota3A_3604 = tpu.iota {dimensions = array<i32: 0>} : vector<16xi32>
    %add3A_3605 = arith.constant 0 : i32
    %add3A_3606 = vector.broadcast %add3A_3605 : i32 to vector<16xi32>
    %add3A_3607 = arith.addi %iota3A_3604, %add3A_3606 : vector<16xi32>
    %gather3A_3608 = arith.constant 6 : i32
    %gather3A_3609 = arith.constant 0 : i32
    %gather3A_3610 = arith.constant 0 : i32
    %gather3A_3611 = tpu.memref_slice %arg6[%gather3A_3608, %gather3A_3609, %gather3A_3610] : memref<8x64x128xf32, #tpu.memory_space<vmem>> -> memref<1x64x128xf32, #tpu.memory_space<vmem>>
    %gather3A_3612 = tpu.memref_squeeze %gather3A_3611 : memref<1x64x128xf32, #tpu.memory_space<vmem>> -> memref<64x128xf32, #tpu.memory_space<vmem>>
    %gather3A_3613 = tpu.vector_load_idx %gather3A_3612[%add3A_3607, %add3A_3603] : memref<64x128xf32, #tpu.memory_space<vmem>>[vector<16xi32>, vector<16xi32>], vector<16xf32>,
    %swap3A_3614 = arith.constant 30 : i32
    %swap3A_3615 = arith.index_cast %swap3A_3614 : i32 to index
    %swap3A_3616 = arith.constant 0 : index
    %swap3A_3617 = tpu.vector_load %arg7[%swap3A_3615, %swap3A_3616] {strides = array<i32>} : memref<32x64xf32, #tpu.memory_space<vmem>>, vector<16xf32>,
    tpu.vector_store %arg7[%swap3A_3615, %swap3A_3616], %gather3A_3613 {strides = array<i32>} : memref<32x64xf32, #tpu.memory_space<vmem>>, vector<16xf32>,
    %iota3A_3618 = tpu.iota {dimensions = array<i32: 0>} : vector<16xi32>
    %add3A_3619 = arith.constant 16 : i32
    %add3A_3620 = vector.broadcast %add3A_3619 : i32 to vector<16xi32>
    %add3A_3621 = arith.addi %iota3A_3618, %add3A_3620 : vector<16xi32>
    %gather3A_3622 = arith.constant 6 : i32
    %gather3A_3623 = arith.constant 0 : i32
    %gather3A_3624 = arith.constant 0 : i32
    %gather3A_3625 = tpu.memref_slice %arg6[%gather3A_3622, %gather3A_3623, %gather3A_3624] : memref<8x64x128xf32, #tpu.memory_space<vmem>> -> memref<1x64x128xf32, #tpu.memory_space<vmem>>
    %gather3A_3626 = tpu.memref_squeeze %gather3A_3625 : memref<1x64x128xf32, #tpu.memory_space<vmem>> -> memref<64x128xf32, #tpu.memory_space<vmem>>
    %gather3A_3627 = tpu.vector_load_idx %gather3A_3626[%add3A_3621, %add3A_3603] : memref<64x128xf32, #tpu.memory_space<vmem>>[vector<16xi32>, vector<16xi32>], vector<16xf32>,
    %swap3A_3628 = arith.constant 30 : i32
    %swap3A_3629 = arith.index_cast %swap3A_3628 : i32 to index
    %swap3A_3630 = arith.constant 16 : index
    %swap3A_3631 = tpu.vector_load %arg7[%swap3A_3629, %swap3A_3630] {strides = array<i32>} : memref<32x64xf32, #tpu.memory_space<vmem>>, vector<16xf32>,
    tpu.vector_store %arg7[%swap3A_3629, %swap3A_3630], %gather3A_3627 {strides = array<i32>} : memref<32x64xf32, #tpu.memory_space<vmem>>, vector<16xf32>,
    %iota3A_3632 = tpu.iota {dimensions = array<i32: 0>} : vector<16xi32>
    %add3A_3633 = arith.constant 32 : i32
    %add3A_3634 = vector.broadcast %add3A_3633 : i32 to vector<16xi32>
    %add3A_3635 = arith.addi %iota3A_3632, %add3A_3634 : vector<16xi32>
    %gather3A_3636 = arith.constant 6 : i32
    %gather3A_3637 = arith.constant 0 : i32
    %gather3A_3638 = arith.constant 0 : i32
    %gather3A_3639 = tpu.memref_slice %arg6[%gather3A_3636, %gather3A_3637, %gather3A_3638] : memref<8x64x128xf32, #tpu.memory_space<vmem>> -> memref<1x64x128xf32, #tpu.memory_space<vmem>>
    %gather3A_3640 = tpu.memref_squeeze %gather3A_3639 : memref<1x64x128xf32, #tpu.memory_space<vmem>> -> memref<64x128xf32, #tpu.memory_space<vmem>>
    %gather3A_3641 = tpu.vector_load_idx %gather3A_3640[%add3A_3635, %add3A_3603] : memref<64x128xf32, #tpu.memory_space<vmem>>[vector<16xi32>, vector<16xi32>], vector<16xf32>,
    %swap3A_3642 = arith.constant 30 : i32
    %swap3A_3643 = arith.index_cast %swap3A_3642 : i32 to index
    %swap3A_3644 = arith.constant 32 : index
    %swap3A_3645 = tpu.vector_load %arg7[%swap3A_3643, %swap3A_3644] {strides = array<i32>} : memref<32x64xf32, #tpu.memory_space<vmem>>, vector<16xf32>,
    tpu.vector_store %arg7[%swap3A_3643, %swap3A_3644], %gather3A_3641 {strides = array<i32>} : memref<32x64xf32, #tpu.memory_space<vmem>>, vector<16xf32>,
    %iota3A_3646 = tpu.iota {dimensions = array<i32: 0>} : vector<16xi32>
    %add3A_3647 = arith.constant 48 : i32
    %add3A_3648 = vector.broadcast %add3A_3647 : i32 to vector<16xi32>
    %add3A_3649 = arith.addi %iota3A_3646, %add3A_3648 : vector<16xi32>
    %gather3A_3650 = arith.constant 6 : i32
    %gather3A_3651 = arith.constant 0 : i32
    %gather3A_3652 = arith.constant 0 : i32
    %gather3A_3653 = tpu.memref_slice %arg6[%gather3A_3650, %gather3A_3651, %gather3A_3652] : memref<8x64x128xf32, #tpu.memory_space<vmem>> -> memref<1x64x128xf32, #tpu.memory_space<vmem>>
    %gather3A_3654 = tpu.memref_squeeze %gather3A_3653 : memref<1x64x128xf32, #tpu.memory_space<vmem>> -> memref<64x128xf32, #tpu.memory_space<vmem>>
    %gather3A_3655 = tpu.vector_load_idx %gather3A_3654[%add3A_3649, %add3A_3603] : memref<64x128xf32, #tpu.memory_space<vmem>>[vector<16xi32>, vector<16xi32>], vector<16xf32>,
    %swap3A_3656 = arith.constant 30 : i32
    %swap3A_3657 = arith.index_cast %swap3A_3656 : i32 to index
    %swap3A_3658 = arith.constant 48 : index
    %swap3A_3659 = tpu.vector_load %arg7[%swap3A_3657, %swap3A_3658] {strides = array<i32>} : memref<32x64xf32, #tpu.memory_space<vmem>>, vector<16xf32>,
    tpu.vector_store %arg7[%swap3A_3657, %swap3A_3658], %gather3A_3655 {strides = array<i32>} : memref<32x64xf32, #tpu.memory_space<vmem>>, vector<16xf32>,
    %dma_wait3A_3660 = arith.constant 7 : i32
    %dma_wait3A_3661 = arith.constant 0 : i32
    %dma_wait3A_3662 = arith.constant 0 : i32
    %dma_wait3A_3663 = tpu.memref_slice %arg6[%dma_wait3A_3660, %dma_wait3A_3661, %dma_wait3A_3662] : memref<8x64x128xf32, #tpu.memory_space<vmem>> -> memref<1x64x128xf32, #tpu.memory_space<vmem>>
    %dma_wait3A_3664 = tpu.memref_squeeze %dma_wait3A_3663 : memref<1x64x128xf32, #tpu.memory_space<vmem>> -> memref<64x128xf32, #tpu.memory_space<vmem>>
    %dma_wait3A_3665 = arith.constant 0 : i32
    %dma_wait3A_3666 = tpu.memref_slice %arg3[%dma_wait3A_3665, %multiple_of3A_3135] : memref<64x100000xf32, #tpu.memory_space<hbm>> -> memref<64x128xf32, #tpu.memory_space<hbm>>
    %dma_wait3A_3667 = arith.constant 0 : i32
    %dma_wait3A_3668 = arith.constant 0 : i32
    %dma_wait3A_3669 = tpu.memref_slice %arg6[%dma_wait3A_3660, %dma_wait3A_3667, %dma_wait3A_3668] : memref<8x64x128xf32, #tpu.memory_space<vmem>> -> memref<1x64x128xf32, #tpu.memory_space<vmem>>
    %dma_wait3A_3670 = tpu.memref_squeeze %dma_wait3A_3669 : memref<1x64x128xf32, #tpu.memory_space<vmem>> -> memref<64x128xf32, #tpu.memory_space<vmem>>
    %dma_wait3A_3671 = arith.constant 0 : i32
    %dma_wait3A_3672 = tpu.memref_slice %arg3[%dma_wait3A_3671, %multiple_of3A_3135] : memref<64x100000xf32, #tpu.memory_space<hbm>> -> memref<64x128xf32, #tpu.memory_space<hbm>>
    tpu.wait_dma2 semaphore(%arg15 : memref<!tpu.dma_semaphore, #tpu.memory_space<semaphore_mem>>) src(%dma_wait3A_3672 : memref<64x128xf32, #tpu.memory_space<hbm>>) dst(%dma_wait3A_3670 : memref<64x128xf32, #tpu.memory_space<vmem>>)
    %broadcast_in_dim3A_3673 = arith.constant 0 : i32
    %broadcast_in_dim3A_3674 = vector.broadcast %broadcast_in_dim3A_3673 : i32 to vector<16xi32>
    %add3A_3675 = vector.broadcast %and3A_130 : i32 to vector<16xi32>
    %add3A_3676 = arith.addi %broadcast_in_dim3A_3674, %add3A_3675 : vector<16xi32>
    %iota3A_3677 = tpu.iota {dimensions = array<i32: 0>} : vector<16xi32>
    %add3A_3678 = arith.constant 0 : i32
    %add3A_3679 = vector.broadcast %add3A_3678 : i32 to vector<16xi32>
    %add3A_3680 = arith.addi %iota3A_3677, %add3A_3679 : vector<16xi32>
    %gather3A_3681 = arith.constant 7 : i32
    %gather3A_3682 = arith.constant 0 : i32
    %gather3A_3683 = arith.constant 0 : i32
    %gather3A_3684 = tpu.memref_slice %arg6[%gather3A_3681, %gather3A_3682, %gather3A_3683] : memref<8x64x128xf32, #tpu.memory_space<vmem>> -> memref<1x64x128xf32, #tpu.memory_space<vmem>>
    %gather3A_3685 = tpu.memref_squeeze %gather3A_3684 : memref<1x64x128xf32, #tpu.memory_space<vmem>> -> memref<64x128xf32, #tpu.memory_space<vmem>>
    %gather3A_3686 = tpu.vector_load_idx %gather3A_3685[%add3A_3680, %add3A_3676] : memref<64x128xf32, #tpu.memory_space<vmem>>[vector<16xi32>, vector<16xi32>], vector<16xf32>,
    %swap3A_3687 = arith.constant 31 : i32
    %swap3A_3688 = arith.index_cast %swap3A_3687 : i32 to index
    %swap3A_3689 = arith.constant 0 : index
    %swap3A_3690 = tpu.vector_load %arg7[%swap3A_3688, %swap3A_3689] {strides = array<i32>} : memref<32x64xf32, #tpu.memory_space<vmem>>, vector<16xf32>,
    tpu.vector_store %arg7[%swap3A_3688, %swap3A_3689], %gather3A_3686 {strides = array<i32>} : memref<32x64xf32, #tpu.memory_space<vmem>>, vector<16xf32>,
    %iota3A_3691 = tpu.iota {dimensions = array<i32: 0>} : vector<16xi32>
    %add3A_3692 = arith.constant 16 : i32
    %add3A_3693 = vector.broadcast %add3A_3692 : i32 to vector<16xi32>
    %add3A_3694 = arith.addi %iota3A_3691, %add3A_3693 : vector<16xi32>
    %gather3A_3695 = arith.constant 7 : i32
    %gather3A_3696 = arith.constant 0 : i32
    %gather3A_3697 = arith.constant 0 : i32
    %gather3A_3698 = tpu.memref_slice %arg6[%gather3A_3695, %gather3A_3696, %gather3A_3697] : memref<8x64x128xf32, #tpu.memory_space<vmem>> -> memref<1x64x128xf32, #tpu.memory_space<vmem>>
    %gather3A_3699 = tpu.memref_squeeze %gather3A_3698 : memref<1x64x128xf32, #tpu.memory_space<vmem>> -> memref<64x128xf32, #tpu.memory_space<vmem>>
    %gather3A_3700 = tpu.vector_load_idx %gather3A_3699[%add3A_3694, %add3A_3676] : memref<64x128xf32, #tpu.memory_space<vmem>>[vector<16xi32>, vector<16xi32>], vector<16xf32>,
    %swap3A_3701 = arith.constant 31 : i32
    %swap3A_3702 = arith.index_cast %swap3A_3701 : i32 to index
    %swap3A_3703 = arith.constant 16 : index
    %swap3A_3704 = tpu.vector_load %arg7[%swap3A_3702, %swap3A_3703] {strides = array<i32>} : memref<32x64xf32, #tpu.memory_space<vmem>>, vector<16xf32>,
    tpu.vector_store %arg7[%swap3A_3702, %swap3A_3703], %gather3A_3700 {strides = array<i32>} : memref<32x64xf32, #tpu.memory_space<vmem>>, vector<16xf32>,
    %iota3A_3705 = tpu.iota {dimensions = array<i32: 0>} : vector<16xi32>
    %add3A_3706 = arith.constant 32 : i32
    %add3A_3707 = vector.broadcast %add3A_3706 : i32 to vector<16xi32>
    %add3A_3708 = arith.addi %iota3A_3705, %add3A_3707 : vector<16xi32>
    %gather3A_3709 = arith.constant 7 : i32
    %gather3A_3710 = arith.constant 0 : i32
    %gather3A_3711 = arith.constant 0 : i32
    %gather3A_3712 = tpu.memref_slice %arg6[%gather3A_3709, %gather3A_3710, %gather3A_3711] : memref<8x64x128xf32, #tpu.memory_space<vmem>> -> memref<1x64x128xf32, #tpu.memory_space<vmem>>
    %gather3A_3713 = tpu.memref_squeeze %gather3A_3712 : memref<1x64x128xf32, #tpu.memory_space<vmem>> -> memref<64x128xf32, #tpu.memory_space<vmem>>
    %gather3A_3714 = tpu.vector_load_idx %gather3A_3713[%add3A_3708, %add3A_3676] : memref<64x128xf32, #tpu.memory_space<vmem>>[vector<16xi32>, vector<16xi32>], vector<16xf32>,
    %swap3A_3715 = arith.constant 31 : i32
    %swap3A_3716 = arith.index_cast %swap3A_3715 : i32 to index
    %swap3A_3717 = arith.constant 32 : index
    %swap3A_3718 = tpu.vector_load %arg7[%swap3A_3716, %swap3A_3717] {strides = array<i32>} : memref<32x64xf32, #tpu.memory_space<vmem>>, vector<16xf32>,
    tpu.vector_store %arg7[%swap3A_3716, %swap3A_3717], %gather3A_3714 {strides = array<i32>} : memref<32x64xf32, #tpu.memory_space<vmem>>, vector<16xf32>,
    %iota3A_3719 = tpu.iota {dimensions = array<i32: 0>} : vector<16xi32>
    %add3A_3720 = arith.constant 48 : i32
    %add3A_3721 = vector.broadcast %add3A_3720 : i32 to vector<16xi32>
    %add3A_3722 = arith.addi %iota3A_3719, %add3A_3721 : vector<16xi32>
    %gather3A_3723 = arith.constant 7 : i32
    %gather3A_3724 = arith.constant 0 : i32
    %gather3A_3725 = arith.constant 0 : i32
    %gather3A_3726 = tpu.memref_slice %arg6[%gather3A_3723, %gather3A_3724, %gather3A_3725] : memref<8x64x128xf32, #tpu.memory_space<vmem>> -> memref<1x64x128xf32, #tpu.memory_space<vmem>>
    %gather3A_3727 = tpu.memref_squeeze %gather3A_3726 : memref<1x64x128xf32, #tpu.memory_space<vmem>> -> memref<64x128xf32, #tpu.memory_space<vmem>>
    %gather3A_3728 = tpu.vector_load_idx %gather3A_3727[%add3A_3722, %add3A_3676] : memref<64x128xf32, #tpu.memory_space<vmem>>[vector<16xi32>, vector<16xi32>], vector<16xf32>,
    %swap3A_3729 = arith.constant 31 : i32
    %swap3A_3730 = arith.index_cast %swap3A_3729 : i32 to index
    %swap3A_3731 = arith.constant 48 : index
    %swap3A_3732 = tpu.vector_load %arg7[%swap3A_3730, %swap3A_3731] {strides = array<i32>} : memref<32x64xf32, #tpu.memory_space<vmem>>, vector<16xf32>,
    tpu.vector_store %arg7[%swap3A_3730, %swap3A_3731], %gather3A_3728 {strides = array<i32>} : memref<32x64xf32, #tpu.memory_space<vmem>>, vector<16xf32>,
    "tpu.region"() ({
      %run_scoped3A = tpu.sem_alloc : memref<!tpu.dma_semaphore, #tpu.memory_space<semaphore_mem>>
      %dma_start3A_3733 = arith.constant 0 : i32
      %dma_start3A_3734 = tpu.memref_slice %arg4[%mul3A_2, %dma_start3A_3733] : memref<1024x64xf32, #tpu.memory_space<hbm>> -> memref<32x64xf32, #tpu.memory_space<hbm>>
      %dma_start3A_3735 = arith.constant 0 : i32
      %dma_start3A_3736 = tpu.memref_slice %arg4[%mul3A_2, %dma_start3A_3735] : memref<1024x64xf32, #tpu.memory_space<hbm>> -> memref<32x64xf32, #tpu.memory_space<hbm>>
      tpu.enqueue_dma source(%arg7 : memref<32x64xf32, #tpu.memory_space<vmem>>) target(%dma_start3A_3736 : memref<32x64xf32, #tpu.memory_space<hbm>>) target_semaphore(%run_scoped3A : memref<!tpu.dma_semaphore, #tpu.memory_space<semaphore_mem>>)
      %dma_wait3A_3737 = arith.constant 0 : i32
      %dma_wait3A_3738 = tpu.memref_slice %arg4[%mul3A_2, %dma_wait3A_3737] : memref<1024x64xf32, #tpu.memory_space<hbm>> -> memref<32x64xf32, #tpu.memory_space<hbm>>
      %dma_wait3A_3739 = arith.constant 0 : i32
      %dma_wait3A_3740 = tpu.memref_slice %arg4[%mul3A_2, %dma_wait3A_3739] : memref<1024x64xf32, #tpu.memory_space<hbm>> -> memref<32x64xf32, #tpu.memory_space<hbm>>
      tpu.wait_dma2 semaphore(%run_scoped3A : memref<!tpu.dma_semaphore, #tpu.memory_space<semaphore_mem>>) src(%arg7 : memref<32x64xf32, #tpu.memory_space<vmem>>) dst(%dma_wait3A_3740 : memref<32x64xf32, #tpu.memory_space<hbm>>)
      tpu.yield
    }) : () -> ()
    return
  }
}

</mosaic_0001>

<sc_bundles>
// kernel: kernel.3.cloned.1.call-start
scs
__scs_entry_jumppad:
0x0: {  	(pc) =	sbr.rel $0x88, $3  }
0x1: {  	(tag) =	ssettag $0x0;
	lr =	simm.s32 $0x1  }
0x2: {  	[smem:$0x3F9F] =	sst lr;
	_ =	strace $0xD0000000  }
0x3: {  	_ = 	snop  }
0x4: {  	_ = 	snop  }
0x5: {  	_ = 	snop  }
0x6: {  	_ = 	snop  }
0x7: {  	_ = 	snop  }
__scs_overlays_trampoline_lowered:
0x8: {  	[smem:$0x3FAE] =	sst s0  }
0x9: {  	[smem:$0x3FAF] =	sst s1  }
0xa: {  	[smem:$0x3FB0] =	sst s2  }
0xb: {  	[smem:$0x3FB1] =	sst s3  }
0xc: {  	[smem:$0x3FB2] =	sst s4  }
0xd: {  	[smem:$0x3FB3] =	sst s5  }
0xe: {  	[smem:$0x3FB4] =	sst s6  }
0xf: {  	[smem:$0x3FB5] =	sst s7  }
0x10: {  	[smem:$0x3FB6] =	sst s8  }
0x11: {  	[smem:$0x3FB7] =	sst s9;
	s0 =	simm.s32 @!p0 $0x0  }
0x12: {  	s1 =	sld [smem:$0x3F9D];
	s0 =	simm.s32 @p0 $0x1  }
0x13: {  	[smem:$0x3FB8] =	sst s0;
	s0 =	simm.s32 @!p1 $0x0  }
0x14: {  	s2 =	sld [smem:$0x3F9C];
	s0 =	simm.s32 @p1 $0x1  }
0x15: {  	[smem:$0x3FB9] =	sst s0;
	s0 =	simm.s32 @!p2 $0x0  }
0x16: {  	s3 =	sld [smem:$0x3FDB];
	s0 =	simm.s32 @p2 $0x1  }
0x17: {  	s4 =	simm.s32 $0x1BF5;
	[smem:$0x3FBB] =	sst s0  }
0x18: {  	s0 =	sld [smem:$0x3F9E];
	_ =	swait.ge [sflag:s4], $0x0  }
0x19: {  	s7 =	sld [smem:$0x3F9F]  }
0x1a: {  	s8 =	sadd.s32 $0xFFFFE003, lr  }
0x1b: {  	s9 =	sadd.s32 $0xFFFFFEF7, lr;
	s5 =	simm.s32 $0xFFFFFFFF;
	p2 =	slt.u32 s8, $0xFFFFF086  }
0x1c: {  	p1 =	slt.u32 s9, $0xF7A;
	s5 =	simm.s32 @!p2 $0x0  }
0x1d: {  	s5 =	simm.s32 @p1 $0x1;
	p0 =	seq.s32 s7, s2  }
0x1e: {  	s7 =	smul.u32 @!p0 $0xF7A, s2;
	p2 =	seq.s32 @!p0 s5, $0x0  }
0x1f: {  	s9 =	smul.u32 $0xF7A, s1;
	s8 =	simm.s32 @!p0 $0x1BF5;
	p2 =	por !p2, p0  }
0x20: {  	[sflag:s8] =	ssyncset.s32 @!p0 $0xFFFFF086;
	s6 =	sadd.s32 @!p0 s3, s7;
	s7 =	simm.s32 @!p0 $0x108  }
0x21: {  	s3 =	sadd.s32 s3, s9;
	s6 =	sadd.s32 @!p0 $0x88, s6;
	s7 =	simm.s32 @p2 $0x1082  }
0x22: {  	[simem:s7], [sflag:s8] =	dma.local @!p0 [hbm:s6], $0xF7A  }
0x23: {  	s9 =	sor.u32 $0xD0000000, s2;
	s6 =	simm.s32 $0x108;
	_ =	swait.ge @!p0 [sflag:s8], $0x0  }
0x24: {  	s3 =	sadd.s32 $0x88, s3;
	s6 =	simm.s32 @!p1 $0x1082;
	[sflag:s4] =	ssyncset.s32 $0xFFFFF086  }
0x25: {  	[simem:s6], [sflag:s4] =	dma.local [hbm:s3], $0xF7A  }
0x26: {  	[smem:$0x3F9F] =	sst s1;
	(tag) =	ssettag s2;
	_ =	strace s9  }
0x27: {  	s1 =	sld [smem:$0x3FAF]  }
0x28: {  	s2 =	sld [smem:$0x3FB0]  }
0x29: {  	s4 =	sld [smem:$0x3FB2]  }
0x2a: {  	p0 =	seq.s32 s5, $0x0;
	s5 =	sld [smem:$0x3FB3]  }
0x2b: {  	s6 =	sld [smem:$0x3FB4]  }
0x2c: {  	s7 =	sld [smem:$0x3FB5]  }
0x2d: {  	s3 =	simm.s32 $0x108;
	s8 =	sld [smem:$0x3FB6]  }
0x2e: {  	s3 =	simm.s32 @!p0 $0x1082;
	s9 =	sld [smem:$0x3FB7]  }
0x2f: {  	lr =	sadd.s32 s0, s3;
	s0 =	sld [smem:$0x3FAE]  }
0x30: {  	s3 =	sld [smem:$0x3FB1]  }
0x31: {  	[smem:$0x3FBA] =	sst s10  }
0x32: {  	s10 =	sld [smem:$0x3FB8];
	_ =	sdelay $0x3  }
0x33: {  	p0 =	seq.s32 s10, $0x1;
	s10 =	sld [smem:$0x3FBA];
	_ =	sdelay $0x3  }
0x34: {  	[smem:$0x3FBA] =	sst s10  }
0x35: {  	s10 =	sld [smem:$0x3FB9];
	_ =	sdelay $0x3  }
0x36: {  	p1 =	seq.s32 s10, $0x1;
	s10 =	sld [smem:$0x3FBA];
	_ =	sdelay $0x3  }
0x37: {  	[smem:$0x3FBA] =	sst s10  }
0x38: {  	s10 =	sld [smem:$0x3FBB]  }
0x39: {  	_ = 	snop;
	(pc) =	sbr.ind lr, $3  }
0x3a: {  	_ = 	snop  }
0x3b: {  	_ = 	snop  }
0x3c: {  	p2 =	seq.s32 s10, $0x1;
	s10 =	sld [smem:$0x3FBA]  }
0x3d: {  	_ =	shalt  }
0x3e: {  	_ =	shalt  }
0x3f: {  	_ =	shalt  }
0x40: {  	_ =	shalt  }
0x41: {  	_ =	shalt  }
0x42: {  	_ =	shalt  }
0x43: {  	_ =	shalt  }
0x44: {  	_ =	shalt  }
0x45: {  	_ =	shalt  }
0x46: {  	_ =	shalt  }
0x47: {  	_ =	shalt  }
0x48: {  	_ =	shalt  }
0x49: {  	_ =	shalt  }
0x4a: {  	_ =	shalt  }
0x4b: {  	_ =	shalt  }
0x4c: {  	_ =	shalt  }
0x4d: {  	_ =	shalt  }
0x4e: {  	_ =	shalt  }
0x4f: {  	_ =	shalt  }
0x50: {  	_ =	shalt  }
0x51: {  	_ =	shalt  }
0x52: {  	_ =	shalt  }
0x53: {  	_ =	shalt  }
0x54: {  	_ =	shalt  }
0x55: {  	_ =	shalt  }
0x56: {  	_ =	shalt  }
0x57: {  	_ =	shalt  }
0x58: {  	_ =	shalt  }
0x59: {  	_ =	shalt  }
0x5a: {  	_ =	shalt  }
0x5b: {  	_ =	shalt  }
0x5c: {  	_ =	shalt  }
0x5d: {  	_ =	shalt  }
0x5e: {  	_ =	shalt  }
0x5f: {  	_ =	shalt  }
0x60: {  	_ =	shalt  }
0x61: {  	_ =	shalt  }
0x62: {  	_ =	shalt  }
0x63: {  	_ =	shalt  }
0x64: {  	_ =	shalt  }
0x65: {  	_ =	shalt  }
0x66: {  	_ =	shalt  }
0x67: {  	_ =	shalt  }
0x68: {  	_ =	shalt  }
0x69: {  	_ =	shalt  }
0x6a: {  	_ =	shalt  }
0x6b: {  	_ =	shalt  }
0x6c: {  	_ =	shalt  }
0x6d: {  	_ =	shalt  }
0x6e: {  	_ =	shalt  }
0x6f: {  	_ =	shalt  }
0x70: {  	_ =	shalt  }
0x71: {  	_ =	shalt  }
0x72: {  	_ =	shalt  }
0x73: {  	_ =	shalt  }
0x74: {  	_ =	shalt  }
0x75: {  	_ =	shalt  }
0x76: {  	_ =	shalt  }
0x77: {  	_ =	shalt  }
0x78: {  	_ =	shalt  }
0x79: {  	_ =	shalt  }
0x7a: {  	_ =	shalt  }
0x7b: {  	_ =	shalt  }
0x7c: {  	_ =	shalt  }
0x7d: {  	_ =	shalt  }
0x7e: {  	_ =	shalt  }
0x7f: {  	_ =	shalt  }
0x80: {  	_ =	shalt  }
0x81: {  	_ =	shalt  }
0x82: {  	_ =	shalt  }
0x83: {  	_ =	shalt  }
0x84: {  	_ =	shalt  }
0x85: {  	_ =	shalt  }
0x86: {  	_ =	shalt  }
0x87: {  	_ =	shalt  }
.Lfunc_end0:
.L_simem_size_0:
called_computation_lowered:
.L_overlay_start_0:
0x88: {  	s2 =	sld [smem:$0x3FD9]  }
0x89: {  	s3 =	sld [smem:$0x3FFE];
	_ =	sdelay $0x1  }
0x8a: {  	s1 =	srdreg.scid  }
0x8b: {  	s0 =	sand.u32 $0x1, s1  }
0x8c: {  	s17 =	sshll.u32 s0, $0xA;
	s2 =	sadd.s32 s3, s2  }
0x8d: {  	s2 =	sadd.s32 s2, s17  }
0x8e: {  	[smem:$0x3FC6] =	sst s2  }
0x8f: {  	_ = 	snop  }
0x90: {  	s2 =	sld [smem:$0x3FC9]  }
0x91: {  	s18 =	sld [smem:$0x3FC8];
	(tm) =	ssettm $0x1  }
0x92: {  	s4 =	sld [smem:$0x3FFB];
	_ =	sdelay $0x3  }
0x93: {  	_ =	strace s4  }
0x94: {  	s4 =	sld [smem:$0x3FFC];
	_ =	sdelay $0x3  }
0x95: {  	_ =	strace s4  }
0x96: {  	s4 =	sld [smem:$0x3FFD];
	_ =	sdelay $0x3  }
0x97: {  	_ =	strace s4  }
0x98: {  	_ =	strace $0x8FFFFFFF  }
0x99: {  	s19 =	sld [smem:$0x3FDB];
	_ =	sdelay $0x1  }
0x9a: {  	s5 =	simm.s32 $_scs_section_size  }
0x9b: {  	s6 =	simm.s32 $_size__tile_overlayer_lowered;
	s7 =	simm.s32 $_tile_overlayer_lowered  }
0x9c: {  	s22 =	simm.s32 $0x1BFF;
	s21 =	sshll.u32 s7, $0x1;
	s4 =	sadd.s32 s5, s19  }
0x9d: {  	s8 =	simm.s32 $0x0;
	s20 =	sshll.u32 s6, $0x1;
	s6 =	sadd.s32 s21, s4  }
0x9e: {  	[timem:s8], [sflag:s22] =	dma.local [hbm:s6], s20  }
0x9f: {  	_ =	swait.ge [sflag:s22], s20  }
0xa0: {  	s5 =	ssub.s32 $0x0, s20;
	[sflag:s22] =	ssyncset.done $0x0  }
0xa1: {  	[sflag:s22] =	ssyncadd.s32 s5;
	_ =	sdelay $0x1  }
0xa2: {  	s23 =	simm.s32 $0x1B8B  }
0xa3: {  	_ =	swait.ge [sflag:s23], $0x1  }
0xa4: {  	[sflag:s23] =	ssyncset.done $0x0  }
0xa5: {  	s25 =	simm.s32 $0x1B8E;
	s24 =	sld [smem:$0x3FFE];
	[sflag:s23] =	ssyncadd.s32 $0xFFFFFFFF  }
0xa6: {  	s26 =	simm.s32 $execute0_lowered;
	[smem:$0x3FD2] =	sst s25  }
0xa7: {  	s6 =	sshll.u32 s26, $0x1;
	_ =	strace $0x80000046;
	[dreg:$0x1] =	wrdreg $0xFFFFFFFF  }
0xa8: {  	s28 =	simm.s32 $_size_execute0_lowered;
	s4 =	sadd.s32 s4, s6;
	[dreg:$0x0] =	wrdreg $0x0  }
0xa9: {  	s6 =	sshll.u32 s28, $0x1;
	[dreg:$0x2] =	wrdreg s4  }
0xaa: {  	[dreg:$0x3] =	wrdreg s6  }
0xab: {  	[dreg:$0x4] =	wrdreg $0xC0  }
0xac: {  	_ =	task [dreg:s8], $0x5FFFF  }
0xad: {  	[dreg:$0x1] =	wrdreg $0xFFFFFFFF  }
0xae: {  	[dreg:$0x0] =	wrdreg $0x60  }
0xaf: {  	[dreg:$0x2] =	wrdreg s2  }
0xb0: {  	[dreg:$0x3] =	wrdreg s18  }
0xb1: {  	[dreg:$0x4] =	wrdreg s24  }
0xb2: {  	[dreg:$0x5] =	wrdreg $0x9  }
0xb3: {  	_ =	task.clear_ibuf [dreg:s8], $0x6FFFF;
	_ =	strace $0x90000046  }
0xb4: {  	s29 =	simm.s32 $0x9;
	_ =	strace $0x80000048  }
0xb5: {  	_ =	swait.ge [sflag:s29], $0x1  }
0xb6: {  	[sflag:s29] =	ssyncadd.s32 $0xFFFFFFFF  }
0xb7: {  	_ =	strace $0x90000048  }
0xb8: {  	_ =	sfence  }
0xb9: {  	s30 =	sld [smem:$0x0];
	_ =	sdelay $0x2  }
0xba: {  	s31 =	sshll.u32 s1, $0xD;
	s1 =	sshrl.u32 s1, $0x2  }
0xbb: {  	s3 =	sand.u32 $0x4000, s31;
	s1 =	sadd.s32 s1, s30  }
0xbc: {  	s0 =	sor.u32 s3, s0;
	s1 =	sshll.u32 s1, $0x11  }
0xbd: {  	s0 =	sor.u32 s1, s0  }
0xbe: {  	s0 =	sadd.s32 $0x8F2B, s0  }
0xbf: {  	[sflag:s0] =	ssyncadd.remote.s32 $0x1  }
0xc0: {  	_ =	sfence.sel $0xFFFF  }
0xc1: {  	[dreg:$0x0] =	wrdreg $0xFFFFFFFF;
	(pc) =	sbr.abs _section_cstart, $3  }
0xc2: {  	[dreg:$0x1] =	wrdreg $0xFFFFFFFF  }
0xc3: {  	_ =	task.clear_ibuf [dreg:s8], $0x2FFFF;
	_ =	strace $0x9FFFFFFF  }
0xc4: {  	(tm) =	ssettm $0x7FFFFFFF  }
0xc5: {  	_ =	shalt  }
tec
execute0_lowered:
.L_overlay_start_1:
0x0: {  	(tag) =	ssettag $0x1  }
0x1: {  	s0 =	rddreg [dreg:$0x0]  }
0x2: {  	s1 =	rddreg [dreg:$0x1]  }
0x3: {  	s2 =	rddreg [dreg:$0x2];
	s3 =	srdreg.scid;
	s5 =	simm.s32 $0x0  }
0x4: {  	s4 =	stileid.u32;
	s7 =	simm.s32 $0x400;
	s8 =	simm.s32 $0xC3800  }
0x5: {  	s31 =	simm.s32 $0x10080;
	s16 =	simm.s32 $0xC080;
	s3 =	sand.u32 $0x1, s3  }
0x6: {  	[smem:$0x7FF] =	sst s5;
	s4 =	sshll.u32 s4, $0x6;
	s28 =	sshll.u32 s3, $0x5  }
0x7: {  	_ =	strace $0x80000047;
	s3 =	ssub.s32 $0x2, s3;
	s4 =	sor.u32 s28, s4  }
0x8: {  	v0 =	vlaneseq.u32;
	[dreg:$0x6] =	wrdreg s31;
	s5 =	sshll.u32 s4, $0x4;
	s4 =	sshrl.u32 s4, $0x3  }
0x9: {  	v0 =	vmul.u32 $0x80, v0;
	s29 =	sshrl.u32 s3, $0x1;
	s2 =	sadd.s32 s5, s2;
	s0 =	sadd.s32 s0, s4  }
0xa: {  	s3 =	ssub.s32 s3, s29;
	[dreg:$0x4] =	wrdreg s0;
	s30 =	sadd.s32 $0x400, s2  }
0xb: {  	s15 =	simm.s32 $0xE080;
	v1 =	vor.u32 $0x800, v0;
	v2 =	vor.u32 $0x1000, v0;
	v3 =	vor.u32 $0x1800, v0;
	s2 =	smax.u32 s3, $0x1;
	[dreg:$0x5] =	wrdreg s30  }
.LBB2_1:
0xc: {  	[dreg:$0x7] =	wrdreg s2  }
0xd: {  	s0 =	rddreg [dreg:$0x4];
	s12 =	simm.s32 $0x0;
	s13 =	simm.s32 $0x9  }
0xe: {  	[tilespmem:s12], [sflag:$0x9] =	stream.linear.gather [hbm4b:s0+s12], $0x20, $0x38;
	[tilespmem:$0x11080] =	vst v63  }
0xf: {  	_ =	swait.ge [sflag:s13], $0x20  }
0x10: {  	[sflag:s13] =	ssyncset.done $0x0  }
0x11: {  	[sflag:s13] =	ssyncadd.s32 $0xFFFFFFE0  }
0x12: {  	v5 =	vld [tilespmem:$0x0];
	_ =	sdelay $0x4  }
0x13: {  	(v2sf) =	vpush v5, $0x0;
	_ =	sdelay $0x6  }
0x14: {  	(v2sf) =	vpush v5, $0x1;
	_ =	sdelay $0x7  }
0x15: {  	(v2sf) =	vpush v5, $0x2;
	s14 =	spop (v2sf)  }
0x16: {  	s25 =	sand.u32 $0x7F, s14  }
0x17: {  	s17 =	sshra.s32 s14, $0x1F;
	p0 =	slt.s32 s14, $0x1;
	p1 =	sne.s32 s25, $0x0  }
0x18: {  	s2 =	sshrl.u32 s17, $0x19;
	p0 =	por !p0, !p1  }
0x19: {  	s0 =	sadd.s32 s2, s14;
	s2 =	simm.s32 $0x1;
	p0 =	por !p0, !p0  }
0x1a: {  	s0 =	sshrl.u32 s0, $0x7;
	s2 =	simm.s32 @!p0 $0x0  }
0x1b: {  	s0 =	ssub.s32 s0, s2  }
0x1c: {  	s3 =	simm.s32 $0x80;
	s18 =	spop (v2sf);
	s0 =	sshll.u32 s0, $0x7  }
0x1d: {  	(v2sf) =	vpush v5, $0x3;
	s26 =	sand.u32 $0x7F, s18;
	s19 =	sshra.s32 s18, $0x1F;
	s0 =	sand.u32 $0x1FFFFF80, s0  }
0x1e: {  	p5 =	slt.s32 s18, $0x1;
	p6 =	sne.s32 s26, $0x0;
	s0 =	sadd.s32 s1, s0  }
0x1f: {  	v4 =	vld [tilespmem:$0x10];
	[tilespmem:s3], [sflag:$0x1] =	stream.strided.gather [hbm4b:s0+s7], $0x2000, s8, s7, $0x38  }
0x20: {  	p0 =	por !p5, !p6;
	s0 =	sshrl.u32 s19, $0x19  }
0x21: {  	p0 =	por !p0, !p0;
	s2 =	simm.s32 $0x1;
	s0 =	sadd.s32 s0, s18  }
0x22: {  	s2 =	simm.s32 @!p0 $0x0;
	s0 =	sshrl.u32 s0, $0x7  }
0x23: {  	s0 =	ssub.s32 s0, s2  }
0x24: {  	s21 =	simm.s32 $0x2080;
	s20 =	spop (v2sf);
	s0 =	sshll.u32 s0, $0x7  }
0x25: {  	(v2sf) =	vpush v5, $0x4;
	s28 =	sand.u32 $0x7F, s20;
	s22 =	sshra.s32 s20, $0x1F;
	s0 =	sand.u32 $0x1FFFFF80, s0  }
0x26: {  	p1 =	slt.s32 s20, $0x1;
	p2 =	sne.s32 s28, $0x0;
	s0 =	sadd.s32 s1, s0  }
0x27: {  	[tilespmem:s21], [sflag:$0x2] =	stream.strided.gather [hbm4b:s0+s7], $0x2000, s8, s7, $0x38;
	[tilespmem:$0x11080] =	vst v63  }
0x28: {  	p0 =	por !p1, !p2;
	s0 =	sshrl.u32 s22, $0x19  }
0x29: {  	p0 =	por !p0, !p0;
	s2 =	simm.s32 $0x1;
	s0 =	sadd.s32 s0, s20  }
0x2a: {  	s2 =	simm.s32 @!p0 $0x0;
	s0 =	sshrl.u32 s0, $0x7  }
0x2b: {  	(v2sf) =	vpush v5, $0x5;
	s0 =	ssub.s32 s0, s2  }
0x2c: {  	s24 =	simm.s32 $0x4080;
	(v2sf) =	vpush v5, $0x6;
	s23 =	spop (v2sf);
	s0 =	sshll.u32 s0, $0x7  }
0x2d: {  	(v2sf) =	vpush v5, $0x7;
	s29 =	sand.u32 $0x7F, s23;
	s30 =	sshra.s32 s23, $0x1F;
	s0 =	sand.u32 $0x1FFFFF80, s0  }
0x2e: {  	p3 =	slt.s32 s23, $0x1;
	p4 =	sne.s32 s29, $0x0;
	s0 =	sadd.s32 s1, s0  }
0x2f: {  	[tilespmem:s24], [sflag:$0x3] =	stream.strided.gather [hbm4b:s0+s7], $0x2000, s8, s7, $0x38;
	[tilespmem:$0x11080] =	vst v63  }
0x30: {  	p0 =	por !p3, !p4;
	s0 =	sshrl.u32 s30, $0x19  }
0x31: {  	p0 =	por !p0, !p0;
	s2 =	simm.s32 $0x1;
	s0 =	sadd.s32 s0, s23  }
0x32: {  	s2 =	simm.s32 @!p0 $0x0;
	s0 =	sshrl.u32 s0, $0x7  }
0x33: {  	(v2sf) =	vpush v5, $0x8;
	s0 =	ssub.s32 s0, s2  }
0x34: {  	s4 =	simm.s32 $0x6080;
	(v2sf) =	vpush v5, $0x9;
	s31 =	spop (v2sf);
	s0 =	sshll.u32 s0, $0x7  }
0x35: {  	(v2sf) =	vpush v5, $0xA;
	s5 =	sshra.s32 s31, $0x1F;
	s24 =	sand.u32 $0x7F, s31;
	s0 =	sand.u32 $0x1FFFFF80, s0  }
0x36: {  	(v2sf) =	vpush v5, $0xB;
	p5 =	slt.s32 s31, $0x1;
	p6 =	sne.s32 s24, $0x0;
	s0 =	sadd.s32 s1, s0  }
0x37: {  	(v2sf) =	vpush v5, $0xC;
	[tilespmem:s4], [sflag:$0x4] =	stream.strided.gather [hbm4b:s0+s7], $0x2000, s8, s7, $0x38;
	[tilespmem:$0x11080] =	vst v63  }
0x38: {  	p0 =	por !p5, !p6;
	s0 =	sshrl.u32 s5, $0x19  }
0x39: {  	p0 =	por !p0, !p0;
	s2 =	simm.s32 $0x1;
	s0 =	sadd.s32 s0, s31  }
0x3a: {  	(v2sf) =	vpush v5, $0xD;
	s6 =	spop (v2sf);
	s2 =	simm.s32 @!p0 $0x0;
	s0 =	sshrl.u32 s0, $0x7  }
0x3b: {  	(v2sf) =	vpush v5, $0xE;
	s9 =	spop (v2sf);
	s13 =	sshra.s32 s6, $0x1F;
	s0 =	ssub.s32 s0, s2  }
0x3c: {  	(v2sf) =	vpush v5, $0xF;
	p1 =	slt.s32 s6, $0x1;
	s14 =	spop (v2sf);
	s0 =	sshll.u32 s0, $0x7  }
0x3d: {  	(v2sf) =	vpush v4, $0x0;
	p3 =	slt.s32 s9, $0x1;
	s4 =	sand.u32 $0x7F, s6;
	s0 =	sand.u32 $0x1FFFFF80, s0  }
0x3e: {  	(v2sf) =	vpush v4, $0x1;
	s5 =	simm.s32 $0x8080;
	p2 =	sne.s32 s4, $0x0;
	s0 =	sadd.s32 s1, s0  }
0x3f: {  	[tilespmem:s5], [sflag:$0x5] =	stream.strided.gather [hbm4b:s0+s7], $0x2000, s8, s7, $0x38;
	[tilespmem:$0x11080] =	vst v63  }
0x40: {  	s30 =	simm.s32 $0xA080;
	p0 =	por !p1, !p2;
	s0 =	sshrl.u32 s13, $0x19  }
0x41: {  	(v2sf) =	vpush v4, $0x2;
	p0 =	por !p0, !p0;
	s2 =	simm.s32 $0x1;
	s0 =	sadd.s32 s0, s6  }
0x42: {  	s2 =	simm.s32 @!p0 $0x0;
	s13 =	spop (v2sf);
	s0 =	sshrl.u32 s0, $0x7  }
0x43: {  	s23 =	sand.u32 $0x7F, s9;
	(v2sf) =	vpush v4, $0x3;
	s12 =	spop (v2sf);
	s0 =	ssub.s32 s0, s2  }
0x44: {  	p4 =	sne.s32 s23, $0x0;
	(v2sf) =	vpush v4, $0x4;
	s11 =	spop (v2sf);
	s0 =	sshll.u32 s0, $0x7  }
0x45: {  	p0 =	por !p3, !p4;
	(v2sf) =	vpush v4, $0x5;
	s10 =	spop (v2sf);
	s0 =	sand.u32 $0x1FFFFF80, s0  }
0x46: {  	(v2sf) =	vpush v4, $0x6;
	s2 =	sshra.s32 s9, $0x1F;
	s31 =	spop (v2sf);
	s0 =	sadd.s32 s1, s0  }
0x47: {  	(v2sf) =	vpush v4, $0x7;
	[tilespmem:s30], [sflag:$0x6] =	stream.strided.gather [hbm4b:s0+s7], $0x2000, s8, s7, $0x38;
	[tilespmem:$0x11080] =	vst v63  }
0x48: {  	p0 =	por !p0, !p0;
	s0 =	sshrl.u32 s2, $0x19  }
0x49: {  	s30 =	spop (v2sf);
	(v2sf) =	vpush v4, $0x8;
	s2 =	simm.s32 $0x1;
	s0 =	sadd.s32 s0, s9  }
0x4a: {  	s9 =	spop (v2sf);
	(v2sf) =	vpush v4, $0x9;
	s2 =	simm.s32 @!p0 $0x0;
	s0 =	sshrl.u32 s0, $0x7  }
0x4b: {  	s21 =	spop (v2sf);
	(v2sf) =	vpush v4, $0xA;
	s0 =	ssub.s32 s0, s2  }
0x4c: {  	s3 =	sshra.s32 s14, $0x1F;
	s20 =	spop (v2sf);
	(v2sf) =	vpush v4, $0xB;
	s0 =	sshll.u32 s0, $0x7  }
0x4d: {  	s22 =	sand.u32 $0x7F, s14;
	s19 =	spop (v2sf);
	(v2sf) =	vpush v4, $0xC;
	s0 =	sand.u32 $0x1FFFFF80, s0  }
0x4e: {  	p5 =	slt.s32 s14, $0x1;
	p6 =	sne.s32 s22, $0x0;
	(v2sf) =	vpush v4, $0xD;
	s0 =	sadd.s32 s1, s0  }
0x4f: {  	(v2sf) =	vpush v4, $0xE;
	[tilespmem:s16], [sflag:$0x7] =	stream.strided.gather [hbm4b:s0+s7], $0x2000, s8, s7, $0x38;
	[tilespmem:$0x11080] =	vst v63  }
0x50: {  	p0 =	por !p5, !p6;
	s18 =	spop (v2sf);
	(v2sf) =	vpush v4, $0xF;
	s0 =	sshrl.u32 s3, $0x19  }
0x51: {  	p0 =	por !p0, !p0;
	s2 =	simm.s32 $0x1;
	s0 =	sadd.s32 s0, s14  }
0x52: {  	s2 =	simm.s32 @!p0 $0x0;
	s17 =	spop (v2sf);
	s0 =	sshrl.u32 s0, $0x7  }
0x53: {  	s6 =	spop (v2sf);
	s0 =	ssub.s32 s0, s2  }
0x54: {  	[dreg:$0x13] =	wrdreg s6;
	s14 =	spop (v2sf);
	s0 =	sshll.u32 s0, $0x7  }
0x55: {  	[dreg:$0x12] =	wrdreg s14;
	s3 =	spop (v2sf);
	s14 =	sand.u32 $0x1FFFFF80, s0  }
0x56: {  	[dreg:$0x11] =	wrdreg s3;
	s5 =	spop (v2sf);
	s14 =	sadd.s32 s1, s14  }
0x57: {  	[tilespmem:s15], [sflag:$0x8] =	stream.strided.gather [hbm4b:s14+s7], $0x2000, s8, s7, $0x38;
	[tilespmem:$0x11080] =	vst v63  }
0x58: {  	[dreg:$0x10] =	wrdreg s5;
	s6 =	spop (v2sf)  }
0x59: {  	[dreg:$0xf] =	wrdreg s6;
	s2 =	spop (v2sf)  }
0x5a: {  	[dreg:$0xe] =	wrdreg s2;
	s3 =	spop (v2sf)  }
0x5b: {  	[dreg:$0xd] =	wrdreg s3;
	s5 =	spop (v2sf)  }
0x5c: {  	[dreg:$0xc] =	wrdreg s5;
	s6 =	spop (v2sf)  }
0x5d: {  	[dreg:$0xb] =	wrdreg s6;
	s14 =	spop (v2sf)  }
0x5e: {  	[dreg:$0xa] =	wrdreg s14;
	s2 =	spop (v2sf)  }
0x5f: {  	v4 =	vor.u32 s25, v0;
	[dreg:$0x9] =	wrdreg s2;
	s3 =	spop (v2sf)  }
0x60: {  	s2 =	simm.s32 $0x1;
	[dreg:$0x8] =	wrdreg s3  }
0x61: {  	_ =	swait.ge [sflag:s2], $0x2000  }
0x62: {  	[sflag:s2] =	ssyncset.done $0x0  }
0x63: {  	s5 =	simm.s32 $0x80;
	[sflag:s2] =	ssyncadd.s32 $0xFFFFE000  }
0x64: {  	v4 =	vld.idx.msk [tilespmem:v4+s5+$0x0], $0xffff  }
0x65: {  	v5 =	vor.u32 s25, v1;
	_ =	sdelay $0x3  }
0x66: {  	[tilespmem:$0x10080] =	vst v4  }
0x67: {  	v4 =	vld.idx.msk [tilespmem:v5+s5+$0x0], $0xffff  }
0x68: {  	v5 =	vor.u32 s25, v2;
	_ =	sdelay $0x3  }
0x69: {  	[tilespmem:$0x10090] =	vst v4  }
0x6a: {  	v4 =	vld.idx.msk [tilespmem:v5+s5+$0x0], $0xffff  }
0x6b: {  	v5 =	vor.u32 s25, v3;
	_ =	sdelay $0x1  }
0x6c: {  	s25 =	sand.u32 $0x7F, s13  }
0x6d: {  	p1 =	slt.s32 s13, $0x1;
	s3 =	sshra.s32 s13, $0x1F;
	p2 =	sne.s32 s25, $0x0  }
0x6e: {  	s6 =	simm.s32 $0x80;
	s14 =	sshrl.u32 s3, $0x19;
	p0 =	por !p1, !p2;
	[tilespmem:$0x100A0] =	vst v4  }
0x6f: {  	s13 =	sadd.s32 s14, s13;
	s14 =	simm.s32 $0x1;
	p0 =	por !p0, !p0;
	v4 =	vld.idx.msk [tilespmem:v5+s6+$0x0], $0xffff  }
0x70: {  	s13 =	sshrl.u32 s13, $0x7;
	s14 =	simm.s32 @!p0 $0x0  }
0x71: {  	s13 =	ssub.s32 s13, s14  }
0x72: {  	s13 =	sshll.u32 s13, $0x7  }
0x73: {  	s13 =	sand.u32 $0x1FFFFF80, s13  }
0x74: {  	s3 =	simm.s32 $0x2;
	s13 =	sadd.s32 s1, s13;
	[tilespmem:$0x100B0] =	vst v4;
	v4 =	vor.u32 s26, v0  }
0x75: {  	[tilespmem:s6], [sflag:$0x1] =	stream.strided.gather [hbm4b:s13+s7], $0x2000, s8, s7, $0x38;
	[tilespmem:$0x11080] =	vst v63  }
0x76: {  	_ =	swait.ge [sflag:s3], $0x2000  }
0x77: {  	[sflag:s3] =	ssyncset.done $0x0  }
0x78: {  	s5 =	simm.s32 $0x2080;
	[sflag:s3] =	ssyncadd.s32 $0xFFFFE000  }
0x79: {  	v4 =	vld.idx.msk [tilespmem:v4+s5+$0x0], $0xffff  }
0x7a: {  	v5 =	vor.u32 s26, v1;
	_ =	sdelay $0x3  }
0x7b: {  	[tilespmem:$0x10100] =	vst v4  }
0x7c: {  	v4 =	vld.idx.msk [tilespmem:v5+s5+$0x0], $0xffff  }
0x7d: {  	v5 =	vor.u32 s26, v2;
	_ =	sdelay $0x3  }
0x7e: {  	[tilespmem:$0x10110] =	vst v4  }
0x7f: {  	v4 =	vld.idx.msk [tilespmem:v5+s5+$0x0], $0xffff  }
0x80: {  	v5 =	vor.u32 s26, v3;
	_ =	sdelay $0x1  }
0x81: {  	s26 =	sand.u32 $0x7F, s12  }
0x82: {  	p3 =	slt.s32 s12, $0x1;
	s14 =	sshra.s32 s12, $0x1F;
	p4 =	sne.s32 s26, $0x0  }
0x83: {  	s6 =	simm.s32 $0x2080;
	s13 =	sshrl.u32 s14, $0x19;
	p0 =	por !p3, !p4;
	[tilespmem:$0x10120] =	vst v4  }
0x84: {  	s12 =	sadd.s32 s13, s12;
	s13 =	simm.s32 $0x1;
	p0 =	por !p0, !p0;
	v4 =	vld.idx.msk [tilespmem:v5+s6+$0x0], $0xffff  }
0x85: {  	s12 =	sshrl.u32 s12, $0x7;
	s13 =	simm.s32 @!p0 $0x0  }
0x86: {  	s12 =	ssub.s32 s12, s13  }
0x87: {  	s12 =	sshll.u32 s12, $0x7  }
0x88: {  	s12 =	sand.u32 $0x1FFFFF80, s12  }
0x89: {  	s5 =	simm.s32 $0x3;
	s12 =	sadd.s32 s1, s12;
	[tilespmem:$0x10130] =	vst v4;
	v4 =	vor.u32 s28, v0  }
0x8a: {  	[tilespmem:s6], [sflag:$0x2] =	stream.strided.gather [hbm4b:s12+s7], $0x2000, s8, s7, $0x38;
	[tilespmem:$0x11080] =	vst v63  }
0x8b: {  	_ =	swait.ge [sflag:s5], $0x2000  }
0x8c: {  	[sflag:s5] =	ssyncset.done $0x0  }
0x8d: {  	s0 =	simm.s32 $0x4080;
	[sflag:s5] =	ssyncadd.s32 $0xFFFFE000  }
0x8e: {  	v4 =	vld.idx.msk [tilespmem:v4+s0+$0x0], $0xffff  }
0x8f: {  	v5 =	vor.u32 s28, v1;
	_ =	sdelay $0x3  }
0x90: {  	[tilespmem:$0x10180] =	vst v4  }
0x91: {  	v4 =	vld.idx.msk [tilespmem:v5+s0+$0x0], $0xffff  }
0x92: {  	v5 =	vor.u32 s28, v2;
	_ =	sdelay $0x3  }
0x93: {  	[tilespmem:$0x10190] =	vst v4  }
0x94: {  	v4 =	vld.idx.msk [tilespmem:v5+s0+$0x0], $0xffff  }
0x95: {  	v5 =	vor.u32 s28, v3;
	_ =	sdelay $0x1  }
0x96: {  	s28 =	sand.u32 $0x7F, s11  }
0x97: {  	p5 =	slt.s32 s11, $0x1;
	s13 =	sshra.s32 s11, $0x1F;
	p6 =	sne.s32 s28, $0x0  }
0x98: {  	s6 =	simm.s32 $0x4080;
	s12 =	sshrl.u32 s13, $0x19;
	p0 =	por !p5, !p6;
	[tilespmem:$0x101A0] =	vst v4  }
0x99: {  	s11 =	sadd.s32 s12, s11;
	s12 =	simm.s32 $0x1;
	p0 =	por !p0, !p0;
	v4 =	vld.idx.msk [tilespmem:v5+s6+$0x0], $0xffff  }
0x9a: {  	s11 =	sshrl.u32 s11, $0x7;
	s12 =	simm.s32 @!p0 $0x0  }
0x9b: {  	s11 =	ssub.s32 s11, s12  }
0x9c: {  	s11 =	sshll.u32 s11, $0x7  }
0x9d: {  	s11 =	sand.u32 $0x1FFFFF80, s11  }
0x9e: {  	s11 =	sadd.s32 s1, s11;
	[tilespmem:$0x101B0] =	vst v4  }
0x9f: {  	v4 =	vor.u32 s29, v0;
	[tilespmem:s6], [sflag:$0x3] =	stream.strided.gather [hbm4b:s11+s7], $0x2000, s8, s7, $0x38;
	[tilespmem:$0x11080] =	vst v63  }
0xa0: {  	s6 =	simm.s32 $0x4  }
0xa1: {  	_ =	swait.ge [sflag:s6], $0x2000  }
0xa2: {  	[sflag:s6] =	ssyncset.done $0x0  }
0xa3: {  	s14 =	simm.s32 $0x6080;
	[sflag:s6] =	ssyncadd.s32 $0xFFFFE000  }
0xa4: {  	v4 =	vld.idx.msk [tilespmem:v4+s14+$0x0], $0xffff  }
0xa5: {  	v5 =	vor.u32 s29, v1;
	_ =	sdelay $0x3  }
0xa6: {  	[tilespmem:$0x10200] =	vst v4  }
0xa7: {  	v4 =	vld.idx.msk [tilespmem:v5+s14+$0x0], $0xffff  }
0xa8: {  	v5 =	vor.u32 s29, v2;
	_ =	sdelay $0x3  }
0xa9: {  	[tilespmem:$0x10210] =	vst v4  }
0xaa: {  	v4 =	vld.idx.msk [tilespmem:v5+s14+$0x0], $0xffff  }
0xab: {  	v5 =	vor.u32 s29, v3;
	_ =	sdelay $0x1  }
0xac: {  	s29 =	sand.u32 $0x7F, s10  }
0xad: {  	p1 =	slt.s32 s10, $0x1;
	s0 =	sshra.s32 s10, $0x1F;
	p2 =	sne.s32 s29, $0x0  }
0xae: {  	s11 =	sshrl.u32 s0, $0x19;
	s14 =	simm.s32 $0x6080;
	p0 =	por !p1, !p2;
	[tilespmem:$0x10220] =	vst v4  }
0xaf: {  	s10 =	sadd.s32 s11, s10;
	s11 =	simm.s32 $0x1;
	p0 =	por !p0, !p0;
	v4 =	vld.idx.msk [tilespmem:v5+s14+$0x0], $0xffff  }
0xb0: {  	s10 =	sshrl.u32 s10, $0x7;
	s11 =	simm.s32 @!p0 $0x0  }
0xb1: {  	s10 =	ssub.s32 s10, s11  }
0xb2: {  	s10 =	sshll.u32 s10, $0x7  }
0xb3: {  	s10 =	sand.u32 $0x1FFFFF80, s10  }
0xb4: {  	s10 =	sadd.s32 s1, s10;
	[tilespmem:$0x10230] =	vst v4  }
0xb5: {  	v4 =	vor.u32 s24, v0;
	[tilespmem:s14], [sflag:$0x4] =	stream.strided.gather [hbm4b:s10+s7], $0x2000, s8, s7, $0x38;
	[tilespmem:$0x11080] =	vst v63  }
0xb6: {  	s10 =	simm.s32 $0x5  }
0xb7: {  	_ =	swait.ge [sflag:s10], $0x2000  }
0xb8: {  	[sflag:s10] =	ssyncset.done $0x0  }
0xb9: {  	s11 =	simm.s32 $0x8080;
	[sflag:s10] =	ssyncadd.s32 $0xFFFFE000  }
0xba: {  	v4 =	vld.idx.msk [tilespmem:v4+s11+$0x0], $0xffff  }
0xbb: {  	v5 =	vor.u32 s24, v1;
	_ =	sdelay $0x3  }
0xbc: {  	[tilespmem:$0x10280] =	vst v4  }
0xbd: {  	v4 =	vld.idx.msk [tilespmem:v5+s11+$0x0], $0xffff  }
0xbe: {  	v5 =	vor.u32 s24, v2;
	_ =	sdelay $0x3  }
0xbf: {  	[tilespmem:$0x10290] =	vst v4  }
0xc0: {  	v4 =	vld.idx.msk [tilespmem:v5+s11+$0x0], $0xffff  }
0xc1: {  	v5 =	vor.u32 s24, v3;
	_ =	sdelay $0x1  }
0xc2: {  	s24 =	sand.u32 $0x7F, s31  }
0xc3: {  	p3 =	slt.s32 s31, $0x1;
	s12 =	sshra.s32 s31, $0x1F;
	p4 =	sne.s32 s24, $0x0  }
0xc4: {  	s13 =	simm.s32 $0x8080;
	s10 =	sshrl.u32 s12, $0x19;
	p0 =	por !p3, !p4;
	[tilespmem:$0x102A0] =	vst v4  }
0xc5: {  	s10 =	sadd.s32 s10, s31;
	s11 =	simm.s32 $0x1;
	p0 =	por !p0, !p0;
	v4 =	vld.idx.msk [tilespmem:v5+s13+$0x0], $0xffff  }
0xc6: {  	s10 =	sshrl.u32 s10, $0x7;
	s11 =	simm.s32 @!p0 $0x0  }
0xc7: {  	s10 =	ssub.s32 s10, s11  }
0xc8: {  	s10 =	sshll.u32 s10, $0x7  }
0xc9: {  	s10 =	sand.u32 $0x1FFFFF80, s10  }
0xca: {  	s31 =	simm.s32 $0x6;
	s10 =	sadd.s32 s1, s10;
	[tilespmem:$0x102B0] =	vst v4;
	v4 =	vor.u32 s4, v0  }
0xcb: {  	[tilespmem:s13], [sflag:$0x5] =	stream.strided.gather [hbm4b:s10+s7], $0x2000, s8, s7, $0x38;
	[tilespmem:$0x11080] =	vst v63  }
0xcc: {  	_ =	swait.ge [sflag:s31], $0x2000  }
0xcd: {  	[sflag:s31] =	ssyncset.done $0x0  }
0xce: {  	s0 =	simm.s32 $0xA080;
	[sflag:s31] =	ssyncadd.s32 $0xFFFFE000  }
0xcf: {  	v4 =	vld.idx.msk [tilespmem:v4+s0+$0x0], $0xffff  }
0xd0: {  	v5 =	vor.u32 s4, v1;
	_ =	sdelay $0x3  }
0xd1: {  	[tilespmem:$0x10300] =	vst v4  }
0xd2: {  	v4 =	vld.idx.msk [tilespmem:v5+s0+$0x0], $0xffff  }
0xd3: {  	v5 =	vor.u32 s4, v2;
	_ =	sdelay $0x3  }
0xd4: {  	[tilespmem:$0x10310] =	vst v4  }
0xd5: {  	v4 =	vld.idx.msk [tilespmem:v5+s0+$0x0], $0xffff  }
0xd6: {  	v5 =	vor.u32 s4, v3;
	_ =	sdelay $0x1  }
0xd7: {  	s4 =	sand.u32 $0x7F, s30  }
0xd8: {  	p5 =	slt.s32 s30, $0x1;
	s11 =	sshra.s32 s30, $0x1F;
	p6 =	sne.s32 s4, $0x0  }
0xd9: {  	s12 =	simm.s32 $0xA080;
	s10 =	sshrl.u32 s11, $0x19;
	p0 =	por !p5, !p6;
	[tilespmem:$0x10320] =	vst v4  }
0xda: {  	s11 =	simm.s32 $0x1;
	s10 =	sadd.s32 s10, s30;
	p0 =	por !p0, !p0;
	v4 =	vld.idx.msk [tilespmem:v5+s12+$0x0], $0xffff  }
0xdb: {  	s10 =	sshrl.u32 s10, $0x7;
	s11 =	simm.s32 @!p0 $0x0  }
0xdc: {  	s10 =	ssub.s32 s10, s11  }
0xdd: {  	s10 =	sshll.u32 s10, $0x7  }
0xde: {  	s10 =	sand.u32 $0x1FFFFF80, s10  }
0xdf: {  	s31 =	simm.s32 $0x7;
	s10 =	sadd.s32 s1, s10;
	[tilespmem:$0x10330] =	vst v4;
	v4 =	vor.u32 s23, v0  }
0xe0: {  	[tilespmem:s12], [sflag:$0x6] =	stream.strided.gather [hbm4b:s10+s7], $0x2000, s8, s7, $0x38;
	[tilespmem:$0x11080] =	vst v63  }
0xe1: {  	_ =	swait.ge [sflag:s31], $0x2000  }
0xe2: {  	[sflag:s31] =	ssyncset.done $0x0  }
0xe3: {  	[sflag:s31] =	ssyncadd.s32 $0xFFFFE000  }
0xe4: {  	v4 =	vld.idx.msk [tilespmem:v4+s16+$0x0], $0xffff  }
0xe5: {  	v5 =	vor.u32 s23, v1;
	_ =	sdelay $0x3  }
0xe6: {  	[tilespmem:$0x10380] =	vst v4  }
0xe7: {  	v4 =	vld.idx.msk [tilespmem:v5+s16+$0x0], $0xffff  }
0xe8: {  	v5 =	vor.u32 s23, v2;
	_ =	sdelay $0x3  }
0xe9: {  	[tilespmem:$0x10390] =	vst v4  }
0xea: {  	v4 =	vld.idx.msk [tilespmem:v5+s16+$0x0], $0xffff  }
0xeb: {  	v5 =	vor.u32 s23, v3;
	_ =	sdelay $0x1  }
0xec: {  	s23 =	sand.u32 $0x7F, s9  }
0xed: {  	p1 =	slt.s32 s9, $0x1;
	s30 =	sshra.s32 s9, $0x1F;
	p2 =	sne.s32 s23, $0x0  }
0xee: {  	s10 =	sshrl.u32 s30, $0x19;
	p0 =	por !p1, !p2;
	[tilespmem:$0x103A0] =	vst v4  }
0xef: {  	s9 =	sadd.s32 s10, s9;
	s10 =	simm.s32 $0x1;
	p0 =	por !p0, !p0;
	v4 =	vld.idx.msk [tilespmem:v5+s16+$0x0], $0xffff  }
0xf0: {  	s9 =	sshrl.u32 s9, $0x7;
	s10 =	simm.s32 @!p0 $0x0  }
0xf1: {  	s9 =	ssub.s32 s9, s10  }
0xf2: {  	s9 =	sshll.u32 s9, $0x7  }
0xf3: {  	s9 =	sand.u32 $0x1FFFFF80, s9  }
0xf4: {  	s30 =	simm.s32 $0x8;
	s9 =	sadd.s32 s1, s9;
	[tilespmem:$0x103B0] =	vst v4;
	v4 =	vor.u32 s22, v0  }
0xf5: {  	[tilespmem:s16], [sflag:$0x7] =	stream.strided.gather [hbm4b:s9+s7], $0x2000, s8, s7, $0x38;
	[tilespmem:$0x11080] =	vst v63  }
0xf6: {  	_ =	swait.ge [sflag:s30], $0x2000  }
0xf7: {  	[sflag:s30] =	ssyncset.done $0x0  }
0xf8: {  	[sflag:s30] =	ssyncadd.s32 $0xFFFFE000  }
0xf9: {  	v4 =	vld.idx.msk [tilespmem:v4+s15+$0x0], $0xffff  }
0xfa: {  	v5 =	vor.u32 s22, v1;
	_ =	sdelay $0x3  }
0xfb: {  	[tilespmem:$0x10400] =	vst v4  }
0xfc: {  	v4 =	vld.idx.msk [tilespmem:v5+s15+$0x0], $0xffff  }
0xfd: {  	v5 =	vor.u32 s22, v2;
	_ =	sdelay $0x3  }
0xfe: {  	[tilespmem:$0x10410] =	vst v4  }
0xff: {  	v4 =	vld.idx.msk [tilespmem:v5+s15+$0x0], $0xffff  }
0x100: {  	v5 =	vor.u32 s22, v3;
	_ =	sdelay $0x1  }
0x101: {  	s9 =	sand.u32 $0x7F, s21  }
0x102: {  	p3 =	slt.s32 s21, $0x1;
	s0 =	sshra.s32 s21, $0x1F;
	p4 =	sne.s32 s9, $0x0  }
0x103: {  	s10 =	sshrl.u32 s0, $0x19;
	p0 =	por !p3, !p4;
	[tilespmem:$0x10420] =	vst v4  }
0x104: {  	s11 =	simm.s32 $0x1;
	s10 =	sadd.s32 s10, s21;
	p0 =	por !p0, !p0;
	v4 =	vld.idx.msk [tilespmem:v5+s15+$0x0], $0xffff  }
0x105: {  	s10 =	sshrl.u32 s10, $0x7;
	s11 =	simm.s32 @!p0 $0x0  }
0x106: {  	s10 =	ssub.s32 s10, s11  }
0x107: {  	s10 =	sshll.u32 s10, $0x7  }
0x108: {  	s10 =	sand.u32 $0x1FFFFF80, s10  }
0x109: {  	s10 =	sadd.s32 s1, s10;
	[tilespmem:$0x10430] =	vst v4;
	v4 =	vor.u32 s25, v0  }
0x10a: {  	[tilespmem:s15], [sflag:$0x8] =	stream.strided.gather [hbm4b:s10+s7], $0x2000, s8, s7, $0x38;
	[tilespmem:$0x11080] =	vst v63  }
0x10b: {  	_ =	swait.ge [sflag:s2], $0x2000  }
0x10c: {  	[sflag:s2] =	ssyncset.done $0x0  }
0x10d: {  	s10 =	simm.s32 $0x80;
	[sflag:s2] =	ssyncadd.s32 $0xFFFFE000  }
0x10e: {  	v4 =	vld.idx.msk [tilespmem:v4+s10+$0x0], $0xffff  }
0x10f: {  	v5 =	vor.u32 s25, v1;
	_ =	sdelay $0x3  }
0x110: {  	[tilespmem:$0x10480] =	vst v4  }
0x111: {  	v4 =	vld.idx.msk [tilespmem:v5+s10+$0x0], $0xffff  }
0x112: {  	v5 =	vor.u32 s25, v2;
	_ =	sdelay $0x3  }
0x113: {  	[tilespmem:$0x10490] =	vst v4  }
0x114: {  	v4 =	vld.idx.msk [tilespmem:v5+s10+$0x0], $0xffff  }
0x115: {  	v5 =	vor.u32 s25, v3;
	_ =	sdelay $0x1  }
0x116: {  	s21 =	sand.u32 $0x7F, s20  }
0x117: {  	p5 =	slt.s32 s20, $0x1;
	p6 =	sne.s32 s21, $0x0;
	s11 =	sshra.s32 s20, $0x1F  }
0x118: {  	p0 =	por !p5, !p6;
	s22 =	simm.s32 $0x80;
	s10 =	sshrl.u32 s11, $0x19;
	[tilespmem:$0x104A0] =	vst v4  }
0x119: {  	p0 =	por !p0, !p0;
	s11 =	simm.s32 $0x1;
	s10 =	sadd.s32 s10, s20;
	v4 =	vld.idx.msk [tilespmem:v5+s22+$0x0], $0xffff  }
0x11a: {  	s11 =	simm.s32 @!p0 $0x0;
	s10 =	sshrl.u32 s10, $0x7  }
0x11b: {  	s10 =	ssub.s32 s10, s11  }
0x11c: {  	s10 =	sshll.u32 s10, $0x7  }
0x11d: {  	s10 =	sand.u32 $0x1FFFFF80, s10  }
0x11e: {  	s10 =	sadd.s32 s1, s10;
	[tilespmem:$0x104B0] =	vst v4;
	v4 =	vor.u32 s26, v0  }
0x11f: {  	[tilespmem:s22], [sflag:$0x1] =	stream.strided.gather [hbm4b:s10+s7], $0x2000, s8, s7, $0x38;
	[tilespmem:$0x11080] =	vst v63  }
0x120: {  	_ =	swait.ge [sflag:s3], $0x2000  }
0x121: {  	[sflag:s3] =	ssyncset.done $0x0  }
0x122: {  	s25 =	simm.s32 $0x2080;
	[sflag:s3] =	ssyncadd.s32 $0xFFFFE000  }
0x123: {  	v4 =	vld.idx.msk [tilespmem:v4+s25+$0x0], $0xffff  }
0x124: {  	v5 =	vor.u32 s26, v1;
	_ =	sdelay $0x3  }
0x125: {  	[tilespmem:$0x10500] =	vst v4  }
0x126: {  	v4 =	vld.idx.msk [tilespmem:v5+s25+$0x0], $0xffff  }
0x127: {  	v5 =	vor.u32 s26, v2;
	_ =	sdelay $0x3  }
0x128: {  	[tilespmem:$0x10510] =	vst v4  }
0x129: {  	v4 =	vld.idx.msk [tilespmem:v5+s25+$0x0], $0xffff  }
0x12a: {  	v5 =	vor.u32 s26, v3;
	_ =	sdelay $0x1  }
0x12b: {  	s20 =	sand.u32 $0x7F, s19  }
0x12c: {  	p1 =	slt.s32 s19, $0x1;
	s2 =	sshra.s32 s19, $0x1F;
	p2 =	sne.s32 s20, $0x0  }
0x12d: {  	p0 =	por !p1, !p2;
	s10 =	sshrl.u32 s2, $0x19;
	s25 =	simm.s32 $0x2080;
	[tilespmem:$0x10520] =	vst v4  }
0x12e: {  	s11 =	simm.s32 $0x1;
	p0 =	por !p0, !p0;
	s10 =	sadd.s32 s10, s19;
	v4 =	vld.idx.msk [tilespmem:v5+s25+$0x0], $0xffff  }
0x12f: {  	s11 =	simm.s32 @!p0 $0x0;
	s10 =	sshrl.u32 s10, $0x7  }
0x130: {  	s10 =	ssub.s32 s10, s11  }
0x131: {  	s10 =	sshll.u32 s10, $0x7  }
0x132: {  	s10 =	sand.u32 $0x1FFFFF80, s10  }
0x133: {  	s10 =	sadd.s32 s1, s10;
	[tilespmem:$0x10530] =	vst v4;
	v4 =	vor.u32 s28, v0  }
0x134: {  	[tilespmem:s25], [sflag:$0x2] =	stream.strided.gather [hbm4b:s10+s7], $0x2000, s8, s7, $0x38;
	[tilespmem:$0x11080] =	vst v63  }
0x135: {  	_ =	swait.ge [sflag:s5], $0x2000  }
0x136: {  	[sflag:s5] =	ssyncset.done $0x0  }
0x137: {  	s3 =	simm.s32 $0x4080;
	[sflag:s5] =	ssyncadd.s32 $0xFFFFE000  }
0x138: {  	v4 =	vld.idx.msk [tilespmem:v4+s3+$0x0], $0xffff  }
0x139: {  	v5 =	vor.u32 s28, v1;
	_ =	sdelay $0x3  }
0x13a: {  	[tilespmem:$0x10580] =	vst v4  }
0x13b: {  	v4 =	vld.idx.msk [tilespmem:v5+s3+$0x0], $0xffff  }
0x13c: {  	v5 =	vor.u32 s28, v2;
	_ =	sdelay $0x3  }
0x13d: {  	[tilespmem:$0x10590] =	vst v4  }
0x13e: {  	v4 =	vld.idx.msk [tilespmem:v5+s3+$0x0], $0xffff  }
0x13f: {  	v5 =	vor.u32 s28, v3;
	_ =	sdelay $0x1  }
0x140: {  	s19 =	sand.u32 $0x7F, s18  }
0x141: {  	p3 =	slt.s32 s18, $0x1;
	p4 =	sne.s32 s19, $0x0;
	s5 =	sshra.s32 s18, $0x1F  }
0x142: {  	p0 =	por !p3, !p4;
	s26 =	simm.s32 $0x4080;
	s10 =	sshrl.u32 s5, $0x19;
	[tilespmem:$0x105A0] =	vst v4  }
0x143: {  	s11 =	simm.s32 $0x1;
	p0 =	por !p0, !p0;
	s10 =	sadd.s32 s10, s18;
	v4 =	vld.idx.msk [tilespmem:v5+s26+$0x0], $0xffff  }
0x144: {  	s11 =	simm.s32 @!p0 $0x0;
	s10 =	sshrl.u32 s10, $0x7  }
0x145: {  	s10 =	ssub.s32 s10, s11  }
0x146: {  	s10 =	sshll.u32 s10, $0x7  }
0x147: {  	s10 =	sand.u32 $0x1FFFFF80, s10  }
0x148: {  	s10 =	sadd.s32 s1, s10;
	[tilespmem:$0x105B0] =	vst v4;
	v4 =	vor.u32 s29, v0  }
0x149: {  	[tilespmem:s26], [sflag:$0x3] =	stream.strided.gather [hbm4b:s10+s7], $0x2000, s8, s7, $0x38;
	[tilespmem:$0x11080] =	vst v63  }
0x14a: {  	_ =	swait.ge [sflag:s6], $0x2000  }
0x14b: {  	[sflag:s6] =	ssyncset.done $0x0  }
0x14c: {  	[sflag:s6] =	ssyncadd.s32 $0xFFFFE000  }
0x14d: {  	v4 =	vld.idx.msk [tilespmem:v4+s14+$0x0], $0xffff  }
0x14e: {  	v5 =	vor.u32 s29, v1;
	_ =	sdelay $0x3  }
0x14f: {  	[tilespmem:$0x10600] =	vst v4  }
0x150: {  	v4 =	vld.idx.msk [tilespmem:v5+s14+$0x0], $0xffff  }
0x151: {  	v5 =	vor.u32 s29, v2;
	_ =	sdelay $0x3  }
0x152: {  	[tilespmem:$0x10610] =	vst v4  }
0x153: {  	v4 =	vld.idx.msk [tilespmem:v5+s14+$0x0], $0xffff  }
0x154: {  	v5 =	vor.u32 s29, v3;
	_ =	sdelay $0x1  }
0x155: {  	s18 =	sand.u32 $0x7F, s17  }
0x156: {  	p5 =	slt.s32 s17, $0x1;
	p6 =	sne.s32 s18, $0x0;
	s11 =	sshra.s32 s17, $0x1F  }
0x157: {  	p0 =	por !p5, !p6;
	s10 =	sshrl.u32 s11, $0x19;
	[tilespmem:$0x10620] =	vst v4  }
0x158: {  	p0 =	por !p0, !p0;
	s11 =	simm.s32 $0x1;
	s10 =	sadd.s32 s10, s17;
	v4 =	vld.idx.msk [tilespmem:v5+s14+$0x0], $0xffff  }
0x159: {  	s11 =	simm.s32 @!p0 $0x0;
	s10 =	sshrl.u32 s10, $0x7  }
0x15a: {  	s10 =	ssub.s32 s10, s11  }
0x15b: {  	s10 =	sshll.u32 s10, $0x7  }
0x15c: {  	s10 =	sand.u32 $0x1FFFFF80, s10  }
0x15d: {  	s17 =	simm.s32 $0x5;
	s10 =	sadd.s32 s1, s10;
	[tilespmem:$0x10630] =	vst v4;
	v4 =	vor.u32 s24, v0  }
0x15e: {  	[tilespmem:s14], [sflag:$0x4] =	stream.strided.gather [hbm4b:s10+s7], $0x2000, s8, s7, $0x38;
	[tilespmem:$0x11080] =	vst v63  }
0x15f: {  	_ =	swait.ge [sflag:s17], $0x2000  }
0x160: {  	[sflag:s17] =	ssyncset.done $0x0  }
0x161: {  	[sflag:s17] =	ssyncadd.s32 $0xFFFFE000  }
0x162: {  	v4 =	vld.idx.msk [tilespmem:v4+s13+$0x0], $0xffff  }
0x163: {  	v5 =	vor.u32 s24, v1;
	_ =	sdelay $0x3  }
0x164: {  	[tilespmem:$0x10680] =	vst v4  }
0x165: {  	v4 =	vld.idx.msk [tilespmem:v5+s13+$0x0], $0xffff  }
0x166: {  	v5 =	vor.u32 s24, v2;
	_ =	sdelay $0x3  }
0x167: {  	[tilespmem:$0x10690] =	vst v4  }
0x168: {  	v4 =	vld.idx.msk [tilespmem:v5+s13+$0x0], $0xffff  }
0x169: {  	v5 =	vor.u32 s24, v3  }
0x16a: {  	s24 =	rddreg [dreg:$0x13]  }
0x16b: {  	s17 =	sand.u32 $0x7F, s24  }
0x16c: {  	s29 =	sshra.s32 s24, $0x1F;
	p1 =	slt.s32 s24, $0x1;
	p2 =	sne.s32 s17, $0x0  }
0x16d: {  	s10 =	sshrl.u32 s29, $0x19;
	p0 =	por !p1, !p2;
	[tilespmem:$0x106A0] =	vst v4  }
0x16e: {  	s2 =	sadd.s32 s10, s24;
	s10 =	simm.s32 $0x1;
	p0 =	por !p0, !p0;
	v4 =	vld.idx.msk [tilespmem:v5+s13+$0x0], $0xffff  }
0x16f: {  	s6 =	sshrl.u32 s2, $0x7;
	s10 =	simm.s32 @!p0 $0x0  }
0x170: {  	s6 =	ssub.s32 s6, s10  }
0x171: {  	s6 =	sshll.u32 s6, $0x7  }
0x172: {  	s6 =	sand.u32 $0x1FFFFF80, s6  }
0x173: {  	s3 =	simm.s32 $0x6;
	s6 =	sadd.s32 s1, s6;
	[tilespmem:$0x106B0] =	vst v4;
	v4 =	vor.u32 s4, v0  }
0x174: {  	[tilespmem:s13], [sflag:$0x5] =	stream.strided.gather [hbm4b:s6+s7], $0x2000, s8, s7, $0x38;
	[tilespmem:$0x11080] =	vst v63  }
0x175: {  	_ =	swait.ge [sflag:s3], $0x2000  }
0x176: {  	[sflag:s3] =	ssyncset.done $0x0  }
0x177: {  	[sflag:s3] =	ssyncadd.s32 $0xFFFFE000  }
0x178: {  	v4 =	vld.idx.msk [tilespmem:v4+s12+$0x0], $0xffff  }
0x179: {  	v5 =	vor.u32 s4, v1;
	_ =	sdelay $0x3  }
0x17a: {  	[tilespmem:$0x10700] =	vst v4  }
0x17b: {  	v4 =	vld.idx.msk [tilespmem:v5+s12+$0x0], $0xffff  }
0x17c: {  	v5 =	vor.u32 s4, v2;
	_ =	sdelay $0x3  }
0x17d: {  	[tilespmem:$0x10710] =	vst v4  }
0x17e: {  	v4 =	vld.idx.msk [tilespmem:v5+s12+$0x0], $0xffff  }
0x17f: {  	v5 =	vor.u32 s4, v3  }
0x180: {  	s5 =	rddreg [dreg:$0x12]  }
0x181: {  	s4 =	sand.u32 $0x7F, s5  }
0x182: {  	s10 =	sshra.s32 s5, $0x1F;
	p3 =	slt.s32 s5, $0x1;
	p4 =	sne.s32 s4, $0x0  }
0x183: {  	s6 =	sshrl.u32 s10, $0x19;
	p0 =	por !p3, !p4;
	[tilespmem:$0x10720] =	vst v4  }
0x184: {  	s11 =	sadd.s32 s6, s5;
	s6 =	simm.s32 $0x1;
	p0 =	por !p0, !p0;
	v4 =	vld.idx.msk [tilespmem:v5+s12+$0x0], $0xffff  }
0x185: {  	s5 =	sshrl.u32 s11, $0x7;
	s6 =	simm.s32 @!p0 $0x0  }
0x186: {  	s5 =	ssub.s32 s5, s6  }
0x187: {  	s5 =	sshll.u32 s5, $0x7  }
0x188: {  	s5 =	sand.u32 $0x1FFFFF80, s5  }
0x189: {  	s5 =	sadd.s32 s1, s5;
	[tilespmem:$0x10730] =	vst v4;
	v4 =	vor.u32 s23, v0  }
0x18a: {  	[tilespmem:s12], [sflag:$0x6] =	stream.strided.gather [hbm4b:s5+s7], $0x2000, s8, s7, $0x38;
	[tilespmem:$0x11080] =	vst v63  }
0x18b: {  	_ =	swait.ge [sflag:s31], $0x2000  }
0x18c: {  	[sflag:s31] =	ssyncset.done $0x0  }
0x18d: {  	[sflag:s31] =	ssyncadd.s32 $0xFFFFE000  }
0x18e: {  	v4 =	vld.idx.msk [tilespmem:v4+s16+$0x0], $0xffff  }
0x18f: {  	v5 =	vor.u32 s23, v1;
	_ =	sdelay $0x3  }
0x190: {  	[tilespmem:$0x10780] =	vst v4  }
0x191: {  	v4 =	vld.idx.msk [tilespmem:v5+s16+$0x0], $0xffff  }
0x192: {  	v5 =	vor.u32 s23, v2;
	_ =	sdelay $0x3  }
0x193: {  	[tilespmem:$0x10790] =	vst v4  }
0x194: {  	v4 =	vld.idx.msk [tilespmem:v5+s16+$0x0], $0xffff  }
0x195: {  	v5 =	vor.u32 s23, v3  }
0x196: {  	s23 =	rddreg [dreg:$0x11]  }
0x197: {  	s5 =	sand.u32 $0x7F, s23  }
0x198: {  	s29 =	sshra.s32 s23, $0x1F;
	p5 =	slt.s32 s23, $0x1;
	p6 =	sne.s32 s5, $0x0  }
0x199: {  	s6 =	sshrl.u32 s29, $0x19;
	p0 =	por !p5, !p6;
	[tilespmem:$0x107A0] =	vst v4  }
0x19a: {  	s0 =	sadd.s32 s6, s23;
	s6 =	simm.s32 $0x1;
	p0 =	por !p0, !p0;
	v4 =	vld.idx.msk [tilespmem:v5+s16+$0x0], $0xffff  }
0x19b: {  	s3 =	sshrl.u32 s0, $0x7;
	s6 =	simm.s32 @!p0 $0x0  }
0x19c: {  	s3 =	ssub.s32 s3, s6  }
0x19d: {  	s3 =	sshll.u32 s3, $0x7  }
0x19e: {  	s3 =	sand.u32 $0x1FFFFF80, s3  }
0x19f: {  	s3 =	sadd.s32 s1, s3;
	[tilespmem:$0x107B0] =	vst v4;
	v4 =	vor.u32 s9, v0  }
0x1a0: {  	[tilespmem:s16], [sflag:$0x7] =	stream.strided.gather [hbm4b:s3+s7], $0x2000, s8, s7, $0x38;
	[tilespmem:$0x11080] =	vst v63  }
0x1a1: {  	_ =	swait.ge [sflag:s30], $0x2000  }
0x1a2: {  	[sflag:s30] =	ssyncset.done $0x0  }
0x1a3: {  	[sflag:s30] =	ssyncadd.s32 $0xFFFFE000  }
0x1a4: {  	v4 =	vld.idx.msk [tilespmem:v4+s15+$0x0], $0xffff  }
0x1a5: {  	v5 =	vor.u32 s9, v1;
	_ =	sdelay $0x3  }
0x1a6: {  	[tilespmem:$0x10800] =	vst v4  }
0x1a7: {  	v4 =	vld.idx.msk [tilespmem:v5+s15+$0x0], $0xffff  }
0x1a8: {  	v5 =	vor.u32 s9, v2;
	_ =	sdelay $0x3  }
0x1a9: {  	[tilespmem:$0x10810] =	vst v4  }
0x1aa: {  	v4 =	vld.idx.msk [tilespmem:v5+s15+$0x0], $0xffff  }
0x1ab: {  	v5 =	vor.u32 s9, v3  }
0x1ac: {  	s2 =	rddreg [dreg:$0x10]  }
0x1ad: {  	s3 =	sand.u32 $0x7F, s2  }
0x1ae: {  	p1 =	slt.s32 s2, $0x1;
	p2 =	sne.s32 s3, $0x0;
	s9 =	sshra.s32 s2, $0x1F  }
0x1af: {  	p0 =	por !p1, !p2;
	s6 =	sshrl.u32 s9, $0x19;
	[tilespmem:$0x10820] =	vst v4  }
0x1b0: {  	p0 =	por !p0, !p0;
	s10 =	sadd.s32 s6, s2;
	s6 =	simm.s32 $0x1;
	v4 =	vld.idx.msk [tilespmem:v5+s15+$0x0], $0xffff  }
0x1b1: {  	s2 =	sshrl.u32 s10, $0x7;
	s6 =	simm.s32 @!p0 $0x0  }
0x1b2: {  	s2 =	ssub.s32 s2, s6  }
0x1b3: {  	s2 =	sshll.u32 s2, $0x7  }
0x1b4: {  	s2 =	sand.u32 $0x1FFFFF80, s2  }
0x1b5: {  	s11 =	simm.s32 $0x1;
	s2 =	sadd.s32 s1, s2;
	[tilespmem:$0x10830] =	vst v4;
	v4 =	vor.u32 s21, v0  }
0x1b6: {  	[tilespmem:s15], [sflag:$0x8] =	stream.strided.gather [hbm4b:s2+s7], $0x2000, s8, s7, $0x38;
	[tilespmem:$0x11080] =	vst v63  }
0x1b7: {  	_ =	swait.ge [sflag:s11], $0x2000  }
0x1b8: {  	[sflag:s11] =	ssyncset.done $0x0  }
0x1b9: {  	[sflag:s11] =	ssyncadd.s32 $0xFFFFE000  }
0x1ba: {  	v4 =	vld.idx.msk [tilespmem:v4+s22+$0x0], $0xffff  }
0x1bb: {  	v5 =	vor.u32 s21, v1;
	_ =	sdelay $0x3  }
0x1bc: {  	[tilespmem:$0x10880] =	vst v4  }
0x1bd: {  	v4 =	vld.idx.msk [tilespmem:v5+s22+$0x0], $0xffff  }
0x1be: {  	v5 =	vor.u32 s21, v2;
	_ =	sdelay $0x3  }
0x1bf: {  	[tilespmem:$0x10890] =	vst v4  }
0x1c0: {  	v4 =	vld.idx.msk [tilespmem:v5+s22+$0x0], $0xffff  }
0x1c1: {  	v5 =	vor.u32 s21, v3  }
0x1c2: {  	s21 =	rddreg [dreg:$0xf]  }
0x1c3: {  	s2 =	sand.u32 $0x7F, s21  }
0x1c4: {  	s29 =	sshra.s32 s21, $0x1F;
	p3 =	slt.s32 s21, $0x1;
	p4 =	sne.s32 s2, $0x0  }
0x1c5: {  	s6 =	sshrl.u32 s29, $0x19;
	p0 =	por !p3, !p4;
	[tilespmem:$0x108A0] =	vst v4  }
0x1c6: {  	s0 =	sadd.s32 s6, s21;
	s6 =	simm.s32 $0x1;
	p0 =	por !p0, !p0;
	v4 =	vld.idx.msk [tilespmem:v5+s22+$0x0], $0xffff  }
0x1c7: {  	s0 =	sshrl.u32 s0, $0x7;
	s6 =	simm.s32 @!p0 $0x0  }
0x1c8: {  	s0 =	ssub.s32 s0, s6  }
0x1c9: {  	s0 =	sshll.u32 s0, $0x7  }
0x1ca: {  	s0 =	sand.u32 $0x1FFFFF80, s0  }
0x1cb: {  	s9 =	simm.s32 $0x2;
	s0 =	sadd.s32 s1, s0;
	[tilespmem:$0x108B0] =	vst v4;
	v4 =	vor.u32 s20, v0  }
0x1cc: {  	[tilespmem:s22], [sflag:$0x1] =	stream.strided.gather [hbm4b:s0+s7], $0x2000, s8, s7, $0x38;
	[tilespmem:$0x11080] =	vst v63  }
0x1cd: {  	_ =	swait.ge [sflag:s9], $0x2000  }
0x1ce: {  	[sflag:s9] =	ssyncset.done $0x0  }
0x1cf: {  	[sflag:s9] =	ssyncadd.s32 $0xFFFFE000  }
0x1d0: {  	v4 =	vld.idx.msk [tilespmem:v4+s25+$0x0], $0xffff  }
0x1d1: {  	v5 =	vor.u32 s20, v1;
	_ =	sdelay $0x3  }
0x1d2: {  	[tilespmem:$0x10900] =	vst v4  }
0x1d3: {  	v4 =	vld.idx.msk [tilespmem:v5+s25+$0x0], $0xffff  }
0x1d4: {  	v5 =	vor.u32 s20, v2;
	_ =	sdelay $0x3  }
0x1d5: {  	[tilespmem:$0x10910] =	vst v4  }
0x1d6: {  	v4 =	vld.idx.msk [tilespmem:v5+s25+$0x0], $0xffff  }
0x1d7: {  	v5 =	vor.u32 s20, v3  }
0x1d8: {  	s10 =	rddreg [dreg:$0xe]  }
0x1d9: {  	s0 =	sand.u32 $0x7F, s10  }
0x1da: {  	s11 =	sshra.s32 s10, $0x1F;
	p5 =	slt.s32 s10, $0x1;
	p6 =	sne.s32 s0, $0x0  }
0x1db: {  	s6 =	sshrl.u32 s11, $0x19;
	p0 =	por !p5, !p6;
	[tilespmem:$0x10920] =	vst v4  }
0x1dc: {  	s9 =	simm.s32 $0x1;
	s6 =	sadd.s32 s6, s10;
	p0 =	por !p0, !p0;
	v4 =	vld.idx.msk [tilespmem:v5+s25+$0x0], $0xffff  }
0x1dd: {  	s6 =	sshrl.u32 s6, $0x7;
	s9 =	simm.s32 @!p0 $0x0  }
0x1de: {  	s6 =	ssub.s32 s6, s9  }
0x1df: {  	s6 =	sshll.u32 s6, $0x7  }
0x1e0: {  	s6 =	sand.u32 $0x1FFFFF80, s6  }
0x1e1: {  	s6 =	sadd.s32 s1, s6;
	s20 =	simm.s32 $0x3;
	[tilespmem:$0x10930] =	vst v4;
	v4 =	vor.u32 s19, v0  }
0x1e2: {  	[tilespmem:s25], [sflag:$0x2] =	stream.strided.gather [hbm4b:s6+s7], $0x2000, s8, s7, $0x38;
	[tilespmem:$0x11080] =	vst v63  }
0x1e3: {  	_ =	swait.ge [sflag:s20], $0x2000  }
0x1e4: {  	[sflag:s20] =	ssyncset.done $0x0  }
0x1e5: {  	[sflag:s20] =	ssyncadd.s32 $0xFFFFE000  }
0x1e6: {  	v4 =	vld.idx.msk [tilespmem:v4+s26+$0x0], $0xffff  }
0x1e7: {  	v5 =	vor.u32 s19, v1;
	_ =	sdelay $0x3  }
0x1e8: {  	[tilespmem:$0x10980] =	vst v4  }
0x1e9: {  	v4 =	vld.idx.msk [tilespmem:v5+s26+$0x0], $0xffff  }
0x1ea: {  	v5 =	vor.u32 s19, v2;
	_ =	sdelay $0x3  }
0x1eb: {  	[tilespmem:$0x10990] =	vst v4  }
0x1ec: {  	v4 =	vld.idx.msk [tilespmem:v5+s26+$0x0], $0xffff  }
0x1ed: {  	v5 =	vor.u32 s19, v3  }
0x1ee: {  	s29 =	rddreg [dreg:$0xd]  }
0x1ef: {  	s6 =	sand.u32 $0x7F, s29  }
0x1f0: {  	s11 =	sshra.s32 s29, $0x1F;
	p1 =	slt.s32 s29, $0x1;
	p2 =	sne.s32 s6, $0x0  }
0x1f1: {  	s9 =	sshrl.u32 s11, $0x19;
	p0 =	por !p1, !p2;
	[tilespmem:$0x109A0] =	vst v4  }
0x1f2: {  	s10 =	simm.s32 $0x1;
	s9 =	sadd.s32 s9, s29;
	p0 =	por !p0, !p0;
	v4 =	vld.idx.msk [tilespmem:v5+s26+$0x0], $0xffff  }
0x1f3: {  	s9 =	sshrl.u32 s9, $0x7;
	s10 =	simm.s32 @!p0 $0x0  }
0x1f4: {  	s9 =	ssub.s32 s9, s10  }
0x1f5: {  	s9 =	sshll.u32 s9, $0x7  }
0x1f6: {  	s9 =	sand.u32 $0x1FFFFF80, s9  }
0x1f7: {  	s9 =	sadd.s32 s1, s9;
	s19 =	simm.s32 $0x4;
	[tilespmem:$0x109B0] =	vst v4;
	v4 =	vor.u32 s18, v0  }
0x1f8: {  	[tilespmem:s26], [sflag:$0x3] =	stream.strided.gather [hbm4b:s9+s7], $0x2000, s8, s7, $0x38;
	[tilespmem:$0x11080] =	vst v63  }
0x1f9: {  	_ =	swait.ge [sflag:s19], $0x2000  }
0x1fa: {  	[sflag:s19] =	ssyncset.done $0x0  }
0x1fb: {  	[sflag:s19] =	ssyncadd.s32 $0xFFFFE000  }
0x1fc: {  	v4 =	vld.idx.msk [tilespmem:v4+s14+$0x0], $0xffff  }
0x1fd: {  	v5 =	vor.u32 s18, v1;
	_ =	sdelay $0x3  }
0x1fe: {  	[tilespmem:$0x10A00] =	vst v4  }
0x1ff: {  	v4 =	vld.idx.msk [tilespmem:v5+s14+$0x0], $0xffff  }
0x200: {  	v5 =	vor.u32 s18, v2;
	_ =	sdelay $0x3  }
0x201: {  	[tilespmem:$0x10A10] =	vst v4  }
0x202: {  	v4 =	vld.idx.msk [tilespmem:v5+s14+$0x0], $0xffff  }
0x203: {  	v5 =	vor.u32 s18, v3  }
0x204: {  	s29 =	rddreg [dreg:$0xc]  }
0x205: {  	s9 =	sand.u32 $0x7F, s29  }
0x206: {  	p3 =	slt.s32 s29, $0x1;
	p4 =	sne.s32 s9, $0x0;
	s18 =	sshra.s32 s29, $0x1F  }
0x207: {  	p0 =	por !p3, !p4;
	s10 =	sshrl.u32 s18, $0x19;
	[tilespmem:$0x10A20] =	vst v4  }
0x208: {  	s11 =	simm.s32 $0x1;
	p0 =	por !p0, !p0;
	s10 =	sadd.s32 s10, s29;
	v4 =	vld.idx.msk [tilespmem:v5+s14+$0x0], $0xffff  }
0x209: {  	s11 =	simm.s32 @!p0 $0x0;
	s10 =	sshrl.u32 s10, $0x7  }
0x20a: {  	s10 =	ssub.s32 s10, s11  }
0x20b: {  	s10 =	sshll.u32 s10, $0x7  }
0x20c: {  	s10 =	sand.u32 $0x1FFFFF80, s10  }
0x20d: {  	s28 =	simm.s32 $0x5;
	s10 =	sadd.s32 s1, s10;
	[tilespmem:$0x10A30] =	vst v4;
	v4 =	vor.u32 s17, v0  }
0x20e: {  	[tilespmem:s14], [sflag:$0x4] =	stream.strided.gather [hbm4b:s10+s7], $0x2000, s8, s7, $0x38;
	[tilespmem:$0x11080] =	vst v63  }
0x20f: {  	_ =	swait.ge [sflag:s28], $0x2000  }
0x210: {  	[sflag:s28] =	ssyncset.done $0x0  }
0x211: {  	[sflag:s28] =	ssyncadd.s32 $0xFFFFE000  }
0x212: {  	v4 =	vld.idx.msk [tilespmem:v4+s13+$0x0], $0xffff  }
0x213: {  	v5 =	vor.u32 s17, v1;
	_ =	sdelay $0x3  }
0x214: {  	[tilespmem:$0x10A80] =	vst v4  }
0x215: {  	v4 =	vld.idx.msk [tilespmem:v5+s13+$0x0], $0xffff  }
0x216: {  	v5 =	vor.u32 s17, v2;
	_ =	sdelay $0x3  }
0x217: {  	[tilespmem:$0x10A90] =	vst v4  }
0x218: {  	v4 =	vld.idx.msk [tilespmem:v5+s13+$0x0], $0xffff  }
0x219: {  	v5 =	vor.u32 s17, v3  }
0x21a: {  	s29 =	rddreg [dreg:$0xb]  }
0x21b: {  	s17 =	sand.u32 $0x7F, s29  }
0x21c: {  	s18 =	sshra.s32 s29, $0x1F;
	p5 =	slt.s32 s29, $0x1;
	p6 =	sne.s32 s17, $0x0  }
0x21d: {  	s10 =	sshrl.u32 s18, $0x19;
	p0 =	por !p5, !p6;
	[tilespmem:$0x10AA0] =	vst v4  }
0x21e: {  	s11 =	simm.s32 $0x1;
	s10 =	sadd.s32 s10, s29;
	p0 =	por !p0, !p0;
	v4 =	vld.idx.msk [tilespmem:v5+s13+$0x0], $0xffff  }
0x21f: {  	s10 =	sshrl.u32 s10, $0x7;
	s11 =	simm.s32 @!p0 $0x0  }
0x220: {  	s10 =	ssub.s32 s10, s11  }
0x221: {  	s10 =	sshll.u32 s10, $0x7  }
0x222: {  	s10 =	sand.u32 $0x1FFFFF80, s10  }
0x223: {  	s24 =	simm.s32 $0x6;
	s10 =	sadd.s32 s1, s10;
	[tilespmem:$0x10AB0] =	vst v4;
	v4 =	vor.u32 s4, v0  }
0x224: {  	[tilespmem:s13], [sflag:$0x5] =	stream.strided.gather [hbm4b:s10+s7], $0x2000, s8, s7, $0x38;
	[tilespmem:$0x11080] =	vst v63  }
0x225: {  	_ =	swait.ge [sflag:s24], $0x2000  }
0x226: {  	[sflag:s24] =	ssyncset.done $0x0  }
0x227: {  	[sflag:s24] =	ssyncadd.s32 $0xFFFFE000  }
0x228: {  	v4 =	vld.idx.msk [tilespmem:v4+s12+$0x0], $0xffff  }
0x229: {  	v5 =	vor.u32 s4, v1;
	_ =	sdelay $0x3  }
0x22a: {  	[tilespmem:$0x10B00] =	vst v4  }
0x22b: {  	v4 =	vld.idx.msk [tilespmem:v5+s12+$0x0], $0xffff  }
0x22c: {  	v5 =	vor.u32 s4, v2;
	_ =	sdelay $0x3  }
0x22d: {  	[tilespmem:$0x10B10] =	vst v4  }
0x22e: {  	v4 =	vld.idx.msk [tilespmem:v5+s12+$0x0], $0xffff  }
0x22f: {  	v5 =	vor.u32 s4, v3  }
0x230: {  	s29 =	rddreg [dreg:$0xa]  }
0x231: {  	s4 =	sand.u32 $0x7F, s29  }
0x232: {  	s13 =	sshra.s32 s29, $0x1F;
	p1 =	slt.s32 s29, $0x1;
	p2 =	sne.s32 s4, $0x0  }
0x233: {  	s10 =	sshrl.u32 s13, $0x19;
	p0 =	por !p1, !p2;
	[tilespmem:$0x10B20] =	vst v4  }
0x234: {  	s11 =	simm.s32 $0x1;
	s10 =	sadd.s32 s10, s29;
	p0 =	por !p0, !p0;
	v4 =	vld.idx.msk [tilespmem:v5+s12+$0x0], $0xffff  }
0x235: {  	s10 =	sshrl.u32 s10, $0x7;
	s11 =	simm.s32 @!p0 $0x0  }
0x236: {  	s10 =	ssub.s32 s10, s11  }
0x237: {  	s10 =	sshll.u32 s10, $0x7  }
0x238: {  	s10 =	sand.u32 $0x1FFFFF80, s10  }
0x239: {  	s10 =	sadd.s32 s1, s10;
	[tilespmem:$0x10B30] =	vst v4;
	v4 =	vor.u32 s5, v0  }
0x23a: {  	[tilespmem:s12], [sflag:$0x6] =	stream.strided.gather [hbm4b:s10+s7], $0x2000, s8, s7, $0x38;
	[tilespmem:$0x11080] =	vst v63  }
0x23b: {  	_ =	swait.ge [sflag:s31], $0x2000  }
0x23c: {  	[sflag:s31] =	ssyncset.done $0x0  }
0x23d: {  	[sflag:s31] =	ssyncadd.s32 $0xFFFFE000  }
0x23e: {  	v4 =	vld.idx.msk [tilespmem:v4+s16+$0x0], $0xffff  }
0x23f: {  	v5 =	vor.u32 s5, v1;
	_ =	sdelay $0x3  }
0x240: {  	[tilespmem:$0x10B80] =	vst v4  }
0x241: {  	v4 =	vld.idx.msk [tilespmem:v5+s16+$0x0], $0xffff  }
0x242: {  	v5 =	vor.u32 s5, v2;
	_ =	sdelay $0x3  }
0x243: {  	[tilespmem:$0x10B90] =	vst v4  }
0x244: {  	v4 =	vld.idx.msk [tilespmem:v5+s16+$0x0], $0xffff  }
0x245: {  	v5 =	vor.u32 s5, v3  }
0x246: {  	s18 =	rddreg [dreg:$0x9]  }
0x247: {  	s5 =	sand.u32 $0x7F, s18  }
0x248: {  	s29 =	sshra.s32 s18, $0x1F;
	p3 =	slt.s32 s18, $0x1;
	p4 =	sne.s32 s5, $0x0  }
0x249: {  	s10 =	sshrl.u32 s29, $0x19;
	p0 =	por !p3, !p4;
	[tilespmem:$0x10BA0] =	vst v4  }
0x24a: {  	s11 =	simm.s32 $0x1;
	s10 =	sadd.s32 s10, s18;
	p0 =	por !p0, !p0;
	v4 =	vld.idx.msk [tilespmem:v5+s16+$0x0], $0xffff  }
0x24b: {  	s10 =	sshrl.u32 s10, $0x7;
	s11 =	simm.s32 @!p0 $0x0  }
0x24c: {  	s10 =	ssub.s32 s10, s11  }
0x24d: {  	s10 =	sshll.u32 s10, $0x7  }
0x24e: {  	s10 =	sand.u32 $0x1FFFFF80, s10  }
0x24f: {  	s10 =	sadd.s32 s1, s10;
	[tilespmem:$0x10BB0] =	vst v4;
	v4 =	vor.u32 s3, v0  }
0x250: {  	[tilespmem:s16], [sflag:$0x7] =	stream.strided.gather [hbm4b:s10+s7], $0x2000, s8, s7, $0x38;
	[tilespmem:$0x11080] =	vst v63  }
0x251: {  	_ =	swait.ge [sflag:s30], $0x2000  }
0x252: {  	[sflag:s30] =	ssyncset.done $0x0  }
0x253: {  	[sflag:s30] =	ssyncadd.s32 $0xFFFFE000  }
0x254: {  	v4 =	vld.idx.msk [tilespmem:v4+s15+$0x0], $0xffff  }
0x255: {  	v5 =	vor.u32 s3, v1;
	_ =	sdelay $0x3  }
0x256: {  	[tilespmem:$0x10C00] =	vst v4  }
0x257: {  	v4 =	vld.idx.msk [tilespmem:v5+s15+$0x0], $0xffff  }
0x258: {  	v5 =	vor.u32 s3, v2;
	_ =	sdelay $0x3  }
0x259: {  	[tilespmem:$0x10C10] =	vst v4  }
0x25a: {  	v4 =	vld.idx.msk [tilespmem:v5+s15+$0x0], $0xffff  }
0x25b: {  	v5 =	vor.u32 s3, v3  }
0x25c: {  	s3 =	rddreg [dreg:$0x8]  }
0x25d: {  	s13 =	sand.u32 $0x7F, s3  }
0x25e: {  	s18 =	sshra.s32 s3, $0x1F;
	p5 =	slt.s32 s3, $0x1;
	p6 =	sne.s32 s13, $0x0  }
0x25f: {  	s10 =	sshrl.u32 s18, $0x19;
	p0 =	por !p5, !p6;
	[tilespmem:$0x10C20] =	vst v4  }
0x260: {  	s11 =	simm.s32 $0x1;
	s10 =	sadd.s32 s10, s3;
	p0 =	por !p0, !p0;
	v4 =	vld.idx.msk [tilespmem:v5+s15+$0x0], $0xffff  }
0x261: {  	s10 =	sshrl.u32 s10, $0x7;
	s11 =	simm.s32 @!p0 $0x0  }
0x262: {  	s10 =	ssub.s32 s10, s11  }
0x263: {  	s10 =	sshll.u32 s10, $0x7  }
0x264: {  	s10 =	sand.u32 $0x1FFFFF80, s10  }
0x265: {  	s23 =	simm.s32 $0x1;
	s10 =	sadd.s32 s1, s10;
	[tilespmem:$0x10C30] =	vst v4;
	v4 =	vor.u32 s2, v0  }
0x266: {  	[tilespmem:s15], [sflag:$0x8] =	stream.strided.gather [hbm4b:s10+s7], $0x2000, s8, s7, $0x38;
	[tilespmem:$0x11080] =	vst v63  }
0x267: {  	_ =	swait.ge [sflag:s23], $0x2000  }
0x268: {  	[sflag:s23] =	ssyncset.done $0x0  }
0x269: {  	[sflag:s23] =	ssyncadd.s32 $0xFFFFE000  }
0x26a: {  	v4 =	vld.idx.msk [tilespmem:v4+s22+$0x0], $0xffff  }
0x26b: {  	v5 =	vor.u32 s2, v1;
	_ =	sdelay $0x3  }
0x26c: {  	[tilespmem:$0x10C80] =	vst v4  }
0x26d: {  	v4 =	vld.idx.msk [tilespmem:v5+s22+$0x0], $0xffff  }
0x26e: {  	v5 =	vor.u32 s2, v2;
	_ =	sdelay $0x3  }
0x26f: {  	[tilespmem:$0x10C90] =	vst v4  }
0x270: {  	v4 =	vld.idx.msk [tilespmem:v5+s22+$0x0], $0xffff  }
0x271: {  	v5 =	vor.u32 s2, v3;
	_ =	sdelay $0x3  }
0x272: {  	[tilespmem:$0x10CA0] =	vst v4  }
0x273: {  	v4 =	vld.idx.msk [tilespmem:v5+s22+$0x0], $0xffff;
	_ =	sdelay $0x3  }
0x274: {  	v5 =	vor.u32 s0, v0  }
0x275: {  	s21 =	simm.s32 $0x2;
	[tilespmem:$0x10CB0] =	vst v4  }
0x276: {  	_ =	swait.ge [sflag:s21], $0x2000  }
0x277: {  	[sflag:s21] =	ssyncset.done $0x0  }
0x278: {  	[sflag:s21] =	ssyncadd.s32 $0xFFFFE000  }
0x279: {  	v4 =	vld.idx.msk [tilespmem:v5+s25+$0x0], $0xffff  }
0x27a: {  	v5 =	vor.u32 s0, v1;
	_ =	sdelay $0x3  }
0x27b: {  	[tilespmem:$0x10D00] =	vst v4  }
0x27c: {  	v4 =	vld.idx.msk [tilespmem:v5+s25+$0x0], $0xffff  }
0x27d: {  	v5 =	vor.u32 s0, v2;
	_ =	sdelay $0x3  }
0x27e: {  	[tilespmem:$0x10D10] =	vst v4  }
0x27f: {  	v4 =	vld.idx.msk [tilespmem:v5+s25+$0x0], $0xffff  }
0x280: {  	v5 =	vor.u32 s0, v3;
	_ =	sdelay $0x3  }
0x281: {  	[tilespmem:$0x10D20] =	vst v4  }
0x282: {  	v4 =	vld.idx.msk [tilespmem:v5+s25+$0x0], $0xffff;
	_ =	sdelay $0x3  }
0x283: {  	v5 =	vor.u32 s6, v0  }
0x284: {  	s20 =	simm.s32 $0x3;
	[tilespmem:$0x10D30] =	vst v4  }
0x285: {  	_ =	swait.ge [sflag:s20], $0x2000  }
0x286: {  	[sflag:s20] =	ssyncset.done $0x0  }
0x287: {  	[sflag:s20] =	ssyncadd.s32 $0xFFFFE000  }
0x288: {  	v4 =	vld.idx.msk [tilespmem:v5+s26+$0x0], $0xffff  }
0x289: {  	v5 =	vor.u32 s6, v1;
	_ =	sdelay $0x3  }
0x28a: {  	[tilespmem:$0x10D80] =	vst v4  }
0x28b: {  	v4 =	vld.idx.msk [tilespmem:v5+s26+$0x0], $0xffff  }
0x28c: {  	v5 =	vor.u32 s6, v2;
	_ =	sdelay $0x3  }
0x28d: {  	[tilespmem:$0x10D90] =	vst v4  }
0x28e: {  	v4 =	vld.idx.msk [tilespmem:v5+s26+$0x0], $0xffff  }
0x28f: {  	v5 =	vor.u32 s6, v3;
	_ =	sdelay $0x3  }
0x290: {  	[tilespmem:$0x10DA0] =	vst v4  }
0x291: {  	v4 =	vld.idx.msk [tilespmem:v5+s26+$0x0], $0xffff;
	_ =	sdelay $0x3  }
0x292: {  	v5 =	vor.u32 s9, v0  }
0x293: {  	s19 =	simm.s32 $0x4;
	[tilespmem:$0x10DB0] =	vst v4  }
0x294: {  	_ =	swait.ge [sflag:s19], $0x2000  }
0x295: {  	[sflag:s19] =	ssyncset.done $0x0  }
0x296: {  	[sflag:s19] =	ssyncadd.s32 $0xFFFFE000  }
0x297: {  	v4 =	vld.idx.msk [tilespmem:v5+s14+$0x0], $0xffff  }
0x298: {  	v5 =	vor.u32 s9, v1;
	_ =	sdelay $0x3  }
0x299: {  	[tilespmem:$0x10E00] =	vst v4  }
0x29a: {  	v4 =	vld.idx.msk [tilespmem:v5+s14+$0x0], $0xffff  }
0x29b: {  	v5 =	vor.u32 s9, v2;
	_ =	sdelay $0x3  }
0x29c: {  	[tilespmem:$0x10E10] =	vst v4  }
0x29d: {  	v4 =	vld.idx.msk [tilespmem:v5+s14+$0x0], $0xffff  }
0x29e: {  	v5 =	vor.u32 s9, v3;
	_ =	sdelay $0x3  }
0x29f: {  	[tilespmem:$0x10E20] =	vst v4  }
0x2a0: {  	v4 =	vld.idx.msk [tilespmem:v5+s14+$0x0], $0xffff;
	_ =	sdelay $0x3  }
0x2a1: {  	v5 =	vor.u32 s17, v0  }
0x2a2: {  	[tilespmem:$0x10E30] =	vst v4  }
0x2a3: {  	_ =	swait.ge [sflag:s28], $0x2000  }
0x2a4: {  	[sflag:s28] =	ssyncset.done $0x0  }
0x2a5: {  	s22 =	simm.s32 $0x8080;
	[sflag:s28] =	ssyncadd.s32 $0xFFFFE000  }
0x2a6: {  	v4 =	vld.idx.msk [tilespmem:v5+s22+$0x0], $0xffff  }
0x2a7: {  	v5 =	vor.u32 s17, v1;
	_ =	sdelay $0x3  }
0x2a8: {  	[tilespmem:$0x10E80] =	vst v4  }
0x2a9: {  	v4 =	vld.idx.msk [tilespmem:v5+s22+$0x0], $0xffff  }
0x2aa: {  	v5 =	vor.u32 s17, v2;
	_ =	sdelay $0x3  }
0x2ab: {  	[tilespmem:$0x10E90] =	vst v4  }
0x2ac: {  	v4 =	vld.idx.msk [tilespmem:v5+s22+$0x0], $0xffff  }
0x2ad: {  	v5 =	vor.u32 s17, v3;
	_ =	sdelay $0x3  }
0x2ae: {  	s23 =	simm.s32 $0x8080;
	[tilespmem:$0x10EA0] =	vst v4  }
0x2af: {  	v4 =	vld.idx.msk [tilespmem:v5+s23+$0x0], $0xffff;
	_ =	sdelay $0x3  }
0x2b0: {  	v5 =	vor.u32 s4, v0  }
0x2b1: {  	[tilespmem:$0x10EB0] =	vst v4  }
0x2b2: {  	_ =	swait.ge [sflag:s24], $0x2000  }
0x2b3: {  	[sflag:s24] =	ssyncset.done $0x0  }
0x2b4: {  	[sflag:s24] =	ssyncadd.s32 $0xFFFFE000  }
0x2b5: {  	v4 =	vld.idx.msk [tilespmem:v5+s12+$0x0], $0xffff  }
0x2b6: {  	v5 =	vor.u32 s4, v1;
	_ =	sdelay $0x3  }
0x2b7: {  	[tilespmem:$0x10F00] =	vst v4  }
0x2b8: {  	v4 =	vld.idx.msk [tilespmem:v5+s12+$0x0], $0xffff  }
0x2b9: {  	v5 =	vor.u32 s4, v2;
	_ =	sdelay $0x3  }
0x2ba: {  	[tilespmem:$0x10F10] =	vst v4  }
0x2bb: {  	v4 =	vld.idx.msk [tilespmem:v5+s12+$0x0], $0xffff  }
0x2bc: {  	v5 =	vor.u32 s4, v3;
	_ =	sdelay $0x3  }
0x2bd: {  	[tilespmem:$0x10F20] =	vst v4  }
0x2be: {  	v4 =	vld.idx.msk [tilespmem:v5+s12+$0x0], $0xffff;
	_ =	sdelay $0x3  }
0x2bf: {  	v5 =	vor.u32 s5, v0  }
0x2c0: {  	[tilespmem:$0x10F30] =	vst v4  }
0x2c1: {  	_ =	swait.ge [sflag:s31], $0x2000  }
0x2c2: {  	[sflag:s31] =	ssyncset.done $0x0  }
0x2c3: {  	[sflag:s31] =	ssyncadd.s32 $0xFFFFE000  }
0x2c4: {  	v4 =	vld.idx.msk [tilespmem:v5+s16+$0x0], $0xffff  }
0x2c5: {  	v5 =	vor.u32 s5, v1;
	_ =	sdelay $0x3  }
0x2c6: {  	[tilespmem:$0x10F80] =	vst v4  }
0x2c7: {  	v4 =	vld.idx.msk [tilespmem:v5+s16+$0x0], $0xffff  }
0x2c8: {  	v5 =	vor.u32 s5, v2;
	_ =	sdelay $0x3  }
0x2c9: {  	[tilespmem:$0x10F90] =	vst v4  }
0x2ca: {  	v4 =	vld.idx.msk [tilespmem:v5+s16+$0x0], $0xffff  }
0x2cb: {  	v5 =	vor.u32 s5, v3;
	_ =	sdelay $0x3  }
0x2cc: {  	[tilespmem:$0x10FA0] =	vst v4  }
0x2cd: {  	v4 =	vld.idx.msk [tilespmem:v5+s16+$0x0], $0xffff;
	_ =	sdelay $0x3  }
0x2ce: {  	v5 =	vor.u32 s13, v0  }
0x2cf: {  	[tilespmem:$0x10FB0] =	vst v4  }
0x2d0: {  	_ =	swait.ge [sflag:s30], $0x2000  }
0x2d1: {  	[sflag:s30] =	ssyncset.done $0x0  }
0x2d2: {  	[sflag:s30] =	ssyncadd.s32 $0xFFFFE000  }
0x2d3: {  	v4 =	vld.idx.msk [tilespmem:v5+s15+$0x0], $0xffff  }
0x2d4: {  	v5 =	vor.u32 s13, v1;
	_ =	sdelay $0x3  }
0x2d5: {  	[tilespmem:$0x11000] =	vst v4  }
0x2d6: {  	v4 =	vld.idx.msk [tilespmem:v5+s15+$0x0], $0xffff  }
0x2d7: {  	v5 =	vor.u32 s13, v2;
	_ =	sdelay $0x3  }
0x2d8: {  	[tilespmem:$0x11010] =	vst v4  }
0x2d9: {  	v4 =	vld.idx.msk [tilespmem:v5+s15+$0x0], $0xffff  }
0x2da: {  	v5 =	vor.u32 s13, v3;
	_ =	sdelay $0x3  }
0x2db: {  	[tilespmem:$0x11020] =	vst v4  }
0x2dc: {  	v4 =	vld.idx.msk [tilespmem:v5+s15+$0x0], $0xffff;
	_ =	sdelay $0x2  }
0x2dd: {  	s29 =	rddreg [dreg:$0x7]  }
0x2de: {  	s28 =	simm.s32 $0x0;
	s25 =	rddreg [dreg:$0x5];
	p0 =	sne.s32 s29, $0x1  }
.Ltmp0:
0x2df: {  	s26 =	rddreg [dreg:$0x6];
	s30 =	simm.s32 $0x9;
	[tilespmem:$0x11030] =	vst v4;
	(pc) =	sbr.rel @p0 .LBB2_1-.Ltmp0, $4  }
0x2e0: {  	[hbm4b:s25+s28] =	stream.linear.scatter [tilespmem:s26], [sflag:$0x9], $0x1000, $0x38;
	[tilespmem:$0x11080] =	vst v63  }
0x2e1: {  	_ =	swait.ge [sflag:s30], $0x1000  }
0x2e2: {  	s31 =	simm.s32 $0x9;
	[sflag:s30] =	ssyncset.done $0x0  }
0x2e3: {  	s2 =	sadd.s32 $0xFFFFFFFF, s29;
	[sflag:s31] =	ssyncadd.s32 $0xFFFFF000  }
0x2e4: {  	_ =	sfence.sel $0x180000  }
0x2e5: {  	[bflag:$0x0] =	sbarrier.arrive $0xFFFF  }
0x2e6: {  	_ =	strace $0x90000047  }
0x2e7: {  	s0 =	stileid.u32;
	[bflag:$0x2] =	sbarrier.arrive $0xFFFF  }
0x2e8: {  	p0 =	sne.s32 s0, $0x0;
	s0 =	rddreg [dreg:$0x3]  }
0x2e9: {  	s0 =	sadd.s32 @!p0 $0x100000, s0  }
0x2ea: {  	[sflag:s0] =	ssyncadd.tile.s32 @!p0 $0x1;
	_ =	shalt  }
.Lfunc_end2:
_tile_overlayer_lowered:
.L_overlay_start_2:
0x2eb: {  	(tag) =	ssettag $0x2  }
0x2ec: {  	s0 =	rddreg [dreg:$0x0];
	s2 =	stileid.u32  }
0x2ed: {  	s1 =	rddreg [dreg:$0x1];
	p0 =	sne.s32 s2, $0x0  }
0x2ee: {  	s3 =	rddreg [dreg:$0x2];
	[bflag:$0x3] =	sbarrier.arrive $0xFFFF;
	s2 =	simm.s32 @!p0 $0x1C09  }
0x2ef: {  	[timem:s3], [sflag:s2] =	dma.local @!p0 [hbm:s0], s1  }
0x2f0: {  	s0 =	simm.s32 @!p0 $0x9  }
0x2f1: {  	_ =	swait.ge @!p0 [sflag:s0], s1  }
0x2f2: {  	s1 =	ssub.s32 @!p0 $0x0, s1;
	[sflag:s0] =	ssyncset.done @!p0 $0x0  }
0x2f3: {  	[sflag:s0] =	ssyncadd.s32 @!p0 s1  }
0x2f4: {  	[bflag:$0x3] =	sbarrier.arrive $0xFFFF  }
0x2f5: {  	_ =	shalt  }

</sc_bundles>
